<compile_context>
chip_gen: v7x
topology: tpu7x:2x2x1
jax: 0.10.2.dev20260603
libtpu: 0.0.44.dev20260713+nightly
codegen_flags: <defaults>
</compile_context>

<pallas_src>
import functools

import jax
import jax.numpy as jnp
from jax import lax
from jax.experimental import pallas as pl
from jax.experimental.pallas import tpu as pltpu
from jax.experimental.pallas import tpu_sc as plsc

_PITCH_MEAN = 150.0
_PITCH_STD = 50.0

_NC = 2
_NS = 16
_NW = _NC * _NS
_LANES = 16
_CH = 64
_RBUF = 3
_WBUF = 3


def _tc_prelude_body(pt_ref, st_ref, spk_ref, pw_ref, pb_ref, ow_ref, ob_ref,
                     ph_ref, pit_ref, tab_ref, rr_ref, fp_ref, ph2_ref,
                     pn2_ref):
    ow = ow_ref[...]
    prec = lax.Precision.HIGHEST
    tab_ref[...] = jnp.dot(pt_ref[...], ow, precision=prec,
                           preferred_element_type=jnp.float32)
    n_spk = st_ref.shape[0]
    b = spk_ref.shape[0]
    oh = (spk_ref[...] == lax.broadcasted_iota(jnp.int32, (b, n_spk), 1)
          ).astype(jnp.float32)
    srows = jnp.dot(oh, st_ref[...], precision=prec,
                    preferred_element_type=jnp.float32)
    const = jnp.dot(pb_ref[...], ow, precision=prec,
                    preferred_element_type=jnp.float32) + ob_ref[...]
    rr_ref[...] = jnp.dot(srows, ow, precision=prec,
                          preferred_element_type=jnp.float32) + const
    fp_ref[...] = jnp.broadcast_to(
        jnp.dot(pw_ref[...], ow, precision=prec,
                preferred_element_type=jnp.float32), fp_ref.shape)
    ph2_ref[...] = ph_ref[...].reshape(ph2_ref.shape)
    pn2_ref[...] = ((jnp.exp(pit_ref[...]) - _PITCH_MEAN)
                    / _PITCH_STD).reshape(pn2_ref.shape)


def _sc_embed_body(ph2_hbm, pn2_hbm, tab_hbm, rr_hbm, fp_hbm, out_hbm,
                   idx_v, pn_v, rows_v, obuf_v, fp_v, r_v, gsem, osem, csem,
                   tpw):
    cid = lax.axis_index("c")
    sid = lax.axis_index("s")
    wid = sid * _NC + cid
    base = wid * tpw
    n_chunks = tpw // _CH
    nrows = tpw // 128
    row0 = wid * nrows
    cpr = 128 // _CH
    b = base // (out_hbm.shape[0] // rr_hbm.shape[0])

    pltpu.sync_copy(ph2_hbm.at[pl.ds(row0, nrows)], idx_v)

    def gdesc(c):
        s = lax.rem(c, _RBUF)
        return pltpu.make_async_copy(
            tab_hbm.at[idx_v.at[c // cpr, pl.ds((c % cpr) * _CH, _CH)]],
            rows_v.at[s], gsem.at[s])

    def odesc(c):
        o = lax.rem(c, _WBUF)
        return pltpu.make_async_copy(
            obuf_v.at[o], out_hbm.at[pl.ds(base + c * _CH, _CH)], osem.at[o])

    gdesc(0).start()
    gdesc(1).start()
    gdesc(2).start()

    c_r = pltpu.async_copy(rr_hbm.at[b], r_v, csem)
    c_f = pltpu.async_copy(fp_hbm.at[0], fp_v, csem)
    c_p = pltpu.async_copy(pn2_hbm.at[pl.ds(row0, nrows)], pn_v, csem)
    c_r.wait()
    c_f.wait()
    c_p.wait()

    nvec = 256 // _LANES
    fp_regs = [fp_v[pl.ds(j * _LANES, _LANES)] for j in range(nvec)]
    r_regs = [r_v[pl.ds(j * _LANES, _LANES)] for j in range(nvec)]

    def chunk_body(c, carry):
        s = lax.rem(c, _RBUF)
        o = lax.rem(c, _WBUF)

        @pl.when(c >= _WBUF)
        def _drain():
            odesc(c - _WBUF).wait()

        gdesc(c).wait()

        def group(g, carry2):
            blk = pn_v[c // cpr, pl.ds((c % cpr) * _CH + g * _LANES, _LANES)]
            for k in range(_LANES):
                idx = jnp.full((_LANES, 1), k, jnp.int32)
                spl = lax.gather(
                    blk, idx,
                    lax.GatherDimensionNumbers(
                        offset_dims=(), collapsed_slice_dims=(0,),
                        start_index_map=(0,)),
                    slice_sizes=(1,),
                    mode=lax.GatherScatterMode.PROMISE_IN_BOUNDS)
                row = g * _LANES + k
                for j in range(nvec):
                    sl = pl.ds(j * _LANES, _LANES)
                    obuf_v[o, row, sl] = (rows_v[s, row, sl]
                                          + spl * fp_regs[j] + r_regs[j])
            return carry2

        lax.fori_loop(0, _CH // _LANES, group, 0)
        odesc(c).start()

        @pl.when(c + _RBUF < n_chunks)
        def _prefetch():
            gdesc(c + _RBUF).start()

        return carry

    lax.fori_loop(0, n_chunks, chunk_body, 0)
    for t in range(min(_WBUF, n_chunks)):
        odesc(n_chunks - 1 - t).wait()


def kernel(phonemes, pitches, speakers, phoneme_table, speaker_table,
           pitch_w, pitch_b, out_w, out_b):
    B, T = phonemes.shape
    D = out_w.shape[1]
    V = phoneme_table.shape[0]
    N = B * T

    tc = pl.pallas_call(
        _tc_prelude_body,
        out_shape=[
            jax.ShapeDtypeStruct((V, D), jnp.float32),
            jax.ShapeDtypeStruct((B, D), jnp.float32),
            jax.ShapeDtypeStruct((8, D), jnp.float32),
            jax.ShapeDtypeStruct((N // 128, 128), jnp.int32),
            jax.ShapeDtypeStruct((N // 128, 128), jnp.float32),
        ],
    )
    tab, rr, fp, ph2, pn2 = tc(phoneme_table, speaker_table,
                               speakers.astype(jnp.int32).reshape(B, 1),
                               pitch_w, pitch_b.reshape(1, D), out_w,
                               out_b.reshape(1, D),
                               phonemes.astype(jnp.int32),
                               pitches.astype(jnp.float32))

    tpw = N // _NW
    mesh = plsc.VectorSubcoreMesh(core_axis_name="c", subcore_axis_name="s",
                                  num_cores=_NC, num_subcores=_NS)
    sc = pl.kernel(
        functools.partial(_sc_embed_body, tpw=tpw),
        out_type=jax.ShapeDtypeStruct((N, D), jnp.float32),
        mesh=mesh,
        scratch_types=[
            pltpu.VMEM((tpw // 128, 128), jnp.int32),
            pltpu.VMEM((tpw // 128, 128), jnp.float32),
            pltpu.VMEM((_RBUF, _CH, D), jnp.float32),
            pltpu.VMEM((_WBUF, _CH, D), jnp.float32),
            pltpu.VMEM((D,), jnp.float32),
            pltpu.VMEM((D,), jnp.float32),
            pltpu.SemaphoreType.DMA((_RBUF,)),
            pltpu.SemaphoreType.DMA((_WBUF,)),
            pltpu.SemaphoreType.DMA,
        ],
    )
    out = sc(ph2, pn2, tab, rr, fp)
    return out.reshape(B, T, D)

# --- scband reference (transcript-rebuilt; emitter-appended) ---
"""Pipeline reference for scband-embedder-45294725103826 (READ-ONLY COPY).

The authoritative reference and input builder live on the scoring server;
editing this copy changes nothing except your own understanding.
"""

import jax, jax.numpy as jnp
import numpy as np

PITCH_MEAN = 150.0
PITCH_STD = 50.0
PHONEME_VOCAB = 512
SPEAKER_VOCAB = 256
EMBED_DIM = 256

def setup_inputs(seed: int = 0) -> dict:
    key = jax.random.key(seed)
    k1, k2, k3, k4, k5, k6, k7, k8 = jax.random.split(key, 8)
    B, T = 16, 2048
    phonemes = jax.random.randint(k1, (B, T), 0, PHONEME_VOCAB, dtype=jnp.int64 if jax.config.jax_enable_x64 else jnp.int32)
    pitches = jax.random.uniform(k2, (B, T), dtype=jnp.float32)
    speakers = jax.random.randint(k3, (B,), 0, SPEAKER_VOCAB, dtype=jnp.int64 if jax.config.jax_enable_x64 else jnp.int32)
    phoneme_table = jax.random.normal(k4, (PHONEME_VOCAB, EMBED_DIM), dtype=jnp.float32) * 0.02
    speaker_table = jax.random.normal(k5, (SPEAKER_VOCAB, EMBED_DIM), dtype=jnp.float32) * 0.02
    pitch_w = jax.random.normal(k6, (1, EMBED_DIM), dtype=jnp.float32) * 0.02
    pitch_b = jnp.zeros((EMBED_DIM,), dtype=jnp.float32)
    out_w = jax.random.normal(k7, (EMBED_DIM, EMBED_DIM), dtype=jnp.float32) * 0.02
    out_b = jnp.zeros((EMBED_DIM,), dtype=jnp.float32)
    return {"phonemes": phonemes, "pitches": pitches, "speakers": speakers,
            "phoneme_table": phoneme_table, "speaker_table": speaker_table,
            "pitch_w": pitch_w, "pitch_b": pitch_b, "out_w": out_w, "out_b": out_b}

def reference(phonemes, pitches, speakers, phoneme_table, speaker_table, pitch_w, pitch_b, out_w, out_b):
    # pitch normalization from Embedder.forward
    pitches_n = (jnp.exp(pitches) - PITCH_MEAN) / PITCH_STD
    # FeatureEmbedder: phoneme embedding lookup
    p_emb = jnp.take(phoneme_table, phonemes, axis=0)              # [B, T, D]
    # pitch linear projection of pitches.unsqueeze(-1)
    pitch_feat = pitches_n[..., None] @ pitch_w + pitch_b          # [B, T, D]
    # speaker embedding lookup, broadcast over time
    s_emb = jnp.take(speaker_table, speakers, axis=0)[:, None, :]  # [B, 1, D]
    h = p_emb + pitch_feat + s_emb
    out = h @ out_w + out_b                                        # [B, T, D]
    return out

if __name__ == "__main__":
    import jax
    _d = setup_inputs()
    print(jax.jit(kernel)(*tuple(_d.values())))

</pallas_src>

<mosaic_0001>
#map = affine_map<(d0, d1) -> (0, 0)>
module attributes {stable_mosaic.version = 14 : i64} {
  func.func @_sc_embed_body(%arg0: i32, %arg1: i32, %arg2: memref<256x128xi32, #tpu.memory_space<hbm>>, %arg3: memref<256x128xf32, #tpu.memory_space<hbm>>, %arg4: memref<512x256xf32, #tpu.memory_space<hbm>>, %arg5: memref<16x256xf32, #tpu.memory_space<hbm>>, %arg6: memref<8x256xf32, #tpu.memory_space<hbm>>, %arg7: memref<32768x256xf32, #tpu.memory_space<hbm>>, %arg8: memref<8x128xi32, #tpu.memory_space<vmem>>, %arg9: memref<8x128xf32, #tpu.memory_space<vmem>>, %arg10: memref<3x64x256xf32, #tpu.memory_space<vmem>>, %arg11: memref<3x64x256xf32, #tpu.memory_space<vmem>>, %arg12: memref<256xf32, #tpu.memory_space<vmem>>, %arg13: memref<256xf32, #tpu.memory_space<vmem>>, %arg14: memref<3x!tpu.dma_semaphore, #tpu.memory_space<semaphore_mem>>, %arg15: memref<3x!tpu.dma_semaphore, #tpu.memory_space<semaphore_mem>>, %arg16: memref<!tpu.dma_semaphore, #tpu.memory_space<semaphore_mem>>) attributes {dimension_semantics = [#tpu.dimension_semantics<core_parallel>, #tpu.dimension_semantics<subcore_parallel>], iteration_bounds = array<i64: 2, 16>, scalar_prefetch = 0 : i64, scratch_operands = 9 : i64, tpu.core_type = #tpu.core_type<sc_vector_subcore>, window_params = [{transform_indices = #map}, {transform_indices = #map}, {transform_indices = #map}, {transform_indices = #map}, {transform_indices = #map}, {transform_indices = #map}]} {
    %mul3A = arith.constant 2 : i32
    %mul3A_0 = arith.muli %arg1, %mul3A : i32
    %add3A = arith.addi %mul3A_0, %arg0 : i32
    %mul3A_1 = arith.constant 1024 : i32
    %mul3A_2 = arith.muli %add3A, %mul3A_1 : i32
    %mul3A_3 = arith.constant 8 : i32
    %mul3A_4 = arith.muli %add3A, %mul3A_3 : i32
    %jit3A = arith.constant 2048 : i32
    %div3A = arith.divsi %mul3A_2, %jit3A : i32
    %sign3A = arith.constant 0 : i32
    %sign3A_5 = arith.cmpi sgt, %mul3A_2, %sign3A : i32
    %sign3A_6 = arith.extui %sign3A_5 : i1 to i32
    %sign3A_7 = arith.constant 0 : i32
    %sign3A_8 = arith.cmpi slt, %mul3A_2, %sign3A_7 : i32
    %sign3A_9 = arith.extui %sign3A_8 : i1 to i32
    %sign3A_10 = arith.subi %sign3A_6, %sign3A_9 : i32
    %sign3A_11 = arith.constant 0 : i32
    %sign3A_12 = arith.cmpi sgt, %jit3A, %sign3A_11 : i32
    %sign3A_13 = arith.extui %sign3A_12 : i1 to i32
    %sign3A_14 = arith.constant 0 : i32
    %sign3A_15 = arith.cmpi slt, %jit3A, %sign3A_14 : i32
    %sign3A_16 = arith.extui %sign3A_15 : i1 to i32
    %sign3A_17 = arith.subi %sign3A_13, %sign3A_16 : i32
    %ne3A = arith.cmpi ne, %sign3A_10, %sign3A_17 : i32
    %rem3A = arith.remsi %mul3A_2, %jit3A : i32
    %ne3A_18 = arith.constant 0 : i32
    %ne3A_19 = arith.cmpi ne, %rem3A, %ne3A_18 : i32
    %and3A = arith.andi %ne3A, %ne3A_19 : i1
    %sub3A = arith.constant 1 : i32
    %sub3A_20 = arith.subi %div3A, %sub3A : i32
    %select_n3A = arith.select %and3A, %sub3A_20, %div3A : i32
    "tpu.region"() ({
      %run_scoped3A = tpu.sem_alloc : memref<!tpu.dma_semaphore, #tpu.memory_space<semaphore_mem>>
      %dma_start3A_258 = arith.constant 0 : i32
      %dma_start3A_259 = tpu.memref_slice %arg2[%mul3A_4, %dma_start3A_258] : memref<256x128xi32, #tpu.memory_space<hbm>> -> memref<8x128xi32, #tpu.memory_space<hbm>>
      %dma_start3A_260 = arith.constant 0 : i32
      %dma_start3A_261 = tpu.memref_slice %arg2[%mul3A_4, %dma_start3A_260] : memref<256x128xi32, #tpu.memory_space<hbm>> -> memref<8x128xi32, #tpu.memory_space<hbm>>
      tpu.enqueue_dma source(%dma_start3A_261 : memref<8x128xi32, #tpu.memory_space<hbm>>) target(%arg8 : memref<8x128xi32, #tpu.memory_space<vmem>>) target_semaphore(%run_scoped3A : memref<!tpu.dma_semaphore, #tpu.memory_space<semaphore_mem>>)
      %dma_wait3A_262 = arith.constant 0 : i32
      %dma_wait3A_263 = tpu.memref_slice %arg2[%mul3A_4, %dma_wait3A_262] : memref<256x128xi32, #tpu.memory_space<hbm>> -> memref<8x128xi32, #tpu.memory_space<hbm>>
      %dma_wait3A_264 = arith.constant 0 : i32
      %dma_wait3A_265 = tpu.memref_slice %arg2[%mul3A_4, %dma_wait3A_264] : memref<256x128xi32, #tpu.memory_space<hbm>> -> memref<8x128xi32, #tpu.memory_space<hbm>>
      tpu.wait_dma2 semaphore(%run_scoped3A : memref<!tpu.dma_semaphore, #tpu.memory_space<semaphore_mem>>) src(%dma_wait3A_265 : memref<8x128xi32, #tpu.memory_space<hbm>>) dst(%arg8 : memref<8x128xi32, #tpu.memory_space<vmem>>)
      tpu.yield
    }) : () -> ()
    %rem3A_21 = arith.constant 0 : i32
    %rem3A_22 = arith.constant 3 : i32
    %rem3A_23 = arith.remsi %rem3A_21, %rem3A_22 : i32
    %dma_start3A = arith.constant 0 : i32
    %dma_start3A_24 = arith.constant 0 : i32
    %dma_start3A_25 = arith.constant 0 : i32
    %dma_start3A_26 = tpu.memref_slice %arg10[%rem3A_23, %dma_start3A_24, %dma_start3A_25] : memref<3x64x256xf32, #tpu.memory_space<vmem>> -> memref<1x64x256xf32, #tpu.memory_space<vmem>>
    %dma_start3A_27 = tpu.memref_squeeze %dma_start3A_26 : memref<1x64x256xf32, #tpu.memory_space<vmem>> -> memref<64x256xf32, #tpu.memory_space<vmem>>
    %dma_start3A_28 = arith.constant 0 : i32
    %dma_start3A_29 = tpu.memref_slice %arg8[%dma_start3A, %dma_start3A_28] : memref<8x128xi32, #tpu.memory_space<vmem>> -> memref<1x64xi32, #tpu.memory_space<vmem>>
    %dma_start3A_30 = tpu.memref_squeeze %dma_start3A_29 : memref<1x64xi32, #tpu.memory_space<vmem>> -> memref<64xi32, #tpu.memory_space<vmem>>
    %dma_start3A_31 = arith.constant 0 : i32
    %dma_start3A_32 = arith.constant 0 : i32
    %dma_start3A_33 = tpu.memref_slice %arg4[%dma_start3A_31, %dma_start3A_32] : memref<512x256xf32, #tpu.memory_space<hbm>> -> memref<512x256xf32, #tpu.memory_space<hbm>>
    %dma_start3A_34 = tpu.memref_slice %arg14[%rem3A_23] : memref<3x!tpu.dma_semaphore, #tpu.memory_space<semaphore_mem>> -> memref<1x!tpu.dma_semaphore, #tpu.memory_space<semaphore_mem>>
    %dma_start3A_35 = tpu.memref_squeeze %dma_start3A_34 : memref<1x!tpu.dma_semaphore, #tpu.memory_space<semaphore_mem>> -> memref<!tpu.dma_semaphore, #tpu.memory_space<semaphore_mem>>
    tpu.enqueue_indirect_dma source(%dma_start3A_33 : memref<512x256xf32, #tpu.memory_space<hbm>>) target(%dma_start3A_27 : memref<64x256xf32, #tpu.memory_space<vmem>>) offsets(%dma_start3A_30 : memref<64xi32, #tpu.memory_space<vmem>>) semaphore(%dma_start3A_35 : memref<!tpu.dma_semaphore, #tpu.memory_space<semaphore_mem>>)
    %rem3A_36 = arith.constant 1 : i32
    %rem3A_37 = arith.constant 3 : i32
    %rem3A_38 = arith.remsi %rem3A_36, %rem3A_37 : i32
    %dma_start3A_39 = arith.constant 0 : i32
    %dma_start3A_40 = arith.constant 0 : i32
    %dma_start3A_41 = arith.constant 0 : i32
    %dma_start3A_42 = tpu.memref_slice %arg10[%rem3A_38, %dma_start3A_40, %dma_start3A_41] : memref<3x64x256xf32, #tpu.memory_space<vmem>> -> memref<1x64x256xf32, #tpu.memory_space<vmem>>
    %dma_start3A_43 = tpu.memref_squeeze %dma_start3A_42 : memref<1x64x256xf32, #tpu.memory_space<vmem>> -> memref<64x256xf32, #tpu.memory_space<vmem>>
    %dma_start3A_44 = arith.constant 64 : i32
    %dma_start3A_45 = tpu.memref_slice %arg8[%dma_start3A_39, %dma_start3A_44] : memref<8x128xi32, #tpu.memory_space<vmem>> -> memref<1x64xi32, #tpu.memory_space<vmem>>
    %dma_start3A_46 = tpu.memref_squeeze %dma_start3A_45 : memref<1x64xi32, #tpu.memory_space<vmem>> -> memref<64xi32, #tpu.memory_space<vmem>>
    %dma_start3A_47 = arith.constant 0 : i32
    %dma_start3A_48 = arith.constant 0 : i32
    %dma_start3A_49 = tpu.memref_slice %arg4[%dma_start3A_47, %dma_start3A_48] : memref<512x256xf32, #tpu.memory_space<hbm>> -> memref<512x256xf32, #tpu.memory_space<hbm>>
    %dma_start3A_50 = tpu.memref_slice %arg14[%rem3A_38] : memref<3x!tpu.dma_semaphore, #tpu.memory_space<semaphore_mem>> -> memref<1x!tpu.dma_semaphore, #tpu.memory_space<semaphore_mem>>
    %dma_start3A_51 = tpu.memref_squeeze %dma_start3A_50 : memref<1x!tpu.dma_semaphore, #tpu.memory_space<semaphore_mem>> -> memref<!tpu.dma_semaphore, #tpu.memory_space<semaphore_mem>>
    tpu.enqueue_indirect_dma source(%dma_start3A_49 : memref<512x256xf32, #tpu.memory_space<hbm>>) target(%dma_start3A_43 : memref<64x256xf32, #tpu.memory_space<vmem>>) offsets(%dma_start3A_46 : memref<64xi32, #tpu.memory_space<vmem>>) semaphore(%dma_start3A_51 : memref<!tpu.dma_semaphore, #tpu.memory_space<semaphore_mem>>)
    %rem3A_52 = arith.constant 2 : i32
    %rem3A_53 = arith.constant 3 : i32
    %rem3A_54 = arith.remsi %rem3A_52, %rem3A_53 : i32
    %dma_start3A_55 = arith.constant 1 : i32
    %dma_start3A_56 = arith.constant 0 : i32
    %dma_start3A_57 = arith.constant 0 : i32
    %dma_start3A_58 = tpu.memref_slice %arg10[%rem3A_54, %dma_start3A_56, %dma_start3A_57] : memref<3x64x256xf32, #tpu.memory_space<vmem>> -> memref<1x64x256xf32, #tpu.memory_space<vmem>>
    %dma_start3A_59 = tpu.memref_squeeze %dma_start3A_58 : memref<1x64x256xf32, #tpu.memory_space<vmem>> -> memref<64x256xf32, #tpu.memory_space<vmem>>
    %dma_start3A_60 = arith.constant 0 : i32
    %dma_start3A_61 = tpu.memref_slice %arg8[%dma_start3A_55, %dma_start3A_60] : memref<8x128xi32, #tpu.memory_space<vmem>> -> memref<1x64xi32, #tpu.memory_space<vmem>>
    %dma_start3A_62 = tpu.memref_squeeze %dma_start3A_61 : memref<1x64xi32, #tpu.memory_space<vmem>> -> memref<64xi32, #tpu.memory_space<vmem>>
    %dma_start3A_63 = arith.constant 0 : i32
    %dma_start3A_64 = arith.constant 0 : i32
    %dma_start3A_65 = tpu.memref_slice %arg4[%dma_start3A_63, %dma_start3A_64] : memref<512x256xf32, #tpu.memory_space<hbm>> -> memref<512x256xf32, #tpu.memory_space<hbm>>
    %dma_start3A_66 = tpu.memref_slice %arg14[%rem3A_54] : memref<3x!tpu.dma_semaphore, #tpu.memory_space<semaphore_mem>> -> memref<1x!tpu.dma_semaphore, #tpu.memory_space<semaphore_mem>>
    %dma_start3A_67 = tpu.memref_squeeze %dma_start3A_66 : memref<1x!tpu.dma_semaphore, #tpu.memory_space<semaphore_mem>> -> memref<!tpu.dma_semaphore, #tpu.memory_space<semaphore_mem>>
    tpu.enqueue_indirect_dma source(%dma_start3A_65 : memref<512x256xf32, #tpu.memory_space<hbm>>) target(%dma_start3A_59 : memref<64x256xf32, #tpu.memory_space<vmem>>) offsets(%dma_start3A_62 : memref<64xi32, #tpu.memory_space<vmem>>) semaphore(%dma_start3A_67 : memref<!tpu.dma_semaphore, #tpu.memory_space<semaphore_mem>>)
    %dma_start3A_68 = arith.constant 0 : i32
    %dma_start3A_69 = tpu.memref_slice %arg5[%select_n3A, %dma_start3A_68] : memref<16x256xf32, #tpu.memory_space<hbm>> -> memref<1x256xf32, #tpu.memory_space<hbm>>
    %dma_start3A_70 = tpu.memref_squeeze %dma_start3A_69 : memref<1x256xf32, #tpu.memory_space<hbm>> -> memref<256xf32, #tpu.memory_space<hbm>>
    %dma_start3A_71 = arith.constant 0 : i32
    %dma_start3A_72 = tpu.memref_slice %arg5[%select_n3A, %dma_start3A_71] : memref<16x256xf32, #tpu.memory_space<hbm>> -> memref<1x256xf32, #tpu.memory_space<hbm>>
    %dma_start3A_73 = tpu.memref_squeeze %dma_start3A_72 : memref<1x256xf32, #tpu.memory_space<hbm>> -> memref<256xf32, #tpu.memory_space<hbm>>
    tpu.enqueue_dma source(%dma_start3A_73 : memref<256xf32, #tpu.memory_space<hbm>>) target(%arg13 : memref<256xf32, #tpu.memory_space<vmem>>) target_semaphore(%arg16 : memref<!tpu.dma_semaphore, #tpu.memory_space<semaphore_mem>>)
    %dma_start3A_74 = arith.constant 0 : i32
    %dma_start3A_75 = arith.constant 0 : i32
    %dma_start3A_76 = tpu.memref_slice %arg6[%dma_start3A_74, %dma_start3A_75] : memref<8x256xf32, #tpu.memory_space<hbm>> -> memref<1x256xf32, #tpu.memory_space<hbm>>
    %dma_start3A_77 = tpu.memref_squeeze %dma_start3A_76 : memref<1x256xf32, #tpu.memory_space<hbm>> -> memref<256xf32, #tpu.memory_space<hbm>>
    %dma_start3A_78 = arith.constant 0 : i32
    %dma_start3A_79 = tpu.memref_slice %arg6[%dma_start3A_74, %dma_start3A_78] : memref<8x256xf32, #tpu.memory_space<hbm>> -> memref<1x256xf32, #tpu.memory_space<hbm>>
    %dma_start3A_80 = tpu.memref_squeeze %dma_start3A_79 : memref<1x256xf32, #tpu.memory_space<hbm>> -> memref<256xf32, #tpu.memory_space<hbm>>
    tpu.enqueue_dma source(%dma_start3A_80 : memref<256xf32, #tpu.memory_space<hbm>>) target(%arg12 : memref<256xf32, #tpu.memory_space<vmem>>) target_semaphore(%arg16 : memref<!tpu.dma_semaphore, #tpu.memory_space<semaphore_mem>>)
    %dma_start3A_81 = arith.constant 0 : i32
    %dma_start3A_82 = tpu.memref_slice %arg3[%mul3A_4, %dma_start3A_81] : memref<256x128xf32, #tpu.memory_space<hbm>> -> memref<8x128xf32, #tpu.memory_space<hbm>>
    %dma_start3A_83 = arith.constant 0 : i32
    %dma_start3A_84 = tpu.memref_slice %arg3[%mul3A_4, %dma_start3A_83] : memref<256x128xf32, #tpu.memory_space<hbm>> -> memref<8x128xf32, #tpu.memory_space<hbm>>
    tpu.enqueue_dma source(%dma_start3A_84 : memref<8x128xf32, #tpu.memory_space<hbm>>) target(%arg9 : memref<8x128xf32, #tpu.memory_space<vmem>>) target_semaphore(%arg16 : memref<!tpu.dma_semaphore, #tpu.memory_space<semaphore_mem>>)
    %dma_wait3A = arith.constant 0 : i32
    %dma_wait3A_85 = tpu.memref_slice %arg5[%select_n3A, %dma_wait3A] : memref<16x256xf32, #tpu.memory_space<hbm>> -> memref<1x256xf32, #tpu.memory_space<hbm>>
    %dma_wait3A_86 = tpu.memref_squeeze %dma_wait3A_85 : memref<1x256xf32, #tpu.memory_space<hbm>> -> memref<256xf32, #tpu.memory_space<hbm>>
    %dma_wait3A_87 = arith.constant 0 : i32
    %dma_wait3A_88 = tpu.memref_slice %arg5[%select_n3A, %dma_wait3A_87] : memref<16x256xf32, #tpu.memory_space<hbm>> -> memref<1x256xf32, #tpu.memory_space<hbm>>
    %dma_wait3A_89 = tpu.memref_squeeze %dma_wait3A_88 : memref<1x256xf32, #tpu.memory_space<hbm>> -> memref<256xf32, #tpu.memory_space<hbm>>
    tpu.wait_dma2 semaphore(%arg16 : memref<!tpu.dma_semaphore, #tpu.memory_space<semaphore_mem>>) src(%dma_wait3A_89 : memref<256xf32, #tpu.memory_space<hbm>>) dst(%arg13 : memref<256xf32, #tpu.memory_space<vmem>>)
    %dma_wait3A_90 = arith.constant 0 : i32
    %dma_wait3A_91 = arith.constant 0 : i32
    %dma_wait3A_92 = tpu.memref_slice %arg6[%dma_wait3A_90, %dma_wait3A_91] : memref<8x256xf32, #tpu.memory_space<hbm>> -> memref<1x256xf32, #tpu.memory_space<hbm>>
    %dma_wait3A_93 = tpu.memref_squeeze %dma_wait3A_92 : memref<1x256xf32, #tpu.memory_space<hbm>> -> memref<256xf32, #tpu.memory_space<hbm>>
    %dma_wait3A_94 = arith.constant 0 : i32
    %dma_wait3A_95 = tpu.memref_slice %arg6[%dma_wait3A_90, %dma_wait3A_94] : memref<8x256xf32, #tpu.memory_space<hbm>> -> memref<1x256xf32, #tpu.memory_space<hbm>>
    %dma_wait3A_96 = tpu.memref_squeeze %dma_wait3A_95 : memref<1x256xf32, #tpu.memory_space<hbm>> -> memref<256xf32, #tpu.memory_space<hbm>>
    tpu.wait_dma2 semaphore(%arg16 : memref<!tpu.dma_semaphore, #tpu.memory_space<semaphore_mem>>) src(%dma_wait3A_96 : memref<256xf32, #tpu.memory_space<hbm>>) dst(%arg12 : memref<256xf32, #tpu.memory_space<vmem>>)
    %dma_wait3A_97 = arith.constant 0 : i32
    %dma_wait3A_98 = tpu.memref_slice %arg3[%mul3A_4, %dma_wait3A_97] : memref<256x128xf32, #tpu.memory_space<hbm>> -> memref<8x128xf32, #tpu.memory_space<hbm>>
    %dma_wait3A_99 = arith.constant 0 : i32
    %dma_wait3A_100 = tpu.memref_slice %arg3[%mul3A_4, %dma_wait3A_99] : memref<256x128xf32, #tpu.memory_space<hbm>> -> memref<8x128xf32, #tpu.memory_space<hbm>>
    tpu.wait_dma2 semaphore(%arg16 : memref<!tpu.dma_semaphore, #tpu.memory_space<semaphore_mem>>) src(%dma_wait3A_100 : memref<8x128xf32, #tpu.memory_space<hbm>>) dst(%arg9 : memref<8x128xf32, #tpu.memory_space<vmem>>)
    %get3A = arith.constant 0 : index
    %get3A_101 = tpu.vector_load %arg12[%get3A] {strides = array<i32>} : memref<256xf32, #tpu.memory_space<vmem>>, vector<16xf32>,
    %get3A_102 = vector.shape_cast %get3A_101 : vector<16xf32> to vector<16xf32>
    %get3A_103 = arith.constant 16 : index
    %get3A_104 = tpu.vector_load %arg12[%get3A_103] {strides = array<i32>} : memref<256xf32, #tpu.memory_space<vmem>>, vector<16xf32>,
    %get3A_105 = vector.shape_cast %get3A_104 : vector<16xf32> to vector<16xf32>
    %get3A_106 = arith.constant 32 : index
    %get3A_107 = tpu.vector_load %arg12[%get3A_106] {strides = array<i32>} : memref<256xf32, #tpu.memory_space<vmem>>, vector<16xf32>,
    %get3A_108 = vector.shape_cast %get3A_107 : vector<16xf32> to vector<16xf32>
    %get3A_109 = arith.constant 48 : index
    %get3A_110 = tpu.vector_load %arg12[%get3A_109] {strides = array<i32>} : memref<256xf32, #tpu.memory_space<vmem>>, vector<16xf32>,
    %get3A_111 = vector.shape_cast %get3A_110 : vector<16xf32> to vector<16xf32>
    %get3A_112 = arith.constant 64 : index
    %get3A_113 = tpu.vector_load %arg12[%get3A_112] {strides = array<i32>} : memref<256xf32, #tpu.memory_space<vmem>>, vector<16xf32>,
    %get3A_114 = vector.shape_cast %get3A_113 : vector<16xf32> to vector<16xf32>
    %get3A_115 = arith.constant 80 : index
    %get3A_116 = tpu.vector_load %arg12[%get3A_115] {strides = array<i32>} : memref<256xf32, #tpu.memory_space<vmem>>, vector<16xf32>,
    %get3A_117 = vector.shape_cast %get3A_116 : vector<16xf32> to vector<16xf32>
    %get3A_118 = arith.constant 96 : index
    %get3A_119 = tpu.vector_load %arg12[%get3A_118] {strides = array<i32>} : memref<256xf32, #tpu.memory_space<vmem>>, vector<16xf32>,
    %get3A_120 = vector.shape_cast %get3A_119 : vector<16xf32> to vector<16xf32>
    %get3A_121 = arith.constant 112 : index
    %get3A_122 = tpu.vector_load %arg12[%get3A_121] {strides = array<i32>} : memref<256xf32, #tpu.memory_space<vmem>>, vector<16xf32>,
    %get3A_123 = vector.shape_cast %get3A_122 : vector<16xf32> to vector<16xf32>
    %get3A_124 = arith.constant 128 : index
    %get3A_125 = tpu.vector_load %arg12[%get3A_124] {strides = array<i32>} : memref<256xf32, #tpu.memory_space<vmem>>, vector<16xf32>,
    %get3A_126 = vector.shape_cast %get3A_125 : vector<16xf32> to vector<16xf32>
    %get3A_127 = arith.constant 144 : index
    %get3A_128 = tpu.vector_load %arg12[%get3A_127] {strides = array<i32>} : memref<256xf32, #tpu.memory_space<vmem>>, vector<16xf32>,
    %get3A_129 = vector.shape_cast %get3A_128 : vector<16xf32> to vector<16xf32>
    %get3A_130 = arith.constant 160 : index
    %get3A_131 = tpu.vector_load %arg12[%get3A_130] {strides = array<i32>} : memref<256xf32, #tpu.memory_space<vmem>>, vector<16xf32>,
    %get3A_132 = vector.shape_cast %get3A_131 : vector<16xf32> to vector<16xf32>
    %get3A_133 = arith.constant 176 : index
    %get3A_134 = tpu.vector_load %arg12[%get3A_133] {strides = array<i32>} : memref<256xf32, #tpu.memory_space<vmem>>, vector<16xf32>,
    %get3A_135 = vector.shape_cast %get3A_134 : vector<16xf32> to vector<16xf32>
    %get3A_136 = arith.constant 192 : index
    %get3A_137 = tpu.vector_load %arg12[%get3A_136] {strides = array<i32>} : memref<256xf32, #tpu.memory_space<vmem>>, vector<16xf32>,
    %get3A_138 = vector.shape_cast %get3A_137 : vector<16xf32> to vector<16xf32>
    %get3A_139 = arith.constant 208 : index
    %get3A_140 = tpu.vector_load %arg12[%get3A_139] {strides = array<i32>} : memref<256xf32, #tpu.memory_space<vmem>>, vector<16xf32>,
    %get3A_141 = vector.shape_cast %get3A_140 : vector<16xf32> to vector<16xf32>
    %get3A_142 = arith.constant 224 : index
    %get3A_143 = tpu.vector_load %arg12[%get3A_142] {strides = array<i32>} : memref<256xf32, #tpu.memory_space<vmem>>, vector<16xf32>,
    %get3A_144 = vector.shape_cast %get3A_143 : vector<16xf32> to vector<16xf32>
    %get3A_145 = arith.constant 240 : index
    %get3A_146 = tpu.vector_load %arg12[%get3A_145] {strides = array<i32>} : memref<256xf32, #tpu.memory_space<vmem>>, vector<16xf32>,
    %get3A_147 = vector.shape_cast %get3A_146 : vector<16xf32> to vector<16xf32>
    %get3A_148 = arith.constant 0 : index
    %get3A_149 = tpu.vector_load %arg13[%get3A_148] {strides = array<i32>} : memref<256xf32, #tpu.memory_space<vmem>>, vector<16xf32>,
    %get3A_150 = vector.shape_cast %get3A_149 : vector<16xf32> to vector<16xf32>
    %get3A_151 = arith.constant 16 : index
    %get3A_152 = tpu.vector_load %arg13[%get3A_151] {strides = array<i32>} : memref<256xf32, #tpu.memory_space<vmem>>, vector<16xf32>,
    %get3A_153 = vector.shape_cast %get3A_152 : vector<16xf32> to vector<16xf32>
    %get3A_154 = arith.constant 32 : index
    %get3A_155 = tpu.vector_load %arg13[%get3A_154] {strides = array<i32>} : memref<256xf32, #tpu.memory_space<vmem>>, vector<16xf32>,
    %get3A_156 = vector.shape_cast %get3A_155 : vector<16xf32> to vector<16xf32>
    %get3A_157 = arith.constant 48 : index
    %get3A_158 = tpu.vector_load %arg13[%get3A_157] {strides = array<i32>} : memref<256xf32, #tpu.memory_space<vmem>>, vector<16xf32>,
    %get3A_159 = vector.shape_cast %get3A_158 : vector<16xf32> to vector<16xf32>
    %get3A_160 = arith.constant 64 : index
    %get3A_161 = tpu.vector_load %arg13[%get3A_160] {strides = array<i32>} : memref<256xf32, #tpu.memory_space<vmem>>, vector<16xf32>,
    %get3A_162 = vector.shape_cast %get3A_161 : vector<16xf32> to vector<16xf32>
    %get3A_163 = arith.constant 80 : index
    %get3A_164 = tpu.vector_load %arg13[%get3A_163] {strides = array<i32>} : memref<256xf32, #tpu.memory_space<vmem>>, vector<16xf32>,
    %get3A_165 = vector.shape_cast %get3A_164 : vector<16xf32> to vector<16xf32>
    %get3A_166 = arith.constant 96 : index
    %get3A_167 = tpu.vector_load %arg13[%get3A_166] {strides = array<i32>} : memref<256xf32, #tpu.memory_space<vmem>>, vector<16xf32>,
    %get3A_168 = vector.shape_cast %get3A_167 : vector<16xf32> to vector<16xf32>
    %get3A_169 = arith.constant 112 : index
    %get3A_170 = tpu.vector_load %arg13[%get3A_169] {strides = array<i32>} : memref<256xf32, #tpu.memory_space<vmem>>, vector<16xf32>,
    %get3A_171 = vector.shape_cast %get3A_170 : vector<16xf32> to vector<16xf32>
    %get3A_172 = arith.constant 128 : index
    %get3A_173 = tpu.vector_load %arg13[%get3A_172] {strides = array<i32>} : memref<256xf32, #tpu.memory_space<vmem>>, vector<16xf32>,
    %get3A_174 = vector.shape_cast %get3A_173 : vector<16xf32> to vector<16xf32>
    %get3A_175 = arith.constant 144 : index
    %get3A_176 = tpu.vector_load %arg13[%get3A_175] {strides = array<i32>} : memref<256xf32, #tpu.memory_space<vmem>>, vector<16xf32>,
    %get3A_177 = vector.shape_cast %get3A_176 : vector<16xf32> to vector<16xf32>
    %get3A_178 = arith.constant 160 : index
    %get3A_179 = tpu.vector_load %arg13[%get3A_178] {strides = array<i32>} : memref<256xf32, #tpu.memory_space<vmem>>, vector<16xf32>,
    %get3A_180 = vector.shape_cast %get3A_179 : vector<16xf32> to vector<16xf32>
    %get3A_181 = arith.constant 176 : index
    %get3A_182 = tpu.vector_load %arg13[%get3A_181] {strides = array<i32>} : memref<256xf32, #tpu.memory_space<vmem>>, vector<16xf32>,
    %get3A_183 = vector.shape_cast %get3A_182 : vector<16xf32> to vector<16xf32>
    %get3A_184 = arith.constant 192 : index
    %get3A_185 = tpu.vector_load %arg13[%get3A_184] {strides = array<i32>} : memref<256xf32, #tpu.memory_space<vmem>>, vector<16xf32>,
    %get3A_186 = vector.shape_cast %get3A_185 : vector<16xf32> to vector<16xf32>
    %get3A_187 = arith.constant 208 : index
    %get3A_188 = tpu.vector_load %arg13[%get3A_187] {strides = array<i32>} : memref<256xf32, #tpu.memory_space<vmem>>, vector<16xf32>,
    %get3A_189 = vector.shape_cast %get3A_188 : vector<16xf32> to vector<16xf32>
    %get3A_190 = arith.constant 224 : index
    %get3A_191 = tpu.vector_load %arg13[%get3A_190] {strides = array<i32>} : memref<256xf32, #tpu.memory_space<vmem>>, vector<16xf32>,
    %get3A_192 = vector.shape_cast %get3A_191 : vector<16xf32> to vector<16xf32>
    %get3A_193 = arith.constant 240 : index
    %get3A_194 = tpu.vector_load %arg13[%get3A_193] {strides = array<i32>} : memref<256xf32, #tpu.memory_space<vmem>>, vector<16xf32>,
    %get3A_195 = vector.shape_cast %get3A_194 : vector<16xf32> to vector<16xf32>
    %scan3A = arith.constant 0 : i32
    %scan3A_196 = arith.constant 0 : i32
    %scan3A_197 = arith.constant 16 : i32
    %scan3A_198 = arith.addi %scan3A_196, %scan3A_197 : i32
    %scan3A_199 = arith.constant 1 : i32
    scf.for %scan3A_258 = %scan3A_196 to %scan3A_198 step %scan3A_199  : i32 {
      %rem3A_259 = arith.constant 3 : i32
      %rem3A_260 = arith.remsi %scan3A_258, %rem3A_259 : i32
      %rem3A_261 = arith.constant 3 : i32
      %rem3A_262 = arith.remsi %scan3A_258, %rem3A_261 : i32
      %ge3A = arith.constant 3 : i32
      %ge3A_263 = arith.cmpi sge, %scan3A_258, %ge3A : i32
      %convert_element_type3A = arith.extui %ge3A_263 : i1 to i32
      %cond3A = arith.constant 0 : i32
      %cond3A_264 = arith.cmpi ne, %convert_element_type3A, %cond3A : i32
      scf.if %cond3A_264 {
        %sub3A_350 = arith.constant 3 : i32
        %sub3A_351 = arith.subi %scan3A_258, %sub3A_350 : i32
        %rem3A_352 = arith.constant 3 : i32
        %rem3A_353 = arith.remsi %sub3A_351, %rem3A_352 : i32
        %mul3A_354 = arith.constant 64 : i32
        %mul3A_355 = arith.muli %sub3A_351, %mul3A_354 : i32
        %add3A_356 = arith.addi %mul3A_2, %mul3A_355 : i32
        %dma_wait3A_357 = arith.constant 0 : i32
        %dma_wait3A_358 = arith.constant 0 : i32
        %dma_wait3A_359 = tpu.memref_slice %arg11[%rem3A_353, %dma_wait3A_357, %dma_wait3A_358] : memref<3x64x256xf32, #tpu.memory_space<vmem>> -> memref<1x64x256xf32, #tpu.memory_space<vmem>>
        %dma_wait3A_360 = tpu.memref_squeeze %dma_wait3A_359 : memref<1x64x256xf32, #tpu.memory_space<vmem>> -> memref<64x256xf32, #tpu.memory_space<vmem>>
        %dma_wait3A_361 = arith.constant 0 : i32
        %dma_wait3A_362 = tpu.memref_slice %arg7[%add3A_356, %dma_wait3A_361] : memref<32768x256xf32, #tpu.memory_space<hbm>> -> memref<64x256xf32, #tpu.memory_space<hbm>>
        %dma_wait3A_363 = tpu.memref_slice %arg15[%rem3A_353] : memref<3x!tpu.dma_semaphore, #tpu.memory_space<semaphore_mem>> -> memref<1x!tpu.dma_semaphore, #tpu.memory_space<semaphore_mem>>
        %dma_wait3A_364 = tpu.memref_squeeze %dma_wait3A_363 : memref<1x!tpu.dma_semaphore, #tpu.memory_space<semaphore_mem>> -> memref<!tpu.dma_semaphore, #tpu.memory_space<semaphore_mem>>
        %dma_wait3A_365 = arith.constant 0 : i32
        %dma_wait3A_366 = tpu.memref_slice %arg7[%add3A_356, %dma_wait3A_365] : memref<32768x256xf32, #tpu.memory_space<hbm>> -> memref<64x256xf32, #tpu.memory_space<hbm>>
        %dma_wait3A_367 = arith.constant 0 : i32
        %dma_wait3A_368 = arith.constant 0 : i32
        %dma_wait3A_369 = tpu.memref_slice %arg11[%rem3A_353, %dma_wait3A_367, %dma_wait3A_368] : memref<3x64x256xf32, #tpu.memory_space<vmem>> -> memref<1x64x256xf32, #tpu.memory_space<vmem>>
        %dma_wait3A_370 = tpu.memref_squeeze %dma_wait3A_369 : memref<1x64x256xf32, #tpu.memory_space<vmem>> -> memref<64x256xf32, #tpu.memory_space<vmem>>
        tpu.wait_dma2 semaphore(%dma_wait3A_364 : memref<!tpu.dma_semaphore, #tpu.memory_space<semaphore_mem>>) src(%dma_wait3A_370 : memref<64x256xf32, #tpu.memory_space<vmem>>) dst(%dma_wait3A_366 : memref<64x256xf32, #tpu.memory_space<hbm>>)
      } else {
      }
      %rem3A_265 = arith.constant 3 : i32
      %rem3A_266 = arith.remsi %scan3A_258, %rem3A_265 : i32
      %jit3A_267 = arith.constant 2 : i32
      %div3A_268 = arith.divsi %scan3A_258, %jit3A_267 : i32
      %sign3A_269 = arith.constant 0 : i32
      %sign3A_270 = arith.cmpi sgt, %scan3A_258, %sign3A_269 : i32
      %sign3A_271 = arith.extui %sign3A_270 : i1 to i32
      %sign3A_272 = arith.constant 0 : i32
      %sign3A_273 = arith.cmpi slt, %scan3A_258, %sign3A_272 : i32
      %sign3A_274 = arith.extui %sign3A_273 : i1 to i32
      %sign3A_275 = arith.subi %sign3A_271, %sign3A_274 : i32
      %sign3A_276 = arith.constant 0 : i32
      %sign3A_277 = arith.cmpi sgt, %jit3A_267, %sign3A_276 : i32
      %sign3A_278 = arith.extui %sign3A_277 : i1 to i32
      %sign3A_279 = arith.constant 0 : i32
      %sign3A_280 = arith.cmpi slt, %jit3A_267, %sign3A_279 : i32
      %sign3A_281 = arith.extui %sign3A_280 : i1 to i32
      %sign3A_282 = arith.subi %sign3A_278, %sign3A_281 : i32
      %ne3A_283 = arith.cmpi ne, %sign3A_275, %sign3A_282 : i32
      %rem3A_284 = arith.remsi %scan3A_258, %jit3A_267 : i32
      %ne3A_285 = arith.constant 0 : i32
      %ne3A_286 = arith.cmpi ne, %rem3A_284, %ne3A_285 : i32
      %and3A_287 = arith.andi %ne3A_283, %ne3A_286 : i1
      %sub3A_288 = arith.constant 1 : i32
      %sub3A_289 = arith.subi %div3A_268, %sub3A_288 : i32
      %select_n3A_290 = arith.select %and3A_287, %sub3A_289, %div3A_268 : i32
      %jit3A_291 = arith.constant 2 : i32
      %eq3A = arith.constant 0 : i32
      %eq3A_292 = arith.cmpi eq, %jit3A_291, %eq3A : i32
      %jit3A_293 = arith.constant 1 : i32
      %select_n3A_294 = arith.select %eq3A_292, %jit3A_293, %jit3A_291 : i32
      %rem3A_295 = arith.remsi %scan3A_258, %select_n3A_294 : i32
      %ne3A_296 = arith.constant 0 : i32
      %ne3A_297 = arith.cmpi ne, %rem3A_295, %ne3A_296 : i32
      %lt3A = arith.constant 0 : i32
      %lt3A_298 = arith.cmpi slt, %rem3A_295, %lt3A : i32
      %lt3A_299 = arith.constant 0 : i32
      %lt3A_300 = arith.cmpi slt, %select_n3A_294, %lt3A_299 : i32
      %ne3A_301 = arith.xori %lt3A_298, %lt3A_300 : i1
      %and3A_302 = arith.andi %ne3A_301, %ne3A_297 : i1
      %add3A_303 = arith.addi %rem3A_295, %select_n3A_294 : i32
      %select_n3A_304 = arith.select %and3A_302, %add3A_303, %rem3A_295 : i32
      %mul3A_305 = arith.constant 64 : i32
      %mul3A_306 = arith.muli %select_n3A_304, %mul3A_305 : i32
      %dma_wait3A_307 = arith.constant 0 : i32
      %dma_wait3A_308 = arith.constant 0 : i32
      %dma_wait3A_309 = tpu.memref_slice %arg10[%rem3A_266, %dma_wait3A_307, %dma_wait3A_308] : memref<3x64x256xf32, #tpu.memory_space<vmem>> -> memref<1x64x256xf32, #tpu.memory_space<vmem>>
      %dma_wait3A_310 = tpu.memref_squeeze %dma_wait3A_309 : memref<1x64x256xf32, #tpu.memory_space<vmem>> -> memref<64x256xf32, #tpu.memory_space<vmem>>
      %dma_wait3A_311 = tpu.memref_slice %arg8[%select_n3A_290, %mul3A_306] : memref<8x128xi32, #tpu.memory_space<vmem>> -> memref<1x64xi32, #tpu.memory_space<vmem>>
      %dma_wait3A_312 = tpu.memref_squeeze %dma_wait3A_311 : memref<1x64xi32, #tpu.memory_space<vmem>> -> memref<64xi32, #tpu.memory_space<vmem>>
      %dma_wait3A_313 = arith.constant 0 : i32
      %dma_wait3A_314 = arith.constant 0 : i32
      %dma_wait3A_315 = tpu.memref_slice %arg4[%dma_wait3A_313, %dma_wait3A_314] : memref<512x256xf32, #tpu.memory_space<hbm>> -> memref<512x256xf32, #tpu.memory_space<hbm>>
      %dma_wait3A_316 = tpu.memref_slice %arg14[%rem3A_266] : memref<3x!tpu.dma_semaphore, #tpu.memory_space<semaphore_mem>> -> memref<1x!tpu.dma_semaphore, #tpu.memory_space<semaphore_mem>>
      %dma_wait3A_317 = tpu.memref_squeeze %dma_wait3A_316 : memref<1x!tpu.dma_semaphore, #tpu.memory_space<semaphore_mem>> -> memref<!tpu.dma_semaphore, #tpu.memory_space<semaphore_mem>>
      tpu.wait_indirect_dma semaphore(%dma_wait3A_317 : memref<!tpu.dma_semaphore, #tpu.memory_space<semaphore_mem>>) src(%dma_wait3A_315 : memref<512x256xf32, #tpu.memory_space<hbm>>) dst(%dma_wait3A_310 : memref<64x256xf32, #tpu.memory_space<vmem>>)
      %scan3A_318 = arith.constant 0 : i32
      %scan3A_319 = arith.constant 0 : i32
      %scan3A_320 = arith.constant 4 : i32
      %scan3A_321 = arith.addi %scan3A_319, %scan3A_320 : i32
      %scan3A_322 = arith.constant 1 : i32
      scf.for %scan3A_350 = %scan3A_319 to %scan3A_321 step %scan3A_322  : i32 {
        %jit3A_351 = arith.constant 2 : i32
        %div3A_352 = arith.divsi %scan3A_258, %jit3A_351 : i32
        %sign3A_353 = arith.constant 0 : i32
        %sign3A_354 = arith.cmpi sgt, %scan3A_258, %sign3A_353 : i32
        %sign3A_355 = arith.extui %sign3A_354 : i1 to i32
        %sign3A_356 = arith.constant 0 : i32
        %sign3A_357 = arith.cmpi slt, %scan3A_258, %sign3A_356 : i32
        %sign3A_358 = arith.extui %sign3A_357 : i1 to i32
        %sign3A_359 = arith.subi %sign3A_355, %sign3A_358 : i32
        %sign3A_360 = arith.constant 0 : i32
        %sign3A_361 = arith.cmpi sgt, %jit3A_351, %sign3A_360 : i32
        %sign3A_362 = arith.extui %sign3A_361 : i1 to i32
        %sign3A_363 = arith.constant 0 : i32
        %sign3A_364 = arith.cmpi slt, %jit3A_351, %sign3A_363 : i32
        %sign3A_365 = arith.extui %sign3A_364 : i1 to i32
        %sign3A_366 = arith.subi %sign3A_362, %sign3A_365 : i32
        %ne3A_367 = arith.cmpi ne, %sign3A_359, %sign3A_366 : i32
        %rem3A_368 = arith.remsi %scan3A_258, %jit3A_351 : i32
        %ne3A_369 = arith.constant 0 : i32
        %ne3A_370 = arith.cmpi ne, %rem3A_368, %ne3A_369 : i32
        %and3A_371 = arith.andi %ne3A_367, %ne3A_370 : i1
        %sub3A_372 = arith.constant 1 : i32
        %sub3A_373 = arith.subi %div3A_352, %sub3A_372 : i32
        %select_n3A_374 = arith.select %and3A_371, %sub3A_373, %div3A_352 : i32
        %jit3A_375 = arith.constant 2 : i32
        %eq3A_376 = arith.constant 0 : i32
        %eq3A_377 = arith.cmpi eq, %jit3A_375, %eq3A_376 : i32
        %jit3A_378 = arith.constant 1 : i32
        %select_n3A_379 = arith.select %eq3A_377, %jit3A_378, %jit3A_375 : i32
        %rem3A_380 = arith.remsi %scan3A_258, %select_n3A_379 : i32
        %ne3A_381 = arith.constant 0 : i32
        %ne3A_382 = arith.cmpi ne, %rem3A_380, %ne3A_381 : i32
        %lt3A_383 = arith.constant 0 : i32
        %lt3A_384 = arith.cmpi slt, %rem3A_380, %lt3A_383 : i32
        %lt3A_385 = arith.constant 0 : i32
        %lt3A_386 = arith.cmpi slt, %select_n3A_379, %lt3A_385 : i32
        %ne3A_387 = arith.xori %lt3A_384, %lt3A_386 : i1
        %and3A_388 = arith.andi %ne3A_387, %ne3A_382 : i1
        %add3A_389 = arith.addi %rem3A_380, %select_n3A_379 : i32
        %select_n3A_390 = arith.select %and3A_388, %add3A_389, %rem3A_380 : i32
        %mul3A_391 = arith.constant 64 : i32
        %mul3A_392 = arith.muli %select_n3A_390, %mul3A_391 : i32
        %mul3A_393 = arith.constant 16 : i32
        %mul3A_394 = arith.muli %scan3A_350, %mul3A_393 : i32
        %add3A_395 = arith.addi %mul3A_392, %mul3A_394 : i32
        %get3A_396 = arith.index_cast %select_n3A_374 : i32 to index
        %get3A_397 = arith.index_cast %add3A_395 : i32 to index
        %get3A_398 = tpu.vector_load %arg9[%get3A_396, %get3A_397] {strides = array<i32>} : memref<8x128xf32, #tpu.memory_space<vmem>>, vector<1x16xf32>,
        %get3A_399 = vector.shape_cast %get3A_398 : vector<1x16xf32> to vector<16xf32>
        %broadcast_in_dim3A = arith.constant 0 : i32
        %broadcast_in_dim3A_400 = vector.broadcast %broadcast_in_dim3A : i32 to vector<16x1xi32>
        %gather3A = vector.shape_cast %broadcast_in_dim3A_400 : vector<16x1xi32> to vector<16xi32>
        %gather3A_401 = tpu.dynamic_gather %get3A_399[%gather3A] in [0] : vector<16xf32>, vector<16xi32> -> vector<16xf32>
        %mul3A_402 = arith.constant 16 : i32
        %mul3A_403 = arith.muli %scan3A_350, %mul3A_402 : i32
        %add3A_404 = arith.constant 0 : i32
        %add3A_405 = arith.addi %mul3A_403, %add3A_404 : i32
        %get3A_406 = arith.index_cast %rem3A_260 : i32 to index
        %get3A_407 = arith.index_cast %add3A_405 : i32 to index
        %get3A_408 = arith.constant 0 : index
        %get3A_409 = tpu.vector_load %arg10[%get3A_406, %get3A_407, %get3A_408] {strides = array<i32>} : memref<3x64x256xf32, #tpu.memory_space<vmem>>, vector<1x1x16xf32>,
        %get3A_410 = vector.shape_cast %get3A_409 : vector<1x1x16xf32> to vector<16xf32>
        %mul3A_411 = arith.mulf %gather3A_401, %get3A_102 : vector<16xf32>
        %add3A_412 = arith.addf %get3A_410, %mul3A_411 : vector<16xf32>
        %add3A_413 = arith.addf %add3A_412, %get3A_150 : vector<16xf32>
        %swap3A = arith.index_cast %rem3A_262 : i32 to index
        %swap3A_414 = arith.index_cast %add3A_405 : i32 to index
        %swap3A_415 = arith.constant 0 : index
        %swap3A_416 = tpu.vector_load %arg11[%swap3A, %swap3A_414, %swap3A_415] {strides = array<i32>} : memref<3x64x256xf32, #tpu.memory_space<vmem>>, vector<1x1x16xf32>,
        %swap3A_417 = vector.shape_cast %swap3A_416 : vector<1x1x16xf32> to vector<16xf32>
        %swap3A_418 = vector.shape_cast %add3A_413 : vector<16xf32> to vector<1x1x16xf32>
        tpu.vector_store %arg11[%swap3A, %swap3A_414, %swap3A_415], %swap3A_418 {strides = array<i32>} : memref<3x64x256xf32, #tpu.memory_space<vmem>>, vector<1x1x16xf32>,
        %get3A_419 = arith.index_cast %rem3A_260 : i32 to index
        %get3A_420 = arith.index_cast %add3A_405 : i32 to index
        %get3A_421 = arith.constant 16 : index
        %get3A_422 = tpu.vector_load %arg10[%get3A_419, %get3A_420, %get3A_421] {strides = array<i32>} : memref<3x64x256xf32, #tpu.memory_space<vmem>>, vector<1x1x16xf32>,
        %get3A_423 = vector.shape_cast %get3A_422 : vector<1x1x16xf32> to vector<16xf32>
        %mul3A_424 = arith.mulf %gather3A_401, %get3A_105 : vector<16xf32>
        %add3A_425 = arith.addf %get3A_423, %mul3A_424 : vector<16xf32>
        %add3A_426 = arith.addf %add3A_425, %get3A_153 : vector<16xf32>
        %swap3A_427 = arith.index_cast %rem3A_262 : i32 to index
        %swap3A_428 = arith.index_cast %add3A_405 : i32 to index
        %swap3A_429 = arith.constant 16 : index
        %swap3A_430 = tpu.vector_load %arg11[%swap3A_427, %swap3A_428, %swap3A_429] {strides = array<i32>} : memref<3x64x256xf32, #tpu.memory_space<vmem>>, vector<1x1x16xf32>,
        %swap3A_431 = vector.shape_cast %swap3A_430 : vector<1x1x16xf32> to vector<16xf32>
        %swap3A_432 = vector.shape_cast %add3A_426 : vector<16xf32> to vector<1x1x16xf32>
        tpu.vector_store %arg11[%swap3A_427, %swap3A_428, %swap3A_429], %swap3A_432 {strides = array<i32>} : memref<3x64x256xf32, #tpu.memory_space<vmem>>, vector<1x1x16xf32>,
        %get3A_433 = arith.index_cast %rem3A_260 : i32 to index
        %get3A_434 = arith.index_cast %add3A_405 : i32 to index
        %get3A_435 = arith.constant 32 : index
        %get3A_436 = tpu.vector_load %arg10[%get3A_433, %get3A_434, %get3A_435] {strides = array<i32>} : memref<3x64x256xf32, #tpu.memory_space<vmem>>, vector<1x1x16xf32>,
        %get3A_437 = vector.shape_cast %get3A_436 : vector<1x1x16xf32> to vector<16xf32>
        %mul3A_438 = arith.mulf %gather3A_401, %get3A_108 : vector<16xf32>
        %add3A_439 = arith.addf %get3A_437, %mul3A_438 : vector<16xf32>
        %add3A_440 = arith.addf %add3A_439, %get3A_156 : vector<16xf32>
        %swap3A_441 = arith.index_cast %rem3A_262 : i32 to index
        %swap3A_442 = arith.index_cast %add3A_405 : i32 to index
        %swap3A_443 = arith.constant 32 : index
        %swap3A_444 = tpu.vector_load %arg11[%swap3A_441, %swap3A_442, %swap3A_443] {strides = array<i32>} : memref<3x64x256xf32, #tpu.memory_space<vmem>>, vector<1x1x16xf32>,
        %swap3A_445 = vector.shape_cast %swap3A_444 : vector<1x1x16xf32> to vector<16xf32>
        %swap3A_446 = vector.shape_cast %add3A_440 : vector<16xf32> to vector<1x1x16xf32>
        tpu.vector_store %arg11[%swap3A_441, %swap3A_442, %swap3A_443], %swap3A_446 {strides = array<i32>} : memref<3x64x256xf32, #tpu.memory_space<vmem>>, vector<1x1x16xf32>,
        %get3A_447 = arith.index_cast %rem3A_260 : i32 to index
        %get3A_448 = arith.index_cast %add3A_405 : i32 to index
        %get3A_449 = arith.constant 48 : index
        %get3A_450 = tpu.vector_load %arg10[%get3A_447, %get3A_448, %get3A_449] {strides = array<i32>} : memref<3x64x256xf32, #tpu.memory_space<vmem>>, vector<1x1x16xf32>,
        %get3A_451 = vector.shape_cast %get3A_450 : vector<1x1x16xf32> to vector<16xf32>
        %mul3A_452 = arith.mulf %gather3A_401, %get3A_111 : vector<16xf32>
        %add3A_453 = arith.addf %get3A_451, %mul3A_452 : vector<16xf32>
        %add3A_454 = arith.addf %add3A_453, %get3A_159 : vector<16xf32>
        %swap3A_455 = arith.index_cast %rem3A_262 : i32 to index
        %swap3A_456 = arith.index_cast %add3A_405 : i32 to index
        %swap3A_457 = arith.constant 48 : index
        %swap3A_458 = tpu.vector_load %arg11[%swap3A_455, %swap3A_456, %swap3A_457] {strides = array<i32>} : memref<3x64x256xf32, #tpu.memory_space<vmem>>, vector<1x1x16xf32>,
        %swap3A_459 = vector.shape_cast %swap3A_458 : vector<1x1x16xf32> to vector<16xf32>
        %swap3A_460 = vector.shape_cast %add3A_454 : vector<16xf32> to vector<1x1x16xf32>
        tpu.vector_store %arg11[%swap3A_455, %swap3A_456, %swap3A_457], %swap3A_460 {strides = array<i32>} : memref<3x64x256xf32, #tpu.memory_space<vmem>>, vector<1x1x16xf32>,
        %get3A_461 = arith.index_cast %rem3A_260 : i32 to index
        %get3A_462 = arith.index_cast %add3A_405 : i32 to index
        %get3A_463 = arith.constant 64 : index
        %get3A_464 = tpu.vector_load %arg10[%get3A_461, %get3A_462, %get3A_463] {strides = array<i32>} : memref<3x64x256xf32, #tpu.memory_space<vmem>>, vector<1x1x16xf32>,
        %get3A_465 = vector.shape_cast %get3A_464 : vector<1x1x16xf32> to vector<16xf32>
        %mul3A_466 = arith.mulf %gather3A_401, %get3A_114 : vector<16xf32>
        %add3A_467 = arith.addf %get3A_465, %mul3A_466 : vector<16xf32>
        %add3A_468 = arith.addf %add3A_467, %get3A_162 : vector<16xf32>
        %swap3A_469 = arith.index_cast %rem3A_262 : i32 to index
        %swap3A_470 = arith.index_cast %add3A_405 : i32 to index
        %swap3A_471 = arith.constant 64 : index
        %swap3A_472 = tpu.vector_load %arg11[%swap3A_469, %swap3A_470, %swap3A_471] {strides = array<i32>} : memref<3x64x256xf32, #tpu.memory_space<vmem>>, vector<1x1x16xf32>,
        %swap3A_473 = vector.shape_cast %swap3A_472 : vector<1x1x16xf32> to vector<16xf32>
        %swap3A_474 = vector.shape_cast %add3A_468 : vector<16xf32> to vector<1x1x16xf32>
        tpu.vector_store %arg11[%swap3A_469, %swap3A_470, %swap3A_471], %swap3A_474 {strides = array<i32>} : memref<3x64x256xf32, #tpu.memory_space<vmem>>, vector<1x1x16xf32>,
        %get3A_475 = arith.index_cast %rem3A_260 : i32 to index
        %get3A_476 = arith.index_cast %add3A_405 : i32 to index
        %get3A_477 = arith.constant 80 : index
        %get3A_478 = tpu.vector_load %arg10[%get3A_475, %get3A_476, %get3A_477] {strides = array<i32>} : memref<3x64x256xf32, #tpu.memory_space<vmem>>, vector<1x1x16xf32>,
        %get3A_479 = vector.shape_cast %get3A_478 : vector<1x1x16xf32> to vector<16xf32>
        %mul3A_480 = arith.mulf %gather3A_401, %get3A_117 : vector<16xf32>
        %add3A_481 = arith.addf %get3A_479, %mul3A_480 : vector<16xf32>
        %add3A_482 = arith.addf %add3A_481, %get3A_165 : vector<16xf32>
        %swap3A_483 = arith.index_cast %rem3A_262 : i32 to index
        %swap3A_484 = arith.index_cast %add3A_405 : i32 to index
        %swap3A_485 = arith.constant 80 : index
        %swap3A_486 = tpu.vector_load %arg11[%swap3A_483, %swap3A_484, %swap3A_485] {strides = array<i32>} : memref<3x64x256xf32, #tpu.memory_space<vmem>>, vector<1x1x16xf32>,
        %swap3A_487 = vector.shape_cast %swap3A_486 : vector<1x1x16xf32> to vector<16xf32>
        %swap3A_488 = vector.shape_cast %add3A_482 : vector<16xf32> to vector<1x1x16xf32>
        tpu.vector_store %arg11[%swap3A_483, %swap3A_484, %swap3A_485], %swap3A_488 {strides = array<i32>} : memref<3x64x256xf32, #tpu.memory_space<vmem>>, vector<1x1x16xf32>,
        %get3A_489 = arith.index_cast %rem3A_260 : i32 to index
        %get3A_490 = arith.index_cast %add3A_405 : i32 to index
        %get3A_491 = arith.constant 96 : index
        %get3A_492 = tpu.vector_load %arg10[%get3A_489, %get3A_490, %get3A_491] {strides = array<i32>} : memref<3x64x256xf32, #tpu.memory_space<vmem>>, vector<1x1x16xf32>,
        %get3A_493 = vector.shape_cast %get3A_492 : vector<1x1x16xf32> to vector<16xf32>
        %mul3A_494 = arith.mulf %gather3A_401, %get3A_120 : vector<16xf32>
        %add3A_495 = arith.addf %get3A_493, %mul3A_494 : vector<16xf32>
        %add3A_496 = arith.addf %add3A_495, %get3A_168 : vector<16xf32>
        %swap3A_497 = arith.index_cast %rem3A_262 : i32 to index
        %swap3A_498 = arith.index_cast %add3A_405 : i32 to index
        %swap3A_499 = arith.constant 96 : index
        %swap3A_500 = tpu.vector_load %arg11[%swap3A_497, %swap3A_498, %swap3A_499] {strides = array<i32>} : memref<3x64x256xf32, #tpu.memory_space<vmem>>, vector<1x1x16xf32>,
        %swap3A_501 = vector.shape_cast %swap3A_500 : vector<1x1x16xf32> to vector<16xf32>
        %swap3A_502 = vector.shape_cast %add3A_496 : vector<16xf32> to vector<1x1x16xf32>
        tpu.vector_store %arg11[%swap3A_497, %swap3A_498, %swap3A_499], %swap3A_502 {strides = array<i32>} : memref<3x64x256xf32, #tpu.memory_space<vmem>>, vector<1x1x16xf32>,
        %get3A_503 = arith.index_cast %rem3A_260 : i32 to index
        %get3A_504 = arith.index_cast %add3A_405 : i32 to index
        %get3A_505 = arith.constant 112 : index
        %get3A_506 = tpu.vector_load %arg10[%get3A_503, %get3A_504, %get3A_505] {strides = array<i32>} : memref<3x64x256xf32, #tpu.memory_space<vmem>>, vector<1x1x16xf32>,
        %get3A_507 = vector.shape_cast %get3A_506 : vector<1x1x16xf32> to vector<16xf32>
        %mul3A_508 = arith.mulf %gather3A_401, %get3A_123 : vector<16xf32>
        %add3A_509 = arith.addf %get3A_507, %mul3A_508 : vector<16xf32>
        %add3A_510 = arith.addf %add3A_509, %get3A_171 : vector<16xf32>
        %swap3A_511 = arith.index_cast %rem3A_262 : i32 to index
        %swap3A_512 = arith.index_cast %add3A_405 : i32 to index
        %swap3A_513 = arith.constant 112 : index
        %swap3A_514 = tpu.vector_load %arg11[%swap3A_511, %swap3A_512, %swap3A_513] {strides = array<i32>} : memref<3x64x256xf32, #tpu.memory_space<vmem>>, vector<1x1x16xf32>,
        %swap3A_515 = vector.shape_cast %swap3A_514 : vector<1x1x16xf32> to vector<16xf32>
        %swap3A_516 = vector.shape_cast %add3A_510 : vector<16xf32> to vector<1x1x16xf32>
        tpu.vector_store %arg11[%swap3A_511, %swap3A_512, %swap3A_513], %swap3A_516 {strides = array<i32>} : memref<3x64x256xf32, #tpu.memory_space<vmem>>, vector<1x1x16xf32>,
        %get3A_517 = arith.index_cast %rem3A_260 : i32 to index
        %get3A_518 = arith.index_cast %add3A_405 : i32 to index
        %get3A_519 = arith.constant 128 : index
        %get3A_520 = tpu.vector_load %arg10[%get3A_517, %get3A_518, %get3A_519] {strides = array<i32>} : memref<3x64x256xf32, #tpu.memory_space<vmem>>, vector<1x1x16xf32>,
        %get3A_521 = vector.shape_cast %get3A_520 : vector<1x1x16xf32> to vector<16xf32>
        %mul3A_522 = arith.mulf %gather3A_401, %get3A_126 : vector<16xf32>
        %add3A_523 = arith.addf %get3A_521, %mul3A_522 : vector<16xf32>
        %add3A_524 = arith.addf %add3A_523, %get3A_174 : vector<16xf32>
        %swap3A_525 = arith.index_cast %rem3A_262 : i32 to index
        %swap3A_526 = arith.index_cast %add3A_405 : i32 to index
        %swap3A_527 = arith.constant 128 : index
        %swap3A_528 = tpu.vector_load %arg11[%swap3A_525, %swap3A_526, %swap3A_527] {strides = array<i32>} : memref<3x64x256xf32, #tpu.memory_space<vmem>>, vector<1x1x16xf32>,
        %swap3A_529 = vector.shape_cast %swap3A_528 : vector<1x1x16xf32> to vector<16xf32>
        %swap3A_530 = vector.shape_cast %add3A_524 : vector<16xf32> to vector<1x1x16xf32>
        tpu.vector_store %arg11[%swap3A_525, %swap3A_526, %swap3A_527], %swap3A_530 {strides = array<i32>} : memref<3x64x256xf32, #tpu.memory_space<vmem>>, vector<1x1x16xf32>,
        %get3A_531 = arith.index_cast %rem3A_260 : i32 to index
        %get3A_532 = arith.index_cast %add3A_405 : i32 to index
        %get3A_533 = arith.constant 144 : index
        %get3A_534 = tpu.vector_load %arg10[%get3A_531, %get3A_532, %get3A_533] {strides = array<i32>} : memref<3x64x256xf32, #tpu.memory_space<vmem>>, vector<1x1x16xf32>,
        %get3A_535 = vector.shape_cast %get3A_534 : vector<1x1x16xf32> to vector<16xf32>
        %mul3A_536 = arith.mulf %gather3A_401, %get3A_129 : vector<16xf32>
        %add3A_537 = arith.addf %get3A_535, %mul3A_536 : vector<16xf32>
        %add3A_538 = arith.addf %add3A_537, %get3A_177 : vector<16xf32>
        %swap3A_539 = arith.index_cast %rem3A_262 : i32 to index
        %swap3A_540 = arith.index_cast %add3A_405 : i32 to index
        %swap3A_541 = arith.constant 144 : index
        %swap3A_542 = tpu.vector_load %arg11[%swap3A_539, %swap3A_540, %swap3A_541] {strides = array<i32>} : memref<3x64x256xf32, #tpu.memory_space<vmem>>, vector<1x1x16xf32>,
        %swap3A_543 = vector.shape_cast %swap3A_542 : vector<1x1x16xf32> to vector<16xf32>
        %swap3A_544 = vector.shape_cast %add3A_538 : vector<16xf32> to vector<1x1x16xf32>
        tpu.vector_store %arg11[%swap3A_539, %swap3A_540, %swap3A_541], %swap3A_544 {strides = array<i32>} : memref<3x64x256xf32, #tpu.memory_space<vmem>>, vector<1x1x16xf32>,
        %get3A_545 = arith.index_cast %rem3A_260 : i32 to index
        %get3A_546 = arith.index_cast %add3A_405 : i32 to index
        %get3A_547 = arith.constant 160 : index
        %get3A_548 = tpu.vector_load %arg10[%get3A_545, %get3A_546, %get3A_547] {strides = array<i32>} : memref<3x64x256xf32, #tpu.memory_space<vmem>>, vector<1x1x16xf32>,
        %get3A_549 = vector.shape_cast %get3A_548 : vector<1x1x16xf32> to vector<16xf32>
        %mul3A_550 = arith.mulf %gather3A_401, %get3A_132 : vector<16xf32>
        %add3A_551 = arith.addf %get3A_549, %mul3A_550 : vector<16xf32>
        %add3A_552 = arith.addf %add3A_551, %get3A_180 : vector<16xf32>
        %swap3A_553 = arith.index_cast %rem3A_262 : i32 to index
        %swap3A_554 = arith.index_cast %add3A_405 : i32 to index
        %swap3A_555 = arith.constant 160 : index
        %swap3A_556 = tpu.vector_load %arg11[%swap3A_553, %swap3A_554, %swap3A_555] {strides = array<i32>} : memref<3x64x256xf32, #tpu.memory_space<vmem>>, vector<1x1x16xf32>,
        %swap3A_557 = vector.shape_cast %swap3A_556 : vector<1x1x16xf32> to vector<16xf32>
        %swap3A_558 = vector.shape_cast %add3A_552 : vector<16xf32> to vector<1x1x16xf32>
        tpu.vector_store %arg11[%swap3A_553, %swap3A_554, %swap3A_555], %swap3A_558 {strides = array<i32>} : memref<3x64x256xf32, #tpu.memory_space<vmem>>, vector<1x1x16xf32>,
        %get3A_559 = arith.index_cast %rem3A_260 : i32 to index
        %get3A_560 = arith.index_cast %add3A_405 : i32 to index
        %get3A_561 = arith.constant 176 : index
        %get3A_562 = tpu.vector_load %arg10[%get3A_559, %get3A_560, %get3A_561] {strides = array<i32>} : memref<3x64x256xf32, #tpu.memory_space<vmem>>, vector<1x1x16xf32>,
        %get3A_563 = vector.shape_cast %get3A_562 : vector<1x1x16xf32> to vector<16xf32>
        %mul3A_564 = arith.mulf %gather3A_401, %get3A_135 : vector<16xf32>
        %add3A_565 = arith.addf %get3A_563, %mul3A_564 : vector<16xf32>
        %add3A_566 = arith.addf %add3A_565, %get3A_183 : vector<16xf32>
        %swap3A_567 = arith.index_cast %rem3A_262 : i32 to index
        %swap3A_568 = arith.index_cast %add3A_405 : i32 to index
        %swap3A_569 = arith.constant 176 : index
        %swap3A_570 = tpu.vector_load %arg11[%swap3A_567, %swap3A_568, %swap3A_569] {strides = array<i32>} : memref<3x64x256xf32, #tpu.memory_space<vmem>>, vector<1x1x16xf32>,
        %swap3A_571 = vector.shape_cast %swap3A_570 : vector<1x1x16xf32> to vector<16xf32>
        %swap3A_572 = vector.shape_cast %add3A_566 : vector<16xf32> to vector<1x1x16xf32>
        tpu.vector_store %arg11[%swap3A_567, %swap3A_568, %swap3A_569], %swap3A_572 {strides = array<i32>} : memref<3x64x256xf32, #tpu.memory_space<vmem>>, vector<1x1x16xf32>,
        %get3A_573 = arith.index_cast %rem3A_260 : i32 to index
        %get3A_574 = arith.index_cast %add3A_405 : i32 to index
        %get3A_575 = arith.constant 192 : index
        %get3A_576 = tpu.vector_load %arg10[%get3A_573, %get3A_574, %get3A_575] {strides = array<i32>} : memref<3x64x256xf32, #tpu.memory_space<vmem>>, vector<1x1x16xf32>,
        %get3A_577 = vector.shape_cast %get3A_576 : vector<1x1x16xf32> to vector<16xf32>
        %mul3A_578 = arith.mulf %gather3A_401, %get3A_138 : vector<16xf32>
        %add3A_579 = arith.addf %get3A_577, %mul3A_578 : vector<16xf32>
        %add3A_580 = arith.addf %add3A_579, %get3A_186 : vector<16xf32>
        %swap3A_581 = arith.index_cast %rem3A_262 : i32 to index
        %swap3A_582 = arith.index_cast %add3A_405 : i32 to index
        %swap3A_583 = arith.constant 192 : index
        %swap3A_584 = tpu.vector_load %arg11[%swap3A_581, %swap3A_582, %swap3A_583] {strides = array<i32>} : memref<3x64x256xf32, #tpu.memory_space<vmem>>, vector<1x1x16xf32>,
        %swap3A_585 = vector.shape_cast %swap3A_584 : vector<1x1x16xf32> to vector<16xf32>
        %swap3A_586 = vector.shape_cast %add3A_580 : vector<16xf32> to vector<1x1x16xf32>
        tpu.vector_store %arg11[%swap3A_581, %swap3A_582, %swap3A_583], %swap3A_586 {strides = array<i32>} : memref<3x64x256xf32, #tpu.memory_space<vmem>>, vector<1x1x16xf32>,
        %get3A_587 = arith.index_cast %rem3A_260 : i32 to index
        %get3A_588 = arith.index_cast %add3A_405 : i32 to index
        %get3A_589 = arith.constant 208 : index
        %get3A_590 = tpu.vector_load %arg10[%get3A_587, %get3A_588, %get3A_589] {strides = array<i32>} : memref<3x64x256xf32, #tpu.memory_space<vmem>>, vector<1x1x16xf32>,
        %get3A_591 = vector.shape_cast %get3A_590 : vector<1x1x16xf32> to vector<16xf32>
        %mul3A_592 = arith.mulf %gather3A_401, %get3A_141 : vector<16xf32>
        %add3A_593 = arith.addf %get3A_591, %mul3A_592 : vector<16xf32>
        %add3A_594 = arith.addf %add3A_593, %get3A_189 : vector<16xf32>
        %swap3A_595 = arith.index_cast %rem3A_262 : i32 to index
        %swap3A_596 = arith.index_cast %add3A_405 : i32 to index
        %swap3A_597 = arith.constant 208 : index
        %swap3A_598 = tpu.vector_load %arg11[%swap3A_595, %swap3A_596, %swap3A_597] {strides = array<i32>} : memref<3x64x256xf32, #tpu.memory_space<vmem>>, vector<1x1x16xf32>,
        %swap3A_599 = vector.shape_cast %swap3A_598 : vector<1x1x16xf32> to vector<16xf32>
        %swap3A_600 = vector.shape_cast %add3A_594 : vector<16xf32> to vector<1x1x16xf32>
        tpu.vector_store %arg11[%swap3A_595, %swap3A_596, %swap3A_597], %swap3A_600 {strides = array<i32>} : memref<3x64x256xf32, #tpu.memory_space<vmem>>, vector<1x1x16xf32>,
        %get3A_601 = arith.index_cast %rem3A_260 : i32 to index
        %get3A_602 = arith.index_cast %add3A_405 : i32 to index
        %get3A_603 = arith.constant 224 : index
        %get3A_604 = tpu.vector_load %arg10[%get3A_601, %get3A_602, %get3A_603] {strides = array<i32>} : memref<3x64x256xf32, #tpu.memory_space<vmem>>, vector<1x1x16xf32>,
        %get3A_605 = vector.shape_cast %get3A_604 : vector<1x1x16xf32> to vector<16xf32>
        %mul3A_606 = arith.mulf %gather3A_401, %get3A_144 : vector<16xf32>
        %add3A_607 = arith.addf %get3A_605, %mul3A_606 : vector<16xf32>
        %add3A_608 = arith.addf %add3A_607, %get3A_192 : vector<16xf32>
        %swap3A_609 = arith.index_cast %rem3A_262 : i32 to index
        %swap3A_610 = arith.index_cast %add3A_405 : i32 to index
        %swap3A_611 = arith.constant 224 : index
        %swap3A_612 = tpu.vector_load %arg11[%swap3A_609, %swap3A_610, %swap3A_611] {strides = array<i32>} : memref<3x64x256xf32, #tpu.memory_space<vmem>>, vector<1x1x16xf32>,
        %swap3A_613 = vector.shape_cast %swap3A_612 : vector<1x1x16xf32> to vector<16xf32>
        %swap3A_614 = vector.shape_cast %add3A_608 : vector<16xf32> to vector<1x1x16xf32>
        tpu.vector_store %arg11[%swap3A_609, %swap3A_610, %swap3A_611], %swap3A_614 {strides = array<i32>} : memref<3x64x256xf32, #tpu.memory_space<vmem>>, vector<1x1x16xf32>,
        %get3A_615 = arith.index_cast %rem3A_260 : i32 to index
        %get3A_616 = arith.index_cast %add3A_405 : i32 to index
        %get3A_617 = arith.constant 240 : index
        %get3A_618 = tpu.vector_load %arg10[%get3A_615, %get3A_616, %get3A_617] {strides = array<i32>} : memref<3x64x256xf32, #tpu.memory_space<vmem>>, vector<1x1x16xf32>,
        %get3A_619 = vector.shape_cast %get3A_618 : vector<1x1x16xf32> to vector<16xf32>
        %mul3A_620 = arith.mulf %gather3A_401, %get3A_147 : vector<16xf32>
        %add3A_621 = arith.addf %get3A_619, %mul3A_620 : vector<16xf32>
        %add3A_622 = arith.addf %add3A_621, %get3A_195 : vector<16xf32>
        %swap3A_623 = arith.index_cast %rem3A_262 : i32 to index
        %swap3A_624 = arith.index_cast %add3A_405 : i32 to index
        %swap3A_625 = arith.constant 240 : index
        %swap3A_626 = tpu.vector_load %arg11[%swap3A_623, %swap3A_624, %swap3A_625] {strides = array<i32>} : memref<3x64x256xf32, #tpu.memory_space<vmem>>, vector<1x1x16xf32>,
        %swap3A_627 = vector.shape_cast %swap3A_626 : vector<1x1x16xf32> to vector<16xf32>
        %swap3A_628 = vector.shape_cast %add3A_622 : vector<16xf32> to vector<1x1x16xf32>
        tpu.vector_store %arg11[%swap3A_623, %swap3A_624, %swap3A_625], %swap3A_628 {strides = array<i32>} : memref<3x64x256xf32, #tpu.memory_space<vmem>>, vector<1x1x16xf32>,
        %broadcast_in_dim3A_629 = arith.constant 1 : i32
        %broadcast_in_dim3A_630 = vector.broadcast %broadcast_in_dim3A_629 : i32 to vector<16x1xi32>
        %gather3A_631 = vector.shape_cast %broadcast_in_dim3A_630 : vector<16x1xi32> to vector<16xi32>
        %gather3A_632 = tpu.dynamic_gather %get3A_399[%gather3A_631] in [0] : vector<16xf32>, vector<16xi32> -> vector<16xf32>
        %mul3A_633 = arith.constant 16 : i32
        %mul3A_634 = arith.muli %scan3A_350, %mul3A_633 : i32
        %add3A_635 = arith.constant 1 : i32
        %add3A_636 = arith.addi %mul3A_634, %add3A_635 : i32
        %get3A_637 = arith.index_cast %rem3A_260 : i32 to index
        %get3A_638 = arith.index_cast %add3A_636 : i32 to index
        %get3A_639 = arith.constant 0 : index
        %get3A_640 = tpu.vector_load %arg10[%get3A_637, %get3A_638, %get3A_639] {strides = array<i32>} : memref<3x64x256xf32, #tpu.memory_space<vmem>>, vector<1x1x16xf32>,
        %get3A_641 = vector.shape_cast %get3A_640 : vector<1x1x16xf32> to vector<16xf32>
        %mul3A_642 = arith.mulf %gather3A_632, %get3A_102 : vector<16xf32>
        %add3A_643 = arith.addf %get3A_641, %mul3A_642 : vector<16xf32>
        %add3A_644 = arith.addf %add3A_643, %get3A_150 : vector<16xf32>
        %swap3A_645 = arith.index_cast %rem3A_262 : i32 to index
        %swap3A_646 = arith.index_cast %add3A_636 : i32 to index
        %swap3A_647 = arith.constant 0 : index
        %swap3A_648 = tpu.vector_load %arg11[%swap3A_645, %swap3A_646, %swap3A_647] {strides = array<i32>} : memref<3x64x256xf32, #tpu.memory_space<vmem>>, vector<1x1x16xf32>,
        %swap3A_649 = vector.shape_cast %swap3A_648 : vector<1x1x16xf32> to vector<16xf32>
        %swap3A_650 = vector.shape_cast %add3A_644 : vector<16xf32> to vector<1x1x16xf32>
        tpu.vector_store %arg11[%swap3A_645, %swap3A_646, %swap3A_647], %swap3A_650 {strides = array<i32>} : memref<3x64x256xf32, #tpu.memory_space<vmem>>, vector<1x1x16xf32>,
        %get3A_651 = arith.index_cast %rem3A_260 : i32 to index
        %get3A_652 = arith.index_cast %add3A_636 : i32 to index
        %get3A_653 = arith.constant 16 : index
        %get3A_654 = tpu.vector_load %arg10[%get3A_651, %get3A_652, %get3A_653] {strides = array<i32>} : memref<3x64x256xf32, #tpu.memory_space<vmem>>, vector<1x1x16xf32>,
        %get3A_655 = vector.shape_cast %get3A_654 : vector<1x1x16xf32> to vector<16xf32>
        %mul3A_656 = arith.mulf %gather3A_632, %get3A_105 : vector<16xf32>
        %add3A_657 = arith.addf %get3A_655, %mul3A_656 : vector<16xf32>
        %add3A_658 = arith.addf %add3A_657, %get3A_153 : vector<16xf32>
        %swap3A_659 = arith.index_cast %rem3A_262 : i32 to index
        %swap3A_660 = arith.index_cast %add3A_636 : i32 to index
        %swap3A_661 = arith.constant 16 : index
        %swap3A_662 = tpu.vector_load %arg11[%swap3A_659, %swap3A_660, %swap3A_661] {strides = array<i32>} : memref<3x64x256xf32, #tpu.memory_space<vmem>>, vector<1x1x16xf32>,
        %swap3A_663 = vector.shape_cast %swap3A_662 : vector<1x1x16xf32> to vector<16xf32>
        %swap3A_664 = vector.shape_cast %add3A_658 : vector<16xf32> to vector<1x1x16xf32>
        tpu.vector_store %arg11[%swap3A_659, %swap3A_660, %swap3A_661], %swap3A_664 {strides = array<i32>} : memref<3x64x256xf32, #tpu.memory_space<vmem>>, vector<1x1x16xf32>,
        %get3A_665 = arith.index_cast %rem3A_260 : i32 to index
        %get3A_666 = arith.index_cast %add3A_636 : i32 to index
        %get3A_667 = arith.constant 32 : index
        %get3A_668 = tpu.vector_load %arg10[%get3A_665, %get3A_666, %get3A_667] {strides = array<i32>} : memref<3x64x256xf32, #tpu.memory_space<vmem>>, vector<1x1x16xf32>,
        %get3A_669 = vector.shape_cast %get3A_668 : vector<1x1x16xf32> to vector<16xf32>
        %mul3A_670 = arith.mulf %gather3A_632, %get3A_108 : vector<16xf32>
        %add3A_671 = arith.addf %get3A_669, %mul3A_670 : vector<16xf32>
        %add3A_672 = arith.addf %add3A_671, %get3A_156 : vector<16xf32>
        %swap3A_673 = arith.index_cast %rem3A_262 : i32 to index
        %swap3A_674 = arith.index_cast %add3A_636 : i32 to index
        %swap3A_675 = arith.constant 32 : index
        %swap3A_676 = tpu.vector_load %arg11[%swap3A_673, %swap3A_674, %swap3A_675] {strides = array<i32>} : memref<3x64x256xf32, #tpu.memory_space<vmem>>, vector<1x1x16xf32>,
        %swap3A_677 = vector.shape_cast %swap3A_676 : vector<1x1x16xf32> to vector<16xf32>
        %swap3A_678 = vector.shape_cast %add3A_672 : vector<16xf32> to vector<1x1x16xf32>
        tpu.vector_store %arg11[%swap3A_673, %swap3A_674, %swap3A_675], %swap3A_678 {strides = array<i32>} : memref<3x64x256xf32, #tpu.memory_space<vmem>>, vector<1x1x16xf32>,
        %get3A_679 = arith.index_cast %rem3A_260 : i32 to index
        %get3A_680 = arith.index_cast %add3A_636 : i32 to index
        %get3A_681 = arith.constant 48 : index
        %get3A_682 = tpu.vector_load %arg10[%get3A_679, %get3A_680, %get3A_681] {strides = array<i32>} : memref<3x64x256xf32, #tpu.memory_space<vmem>>, vector<1x1x16xf32>,
        %get3A_683 = vector.shape_cast %get3A_682 : vector<1x1x16xf32> to vector<16xf32>
        %mul3A_684 = arith.mulf %gather3A_632, %get3A_111 : vector<16xf32>
        %add3A_685 = arith.addf %get3A_683, %mul3A_684 : vector<16xf32>
        %add3A_686 = arith.addf %add3A_685, %get3A_159 : vector<16xf32>
        %swap3A_687 = arith.index_cast %rem3A_262 : i32 to index
        %swap3A_688 = arith.index_cast %add3A_636 : i32 to index
        %swap3A_689 = arith.constant 48 : index
        %swap3A_690 = tpu.vector_load %arg11[%swap3A_687, %swap3A_688, %swap3A_689] {strides = array<i32>} : memref<3x64x256xf32, #tpu.memory_space<vmem>>, vector<1x1x16xf32>,
        %swap3A_691 = vector.shape_cast %swap3A_690 : vector<1x1x16xf32> to vector<16xf32>
        %swap3A_692 = vector.shape_cast %add3A_686 : vector<16xf32> to vector<1x1x16xf32>
        tpu.vector_store %arg11[%swap3A_687, %swap3A_688, %swap3A_689], %swap3A_692 {strides = array<i32>} : memref<3x64x256xf32, #tpu.memory_space<vmem>>, vector<1x1x16xf32>,
        %get3A_693 = arith.index_cast %rem3A_260 : i32 to index
        %get3A_694 = arith.index_cast %add3A_636 : i32 to index
        %get3A_695 = arith.constant 64 : index
        %get3A_696 = tpu.vector_load %arg10[%get3A_693, %get3A_694, %get3A_695] {strides = array<i32>} : memref<3x64x256xf32, #tpu.memory_space<vmem>>, vector<1x1x16xf32>,
        %get3A_697 = vector.shape_cast %get3A_696 : vector<1x1x16xf32> to vector<16xf32>
        %mul3A_698 = arith.mulf %gather3A_632, %get3A_114 : vector<16xf32>
        %add3A_699 = arith.addf %get3A_697, %mul3A_698 : vector<16xf32>
        %add3A_700 = arith.addf %add3A_699, %get3A_162 : vector<16xf32>
        %swap3A_701 = arith.index_cast %rem3A_262 : i32 to index
        %swap3A_702 = arith.index_cast %add3A_636 : i32 to index
        %swap3A_703 = arith.constant 64 : index
        %swap3A_704 = tpu.vector_load %arg11[%swap3A_701, %swap3A_702, %swap3A_703] {strides = array<i32>} : memref<3x64x256xf32, #tpu.memory_space<vmem>>, vector<1x1x16xf32>,
        %swap3A_705 = vector.shape_cast %swap3A_704 : vector<1x1x16xf32> to vector<16xf32>
        %swap3A_706 = vector.shape_cast %add3A_700 : vector<16xf32> to vector<1x1x16xf32>
        tpu.vector_store %arg11[%swap3A_701, %swap3A_702, %swap3A_703], %swap3A_706 {strides = array<i32>} : memref<3x64x256xf32, #tpu.memory_space<vmem>>, vector<1x1x16xf32>,
        %get3A_707 = arith.index_cast %rem3A_260 : i32 to index
        %get3A_708 = arith.index_cast %add3A_636 : i32 to index
        %get3A_709 = arith.constant 80 : index
        %get3A_710 = tpu.vector_load %arg10[%get3A_707, %get3A_708, %get3A_709] {strides = array<i32>} : memref<3x64x256xf32, #tpu.memory_space<vmem>>, vector<1x1x16xf32>,
        %get3A_711 = vector.shape_cast %get3A_710 : vector<1x1x16xf32> to vector<16xf32>
        %mul3A_712 = arith.mulf %gather3A_632, %get3A_117 : vector<16xf32>
        %add3A_713 = arith.addf %get3A_711, %mul3A_712 : vector<16xf32>
        %add3A_714 = arith.addf %add3A_713, %get3A_165 : vector<16xf32>
        %swap3A_715 = arith.index_cast %rem3A_262 : i32 to index
        %swap3A_716 = arith.index_cast %add3A_636 : i32 to index
        %swap3A_717 = arith.constant 80 : index
        %swap3A_718 = tpu.vector_load %arg11[%swap3A_715, %swap3A_716, %swap3A_717] {strides = array<i32>} : memref<3x64x256xf32, #tpu.memory_space<vmem>>, vector<1x1x16xf32>,
        %swap3A_719 = vector.shape_cast %swap3A_718 : vector<1x1x16xf32> to vector<16xf32>
        %swap3A_720 = vector.shape_cast %add3A_714 : vector<16xf32> to vector<1x1x16xf32>
        tpu.vector_store %arg11[%swap3A_715, %swap3A_716, %swap3A_717], %swap3A_720 {strides = array<i32>} : memref<3x64x256xf32, #tpu.memory_space<vmem>>, vector<1x1x16xf32>,
        %get3A_721 = arith.index_cast %rem3A_260 : i32 to index
        %get3A_722 = arith.index_cast %add3A_636 : i32 to index
        %get3A_723 = arith.constant 96 : index
        %get3A_724 = tpu.vector_load %arg10[%get3A_721, %get3A_722, %get3A_723] {strides = array<i32>} : memref<3x64x256xf32, #tpu.memory_space<vmem>>, vector<1x1x16xf32>,
        %get3A_725 = vector.shape_cast %get3A_724 : vector<1x1x16xf32> to vector<16xf32>
        %mul3A_726 = arith.mulf %gather3A_632, %get3A_120 : vector<16xf32>
        %add3A_727 = arith.addf %get3A_725, %mul3A_726 : vector<16xf32>
        %add3A_728 = arith.addf %add3A_727, %get3A_168 : vector<16xf32>
        %swap3A_729 = arith.index_cast %rem3A_262 : i32 to index
        %swap3A_730 = arith.index_cast %add3A_636 : i32 to index
        %swap3A_731 = arith.constant 96 : index
        %swap3A_732 = tpu.vector_load %arg11[%swap3A_729, %swap3A_730, %swap3A_731] {strides = array<i32>} : memref<3x64x256xf32, #tpu.memory_space<vmem>>, vector<1x1x16xf32>,
        %swap3A_733 = vector.shape_cast %swap3A_732 : vector<1x1x16xf32> to vector<16xf32>
        %swap3A_734 = vector.shape_cast %add3A_728 : vector<16xf32> to vector<1x1x16xf32>
        tpu.vector_store %arg11[%swap3A_729, %swap3A_730, %swap3A_731], %swap3A_734 {strides = array<i32>} : memref<3x64x256xf32, #tpu.memory_space<vmem>>, vector<1x1x16xf32>,
        %get3A_735 = arith.index_cast %rem3A_260 : i32 to index
        %get3A_736 = arith.index_cast %add3A_636 : i32 to index
        %get3A_737 = arith.constant 112 : index
        %get3A_738 = tpu.vector_load %arg10[%get3A_735, %get3A_736, %get3A_737] {strides = array<i32>} : memref<3x64x256xf32, #tpu.memory_space<vmem>>, vector<1x1x16xf32>,
        %get3A_739 = vector.shape_cast %get3A_738 : vector<1x1x16xf32> to vector<16xf32>
        %mul3A_740 = arith.mulf %gather3A_632, %get3A_123 : vector<16xf32>
        %add3A_741 = arith.addf %get3A_739, %mul3A_740 : vector<16xf32>
        %add3A_742 = arith.addf %add3A_741, %get3A_171 : vector<16xf32>
        %swap3A_743 = arith.index_cast %rem3A_262 : i32 to index
        %swap3A_744 = arith.index_cast %add3A_636 : i32 to index
        %swap3A_745 = arith.constant 112 : index
        %swap3A_746 = tpu.vector_load %arg11[%swap3A_743, %swap3A_744, %swap3A_745] {strides = array<i32>} : memref<3x64x256xf32, #tpu.memory_space<vmem>>, vector<1x1x16xf32>,
        %swap3A_747 = vector.shape_cast %swap3A_746 : vector<1x1x16xf32> to vector<16xf32>
        %swap3A_748 = vector.shape_cast %add3A_742 : vector<16xf32> to vector<1x1x16xf32>
        tpu.vector_store %arg11[%swap3A_743, %swap3A_744, %swap3A_745], %swap3A_748 {strides = array<i32>} : memref<3x64x256xf32, #tpu.memory_space<vmem>>, vector<1x1x16xf32>,
        %get3A_749 = arith.index_cast %rem3A_260 : i32 to index
        %get3A_750 = arith.index_cast %add3A_636 : i32 to index
        %get3A_751 = arith.constant 128 : index
        %get3A_752 = tpu.vector_load %arg10[%get3A_749, %get3A_750, %get3A_751] {strides = array<i32>} : memref<3x64x256xf32, #tpu.memory_space<vmem>>, vector<1x1x16xf32>,
        %get3A_753 = vector.shape_cast %get3A_752 : vector<1x1x16xf32> to vector<16xf32>
        %mul3A_754 = arith.mulf %gather3A_632, %get3A_126 : vector<16xf32>
        %add3A_755 = arith.addf %get3A_753, %mul3A_754 : vector<16xf32>
        %add3A_756 = arith.addf %add3A_755, %get3A_174 : vector<16xf32>
        %swap3A_757 = arith.index_cast %rem3A_262 : i32 to index
        %swap3A_758 = arith.index_cast %add3A_636 : i32 to index
        %swap3A_759 = arith.constant 128 : index
        %swap3A_760 = tpu.vector_load %arg11[%swap3A_757, %swap3A_758, %swap3A_759] {strides = array<i32>} : memref<3x64x256xf32, #tpu.memory_space<vmem>>, vector<1x1x16xf32>,
        %swap3A_761 = vector.shape_cast %swap3A_760 : vector<1x1x16xf32> to vector<16xf32>
        %swap3A_762 = vector.shape_cast %add3A_756 : vector<16xf32> to vector<1x1x16xf32>
        tpu.vector_store %arg11[%swap3A_757, %swap3A_758, %swap3A_759], %swap3A_762 {strides = array<i32>} : memref<3x64x256xf32, #tpu.memory_space<vmem>>, vector<1x1x16xf32>,
        %get3A_763 = arith.index_cast %rem3A_260 : i32 to index
        %get3A_764 = arith.index_cast %add3A_636 : i32 to index
        %get3A_765 = arith.constant 144 : index
        %get3A_766 = tpu.vector_load %arg10[%get3A_763, %get3A_764, %get3A_765] {strides = array<i32>} : memref<3x64x256xf32, #tpu.memory_space<vmem>>, vector<1x1x16xf32>,
        %get3A_767 = vector.shape_cast %get3A_766 : vector<1x1x16xf32> to vector<16xf32>
        %mul3A_768 = arith.mulf %gather3A_632, %get3A_129 : vector<16xf32>
        %add3A_769 = arith.addf %get3A_767, %mul3A_768 : vector<16xf32>
        %add3A_770 = arith.addf %add3A_769, %get3A_177 : vector<16xf32>
        %swap3A_771 = arith.index_cast %rem3A_262 : i32 to index
        %swap3A_772 = arith.index_cast %add3A_636 : i32 to index
        %swap3A_773 = arith.constant 144 : index
        %swap3A_774 = tpu.vector_load %arg11[%swap3A_771, %swap3A_772, %swap3A_773] {strides = array<i32>} : memref<3x64x256xf32, #tpu.memory_space<vmem>>, vector<1x1x16xf32>,
        %swap3A_775 = vector.shape_cast %swap3A_774 : vector<1x1x16xf32> to vector<16xf32>
        %swap3A_776 = vector.shape_cast %add3A_770 : vector<16xf32> to vector<1x1x16xf32>
        tpu.vector_store %arg11[%swap3A_771, %swap3A_772, %swap3A_773], %swap3A_776 {strides = array<i32>} : memref<3x64x256xf32, #tpu.memory_space<vmem>>, vector<1x1x16xf32>,
        %get3A_777 = arith.index_cast %rem3A_260 : i32 to index
        %get3A_778 = arith.index_cast %add3A_636 : i32 to index
        %get3A_779 = arith.constant 160 : index
        %get3A_780 = tpu.vector_load %arg10[%get3A_777, %get3A_778, %get3A_779] {strides = array<i32>} : memref<3x64x256xf32, #tpu.memory_space<vmem>>, vector<1x1x16xf32>,
        %get3A_781 = vector.shape_cast %get3A_780 : vector<1x1x16xf32> to vector<16xf32>
        %mul3A_782 = arith.mulf %gather3A_632, %get3A_132 : vector<16xf32>
        %add3A_783 = arith.addf %get3A_781, %mul3A_782 : vector<16xf32>
        %add3A_784 = arith.addf %add3A_783, %get3A_180 : vector<16xf32>
        %swap3A_785 = arith.index_cast %rem3A_262 : i32 to index
        %swap3A_786 = arith.index_cast %add3A_636 : i32 to index
        %swap3A_787 = arith.constant 160 : index
        %swap3A_788 = tpu.vector_load %arg11[%swap3A_785, %swap3A_786, %swap3A_787] {strides = array<i32>} : memref<3x64x256xf32, #tpu.memory_space<vmem>>, vector<1x1x16xf32>,
        %swap3A_789 = vector.shape_cast %swap3A_788 : vector<1x1x16xf32> to vector<16xf32>
        %swap3A_790 = vector.shape_cast %add3A_784 : vector<16xf32> to vector<1x1x16xf32>
        tpu.vector_store %arg11[%swap3A_785, %swap3A_786, %swap3A_787], %swap3A_790 {strides = array<i32>} : memref<3x64x256xf32, #tpu.memory_space<vmem>>, vector<1x1x16xf32>,
        %get3A_791 = arith.index_cast %rem3A_260 : i32 to index
        %get3A_792 = arith.index_cast %add3A_636 : i32 to index
        %get3A_793 = arith.constant 176 : index
        %get3A_794 = tpu.vector_load %arg10[%get3A_791, %get3A_792, %get3A_793] {strides = array<i32>} : memref<3x64x256xf32, #tpu.memory_space<vmem>>, vector<1x1x16xf32>,
        %get3A_795 = vector.shape_cast %get3A_794 : vector<1x1x16xf32> to vector<16xf32>
        %mul3A_796 = arith.mulf %gather3A_632, %get3A_135 : vector<16xf32>
        %add3A_797 = arith.addf %get3A_795, %mul3A_796 : vector<16xf32>
        %add3A_798 = arith.addf %add3A_797, %get3A_183 : vector<16xf32>
        %swap3A_799 = arith.index_cast %rem3A_262 : i32 to index
        %swap3A_800 = arith.index_cast %add3A_636 : i32 to index
        %swap3A_801 = arith.constant 176 : index
        %swap3A_802 = tpu.vector_load %arg11[%swap3A_799, %swap3A_800, %swap3A_801] {strides = array<i32>} : memref<3x64x256xf32, #tpu.memory_space<vmem>>, vector<1x1x16xf32>,
        %swap3A_803 = vector.shape_cast %swap3A_802 : vector<1x1x16xf32> to vector<16xf32>
        %swap3A_804 = vector.shape_cast %add3A_798 : vector<16xf32> to vector<1x1x16xf32>
        tpu.vector_store %arg11[%swap3A_799, %swap3A_800, %swap3A_801], %swap3A_804 {strides = array<i32>} : memref<3x64x256xf32, #tpu.memory_space<vmem>>, vector<1x1x16xf32>,
        %get3A_805 = arith.index_cast %rem3A_260 : i32 to index
        %get3A_806 = arith.index_cast %add3A_636 : i32 to index
        %get3A_807 = arith.constant 192 : index
        %get3A_808 = tpu.vector_load %arg10[%get3A_805, %get3A_806, %get3A_807] {strides = array<i32>} : memref<3x64x256xf32, #tpu.memory_space<vmem>>, vector<1x1x16xf32>,
        %get3A_809 = vector.shape_cast %get3A_808 : vector<1x1x16xf32> to vector<16xf32>
        %mul3A_810 = arith.mulf %gather3A_632, %get3A_138 : vector<16xf32>
        %add3A_811 = arith.addf %get3A_809, %mul3A_810 : vector<16xf32>
        %add3A_812 = arith.addf %add3A_811, %get3A_186 : vector<16xf32>
        %swap3A_813 = arith.index_cast %rem3A_262 : i32 to index
        %swap3A_814 = arith.index_cast %add3A_636 : i32 to index
        %swap3A_815 = arith.constant 192 : index
        %swap3A_816 = tpu.vector_load %arg11[%swap3A_813, %swap3A_814, %swap3A_815] {strides = array<i32>} : memref<3x64x256xf32, #tpu.memory_space<vmem>>, vector<1x1x16xf32>,
        %swap3A_817 = vector.shape_cast %swap3A_816 : vector<1x1x16xf32> to vector<16xf32>
        %swap3A_818 = vector.shape_cast %add3A_812 : vector<16xf32> to vector<1x1x16xf32>
        tpu.vector_store %arg11[%swap3A_813, %swap3A_814, %swap3A_815], %swap3A_818 {strides = array<i32>} : memref<3x64x256xf32, #tpu.memory_space<vmem>>, vector<1x1x16xf32>,
        %get3A_819 = arith.index_cast %rem3A_260 : i32 to index
        %get3A_820 = arith.index_cast %add3A_636 : i32 to index
        %get3A_821 = arith.constant 208 : index
        %get3A_822 = tpu.vector_load %arg10[%get3A_819, %get3A_820, %get3A_821] {strides = array<i32>} : memref<3x64x256xf32, #tpu.memory_space<vmem>>, vector<1x1x16xf32>,
        %get3A_823 = vector.shape_cast %get3A_822 : vector<1x1x16xf32> to vector<16xf32>
        %mul3A_824 = arith.mulf %gather3A_632, %get3A_141 : vector<16xf32>
        %add3A_825 = arith.addf %get3A_823, %mul3A_824 : vector<16xf32>
        %add3A_826 = arith.addf %add3A_825, %get3A_189 : vector<16xf32>
        %swap3A_827 = arith.index_cast %rem3A_262 : i32 to index
        %swap3A_828 = arith.index_cast %add3A_636 : i32 to index
        %swap3A_829 = arith.constant 208 : index
        %swap3A_830 = tpu.vector_load %arg11[%swap3A_827, %swap3A_828, %swap3A_829] {strides = array<i32>} : memref<3x64x256xf32, #tpu.memory_space<vmem>>, vector<1x1x16xf32>,
        %swap3A_831 = vector.shape_cast %swap3A_830 : vector<1x1x16xf32> to vector<16xf32>
        %swap3A_832 = vector.shape_cast %add3A_826 : vector<16xf32> to vector<1x1x16xf32>
        tpu.vector_store %arg11[%swap3A_827, %swap3A_828, %swap3A_829], %swap3A_832 {strides = array<i32>} : memref<3x64x256xf32, #tpu.memory_space<vmem>>, vector<1x1x16xf32>,
        %get3A_833 = arith.index_cast %rem3A_260 : i32 to index
        %get3A_834 = arith.index_cast %add3A_636 : i32 to index
        %get3A_835 = arith.constant 224 : index
        %get3A_836 = tpu.vector_load %arg10[%get3A_833, %get3A_834, %get3A_835] {strides = array<i32>} : memref<3x64x256xf32, #tpu.memory_space<vmem>>, vector<1x1x16xf32>,
        %get3A_837 = vector.shape_cast %get3A_836 : vector<1x1x16xf32> to vector<16xf32>
        %mul3A_838 = arith.mulf %gather3A_632, %get3A_144 : vector<16xf32>
        %add3A_839 = arith.addf %get3A_837, %mul3A_838 : vector<16xf32>
        %add3A_840 = arith.addf %add3A_839, %get3A_192 : vector<16xf32>
        %swap3A_841 = arith.index_cast %rem3A_262 : i32 to index
        %swap3A_842 = arith.index_cast %add3A_636 : i32 to index
        %swap3A_843 = arith.constant 224 : index
        %swap3A_844 = tpu.vector_load %arg11[%swap3A_841, %swap3A_842, %swap3A_843] {strides = array<i32>} : memref<3x64x256xf32, #tpu.memory_space<vmem>>, vector<1x1x16xf32>,
        %swap3A_845 = vector.shape_cast %swap3A_844 : vector<1x1x16xf32> to vector<16xf32>
        %swap3A_846 = vector.shape_cast %add3A_840 : vector<16xf32> to vector<1x1x16xf32>
        tpu.vector_store %arg11[%swap3A_841, %swap3A_842, %swap3A_843], %swap3A_846 {strides = array<i32>} : memref<3x64x256xf32, #tpu.memory_space<vmem>>, vector<1x1x16xf32>,
        %get3A_847 = arith.index_cast %rem3A_260 : i32 to index
        %get3A_848 = arith.index_cast %add3A_636 : i32 to index
        %get3A_849 = arith.constant 240 : index
        %get3A_850 = tpu.vector_load %arg10[%get3A_847, %get3A_848, %get3A_849] {strides = array<i32>} : memref<3x64x256xf32, #tpu.memory_space<vmem>>, vector<1x1x16xf32>,
        %get3A_851 = vector.shape_cast %get3A_850 : vector<1x1x16xf32> to vector<16xf32>
        %mul3A_852 = arith.mulf %gather3A_632, %get3A_147 : vector<16xf32>
        %add3A_853 = arith.addf %get3A_851, %mul3A_852 : vector<16xf32>
        %add3A_854 = arith.addf %add3A_853, %get3A_195 : vector<16xf32>
        %swap3A_855 = arith.index_cast %rem3A_262 : i32 to index
        %swap3A_856 = arith.index_cast %add3A_636 : i32 to index
        %swap3A_857 = arith.constant 240 : index
        %swap3A_858 = tpu.vector_load %arg11[%swap3A_855, %swap3A_856, %swap3A_857] {strides = array<i32>} : memref<3x64x256xf32, #tpu.memory_space<vmem>>, vector<1x1x16xf32>,
        %swap3A_859 = vector.shape_cast %swap3A_858 : vector<1x1x16xf32> to vector<16xf32>
        %swap3A_860 = vector.shape_cast %add3A_854 : vector<16xf32> to vector<1x1x16xf32>
        tpu.vector_store %arg11[%swap3A_855, %swap3A_856, %swap3A_857], %swap3A_860 {strides = array<i32>} : memref<3x64x256xf32, #tpu.memory_space<vmem>>, vector<1x1x16xf32>,
        %broadcast_in_dim3A_861 = arith.constant 2 : i32
        %broadcast_in_dim3A_862 = vector.broadcast %broadcast_in_dim3A_861 : i32 to vector<16x1xi32>
        %gather3A_863 = vector.shape_cast %broadcast_in_dim3A_862 : vector<16x1xi32> to vector<16xi32>
        %gather3A_864 = tpu.dynamic_gather %get3A_399[%gather3A_863] in [0] : vector<16xf32>, vector<16xi32> -> vector<16xf32>
        %mul3A_865 = arith.constant 16 : i32
        %mul3A_866 = arith.muli %scan3A_350, %mul3A_865 : i32
        %add3A_867 = arith.constant 2 : i32
        %add3A_868 = arith.addi %mul3A_866, %add3A_867 : i32
        %get3A_869 = arith.index_cast %rem3A_260 : i32 to index
        %get3A_870 = arith.index_cast %add3A_868 : i32 to index
        %get3A_871 = arith.constant 0 : index
        %get3A_872 = tpu.vector_load %arg10[%get3A_869, %get3A_870, %get3A_871] {strides = array<i32>} : memref<3x64x256xf32, #tpu.memory_space<vmem>>, vector<1x1x16xf32>,
        %get3A_873 = vector.shape_cast %get3A_872 : vector<1x1x16xf32> to vector<16xf32>
        %mul3A_874 = arith.mulf %gather3A_864, %get3A_102 : vector<16xf32>
        %add3A_875 = arith.addf %get3A_873, %mul3A_874 : vector<16xf32>
        %add3A_876 = arith.addf %add3A_875, %get3A_150 : vector<16xf32>
        %swap3A_877 = arith.index_cast %rem3A_262 : i32 to index
        %swap3A_878 = arith.index_cast %add3A_868 : i32 to index
        %swap3A_879 = arith.constant 0 : index
        %swap3A_880 = tpu.vector_load %arg11[%swap3A_877, %swap3A_878, %swap3A_879] {strides = array<i32>} : memref<3x64x256xf32, #tpu.memory_space<vmem>>, vector<1x1x16xf32>,
        %swap3A_881 = vector.shape_cast %swap3A_880 : vector<1x1x16xf32> to vector<16xf32>
        %swap3A_882 = vector.shape_cast %add3A_876 : vector<16xf32> to vector<1x1x16xf32>
        tpu.vector_store %arg11[%swap3A_877, %swap3A_878, %swap3A_879], %swap3A_882 {strides = array<i32>} : memref<3x64x256xf32, #tpu.memory_space<vmem>>, vector<1x1x16xf32>,
        %get3A_883 = arith.index_cast %rem3A_260 : i32 to index
        %get3A_884 = arith.index_cast %add3A_868 : i32 to index
        %get3A_885 = arith.constant 16 : index
        %get3A_886 = tpu.vector_load %arg10[%get3A_883, %get3A_884, %get3A_885] {strides = array<i32>} : memref<3x64x256xf32, #tpu.memory_space<vmem>>, vector<1x1x16xf32>,
        %get3A_887 = vector.shape_cast %get3A_886 : vector<1x1x16xf32> to vector<16xf32>
        %mul3A_888 = arith.mulf %gather3A_864, %get3A_105 : vector<16xf32>
        %add3A_889 = arith.addf %get3A_887, %mul3A_888 : vector<16xf32>
        %add3A_890 = arith.addf %add3A_889, %get3A_153 : vector<16xf32>
        %swap3A_891 = arith.index_cast %rem3A_262 : i32 to index
        %swap3A_892 = arith.index_cast %add3A_868 : i32 to index
        %swap3A_893 = arith.constant 16 : index
        %swap3A_894 = tpu.vector_load %arg11[%swap3A_891, %swap3A_892, %swap3A_893] {strides = array<i32>} : memref<3x64x256xf32, #tpu.memory_space<vmem>>, vector<1x1x16xf32>,
        %swap3A_895 = vector.shape_cast %swap3A_894 : vector<1x1x16xf32> to vector<16xf32>
        %swap3A_896 = vector.shape_cast %add3A_890 : vector<16xf32> to vector<1x1x16xf32>
        tpu.vector_store %arg11[%swap3A_891, %swap3A_892, %swap3A_893], %swap3A_896 {strides = array<i32>} : memref<3x64x256xf32, #tpu.memory_space<vmem>>, vector<1x1x16xf32>,
        %get3A_897 = arith.index_cast %rem3A_260 : i32 to index
        %get3A_898 = arith.index_cast %add3A_868 : i32 to index
        %get3A_899 = arith.constant 32 : index
        %get3A_900 = tpu.vector_load %arg10[%get3A_897, %get3A_898, %get3A_899] {strides = array<i32>} : memref<3x64x256xf32, #tpu.memory_space<vmem>>, vector<1x1x16xf32>,
        %get3A_901 = vector.shape_cast %get3A_900 : vector<1x1x16xf32> to vector<16xf32>
        %mul3A_902 = arith.mulf %gather3A_864, %get3A_108 : vector<16xf32>
        %add3A_903 = arith.addf %get3A_901, %mul3A_902 : vector<16xf32>
        %add3A_904 = arith.addf %add3A_903, %get3A_156 : vector<16xf32>
        %swap3A_905 = arith.index_cast %rem3A_262 : i32 to index
        %swap3A_906 = arith.index_cast %add3A_868 : i32 to index
        %swap3A_907 = arith.constant 32 : index
        %swap3A_908 = tpu.vector_load %arg11[%swap3A_905, %swap3A_906, %swap3A_907] {strides = array<i32>} : memref<3x64x256xf32, #tpu.memory_space<vmem>>, vector<1x1x16xf32>,
        %swap3A_909 = vector.shape_cast %swap3A_908 : vector<1x1x16xf32> to vector<16xf32>
        %swap3A_910 = vector.shape_cast %add3A_904 : vector<16xf32> to vector<1x1x16xf32>
        tpu.vector_store %arg11[%swap3A_905, %swap3A_906, %swap3A_907], %swap3A_910 {strides = array<i32>} : memref<3x64x256xf32, #tpu.memory_space<vmem>>, vector<1x1x16xf32>,
        %get3A_911 = arith.index_cast %rem3A_260 : i32 to index
        %get3A_912 = arith.index_cast %add3A_868 : i32 to index
        %get3A_913 = arith.constant 48 : index
        %get3A_914 = tpu.vector_load %arg10[%get3A_911, %get3A_912, %get3A_913] {strides = array<i32>} : memref<3x64x256xf32, #tpu.memory_space<vmem>>, vector<1x1x16xf32>,
        %get3A_915 = vector.shape_cast %get3A_914 : vector<1x1x16xf32> to vector<16xf32>
        %mul3A_916 = arith.mulf %gather3A_864, %get3A_111 : vector<16xf32>
        %add3A_917 = arith.addf %get3A_915, %mul3A_916 : vector<16xf32>
        %add3A_918 = arith.addf %add3A_917, %get3A_159 : vector<16xf32>
        %swap3A_919 = arith.index_cast %rem3A_262 : i32 to index
        %swap3A_920 = arith.index_cast %add3A_868 : i32 to index
        %swap3A_921 = arith.constant 48 : index
        %swap3A_922 = tpu.vector_load %arg11[%swap3A_919, %swap3A_920, %swap3A_921] {strides = array<i32>} : memref<3x64x256xf32, #tpu.memory_space<vmem>>, vector<1x1x16xf32>,
        %swap3A_923 = vector.shape_cast %swap3A_922 : vector<1x1x16xf32> to vector<16xf32>
        %swap3A_924 = vector.shape_cast %add3A_918 : vector<16xf32> to vector<1x1x16xf32>
        tpu.vector_store %arg11[%swap3A_919, %swap3A_920, %swap3A_921], %swap3A_924 {strides = array<i32>} : memref<3x64x256xf32, #tpu.memory_space<vmem>>, vector<1x1x16xf32>,
        %get3A_925 = arith.index_cast %rem3A_260 : i32 to index
        %get3A_926 = arith.index_cast %add3A_868 : i32 to index
        %get3A_927 = arith.constant 64 : index
        %get3A_928 = tpu.vector_load %arg10[%get3A_925, %get3A_926, %get3A_927] {strides = array<i32>} : memref<3x64x256xf32, #tpu.memory_space<vmem>>, vector<1x1x16xf32>,
        %get3A_929 = vector.shape_cast %get3A_928 : vector<1x1x16xf32> to vector<16xf32>
        %mul3A_930 = arith.mulf %gather3A_864, %get3A_114 : vector<16xf32>
        %add3A_931 = arith.addf %get3A_929, %mul3A_930 : vector<16xf32>
        %add3A_932 = arith.addf %add3A_931, %get3A_162 : vector<16xf32>
        %swap3A_933 = arith.index_cast %rem3A_262 : i32 to index
        %swap3A_934 = arith.index_cast %add3A_868 : i32 to index
        %swap3A_935 = arith.constant 64 : index
        %swap3A_936 = tpu.vector_load %arg11[%swap3A_933, %swap3A_934, %swap3A_935] {strides = array<i32>} : memref<3x64x256xf32, #tpu.memory_space<vmem>>, vector<1x1x16xf32>,
        %swap3A_937 = vector.shape_cast %swap3A_936 : vector<1x1x16xf32> to vector<16xf32>
        %swap3A_938 = vector.shape_cast %add3A_932 : vector<16xf32> to vector<1x1x16xf32>
        tpu.vector_store %arg11[%swap3A_933, %swap3A_934, %swap3A_935], %swap3A_938 {strides = array<i32>} : memref<3x64x256xf32, #tpu.memory_space<vmem>>, vector<1x1x16xf32>,
        %get3A_939 = arith.index_cast %rem3A_260 : i32 to index
        %get3A_940 = arith.index_cast %add3A_868 : i32 to index
        %get3A_941 = arith.constant 80 : index
        %get3A_942 = tpu.vector_load %arg10[%get3A_939, %get3A_940, %get3A_941] {strides = array<i32>} : memref<3x64x256xf32, #tpu.memory_space<vmem>>, vector<1x1x16xf32>,
        %get3A_943 = vector.shape_cast %get3A_942 : vector<1x1x16xf32> to vector<16xf32>
        %mul3A_944 = arith.mulf %gather3A_864, %get3A_117 : vector<16xf32>
        %add3A_945 = arith.addf %get3A_943, %mul3A_944 : vector<16xf32>
        %add3A_946 = arith.addf %add3A_945, %get3A_165 : vector<16xf32>
        %swap3A_947 = arith.index_cast %rem3A_262 : i32 to index
        %swap3A_948 = arith.index_cast %add3A_868 : i32 to index
        %swap3A_949 = arith.constant 80 : index
        %swap3A_950 = tpu.vector_load %arg11[%swap3A_947, %swap3A_948, %swap3A_949] {strides = array<i32>} : memref<3x64x256xf32, #tpu.memory_space<vmem>>, vector<1x1x16xf32>,
        %swap3A_951 = vector.shape_cast %swap3A_950 : vector<1x1x16xf32> to vector<16xf32>
        %swap3A_952 = vector.shape_cast %add3A_946 : vector<16xf32> to vector<1x1x16xf32>
        tpu.vector_store %arg11[%swap3A_947, %swap3A_948, %swap3A_949], %swap3A_952 {strides = array<i32>} : memref<3x64x256xf32, #tpu.memory_space<vmem>>, vector<1x1x16xf32>,
        %get3A_953 = arith.index_cast %rem3A_260 : i32 to index
        %get3A_954 = arith.index_cast %add3A_868 : i32 to index
        %get3A_955 = arith.constant 96 : index
        %get3A_956 = tpu.vector_load %arg10[%get3A_953, %get3A_954, %get3A_955] {strides = array<i32>} : memref<3x64x256xf32, #tpu.memory_space<vmem>>, vector<1x1x16xf32>,
        %get3A_957 = vector.shape_cast %get3A_956 : vector<1x1x16xf32> to vector<16xf32>
        %mul3A_958 = arith.mulf %gather3A_864, %get3A_120 : vector<16xf32>
        %add3A_959 = arith.addf %get3A_957, %mul3A_958 : vector<16xf32>
        %add3A_960 = arith.addf %add3A_959, %get3A_168 : vector<16xf32>
        %swap3A_961 = arith.index_cast %rem3A_262 : i32 to index
        %swap3A_962 = arith.index_cast %add3A_868 : i32 to index
        %swap3A_963 = arith.constant 96 : index
        %swap3A_964 = tpu.vector_load %arg11[%swap3A_961, %swap3A_962, %swap3A_963] {strides = array<i32>} : memref<3x64x256xf32, #tpu.memory_space<vmem>>, vector<1x1x16xf32>,
        %swap3A_965 = vector.shape_cast %swap3A_964 : vector<1x1x16xf32> to vector<16xf32>
        %swap3A_966 = vector.shape_cast %add3A_960 : vector<16xf32> to vector<1x1x16xf32>
        tpu.vector_store %arg11[%swap3A_961, %swap3A_962, %swap3A_963], %swap3A_966 {strides = array<i32>} : memref<3x64x256xf32, #tpu.memory_space<vmem>>, vector<1x1x16xf32>,
        %get3A_967 = arith.index_cast %rem3A_260 : i32 to index
        %get3A_968 = arith.index_cast %add3A_868 : i32 to index
        %get3A_969 = arith.constant 112 : index
        %get3A_970 = tpu.vector_load %arg10[%get3A_967, %get3A_968, %get3A_969] {strides = array<i32>} : memref<3x64x256xf32, #tpu.memory_space<vmem>>, vector<1x1x16xf32>,
        %get3A_971 = vector.shape_cast %get3A_970 : vector<1x1x16xf32> to vector<16xf32>
        %mul3A_972 = arith.mulf %gather3A_864, %get3A_123 : vector<16xf32>
        %add3A_973 = arith.addf %get3A_971, %mul3A_972 : vector<16xf32>
        %add3A_974 = arith.addf %add3A_973, %get3A_171 : vector<16xf32>
        %swap3A_975 = arith.index_cast %rem3A_262 : i32 to index
        %swap3A_976 = arith.index_cast %add3A_868 : i32 to index
        %swap3A_977 = arith.constant 112 : index
        %swap3A_978 = tpu.vector_load %arg11[%swap3A_975, %swap3A_976, %swap3A_977] {strides = array<i32>} : memref<3x64x256xf32, #tpu.memory_space<vmem>>, vector<1x1x16xf32>,
        %swap3A_979 = vector.shape_cast %swap3A_978 : vector<1x1x16xf32> to vector<16xf32>
        %swap3A_980 = vector.shape_cast %add3A_974 : vector<16xf32> to vector<1x1x16xf32>
        tpu.vector_store %arg11[%swap3A_975, %swap3A_976, %swap3A_977], %swap3A_980 {strides = array<i32>} : memref<3x64x256xf32, #tpu.memory_space<vmem>>, vector<1x1x16xf32>,
        %get3A_981 = arith.index_cast %rem3A_260 : i32 to index
        %get3A_982 = arith.index_cast %add3A_868 : i32 to index
        %get3A_983 = arith.constant 128 : index
        %get3A_984 = tpu.vector_load %arg10[%get3A_981, %get3A_982, %get3A_983] {strides = array<i32>} : memref<3x64x256xf32, #tpu.memory_space<vmem>>, vector<1x1x16xf32>,
        %get3A_985 = vector.shape_cast %get3A_984 : vector<1x1x16xf32> to vector<16xf32>
        %mul3A_986 = arith.mulf %gather3A_864, %get3A_126 : vector<16xf32>
        %add3A_987 = arith.addf %get3A_985, %mul3A_986 : vector<16xf32>
        %add3A_988 = arith.addf %add3A_987, %get3A_174 : vector<16xf32>
        %swap3A_989 = arith.index_cast %rem3A_262 : i32 to index
        %swap3A_990 = arith.index_cast %add3A_868 : i32 to index
        %swap3A_991 = arith.constant 128 : index
        %swap3A_992 = tpu.vector_load %arg11[%swap3A_989, %swap3A_990, %swap3A_991] {strides = array<i32>} : memref<3x64x256xf32, #tpu.memory_space<vmem>>, vector<1x1x16xf32>,
        %swap3A_993 = vector.shape_cast %swap3A_992 : vector<1x1x16xf32> to vector<16xf32>
        %swap3A_994 = vector.shape_cast %add3A_988 : vector<16xf32> to vector<1x1x16xf32>
        tpu.vector_store %arg11[%swap3A_989, %swap3A_990, %swap3A_991], %swap3A_994 {strides = array<i32>} : memref<3x64x256xf32, #tpu.memory_space<vmem>>, vector<1x1x16xf32>,
        %get3A_995 = arith.index_cast %rem3A_260 : i32 to index
        %get3A_996 = arith.index_cast %add3A_868 : i32 to index
        %get3A_997 = arith.constant 144 : index
        %get3A_998 = tpu.vector_load %arg10[%get3A_995, %get3A_996, %get3A_997] {strides = array<i32>} : memref<3x64x256xf32, #tpu.memory_space<vmem>>, vector<1x1x16xf32>,
        %get3A_999 = vector.shape_cast %get3A_998 : vector<1x1x16xf32> to vector<16xf32>
        %mul3A_1000 = arith.mulf %gather3A_864, %get3A_129 : vector<16xf32>
        %add3A_1001 = arith.addf %get3A_999, %mul3A_1000 : vector<16xf32>
        %add3A_1002 = arith.addf %add3A_1001, %get3A_177 : vector<16xf32>
        %swap3A_1003 = arith.index_cast %rem3A_262 : i32 to index
        %swap3A_1004 = arith.index_cast %add3A_868 : i32 to index
        %swap3A_1005 = arith.constant 144 : index
        %swap3A_1006 = tpu.vector_load %arg11[%swap3A_1003, %swap3A_1004, %swap3A_1005] {strides = array<i32>} : memref<3x64x256xf32, #tpu.memory_space<vmem>>, vector<1x1x16xf32>,
        %swap3A_1007 = vector.shape_cast %swap3A_1006 : vector<1x1x16xf32> to vector<16xf32>
        %swap3A_1008 = vector.shape_cast %add3A_1002 : vector<16xf32> to vector<1x1x16xf32>
        tpu.vector_store %arg11[%swap3A_1003, %swap3A_1004, %swap3A_1005], %swap3A_1008 {strides = array<i32>} : memref<3x64x256xf32, #tpu.memory_space<vmem>>, vector<1x1x16xf32>,
        %get3A_1009 = arith.index_cast %rem3A_260 : i32 to index
        %get3A_1010 = arith.index_cast %add3A_868 : i32 to index
        %get3A_1011 = arith.constant 160 : index
        %get3A_1012 = tpu.vector_load %arg10[%get3A_1009, %get3A_1010, %get3A_1011] {strides = array<i32>} : memref<3x64x256xf32, #tpu.memory_space<vmem>>, vector<1x1x16xf32>,
        %get3A_1013 = vector.shape_cast %get3A_1012 : vector<1x1x16xf32> to vector<16xf32>
        %mul3A_1014 = arith.mulf %gather3A_864, %get3A_132 : vector<16xf32>
        %add3A_1015 = arith.addf %get3A_1013, %mul3A_1014 : vector<16xf32>
        %add3A_1016 = arith.addf %add3A_1015, %get3A_180 : vector<16xf32>
        %swap3A_1017 = arith.index_cast %rem3A_262 : i32 to index
        %swap3A_1018 = arith.index_cast %add3A_868 : i32 to index
        %swap3A_1019 = arith.constant 160 : index
        %swap3A_1020 = tpu.vector_load %arg11[%swap3A_1017, %swap3A_1018, %swap3A_1019] {strides = array<i32>} : memref<3x64x256xf32, #tpu.memory_space<vmem>>, vector<1x1x16xf32>,
        %swap3A_1021 = vector.shape_cast %swap3A_1020 : vector<1x1x16xf32> to vector<16xf32>
        %swap3A_1022 = vector.shape_cast %add3A_1016 : vector<16xf32> to vector<1x1x16xf32>
        tpu.vector_store %arg11[%swap3A_1017, %swap3A_1018, %swap3A_1019], %swap3A_1022 {strides = array<i32>} : memref<3x64x256xf32, #tpu.memory_space<vmem>>, vector<1x1x16xf32>,
        %get3A_1023 = arith.index_cast %rem3A_260 : i32 to index
        %get3A_1024 = arith.index_cast %add3A_868 : i32 to index
        %get3A_1025 = arith.constant 176 : index
        %get3A_1026 = tpu.vector_load %arg10[%get3A_1023, %get3A_1024, %get3A_1025] {strides = array<i32>} : memref<3x64x256xf32, #tpu.memory_space<vmem>>, vector<1x1x16xf32>,
        %get3A_1027 = vector.shape_cast %get3A_1026 : vector<1x1x16xf32> to vector<16xf32>
        %mul3A_1028 = arith.mulf %gather3A_864, %get3A_135 : vector<16xf32>
        %add3A_1029 = arith.addf %get3A_1027, %mul3A_1028 : vector<16xf32>
        %add3A_1030 = arith.addf %add3A_1029, %get3A_183 : vector<16xf32>
        %swap3A_1031 = arith.index_cast %rem3A_262 : i32 to index
        %swap3A_1032 = arith.index_cast %add3A_868 : i32 to index
        %swap3A_1033 = arith.constant 176 : index
        %swap3A_1034 = tpu.vector_load %arg11[%swap3A_1031, %swap3A_1032, %swap3A_1033] {strides = array<i32>} : memref<3x64x256xf32, #tpu.memory_space<vmem>>, vector<1x1x16xf32>,
        %swap3A_1035 = vector.shape_cast %swap3A_1034 : vector<1x1x16xf32> to vector<16xf32>
        %swap3A_1036 = vector.shape_cast %add3A_1030 : vector<16xf32> to vector<1x1x16xf32>
        tpu.vector_store %arg11[%swap3A_1031, %swap3A_1032, %swap3A_1033], %swap3A_1036 {strides = array<i32>} : memref<3x64x256xf32, #tpu.memory_space<vmem>>, vector<1x1x16xf32>,
        %get3A_1037 = arith.index_cast %rem3A_260 : i32 to index
        %get3A_1038 = arith.index_cast %add3A_868 : i32 to index
        %get3A_1039 = arith.constant 192 : index
        %get3A_1040 = tpu.vector_load %arg10[%get3A_1037, %get3A_1038, %get3A_1039] {strides = array<i32>} : memref<3x64x256xf32, #tpu.memory_space<vmem>>, vector<1x1x16xf32>,
        %get3A_1041 = vector.shape_cast %get3A_1040 : vector<1x1x16xf32> to vector<16xf32>
        %mul3A_1042 = arith.mulf %gather3A_864, %get3A_138 : vector<16xf32>
        %add3A_1043 = arith.addf %get3A_1041, %mul3A_1042 : vector<16xf32>
        %add3A_1044 = arith.addf %add3A_1043, %get3A_186 : vector<16xf32>
        %swap3A_1045 = arith.index_cast %rem3A_262 : i32 to index
        %swap3A_1046 = arith.index_cast %add3A_868 : i32 to index
        %swap3A_1047 = arith.constant 192 : index
        %swap3A_1048 = tpu.vector_load %arg11[%swap3A_1045, %swap3A_1046, %swap3A_1047] {strides = array<i32>} : memref<3x64x256xf32, #tpu.memory_space<vmem>>, vector<1x1x16xf32>,
        %swap3A_1049 = vector.shape_cast %swap3A_1048 : vector<1x1x16xf32> to vector<16xf32>
        %swap3A_1050 = vector.shape_cast %add3A_1044 : vector<16xf32> to vector<1x1x16xf32>
        tpu.vector_store %arg11[%swap3A_1045, %swap3A_1046, %swap3A_1047], %swap3A_1050 {strides = array<i32>} : memref<3x64x256xf32, #tpu.memory_space<vmem>>, vector<1x1x16xf32>,
        %get3A_1051 = arith.index_cast %rem3A_260 : i32 to index
        %get3A_1052 = arith.index_cast %add3A_868 : i32 to index
        %get3A_1053 = arith.constant 208 : index
        %get3A_1054 = tpu.vector_load %arg10[%get3A_1051, %get3A_1052, %get3A_1053] {strides = array<i32>} : memref<3x64x256xf32, #tpu.memory_space<vmem>>, vector<1x1x16xf32>,
        %get3A_1055 = vector.shape_cast %get3A_1054 : vector<1x1x16xf32> to vector<16xf32>
        %mul3A_1056 = arith.mulf %gather3A_864, %get3A_141 : vector<16xf32>
        %add3A_1057 = arith.addf %get3A_1055, %mul3A_1056 : vector<16xf32>
        %add3A_1058 = arith.addf %add3A_1057, %get3A_189 : vector<16xf32>
        %swap3A_1059 = arith.index_cast %rem3A_262 : i32 to index
        %swap3A_1060 = arith.index_cast %add3A_868 : i32 to index
        %swap3A_1061 = arith.constant 208 : index
        %swap3A_1062 = tpu.vector_load %arg11[%swap3A_1059, %swap3A_1060, %swap3A_1061] {strides = array<i32>} : memref<3x64x256xf32, #tpu.memory_space<vmem>>, vector<1x1x16xf32>,
        %swap3A_1063 = vector.shape_cast %swap3A_1062 : vector<1x1x16xf32> to vector<16xf32>
        %swap3A_1064 = vector.shape_cast %add3A_1058 : vector<16xf32> to vector<1x1x16xf32>
        tpu.vector_store %arg11[%swap3A_1059, %swap3A_1060, %swap3A_1061], %swap3A_1064 {strides = array<i32>} : memref<3x64x256xf32, #tpu.memory_space<vmem>>, vector<1x1x16xf32>,
        %get3A_1065 = arith.index_cast %rem3A_260 : i32 to index
        %get3A_1066 = arith.index_cast %add3A_868 : i32 to index
        %get3A_1067 = arith.constant 224 : index
        %get3A_1068 = tpu.vector_load %arg10[%get3A_1065, %get3A_1066, %get3A_1067] {strides = array<i32>} : memref<3x64x256xf32, #tpu.memory_space<vmem>>, vector<1x1x16xf32>,
        %get3A_1069 = vector.shape_cast %get3A_1068 : vector<1x1x16xf32> to vector<16xf32>
        %mul3A_1070 = arith.mulf %gather3A_864, %get3A_144 : vector<16xf32>
        %add3A_1071 = arith.addf %get3A_1069, %mul3A_1070 : vector<16xf32>
        %add3A_1072 = arith.addf %add3A_1071, %get3A_192 : vector<16xf32>
        %swap3A_1073 = arith.index_cast %rem3A_262 : i32 to index
        %swap3A_1074 = arith.index_cast %add3A_868 : i32 to index
        %swap3A_1075 = arith.constant 224 : index
        %swap3A_1076 = tpu.vector_load %arg11[%swap3A_1073, %swap3A_1074, %swap3A_1075] {strides = array<i32>} : memref<3x64x256xf32, #tpu.memory_space<vmem>>, vector<1x1x16xf32>,
        %swap3A_1077 = vector.shape_cast %swap3A_1076 : vector<1x1x16xf32> to vector<16xf32>
        %swap3A_1078 = vector.shape_cast %add3A_1072 : vector<16xf32> to vector<1x1x16xf32>
        tpu.vector_store %arg11[%swap3A_1073, %swap3A_1074, %swap3A_1075], %swap3A_1078 {strides = array<i32>} : memref<3x64x256xf32, #tpu.memory_space<vmem>>, vector<1x1x16xf32>,
        %get3A_1079 = arith.index_cast %rem3A_260 : i32 to index
        %get3A_1080 = arith.index_cast %add3A_868 : i32 to index
        %get3A_1081 = arith.constant 240 : index
        %get3A_1082 = tpu.vector_load %arg10[%get3A_1079, %get3A_1080, %get3A_1081] {strides = array<i32>} : memref<3x64x256xf32, #tpu.memory_space<vmem>>, vector<1x1x16xf32>,
        %get3A_1083 = vector.shape_cast %get3A_1082 : vector<1x1x16xf32> to vector<16xf32>
        %mul3A_1084 = arith.mulf %gather3A_864, %get3A_147 : vector<16xf32>
        %add3A_1085 = arith.addf %get3A_1083, %mul3A_1084 : vector<16xf32>
        %add3A_1086 = arith.addf %add3A_1085, %get3A_195 : vector<16xf32>
        %swap3A_1087 = arith.index_cast %rem3A_262 : i32 to index
        %swap3A_1088 = arith.index_cast %add3A_868 : i32 to index
        %swap3A_1089 = arith.constant 240 : index
        %swap3A_1090 = tpu.vector_load %arg11[%swap3A_1087, %swap3A_1088, %swap3A_1089] {strides = array<i32>} : memref<3x64x256xf32, #tpu.memory_space<vmem>>, vector<1x1x16xf32>,
        %swap3A_1091 = vector.shape_cast %swap3A_1090 : vector<1x1x16xf32> to vector<16xf32>
        %swap3A_1092 = vector.shape_cast %add3A_1086 : vector<16xf32> to vector<1x1x16xf32>
        tpu.vector_store %arg11[%swap3A_1087, %swap3A_1088, %swap3A_1089], %swap3A_1092 {strides = array<i32>} : memref<3x64x256xf32, #tpu.memory_space<vmem>>, vector<1x1x16xf32>,
        %broadcast_in_dim3A_1093 = arith.constant 3 : i32
        %broadcast_in_dim3A_1094 = vector.broadcast %broadcast_in_dim3A_1093 : i32 to vector<16x1xi32>
        %gather3A_1095 = vector.shape_cast %broadcast_in_dim3A_1094 : vector<16x1xi32> to vector<16xi32>
        %gather3A_1096 = tpu.dynamic_gather %get3A_399[%gather3A_1095] in [0] : vector<16xf32>, vector<16xi32> -> vector<16xf32>
        %mul3A_1097 = arith.constant 16 : i32
        %mul3A_1098 = arith.muli %scan3A_350, %mul3A_1097 : i32
        %add3A_1099 = arith.constant 3 : i32
        %add3A_1100 = arith.addi %mul3A_1098, %add3A_1099 : i32
        %get3A_1101 = arith.index_cast %rem3A_260 : i32 to index
        %get3A_1102 = arith.index_cast %add3A_1100 : i32 to index
        %get3A_1103 = arith.constant 0 : index
        %get3A_1104 = tpu.vector_load %arg10[%get3A_1101, %get3A_1102, %get3A_1103] {strides = array<i32>} : memref<3x64x256xf32, #tpu.memory_space<vmem>>, vector<1x1x16xf32>,
        %get3A_1105 = vector.shape_cast %get3A_1104 : vector<1x1x16xf32> to vector<16xf32>
        %mul3A_1106 = arith.mulf %gather3A_1096, %get3A_102 : vector<16xf32>
        %add3A_1107 = arith.addf %get3A_1105, %mul3A_1106 : vector<16xf32>
        %add3A_1108 = arith.addf %add3A_1107, %get3A_150 : vector<16xf32>
        %swap3A_1109 = arith.index_cast %rem3A_262 : i32 to index
        %swap3A_1110 = arith.index_cast %add3A_1100 : i32 to index
        %swap3A_1111 = arith.constant 0 : index
        %swap3A_1112 = tpu.vector_load %arg11[%swap3A_1109, %swap3A_1110, %swap3A_1111] {strides = array<i32>} : memref<3x64x256xf32, #tpu.memory_space<vmem>>, vector<1x1x16xf32>,
        %swap3A_1113 = vector.shape_cast %swap3A_1112 : vector<1x1x16xf32> to vector<16xf32>
        %swap3A_1114 = vector.shape_cast %add3A_1108 : vector<16xf32> to vector<1x1x16xf32>
        tpu.vector_store %arg11[%swap3A_1109, %swap3A_1110, %swap3A_1111], %swap3A_1114 {strides = array<i32>} : memref<3x64x256xf32, #tpu.memory_space<vmem>>, vector<1x1x16xf32>,
        %get3A_1115 = arith.index_cast %rem3A_260 : i32 to index
        %get3A_1116 = arith.index_cast %add3A_1100 : i32 to index
        %get3A_1117 = arith.constant 16 : index
        %get3A_1118 = tpu.vector_load %arg10[%get3A_1115, %get3A_1116, %get3A_1117] {strides = array<i32>} : memref<3x64x256xf32, #tpu.memory_space<vmem>>, vector<1x1x16xf32>,
        %get3A_1119 = vector.shape_cast %get3A_1118 : vector<1x1x16xf32> to vector<16xf32>
        %mul3A_1120 = arith.mulf %gather3A_1096, %get3A_105 : vector<16xf32>
        %add3A_1121 = arith.addf %get3A_1119, %mul3A_1120 : vector<16xf32>
        %add3A_1122 = arith.addf %add3A_1121, %get3A_153 : vector<16xf32>
        %swap3A_1123 = arith.index_cast %rem3A_262 : i32 to index
        %swap3A_1124 = arith.index_cast %add3A_1100 : i32 to index
        %swap3A_1125 = arith.constant 16 : index
        %swap3A_1126 = tpu.vector_load %arg11[%swap3A_1123, %swap3A_1124, %swap3A_1125] {strides = array<i32>} : memref<3x64x256xf32, #tpu.memory_space<vmem>>, vector<1x1x16xf32>,
        %swap3A_1127 = vector.shape_cast %swap3A_1126 : vector<1x1x16xf32> to vector<16xf32>
        %swap3A_1128 = vector.shape_cast %add3A_1122 : vector<16xf32> to vector<1x1x16xf32>
        tpu.vector_store %arg11[%swap3A_1123, %swap3A_1124, %swap3A_1125], %swap3A_1128 {strides = array<i32>} : memref<3x64x256xf32, #tpu.memory_space<vmem>>, vector<1x1x16xf32>,
        %get3A_1129 = arith.index_cast %rem3A_260 : i32 to index
        %get3A_1130 = arith.index_cast %add3A_1100 : i32 to index
        %get3A_1131 = arith.constant 32 : index
        %get3A_1132 = tpu.vector_load %arg10[%get3A_1129, %get3A_1130, %get3A_1131] {strides = array<i32>} : memref<3x64x256xf32, #tpu.memory_space<vmem>>, vector<1x1x16xf32>,
        %get3A_1133 = vector.shape_cast %get3A_1132 : vector<1x1x16xf32> to vector<16xf32>
        %mul3A_1134 = arith.mulf %gather3A_1096, %get3A_108 : vector<16xf32>
        %add3A_1135 = arith.addf %get3A_1133, %mul3A_1134 : vector<16xf32>
        %add3A_1136 = arith.addf %add3A_1135, %get3A_156 : vector<16xf32>
        %swap3A_1137 = arith.index_cast %rem3A_262 : i32 to index
        %swap3A_1138 = arith.index_cast %add3A_1100 : i32 to index
        %swap3A_1139 = arith.constant 32 : index
        %swap3A_1140 = tpu.vector_load %arg11[%swap3A_1137, %swap3A_1138, %swap3A_1139] {strides = array<i32>} : memref<3x64x256xf32, #tpu.memory_space<vmem>>, vector<1x1x16xf32>,
        %swap3A_1141 = vector.shape_cast %swap3A_1140 : vector<1x1x16xf32> to vector<16xf32>
        %swap3A_1142 = vector.shape_cast %add3A_1136 : vector<16xf32> to vector<1x1x16xf32>
        tpu.vector_store %arg11[%swap3A_1137, %swap3A_1138, %swap3A_1139], %swap3A_1142 {strides = array<i32>} : memref<3x64x256xf32, #tpu.memory_space<vmem>>, vector<1x1x16xf32>,
        %get3A_1143 = arith.index_cast %rem3A_260 : i32 to index
        %get3A_1144 = arith.index_cast %add3A_1100 : i32 to index
        %get3A_1145 = arith.constant 48 : index
        %get3A_1146 = tpu.vector_load %arg10[%get3A_1143, %get3A_1144, %get3A_1145] {strides = array<i32>} : memref<3x64x256xf32, #tpu.memory_space<vmem>>, vector<1x1x16xf32>,
        %get3A_1147 = vector.shape_cast %get3A_1146 : vector<1x1x16xf32> to vector<16xf32>
        %mul3A_1148 = arith.mulf %gather3A_1096, %get3A_111 : vector<16xf32>
        %add3A_1149 = arith.addf %get3A_1147, %mul3A_1148 : vector<16xf32>
        %add3A_1150 = arith.addf %add3A_1149, %get3A_159 : vector<16xf32>
        %swap3A_1151 = arith.index_cast %rem3A_262 : i32 to index
        %swap3A_1152 = arith.index_cast %add3A_1100 : i32 to index
        %swap3A_1153 = arith.constant 48 : index
        %swap3A_1154 = tpu.vector_load %arg11[%swap3A_1151, %swap3A_1152, %swap3A_1153] {strides = array<i32>} : memref<3x64x256xf32, #tpu.memory_space<vmem>>, vector<1x1x16xf32>,
        %swap3A_1155 = vector.shape_cast %swap3A_1154 : vector<1x1x16xf32> to vector<16xf32>
        %swap3A_1156 = vector.shape_cast %add3A_1150 : vector<16xf32> to vector<1x1x16xf32>
        tpu.vector_store %arg11[%swap3A_1151, %swap3A_1152, %swap3A_1153], %swap3A_1156 {strides = array<i32>} : memref<3x64x256xf32, #tpu.memory_space<vmem>>, vector<1x1x16xf32>,
        %get3A_1157 = arith.index_cast %rem3A_260 : i32 to index
        %get3A_1158 = arith.index_cast %add3A_1100 : i32 to index
        %get3A_1159 = arith.constant 64 : index
        %get3A_1160 = tpu.vector_load %arg10[%get3A_1157, %get3A_1158, %get3A_1159] {strides = array<i32>} : memref<3x64x256xf32, #tpu.memory_space<vmem>>, vector<1x1x16xf32>,
        %get3A_1161 = vector.shape_cast %get3A_1160 : vector<1x1x16xf32> to vector<16xf32>
        %mul3A_1162 = arith.mulf %gather3A_1096, %get3A_114 : vector<16xf32>
        %add3A_1163 = arith.addf %get3A_1161, %mul3A_1162 : vector<16xf32>
        %add3A_1164 = arith.addf %add3A_1163, %get3A_162 : vector<16xf32>
        %swap3A_1165 = arith.index_cast %rem3A_262 : i32 to index
        %swap3A_1166 = arith.index_cast %add3A_1100 : i32 to index
        %swap3A_1167 = arith.constant 64 : index
        %swap3A_1168 = tpu.vector_load %arg11[%swap3A_1165, %swap3A_1166, %swap3A_1167] {strides = array<i32>} : memref<3x64x256xf32, #tpu.memory_space<vmem>>, vector<1x1x16xf32>,
        %swap3A_1169 = vector.shape_cast %swap3A_1168 : vector<1x1x16xf32> to vector<16xf32>
        %swap3A_1170 = vector.shape_cast %add3A_1164 : vector<16xf32> to vector<1x1x16xf32>
        tpu.vector_store %arg11[%swap3A_1165, %swap3A_1166, %swap3A_1167], %swap3A_1170 {strides = array<i32>} : memref<3x64x256xf32, #tpu.memory_space<vmem>>, vector<1x1x16xf32>,
        %get3A_1171 = arith.index_cast %rem3A_260 : i32 to index
        %get3A_1172 = arith.index_cast %add3A_1100 : i32 to index
        %get3A_1173 = arith.constant 80 : index
        %get3A_1174 = tpu.vector_load %arg10[%get3A_1171, %get3A_1172, %get3A_1173] {strides = array<i32>} : memref<3x64x256xf32, #tpu.memory_space<vmem>>, vector<1x1x16xf32>,
        %get3A_1175 = vector.shape_cast %get3A_1174 : vector<1x1x16xf32> to vector<16xf32>
        %mul3A_1176 = arith.mulf %gather3A_1096, %get3A_117 : vector<16xf32>
        %add3A_1177 = arith.addf %get3A_1175, %mul3A_1176 : vector<16xf32>
        %add3A_1178 = arith.addf %add3A_1177, %get3A_165 : vector<16xf32>
        %swap3A_1179 = arith.index_cast %rem3A_262 : i32 to index
        %swap3A_1180 = arith.index_cast %add3A_1100 : i32 to index
        %swap3A_1181 = arith.constant 80 : index
        %swap3A_1182 = tpu.vector_load %arg11[%swap3A_1179, %swap3A_1180, %swap3A_1181] {strides = array<i32>} : memref<3x64x256xf32, #tpu.memory_space<vmem>>, vector<1x1x16xf32>,
        %swap3A_1183 = vector.shape_cast %swap3A_1182 : vector<1x1x16xf32> to vector<16xf32>
        %swap3A_1184 = vector.shape_cast %add3A_1178 : vector<16xf32> to vector<1x1x16xf32>
        tpu.vector_store %arg11[%swap3A_1179, %swap3A_1180, %swap3A_1181], %swap3A_1184 {strides = array<i32>} : memref<3x64x256xf32, #tpu.memory_space<vmem>>, vector<1x1x16xf32>,
        %get3A_1185 = arith.index_cast %rem3A_260 : i32 to index
        %get3A_1186 = arith.index_cast %add3A_1100 : i32 to index
        %get3A_1187 = arith.constant 96 : index
        %get3A_1188 = tpu.vector_load %arg10[%get3A_1185, %get3A_1186, %get3A_1187] {strides = array<i32>} : memref<3x64x256xf32, #tpu.memory_space<vmem>>, vector<1x1x16xf32>,
        %get3A_1189 = vector.shape_cast %get3A_1188 : vector<1x1x16xf32> to vector<16xf32>
        %mul3A_1190 = arith.mulf %gather3A_1096, %get3A_120 : vector<16xf32>
        %add3A_1191 = arith.addf %get3A_1189, %mul3A_1190 : vector<16xf32>
        %add3A_1192 = arith.addf %add3A_1191, %get3A_168 : vector<16xf32>
        %swap3A_1193 = arith.index_cast %rem3A_262 : i32 to index
        %swap3A_1194 = arith.index_cast %add3A_1100 : i32 to index
        %swap3A_1195 = arith.constant 96 : index
        %swap3A_1196 = tpu.vector_load %arg11[%swap3A_1193, %swap3A_1194, %swap3A_1195] {strides = array<i32>} : memref<3x64x256xf32, #tpu.memory_space<vmem>>, vector<1x1x16xf32>,
        %swap3A_1197 = vector.shape_cast %swap3A_1196 : vector<1x1x16xf32> to vector<16xf32>
        %swap3A_1198 = vector.shape_cast %add3A_1192 : vector<16xf32> to vector<1x1x16xf32>
        tpu.vector_store %arg11[%swap3A_1193, %swap3A_1194, %swap3A_1195], %swap3A_1198 {strides = array<i32>} : memref<3x64x256xf32, #tpu.memory_space<vmem>>, vector<1x1x16xf32>,
        %get3A_1199 = arith.index_cast %rem3A_260 : i32 to index
        %get3A_1200 = arith.index_cast %add3A_1100 : i32 to index
        %get3A_1201 = arith.constant 112 : index
        %get3A_1202 = tpu.vector_load %arg10[%get3A_1199, %get3A_1200, %get3A_1201] {strides = array<i32>} : memref<3x64x256xf32, #tpu.memory_space<vmem>>, vector<1x1x16xf32>,
        %get3A_1203 = vector.shape_cast %get3A_1202 : vector<1x1x16xf32> to vector<16xf32>
        %mul3A_1204 = arith.mulf %gather3A_1096, %get3A_123 : vector<16xf32>
        %add3A_1205 = arith.addf %get3A_1203, %mul3A_1204 : vector<16xf32>
        %add3A_1206 = arith.addf %add3A_1205, %get3A_171 : vector<16xf32>
        %swap3A_1207 = arith.index_cast %rem3A_262 : i32 to index
        %swap3A_1208 = arith.index_cast %add3A_1100 : i32 to index
        %swap3A_1209 = arith.constant 112 : index
        %swap3A_1210 = tpu.vector_load %arg11[%swap3A_1207, %swap3A_1208, %swap3A_1209] {strides = array<i32>} : memref<3x64x256xf32, #tpu.memory_space<vmem>>, vector<1x1x16xf32>,
        %swap3A_1211 = vector.shape_cast %swap3A_1210 : vector<1x1x16xf32> to vector<16xf32>
        %swap3A_1212 = vector.shape_cast %add3A_1206 : vector<16xf32> to vector<1x1x16xf32>
        tpu.vector_store %arg11[%swap3A_1207, %swap3A_1208, %swap3A_1209], %swap3A_1212 {strides = array<i32>} : memref<3x64x256xf32, #tpu.memory_space<vmem>>, vector<1x1x16xf32>,
        %get3A_1213 = arith.index_cast %rem3A_260 : i32 to index
        %get3A_1214 = arith.index_cast %add3A_1100 : i32 to index
        %get3A_1215 = arith.constant 128 : index
        %get3A_1216 = tpu.vector_load %arg10[%get3A_1213, %get3A_1214, %get3A_1215] {strides = array<i32>} : memref<3x64x256xf32, #tpu.memory_space<vmem>>, vector<1x1x16xf32>,
        %get3A_1217 = vector.shape_cast %get3A_1216 : vector<1x1x16xf32> to vector<16xf32>
        %mul3A_1218 = arith.mulf %gather3A_1096, %get3A_126 : vector<16xf32>
        %add3A_1219 = arith.addf %get3A_1217, %mul3A_1218 : vector<16xf32>
        %add3A_1220 = arith.addf %add3A_1219, %get3A_174 : vector<16xf32>
        %swap3A_1221 = arith.index_cast %rem3A_262 : i32 to index
        %swap3A_1222 = arith.index_cast %add3A_1100 : i32 to index
        %swap3A_1223 = arith.constant 128 : index
        %swap3A_1224 = tpu.vector_load %arg11[%swap3A_1221, %swap3A_1222, %swap3A_1223] {strides = array<i32>} : memref<3x64x256xf32, #tpu.memory_space<vmem>>, vector<1x1x16xf32>,
        %swap3A_1225 = vector.shape_cast %swap3A_1224 : vector<1x1x16xf32> to vector<16xf32>
        %swap3A_1226 = vector.shape_cast %add3A_1220 : vector<16xf32> to vector<1x1x16xf32>
        tpu.vector_store %arg11[%swap3A_1221, %swap3A_1222, %swap3A_1223], %swap3A_1226 {strides = array<i32>} : memref<3x64x256xf32, #tpu.memory_space<vmem>>, vector<1x1x16xf32>,
        %get3A_1227 = arith.index_cast %rem3A_260 : i32 to index
        %get3A_1228 = arith.index_cast %add3A_1100 : i32 to index
        %get3A_1229 = arith.constant 144 : index
        %get3A_1230 = tpu.vector_load %arg10[%get3A_1227, %get3A_1228, %get3A_1229] {strides = array<i32>} : memref<3x64x256xf32, #tpu.memory_space<vmem>>, vector<1x1x16xf32>,
        %get3A_1231 = vector.shape_cast %get3A_1230 : vector<1x1x16xf32> to vector<16xf32>
        %mul3A_1232 = arith.mulf %gather3A_1096, %get3A_129 : vector<16xf32>
        %add3A_1233 = arith.addf %get3A_1231, %mul3A_1232 : vector<16xf32>
        %add3A_1234 = arith.addf %add3A_1233, %get3A_177 : vector<16xf32>
        %swap3A_1235 = arith.index_cast %rem3A_262 : i32 to index
        %swap3A_1236 = arith.index_cast %add3A_1100 : i32 to index
        %swap3A_1237 = arith.constant 144 : index
        %swap3A_1238 = tpu.vector_load %arg11[%swap3A_1235, %swap3A_1236, %swap3A_1237] {strides = array<i32>} : memref<3x64x256xf32, #tpu.memory_space<vmem>>, vector<1x1x16xf32>,
        %swap3A_1239 = vector.shape_cast %swap3A_1238 : vector<1x1x16xf32> to vector<16xf32>
        %swap3A_1240 = vector.shape_cast %add3A_1234 : vector<16xf32> to vector<1x1x16xf32>
        tpu.vector_store %arg11[%swap3A_1235, %swap3A_1236, %swap3A_1237], %swap3A_1240 {strides = array<i32>} : memref<3x64x256xf32, #tpu.memory_space<vmem>>, vector<1x1x16xf32>,
        %get3A_1241 = arith.index_cast %rem3A_260 : i32 to index
        %get3A_1242 = arith.index_cast %add3A_1100 : i32 to index
        %get3A_1243 = arith.constant 160 : index
        %get3A_1244 = tpu.vector_load %arg10[%get3A_1241, %get3A_1242, %get3A_1243] {strides = array<i32>} : memref<3x64x256xf32, #tpu.memory_space<vmem>>, vector<1x1x16xf32>,
        %get3A_1245 = vector.shape_cast %get3A_1244 : vector<1x1x16xf32> to vector<16xf32>
        %mul3A_1246 = arith.mulf %gather3A_1096, %get3A_132 : vector<16xf32>
        %add3A_1247 = arith.addf %get3A_1245, %mul3A_1246 : vector<16xf32>
        %add3A_1248 = arith.addf %add3A_1247, %get3A_180 : vector<16xf32>
        %swap3A_1249 = arith.index_cast %rem3A_262 : i32 to index
        %swap3A_1250 = arith.index_cast %add3A_1100 : i32 to index
        %swap3A_1251 = arith.constant 160 : index
        %swap3A_1252 = tpu.vector_load %arg11[%swap3A_1249, %swap3A_1250, %swap3A_1251] {strides = array<i32>} : memref<3x64x256xf32, #tpu.memory_space<vmem>>, vector<1x1x16xf32>,
        %swap3A_1253 = vector.shape_cast %swap3A_1252 : vector<1x1x16xf32> to vector<16xf32>
        %swap3A_1254 = vector.shape_cast %add3A_1248 : vector<16xf32> to vector<1x1x16xf32>
        tpu.vector_store %arg11[%swap3A_1249, %swap3A_1250, %swap3A_1251], %swap3A_1254 {strides = array<i32>} : memref<3x64x256xf32, #tpu.memory_space<vmem>>, vector<1x1x16xf32>,
        %get3A_1255 = arith.index_cast %rem3A_260 : i32 to index
        %get3A_1256 = arith.index_cast %add3A_1100 : i32 to index
        %get3A_1257 = arith.constant 176 : index
        %get3A_1258 = tpu.vector_load %arg10[%get3A_1255, %get3A_1256, %get3A_1257] {strides = array<i32>} : memref<3x64x256xf32, #tpu.memory_space<vmem>>, vector<1x1x16xf32>,
        %get3A_1259 = vector.shape_cast %get3A_1258 : vector<1x1x16xf32> to vector<16xf32>
        %mul3A_1260 = arith.mulf %gather3A_1096, %get3A_135 : vector<16xf32>
        %add3A_1261 = arith.addf %get3A_1259, %mul3A_1260 : vector<16xf32>
        %add3A_1262 = arith.addf %add3A_1261, %get3A_183 : vector<16xf32>
        %swap3A_1263 = arith.index_cast %rem3A_262 : i32 to index
        %swap3A_1264 = arith.index_cast %add3A_1100 : i32 to index
        %swap3A_1265 = arith.constant 176 : index
        %swap3A_1266 = tpu.vector_load %arg11[%swap3A_1263, %swap3A_1264, %swap3A_1265] {strides = array<i32>} : memref<3x64x256xf32, #tpu.memory_space<vmem>>, vector<1x1x16xf32>,
        %swap3A_1267 = vector.shape_cast %swap3A_1266 : vector<1x1x16xf32> to vector<16xf32>
        %swap3A_1268 = vector.shape_cast %add3A_1262 : vector<16xf32> to vector<1x1x16xf32>
        tpu.vector_store %arg11[%swap3A_1263, %swap3A_1264, %swap3A_1265], %swap3A_1268 {strides = array<i32>} : memref<3x64x256xf32, #tpu.memory_space<vmem>>, vector<1x1x16xf32>,
        %get3A_1269 = arith.index_cast %rem3A_260 : i32 to index
        %get3A_1270 = arith.index_cast %add3A_1100 : i32 to index
        %get3A_1271 = arith.constant 192 : index
        %get3A_1272 = tpu.vector_load %arg10[%get3A_1269, %get3A_1270, %get3A_1271] {strides = array<i32>} : memref<3x64x256xf32, #tpu.memory_space<vmem>>, vector<1x1x16xf32>,
        %get3A_1273 = vector.shape_cast %get3A_1272 : vector<1x1x16xf32> to vector<16xf32>
        %mul3A_1274 = arith.mulf %gather3A_1096, %get3A_138 : vector<16xf32>
        %add3A_1275 = arith.addf %get3A_1273, %mul3A_1274 : vector<16xf32>
        %add3A_1276 = arith.addf %add3A_1275, %get3A_186 : vector<16xf32>
        %swap3A_1277 = arith.index_cast %rem3A_262 : i32 to index
        %swap3A_1278 = arith.index_cast %add3A_1100 : i32 to index
        %swap3A_1279 = arith.constant 192 : index
        %swap3A_1280 = tpu.vector_load %arg11[%swap3A_1277, %swap3A_1278, %swap3A_1279] {strides = array<i32>} : memref<3x64x256xf32, #tpu.memory_space<vmem>>, vector<1x1x16xf32>,
        %swap3A_1281 = vector.shape_cast %swap3A_1280 : vector<1x1x16xf32> to vector<16xf32>
        %swap3A_1282 = vector.shape_cast %add3A_1276 : vector<16xf32> to vector<1x1x16xf32>
        tpu.vector_store %arg11[%swap3A_1277, %swap3A_1278, %swap3A_1279], %swap3A_1282 {strides = array<i32>} : memref<3x64x256xf32, #tpu.memory_space<vmem>>, vector<1x1x16xf32>,
        %get3A_1283 = arith.index_cast %rem3A_260 : i32 to index
        %get3A_1284 = arith.index_cast %add3A_1100 : i32 to index
        %get3A_1285 = arith.constant 208 : index
        %get3A_1286 = tpu.vector_load %arg10[%get3A_1283, %get3A_1284, %get3A_1285] {strides = array<i32>} : memref<3x64x256xf32, #tpu.memory_space<vmem>>, vector<1x1x16xf32>,
        %get3A_1287 = vector.shape_cast %get3A_1286 : vector<1x1x16xf32> to vector<16xf32>
        %mul3A_1288 = arith.mulf %gather3A_1096, %get3A_141 : vector<16xf32>
        %add3A_1289 = arith.addf %get3A_1287, %mul3A_1288 : vector<16xf32>
        %add3A_1290 = arith.addf %add3A_1289, %get3A_189 : vector<16xf32>
        %swap3A_1291 = arith.index_cast %rem3A_262 : i32 to index
        %swap3A_1292 = arith.index_cast %add3A_1100 : i32 to index
        %swap3A_1293 = arith.constant 208 : index
        %swap3A_1294 = tpu.vector_load %arg11[%swap3A_1291, %swap3A_1292, %swap3A_1293] {strides = array<i32>} : memref<3x64x256xf32, #tpu.memory_space<vmem>>, vector<1x1x16xf32>,
        %swap3A_1295 = vector.shape_cast %swap3A_1294 : vector<1x1x16xf32> to vector<16xf32>
        %swap3A_1296 = vector.shape_cast %add3A_1290 : vector<16xf32> to vector<1x1x16xf32>
        tpu.vector_store %arg11[%swap3A_1291, %swap3A_1292, %swap3A_1293], %swap3A_1296 {strides = array<i32>} : memref<3x64x256xf32, #tpu.memory_space<vmem>>, vector<1x1x16xf32>,
        %get3A_1297 = arith.index_cast %rem3A_260 : i32 to index
        %get3A_1298 = arith.index_cast %add3A_1100 : i32 to index
        %get3A_1299 = arith.constant 224 : index
        %get3A_1300 = tpu.vector_load %arg10[%get3A_1297, %get3A_1298, %get3A_1299] {strides = array<i32>} : memref<3x64x256xf32, #tpu.memory_space<vmem>>, vector<1x1x16xf32>,
        %get3A_1301 = vector.shape_cast %get3A_1300 : vector<1x1x16xf32> to vector<16xf32>
        %mul3A_1302 = arith.mulf %gather3A_1096, %get3A_144 : vector<16xf32>
        %add3A_1303 = arith.addf %get3A_1301, %mul3A_1302 : vector<16xf32>
        %add3A_1304 = arith.addf %add3A_1303, %get3A_192 : vector<16xf32>
        %swap3A_1305 = arith.index_cast %rem3A_262 : i32 to index
        %swap3A_1306 = arith.index_cast %add3A_1100 : i32 to index
        %swap3A_1307 = arith.constant 224 : index
        %swap3A_1308 = tpu.vector_load %arg11[%swap3A_1305, %swap3A_1306, %swap3A_1307] {strides = array<i32>} : memref<3x64x256xf32, #tpu.memory_space<vmem>>, vector<1x1x16xf32>,
        %swap3A_1309 = vector.shape_cast %swap3A_1308 : vector<1x1x16xf32> to vector<16xf32>
        %swap3A_1310 = vector.shape_cast %add3A_1304 : vector<16xf32> to vector<1x1x16xf32>
        tpu.vector_store %arg11[%swap3A_1305, %swap3A_1306, %swap3A_1307], %swap3A_1310 {strides = array<i32>} : memref<3x64x256xf32, #tpu.memory_space<vmem>>, vector<1x1x16xf32>,
        %get3A_1311 = arith.index_cast %rem3A_260 : i32 to index
        %get3A_1312 = arith.index_cast %add3A_1100 : i32 to index
        %get3A_1313 = arith.constant 240 : index
        %get3A_1314 = tpu.vector_load %arg10[%get3A_1311, %get3A_1312, %get3A_1313] {strides = array<i32>} : memref<3x64x256xf32, #tpu.memory_space<vmem>>, vector<1x1x16xf32>,
        %get3A_1315 = vector.shape_cast %get3A_1314 : vector<1x1x16xf32> to vector<16xf32>
        %mul3A_1316 = arith.mulf %gather3A_1096, %get3A_147 : vector<16xf32>
        %add3A_1317 = arith.addf %get3A_1315, %mul3A_1316 : vector<16xf32>
        %add3A_1318 = arith.addf %add3A_1317, %get3A_195 : vector<16xf32>
        %swap3A_1319 = arith.index_cast %rem3A_262 : i32 to index
        %swap3A_1320 = arith.index_cast %add3A_1100 : i32 to index
        %swap3A_1321 = arith.constant 240 : index
        %swap3A_1322 = tpu.vector_load %arg11[%swap3A_1319, %swap3A_1320, %swap3A_1321] {strides = array<i32>} : memref<3x64x256xf32, #tpu.memory_space<vmem>>, vector<1x1x16xf32>,
        %swap3A_1323 = vector.shape_cast %swap3A_1322 : vector<1x1x16xf32> to vector<16xf32>
        %swap3A_1324 = vector.shape_cast %add3A_1318 : vector<16xf32> to vector<1x1x16xf32>
        tpu.vector_store %arg11[%swap3A_1319, %swap3A_1320, %swap3A_1321], %swap3A_1324 {strides = array<i32>} : memref<3x64x256xf32, #tpu.memory_space<vmem>>, vector<1x1x16xf32>,
        %broadcast_in_dim3A_1325 = arith.constant 4 : i32
        %broadcast_in_dim3A_1326 = vector.broadcast %broadcast_in_dim3A_1325 : i32 to vector<16x1xi32>
        %gather3A_1327 = vector.shape_cast %broadcast_in_dim3A_1326 : vector<16x1xi32> to vector<16xi32>
        %gather3A_1328 = tpu.dynamic_gather %get3A_399[%gather3A_1327] in [0] : vector<16xf32>, vector<16xi32> -> vector<16xf32>
        %mul3A_1329 = arith.constant 16 : i32
        %mul3A_1330 = arith.muli %scan3A_350, %mul3A_1329 : i32
        %add3A_1331 = arith.constant 4 : i32
        %add3A_1332 = arith.addi %mul3A_1330, %add3A_1331 : i32
        %get3A_1333 = arith.index_cast %rem3A_260 : i32 to index
        %get3A_1334 = arith.index_cast %add3A_1332 : i32 to index
        %get3A_1335 = arith.constant 0 : index
        %get3A_1336 = tpu.vector_load %arg10[%get3A_1333, %get3A_1334, %get3A_1335] {strides = array<i32>} : memref<3x64x256xf32, #tpu.memory_space<vmem>>, vector<1x1x16xf32>,
        %get3A_1337 = vector.shape_cast %get3A_1336 : vector<1x1x16xf32> to vector<16xf32>
        %mul3A_1338 = arith.mulf %gather3A_1328, %get3A_102 : vector<16xf32>
        %add3A_1339 = arith.addf %get3A_1337, %mul3A_1338 : vector<16xf32>
        %add3A_1340 = arith.addf %add3A_1339, %get3A_150 : vector<16xf32>
        %swap3A_1341 = arith.index_cast %rem3A_262 : i32 to index
        %swap3A_1342 = arith.index_cast %add3A_1332 : i32 to index
        %swap3A_1343 = arith.constant 0 : index
        %swap3A_1344 = tpu.vector_load %arg11[%swap3A_1341, %swap3A_1342, %swap3A_1343] {strides = array<i32>} : memref<3x64x256xf32, #tpu.memory_space<vmem>>, vector<1x1x16xf32>,
        %swap3A_1345 = vector.shape_cast %swap3A_1344 : vector<1x1x16xf32> to vector<16xf32>
        %swap3A_1346 = vector.shape_cast %add3A_1340 : vector<16xf32> to vector<1x1x16xf32>
        tpu.vector_store %arg11[%swap3A_1341, %swap3A_1342, %swap3A_1343], %swap3A_1346 {strides = array<i32>} : memref<3x64x256xf32, #tpu.memory_space<vmem>>, vector<1x1x16xf32>,
        %get3A_1347 = arith.index_cast %rem3A_260 : i32 to index
        %get3A_1348 = arith.index_cast %add3A_1332 : i32 to index
        %get3A_1349 = arith.constant 16 : index
        %get3A_1350 = tpu.vector_load %arg10[%get3A_1347, %get3A_1348, %get3A_1349] {strides = array<i32>} : memref<3x64x256xf32, #tpu.memory_space<vmem>>, vector<1x1x16xf32>,
        %get3A_1351 = vector.shape_cast %get3A_1350 : vector<1x1x16xf32> to vector<16xf32>
        %mul3A_1352 = arith.mulf %gather3A_1328, %get3A_105 : vector<16xf32>
        %add3A_1353 = arith.addf %get3A_1351, %mul3A_1352 : vector<16xf32>
        %add3A_1354 = arith.addf %add3A_1353, %get3A_153 : vector<16xf32>
        %swap3A_1355 = arith.index_cast %rem3A_262 : i32 to index
        %swap3A_1356 = arith.index_cast %add3A_1332 : i32 to index
        %swap3A_1357 = arith.constant 16 : index
        %swap3A_1358 = tpu.vector_load %arg11[%swap3A_1355, %swap3A_1356, %swap3A_1357] {strides = array<i32>} : memref<3x64x256xf32, #tpu.memory_space<vmem>>, vector<1x1x16xf32>,
        %swap3A_1359 = vector.shape_cast %swap3A_1358 : vector<1x1x16xf32> to vector<16xf32>
        %swap3A_1360 = vector.shape_cast %add3A_1354 : vector<16xf32> to vector<1x1x16xf32>
        tpu.vector_store %arg11[%swap3A_1355, %swap3A_1356, %swap3A_1357], %swap3A_1360 {strides = array<i32>} : memref<3x64x256xf32, #tpu.memory_space<vmem>>, vector<1x1x16xf32>,
        %get3A_1361 = arith.index_cast %rem3A_260 : i32 to index
        %get3A_1362 = arith.index_cast %add3A_1332 : i32 to index
        %get3A_1363 = arith.constant 32 : index
        %get3A_1364 = tpu.vector_load %arg10[%get3A_1361, %get3A_1362, %get3A_1363] {strides = array<i32>} : memref<3x64x256xf32, #tpu.memory_space<vmem>>, vector<1x1x16xf32>,
        %get3A_1365 = vector.shape_cast %get3A_1364 : vector<1x1x16xf32> to vector<16xf32>
        %mul3A_1366 = arith.mulf %gather3A_1328, %get3A_108 : vector<16xf32>
        %add3A_1367 = arith.addf %get3A_1365, %mul3A_1366 : vector<16xf32>
        %add3A_1368 = arith.addf %add3A_1367, %get3A_156 : vector<16xf32>
        %swap3A_1369 = arith.index_cast %rem3A_262 : i32 to index
        %swap3A_1370 = arith.index_cast %add3A_1332 : i32 to index
        %swap3A_1371 = arith.constant 32 : index
        %swap3A_1372 = tpu.vector_load %arg11[%swap3A_1369, %swap3A_1370, %swap3A_1371] {strides = array<i32>} : memref<3x64x256xf32, #tpu.memory_space<vmem>>, vector<1x1x16xf32>,
        %swap3A_1373 = vector.shape_cast %swap3A_1372 : vector<1x1x16xf32> to vector<16xf32>
        %swap3A_1374 = vector.shape_cast %add3A_1368 : vector<16xf32> to vector<1x1x16xf32>
        tpu.vector_store %arg11[%swap3A_1369, %swap3A_1370, %swap3A_1371], %swap3A_1374 {strides = array<i32>} : memref<3x64x256xf32, #tpu.memory_space<vmem>>, vector<1x1x16xf32>,
        %get3A_1375 = arith.index_cast %rem3A_260 : i32 to index
        %get3A_1376 = arith.index_cast %add3A_1332 : i32 to index
        %get3A_1377 = arith.constant 48 : index
        %get3A_1378 = tpu.vector_load %arg10[%get3A_1375, %get3A_1376, %get3A_1377] {strides = array<i32>} : memref<3x64x256xf32, #tpu.memory_space<vmem>>, vector<1x1x16xf32>,
        %get3A_1379 = vector.shape_cast %get3A_1378 : vector<1x1x16xf32> to vector<16xf32>
        %mul3A_1380 = arith.mulf %gather3A_1328, %get3A_111 : vector<16xf32>
        %add3A_1381 = arith.addf %get3A_1379, %mul3A_1380 : vector<16xf32>
        %add3A_1382 = arith.addf %add3A_1381, %get3A_159 : vector<16xf32>
        %swap3A_1383 = arith.index_cast %rem3A_262 : i32 to index
        %swap3A_1384 = arith.index_cast %add3A_1332 : i32 to index
        %swap3A_1385 = arith.constant 48 : index
        %swap3A_1386 = tpu.vector_load %arg11[%swap3A_1383, %swap3A_1384, %swap3A_1385] {strides = array<i32>} : memref<3x64x256xf32, #tpu.memory_space<vmem>>, vector<1x1x16xf32>,
        %swap3A_1387 = vector.shape_cast %swap3A_1386 : vector<1x1x16xf32> to vector<16xf32>
        %swap3A_1388 = vector.shape_cast %add3A_1382 : vector<16xf32> to vector<1x1x16xf32>
        tpu.vector_store %arg11[%swap3A_1383, %swap3A_1384, %swap3A_1385], %swap3A_1388 {strides = array<i32>} : memref<3x64x256xf32, #tpu.memory_space<vmem>>, vector<1x1x16xf32>,
        %get3A_1389 = arith.index_cast %rem3A_260 : i32 to index
        %get3A_1390 = arith.index_cast %add3A_1332 : i32 to index
        %get3A_1391 = arith.constant 64 : index
        %get3A_1392 = tpu.vector_load %arg10[%get3A_1389, %get3A_1390, %get3A_1391] {strides = array<i32>} : memref<3x64x256xf32, #tpu.memory_space<vmem>>, vector<1x1x16xf32>,
        %get3A_1393 = vector.shape_cast %get3A_1392 : vector<1x1x16xf32> to vector<16xf32>
        %mul3A_1394 = arith.mulf %gather3A_1328, %get3A_114 : vector<16xf32>
        %add3A_1395 = arith.addf %get3A_1393, %mul3A_1394 : vector<16xf32>
        %add3A_1396 = arith.addf %add3A_1395, %get3A_162 : vector<16xf32>
        %swap3A_1397 = arith.index_cast %rem3A_262 : i32 to index
        %swap3A_1398 = arith.index_cast %add3A_1332 : i32 to index
        %swap3A_1399 = arith.constant 64 : index
        %swap3A_1400 = tpu.vector_load %arg11[%swap3A_1397, %swap3A_1398, %swap3A_1399] {strides = array<i32>} : memref<3x64x256xf32, #tpu.memory_space<vmem>>, vector<1x1x16xf32>,
        %swap3A_1401 = vector.shape_cast %swap3A_1400 : vector<1x1x16xf32> to vector<16xf32>
        %swap3A_1402 = vector.shape_cast %add3A_1396 : vector<16xf32> to vector<1x1x16xf32>
        tpu.vector_store %arg11[%swap3A_1397, %swap3A_1398, %swap3A_1399], %swap3A_1402 {strides = array<i32>} : memref<3x64x256xf32, #tpu.memory_space<vmem>>, vector<1x1x16xf32>,
        %get3A_1403 = arith.index_cast %rem3A_260 : i32 to index
        %get3A_1404 = arith.index_cast %add3A_1332 : i32 to index
        %get3A_1405 = arith.constant 80 : index
        %get3A_1406 = tpu.vector_load %arg10[%get3A_1403, %get3A_1404, %get3A_1405] {strides = array<i32>} : memref<3x64x256xf32, #tpu.memory_space<vmem>>, vector<1x1x16xf32>,
        %get3A_1407 = vector.shape_cast %get3A_1406 : vector<1x1x16xf32> to vector<16xf32>
        %mul3A_1408 = arith.mulf %gather3A_1328, %get3A_117 : vector<16xf32>
        %add3A_1409 = arith.addf %get3A_1407, %mul3A_1408 : vector<16xf32>
        %add3A_1410 = arith.addf %add3A_1409, %get3A_165 : vector<16xf32>
        %swap3A_1411 = arith.index_cast %rem3A_262 : i32 to index
        %swap3A_1412 = arith.index_cast %add3A_1332 : i32 to index
        %swap3A_1413 = arith.constant 80 : index
        %swap3A_1414 = tpu.vector_load %arg11[%swap3A_1411, %swap3A_1412, %swap3A_1413] {strides = array<i32>} : memref<3x64x256xf32, #tpu.memory_space<vmem>>, vector<1x1x16xf32>,
        %swap3A_1415 = vector.shape_cast %swap3A_1414 : vector<1x1x16xf32> to vector<16xf32>
        %swap3A_1416 = vector.shape_cast %add3A_1410 : vector<16xf32> to vector<1x1x16xf32>
        tpu.vector_store %arg11[%swap3A_1411, %swap3A_1412, %swap3A_1413], %swap3A_1416 {strides = array<i32>} : memref<3x64x256xf32, #tpu.memory_space<vmem>>, vector<1x1x16xf32>,
        %get3A_1417 = arith.index_cast %rem3A_260 : i32 to index
        %get3A_1418 = arith.index_cast %add3A_1332 : i32 to index
        %get3A_1419 = arith.constant 96 : index
        %get3A_1420 = tpu.vector_load %arg10[%get3A_1417, %get3A_1418, %get3A_1419] {strides = array<i32>} : memref<3x64x256xf32, #tpu.memory_space<vmem>>, vector<1x1x16xf32>,
        %get3A_1421 = vector.shape_cast %get3A_1420 : vector<1x1x16xf32> to vector<16xf32>
        %mul3A_1422 = arith.mulf %gather3A_1328, %get3A_120 : vector<16xf32>
        %add3A_1423 = arith.addf %get3A_1421, %mul3A_1422 : vector<16xf32>
        %add3A_1424 = arith.addf %add3A_1423, %get3A_168 : vector<16xf32>
        %swap3A_1425 = arith.index_cast %rem3A_262 : i32 to index
        %swap3A_1426 = arith.index_cast %add3A_1332 : i32 to index
        %swap3A_1427 = arith.constant 96 : index
        %swap3A_1428 = tpu.vector_load %arg11[%swap3A_1425, %swap3A_1426, %swap3A_1427] {strides = array<i32>} : memref<3x64x256xf32, #tpu.memory_space<vmem>>, vector<1x1x16xf32>,
        %swap3A_1429 = vector.shape_cast %swap3A_1428 : vector<1x1x16xf32> to vector<16xf32>
        %swap3A_1430 = vector.shape_cast %add3A_1424 : vector<16xf32> to vector<1x1x16xf32>
        tpu.vector_store %arg11[%swap3A_1425, %swap3A_1426, %swap3A_1427], %swap3A_1430 {strides = array<i32>} : memref<3x64x256xf32, #tpu.memory_space<vmem>>, vector<1x1x16xf32>,
        %get3A_1431 = arith.index_cast %rem3A_260 : i32 to index
        %get3A_1432 = arith.index_cast %add3A_1332 : i32 to index
        %get3A_1433 = arith.constant 112 : index
        %get3A_1434 = tpu.vector_load %arg10[%get3A_1431, %get3A_1432, %get3A_1433] {strides = array<i32>} : memref<3x64x256xf32, #tpu.memory_space<vmem>>, vector<1x1x16xf32>,
        %get3A_1435 = vector.shape_cast %get3A_1434 : vector<1x1x16xf32> to vector<16xf32>
        %mul3A_1436 = arith.mulf %gather3A_1328, %get3A_123 : vector<16xf32>
        %add3A_1437 = arith.addf %get3A_1435, %mul3A_1436 : vector<16xf32>
        %add3A_1438 = arith.addf %add3A_1437, %get3A_171 : vector<16xf32>
        %swap3A_1439 = arith.index_cast %rem3A_262 : i32 to index
        %swap3A_1440 = arith.index_cast %add3A_1332 : i32 to index
        %swap3A_1441 = arith.constant 112 : index
        %swap3A_1442 = tpu.vector_load %arg11[%swap3A_1439, %swap3A_1440, %swap3A_1441] {strides = array<i32>} : memref<3x64x256xf32, #tpu.memory_space<vmem>>, vector<1x1x16xf32>,
        %swap3A_1443 = vector.shape_cast %swap3A_1442 : vector<1x1x16xf32> to vector<16xf32>
        %swap3A_1444 = vector.shape_cast %add3A_1438 : vector<16xf32> to vector<1x1x16xf32>
        tpu.vector_store %arg11[%swap3A_1439, %swap3A_1440, %swap3A_1441], %swap3A_1444 {strides = array<i32>} : memref<3x64x256xf32, #tpu.memory_space<vmem>>, vector<1x1x16xf32>,
        %get3A_1445 = arith.index_cast %rem3A_260 : i32 to index
        %get3A_1446 = arith.index_cast %add3A_1332 : i32 to index
        %get3A_1447 = arith.constant 128 : index
        %get3A_1448 = tpu.vector_load %arg10[%get3A_1445, %get3A_1446, %get3A_1447] {strides = array<i32>} : memref<3x64x256xf32, #tpu.memory_space<vmem>>, vector<1x1x16xf32>,
        %get3A_1449 = vector.shape_cast %get3A_1448 : vector<1x1x16xf32> to vector<16xf32>
        %mul3A_1450 = arith.mulf %gather3A_1328, %get3A_126 : vector<16xf32>
        %add3A_1451 = arith.addf %get3A_1449, %mul3A_1450 : vector<16xf32>
        %add3A_1452 = arith.addf %add3A_1451, %get3A_174 : vector<16xf32>
        %swap3A_1453 = arith.index_cast %rem3A_262 : i32 to index
        %swap3A_1454 = arith.index_cast %add3A_1332 : i32 to index
        %swap3A_1455 = arith.constant 128 : index
        %swap3A_1456 = tpu.vector_load %arg11[%swap3A_1453, %swap3A_1454, %swap3A_1455] {strides = array<i32>} : memref<3x64x256xf32, #tpu.memory_space<vmem>>, vector<1x1x16xf32>,
        %swap3A_1457 = vector.shape_cast %swap3A_1456 : vector<1x1x16xf32> to vector<16xf32>
        %swap3A_1458 = vector.shape_cast %add3A_1452 : vector<16xf32> to vector<1x1x16xf32>
        tpu.vector_store %arg11[%swap3A_1453, %swap3A_1454, %swap3A_1455], %swap3A_1458 {strides = array<i32>} : memref<3x64x256xf32, #tpu.memory_space<vmem>>, vector<1x1x16xf32>,
        %get3A_1459 = arith.index_cast %rem3A_260 : i32 to index
        %get3A_1460 = arith.index_cast %add3A_1332 : i32 to index
        %get3A_1461 = arith.constant 144 : index
        %get3A_1462 = tpu.vector_load %arg10[%get3A_1459, %get3A_1460, %get3A_1461] {strides = array<i32>} : memref<3x64x256xf32, #tpu.memory_space<vmem>>, vector<1x1x16xf32>,
        %get3A_1463 = vector.shape_cast %get3A_1462 : vector<1x1x16xf32> to vector<16xf32>
        %mul3A_1464 = arith.mulf %gather3A_1328, %get3A_129 : vector<16xf32>
        %add3A_1465 = arith.addf %get3A_1463, %mul3A_1464 : vector<16xf32>
        %add3A_1466 = arith.addf %add3A_1465, %get3A_177 : vector<16xf32>
        %swap3A_1467 = arith.index_cast %rem3A_262 : i32 to index
        %swap3A_1468 = arith.index_cast %add3A_1332 : i32 to index
        %swap3A_1469 = arith.constant 144 : index
        %swap3A_1470 = tpu.vector_load %arg11[%swap3A_1467, %swap3A_1468, %swap3A_1469] {strides = array<i32>} : memref<3x64x256xf32, #tpu.memory_space<vmem>>, vector<1x1x16xf32>,
        %swap3A_1471 = vector.shape_cast %swap3A_1470 : vector<1x1x16xf32> to vector<16xf32>
        %swap3A_1472 = vector.shape_cast %add3A_1466 : vector<16xf32> to vector<1x1x16xf32>
        tpu.vector_store %arg11[%swap3A_1467, %swap3A_1468, %swap3A_1469], %swap3A_1472 {strides = array<i32>} : memref<3x64x256xf32, #tpu.memory_space<vmem>>, vector<1x1x16xf32>,
        %get3A_1473 = arith.index_cast %rem3A_260 : i32 to index
        %get3A_1474 = arith.index_cast %add3A_1332 : i32 to index
        %get3A_1475 = arith.constant 160 : index
        %get3A_1476 = tpu.vector_load %arg10[%get3A_1473, %get3A_1474, %get3A_1475] {strides = array<i32>} : memref<3x64x256xf32, #tpu.memory_space<vmem>>, vector<1x1x16xf32>,
        %get3A_1477 = vector.shape_cast %get3A_1476 : vector<1x1x16xf32> to vector<16xf32>
        %mul3A_1478 = arith.mulf %gather3A_1328, %get3A_132 : vector<16xf32>
        %add3A_1479 = arith.addf %get3A_1477, %mul3A_1478 : vector<16xf32>
        %add3A_1480 = arith.addf %add3A_1479, %get3A_180 : vector<16xf32>
        %swap3A_1481 = arith.index_cast %rem3A_262 : i32 to index
        %swap3A_1482 = arith.index_cast %add3A_1332 : i32 to index
        %swap3A_1483 = arith.constant 160 : index
        %swap3A_1484 = tpu.vector_load %arg11[%swap3A_1481, %swap3A_1482, %swap3A_1483] {strides = array<i32>} : memref<3x64x256xf32, #tpu.memory_space<vmem>>, vector<1x1x16xf32>,
        %swap3A_1485 = vector.shape_cast %swap3A_1484 : vector<1x1x16xf32> to vector<16xf32>
        %swap3A_1486 = vector.shape_cast %add3A_1480 : vector<16xf32> to vector<1x1x16xf32>
        tpu.vector_store %arg11[%swap3A_1481, %swap3A_1482, %swap3A_1483], %swap3A_1486 {strides = array<i32>} : memref<3x64x256xf32, #tpu.memory_space<vmem>>, vector<1x1x16xf32>,
        %get3A_1487 = arith.index_cast %rem3A_260 : i32 to index
        %get3A_1488 = arith.index_cast %add3A_1332 : i32 to index
        %get3A_1489 = arith.constant 176 : index
        %get3A_1490 = tpu.vector_load %arg10[%get3A_1487, %get3A_1488, %get3A_1489] {strides = array<i32>} : memref<3x64x256xf32, #tpu.memory_space<vmem>>, vector<1x1x16xf32>,
        %get3A_1491 = vector.shape_cast %get3A_1490 : vector<1x1x16xf32> to vector<16xf32>
        %mul3A_1492 = arith.mulf %gather3A_1328, %get3A_135 : vector<16xf32>
        %add3A_1493 = arith.addf %get3A_1491, %mul3A_1492 : vector<16xf32>
        %add3A_1494 = arith.addf %add3A_1493, %get3A_183 : vector<16xf32>
        %swap3A_1495 = arith.index_cast %rem3A_262 : i32 to index
        %swap3A_1496 = arith.index_cast %add3A_1332 : i32 to index
        %swap3A_1497 = arith.constant 176 : index
        %swap3A_1498 = tpu.vector_load %arg11[%swap3A_1495, %swap3A_1496, %swap3A_1497] {strides = array<i32>} : memref<3x64x256xf32, #tpu.memory_space<vmem>>, vector<1x1x16xf32>,
        %swap3A_1499 = vector.shape_cast %swap3A_1498 : vector<1x1x16xf32> to vector<16xf32>
        %swap3A_1500 = vector.shape_cast %add3A_1494 : vector<16xf32> to vector<1x1x16xf32>
        tpu.vector_store %arg11[%swap3A_1495, %swap3A_1496, %swap3A_1497], %swap3A_1500 {strides = array<i32>} : memref<3x64x256xf32, #tpu.memory_space<vmem>>, vector<1x1x16xf32>,
        %get3A_1501 = arith.index_cast %rem3A_260 : i32 to index
        %get3A_1502 = arith.index_cast %add3A_1332 : i32 to index
        %get3A_1503 = arith.constant 192 : index
        %get3A_1504 = tpu.vector_load %arg10[%get3A_1501, %get3A_1502, %get3A_1503] {strides = array<i32>} : memref<3x64x256xf32, #tpu.memory_space<vmem>>, vector<1x1x16xf32>,
        %get3A_1505 = vector.shape_cast %get3A_1504 : vector<1x1x16xf32> to vector<16xf32>
        %mul3A_1506 = arith.mulf %gather3A_1328, %get3A_138 : vector<16xf32>
        %add3A_1507 = arith.addf %get3A_1505, %mul3A_1506 : vector<16xf32>
        %add3A_1508 = arith.addf %add3A_1507, %get3A_186 : vector<16xf32>
        %swap3A_1509 = arith.index_cast %rem3A_262 : i32 to index
        %swap3A_1510 = arith.index_cast %add3A_1332 : i32 to index
        %swap3A_1511 = arith.constant 192 : index
        %swap3A_1512 = tpu.vector_load %arg11[%swap3A_1509, %swap3A_1510, %swap3A_1511] {strides = array<i32>} : memref<3x64x256xf32, #tpu.memory_space<vmem>>, vector<1x1x16xf32>,
        %swap3A_1513 = vector.shape_cast %swap3A_1512 : vector<1x1x16xf32> to vector<16xf32>
        %swap3A_1514 = vector.shape_cast %add3A_1508 : vector<16xf32> to vector<1x1x16xf32>
        tpu.vector_store %arg11[%swap3A_1509, %swap3A_1510, %swap3A_1511], %swap3A_1514 {strides = array<i32>} : memref<3x64x256xf32, #tpu.memory_space<vmem>>, vector<1x1x16xf32>,
        %get3A_1515 = arith.index_cast %rem3A_260 : i32 to index
        %get3A_1516 = arith.index_cast %add3A_1332 : i32 to index
        %get3A_1517 = arith.constant 208 : index
        %get3A_1518 = tpu.vector_load %arg10[%get3A_1515, %get3A_1516, %get3A_1517] {strides = array<i32>} : memref<3x64x256xf32, #tpu.memory_space<vmem>>, vector<1x1x16xf32>,
        %get3A_1519 = vector.shape_cast %get3A_1518 : vector<1x1x16xf32> to vector<16xf32>
        %mul3A_1520 = arith.mulf %gather3A_1328, %get3A_141 : vector<16xf32>
        %add3A_1521 = arith.addf %get3A_1519, %mul3A_1520 : vector<16xf32>
        %add3A_1522 = arith.addf %add3A_1521, %get3A_189 : vector<16xf32>
        %swap3A_1523 = arith.index_cast %rem3A_262 : i32 to index
        %swap3A_1524 = arith.index_cast %add3A_1332 : i32 to index
        %swap3A_1525 = arith.constant 208 : index
        %swap3A_1526 = tpu.vector_load %arg11[%swap3A_1523, %swap3A_1524, %swap3A_1525] {strides = array<i32>} : memref<3x64x256xf32, #tpu.memory_space<vmem>>, vector<1x1x16xf32>,
        %swap3A_1527 = vector.shape_cast %swap3A_1526 : vector<1x1x16xf32> to vector<16xf32>
        %swap3A_1528 = vector.shape_cast %add3A_1522 : vector<16xf32> to vector<1x1x16xf32>
        tpu.vector_store %arg11[%swap3A_1523, %swap3A_1524, %swap3A_1525], %swap3A_1528 {strides = array<i32>} : memref<3x64x256xf32, #tpu.memory_space<vmem>>, vector<1x1x16xf32>,
        %get3A_1529 = arith.index_cast %rem3A_260 : i32 to index
        %get3A_1530 = arith.index_cast %add3A_1332 : i32 to index
        %get3A_1531 = arith.constant 224 : index
        %get3A_1532 = tpu.vector_load %arg10[%get3A_1529, %get3A_1530, %get3A_1531] {strides = array<i32>} : memref<3x64x256xf32, #tpu.memory_space<vmem>>, vector<1x1x16xf32>,
        %get3A_1533 = vector.shape_cast %get3A_1532 : vector<1x1x16xf32> to vector<16xf32>
        %mul3A_1534 = arith.mulf %gather3A_1328, %get3A_144 : vector<16xf32>
        %add3A_1535 = arith.addf %get3A_1533, %mul3A_1534 : vector<16xf32>
        %add3A_1536 = arith.addf %add3A_1535, %get3A_192 : vector<16xf32>
        %swap3A_1537 = arith.index_cast %rem3A_262 : i32 to index
        %swap3A_1538 = arith.index_cast %add3A_1332 : i32 to index
        %swap3A_1539 = arith.constant 224 : index
        %swap3A_1540 = tpu.vector_load %arg11[%swap3A_1537, %swap3A_1538, %swap3A_1539] {strides = array<i32>} : memref<3x64x256xf32, #tpu.memory_space<vmem>>, vector<1x1x16xf32>,
        %swap3A_1541 = vector.shape_cast %swap3A_1540 : vector<1x1x16xf32> to vector<16xf32>
        %swap3A_1542 = vector.shape_cast %add3A_1536 : vector<16xf32> to vector<1x1x16xf32>
        tpu.vector_store %arg11[%swap3A_1537, %swap3A_1538, %swap3A_1539], %swap3A_1542 {strides = array<i32>} : memref<3x64x256xf32, #tpu.memory_space<vmem>>, vector<1x1x16xf32>,
        %get3A_1543 = arith.index_cast %rem3A_260 : i32 to index
        %get3A_1544 = arith.index_cast %add3A_1332 : i32 to index
        %get3A_1545 = arith.constant 240 : index
        %get3A_1546 = tpu.vector_load %arg10[%get3A_1543, %get3A_1544, %get3A_1545] {strides = array<i32>} : memref<3x64x256xf32, #tpu.memory_space<vmem>>, vector<1x1x16xf32>,
        %get3A_1547 = vector.shape_cast %get3A_1546 : vector<1x1x16xf32> to vector<16xf32>
        %mul3A_1548 = arith.mulf %gather3A_1328, %get3A_147 : vector<16xf32>
        %add3A_1549 = arith.addf %get3A_1547, %mul3A_1548 : vector<16xf32>
        %add3A_1550 = arith.addf %add3A_1549, %get3A_195 : vector<16xf32>
        %swap3A_1551 = arith.index_cast %rem3A_262 : i32 to index
        %swap3A_1552 = arith.index_cast %add3A_1332 : i32 to index
        %swap3A_1553 = arith.constant 240 : index
        %swap3A_1554 = tpu.vector_load %arg11[%swap3A_1551, %swap3A_1552, %swap3A_1553] {strides = array<i32>} : memref<3x64x256xf32, #tpu.memory_space<vmem>>, vector<1x1x16xf32>,
        %swap3A_1555 = vector.shape_cast %swap3A_1554 : vector<1x1x16xf32> to vector<16xf32>
        %swap3A_1556 = vector.shape_cast %add3A_1550 : vector<16xf32> to vector<1x1x16xf32>
        tpu.vector_store %arg11[%swap3A_1551, %swap3A_1552, %swap3A_1553], %swap3A_1556 {strides = array<i32>} : memref<3x64x256xf32, #tpu.memory_space<vmem>>, vector<1x1x16xf32>,
        %broadcast_in_dim3A_1557 = arith.constant 5 : i32
        %broadcast_in_dim3A_1558 = vector.broadcast %broadcast_in_dim3A_1557 : i32 to vector<16x1xi32>
        %gather3A_1559 = vector.shape_cast %broadcast_in_dim3A_1558 : vector<16x1xi32> to vector<16xi32>
        %gather3A_1560 = tpu.dynamic_gather %get3A_399[%gather3A_1559] in [0] : vector<16xf32>, vector<16xi32> -> vector<16xf32>
        %mul3A_1561 = arith.constant 16 : i32
        %mul3A_1562 = arith.muli %scan3A_350, %mul3A_1561 : i32
        %add3A_1563 = arith.constant 5 : i32
        %add3A_1564 = arith.addi %mul3A_1562, %add3A_1563 : i32
        %get3A_1565 = arith.index_cast %rem3A_260 : i32 to index
        %get3A_1566 = arith.index_cast %add3A_1564 : i32 to index
        %get3A_1567 = arith.constant 0 : index
        %get3A_1568 = tpu.vector_load %arg10[%get3A_1565, %get3A_1566, %get3A_1567] {strides = array<i32>} : memref<3x64x256xf32, #tpu.memory_space<vmem>>, vector<1x1x16xf32>,
        %get3A_1569 = vector.shape_cast %get3A_1568 : vector<1x1x16xf32> to vector<16xf32>
        %mul3A_1570 = arith.mulf %gather3A_1560, %get3A_102 : vector<16xf32>
        %add3A_1571 = arith.addf %get3A_1569, %mul3A_1570 : vector<16xf32>
        %add3A_1572 = arith.addf %add3A_1571, %get3A_150 : vector<16xf32>
        %swap3A_1573 = arith.index_cast %rem3A_262 : i32 to index
        %swap3A_1574 = arith.index_cast %add3A_1564 : i32 to index
        %swap3A_1575 = arith.constant 0 : index
        %swap3A_1576 = tpu.vector_load %arg11[%swap3A_1573, %swap3A_1574, %swap3A_1575] {strides = array<i32>} : memref<3x64x256xf32, #tpu.memory_space<vmem>>, vector<1x1x16xf32>,
        %swap3A_1577 = vector.shape_cast %swap3A_1576 : vector<1x1x16xf32> to vector<16xf32>
        %swap3A_1578 = vector.shape_cast %add3A_1572 : vector<16xf32> to vector<1x1x16xf32>
        tpu.vector_store %arg11[%swap3A_1573, %swap3A_1574, %swap3A_1575], %swap3A_1578 {strides = array<i32>} : memref<3x64x256xf32, #tpu.memory_space<vmem>>, vector<1x1x16xf32>,
        %get3A_1579 = arith.index_cast %rem3A_260 : i32 to index
        %get3A_1580 = arith.index_cast %add3A_1564 : i32 to index
        %get3A_1581 = arith.constant 16 : index
        %get3A_1582 = tpu.vector_load %arg10[%get3A_1579, %get3A_1580, %get3A_1581] {strides = array<i32>} : memref<3x64x256xf32, #tpu.memory_space<vmem>>, vector<1x1x16xf32>,
        %get3A_1583 = vector.shape_cast %get3A_1582 : vector<1x1x16xf32> to vector<16xf32>
        %mul3A_1584 = arith.mulf %gather3A_1560, %get3A_105 : vector<16xf32>
        %add3A_1585 = arith.addf %get3A_1583, %mul3A_1584 : vector<16xf32>
        %add3A_1586 = arith.addf %add3A_1585, %get3A_153 : vector<16xf32>
        %swap3A_1587 = arith.index_cast %rem3A_262 : i32 to index
        %swap3A_1588 = arith.index_cast %add3A_1564 : i32 to index
        %swap3A_1589 = arith.constant 16 : index
        %swap3A_1590 = tpu.vector_load %arg11[%swap3A_1587, %swap3A_1588, %swap3A_1589] {strides = array<i32>} : memref<3x64x256xf32, #tpu.memory_space<vmem>>, vector<1x1x16xf32>,
        %swap3A_1591 = vector.shape_cast %swap3A_1590 : vector<1x1x16xf32> to vector<16xf32>
        %swap3A_1592 = vector.shape_cast %add3A_1586 : vector<16xf32> to vector<1x1x16xf32>
        tpu.vector_store %arg11[%swap3A_1587, %swap3A_1588, %swap3A_1589], %swap3A_1592 {strides = array<i32>} : memref<3x64x256xf32, #tpu.memory_space<vmem>>, vector<1x1x16xf32>,
        %get3A_1593 = arith.index_cast %rem3A_260 : i32 to index
        %get3A_1594 = arith.index_cast %add3A_1564 : i32 to index
        %get3A_1595 = arith.constant 32 : index
        %get3A_1596 = tpu.vector_load %arg10[%get3A_1593, %get3A_1594, %get3A_1595] {strides = array<i32>} : memref<3x64x256xf32, #tpu.memory_space<vmem>>, vector<1x1x16xf32>,
        %get3A_1597 = vector.shape_cast %get3A_1596 : vector<1x1x16xf32> to vector<16xf32>
        %mul3A_1598 = arith.mulf %gather3A_1560, %get3A_108 : vector<16xf32>
        %add3A_1599 = arith.addf %get3A_1597, %mul3A_1598 : vector<16xf32>
        %add3A_1600 = arith.addf %add3A_1599, %get3A_156 : vector<16xf32>
        %swap3A_1601 = arith.index_cast %rem3A_262 : i32 to index
        %swap3A_1602 = arith.index_cast %add3A_1564 : i32 to index
        %swap3A_1603 = arith.constant 32 : index
        %swap3A_1604 = tpu.vector_load %arg11[%swap3A_1601, %swap3A_1602, %swap3A_1603] {strides = array<i32>} : memref<3x64x256xf32, #tpu.memory_space<vmem>>, vector<1x1x16xf32>,
        %swap3A_1605 = vector.shape_cast %swap3A_1604 : vector<1x1x16xf32> to vector<16xf32>
        %swap3A_1606 = vector.shape_cast %add3A_1600 : vector<16xf32> to vector<1x1x16xf32>
        tpu.vector_store %arg11[%swap3A_1601, %swap3A_1602, %swap3A_1603], %swap3A_1606 {strides = array<i32>} : memref<3x64x256xf32, #tpu.memory_space<vmem>>, vector<1x1x16xf32>,
        %get3A_1607 = arith.index_cast %rem3A_260 : i32 to index
        %get3A_1608 = arith.index_cast %add3A_1564 : i32 to index
        %get3A_1609 = arith.constant 48 : index
        %get3A_1610 = tpu.vector_load %arg10[%get3A_1607, %get3A_1608, %get3A_1609] {strides = array<i32>} : memref<3x64x256xf32, #tpu.memory_space<vmem>>, vector<1x1x16xf32>,
        %get3A_1611 = vector.shape_cast %get3A_1610 : vector<1x1x16xf32> to vector<16xf32>
        %mul3A_1612 = arith.mulf %gather3A_1560, %get3A_111 : vector<16xf32>
        %add3A_1613 = arith.addf %get3A_1611, %mul3A_1612 : vector<16xf32>
        %add3A_1614 = arith.addf %add3A_1613, %get3A_159 : vector<16xf32>
        %swap3A_1615 = arith.index_cast %rem3A_262 : i32 to index
        %swap3A_1616 = arith.index_cast %add3A_1564 : i32 to index
        %swap3A_1617 = arith.constant 48 : index
        %swap3A_1618 = tpu.vector_load %arg11[%swap3A_1615, %swap3A_1616, %swap3A_1617] {strides = array<i32>} : memref<3x64x256xf32, #tpu.memory_space<vmem>>, vector<1x1x16xf32>,
        %swap3A_1619 = vector.shape_cast %swap3A_1618 : vector<1x1x16xf32> to vector<16xf32>
        %swap3A_1620 = vector.shape_cast %add3A_1614 : vector<16xf32> to vector<1x1x16xf32>
        tpu.vector_store %arg11[%swap3A_1615, %swap3A_1616, %swap3A_1617], %swap3A_1620 {strides = array<i32>} : memref<3x64x256xf32, #tpu.memory_space<vmem>>, vector<1x1x16xf32>,
        %get3A_1621 = arith.index_cast %rem3A_260 : i32 to index
        %get3A_1622 = arith.index_cast %add3A_1564 : i32 to index
        %get3A_1623 = arith.constant 64 : index
        %get3A_1624 = tpu.vector_load %arg10[%get3A_1621, %get3A_1622, %get3A_1623] {strides = array<i32>} : memref<3x64x256xf32, #tpu.memory_space<vmem>>, vector<1x1x16xf32>,
        %get3A_1625 = vector.shape_cast %get3A_1624 : vector<1x1x16xf32> to vector<16xf32>
        %mul3A_1626 = arith.mulf %gather3A_1560, %get3A_114 : vector<16xf32>
        %add3A_1627 = arith.addf %get3A_1625, %mul3A_1626 : vector<16xf32>
        %add3A_1628 = arith.addf %add3A_1627, %get3A_162 : vector<16xf32>
        %swap3A_1629 = arith.index_cast %rem3A_262 : i32 to index
        %swap3A_1630 = arith.index_cast %add3A_1564 : i32 to index
        %swap3A_1631 = arith.constant 64 : index
        %swap3A_1632 = tpu.vector_load %arg11[%swap3A_1629, %swap3A_1630, %swap3A_1631] {strides = array<i32>} : memref<3x64x256xf32, #tpu.memory_space<vmem>>, vector<1x1x16xf32>,
        %swap3A_1633 = vector.shape_cast %swap3A_1632 : vector<1x1x16xf32> to vector<16xf32>
        %swap3A_1634 = vector.shape_cast %add3A_1628 : vector<16xf32> to vector<1x1x16xf32>
        tpu.vector_store %arg11[%swap3A_1629, %swap3A_1630, %swap3A_1631], %swap3A_1634 {strides = array<i32>} : memref<3x64x256xf32, #tpu.memory_space<vmem>>, vector<1x1x16xf32>,
        %get3A_1635 = arith.index_cast %rem3A_260 : i32 to index
        %get3A_1636 = arith.index_cast %add3A_1564 : i32 to index
        %get3A_1637 = arith.constant 80 : index
        %get3A_1638 = tpu.vector_load %arg10[%get3A_1635, %get3A_1636, %get3A_1637] {strides = array<i32>} : memref<3x64x256xf32, #tpu.memory_space<vmem>>, vector<1x1x16xf32>,
        %get3A_1639 = vector.shape_cast %get3A_1638 : vector<1x1x16xf32> to vector<16xf32>
        %mul3A_1640 = arith.mulf %gather3A_1560, %get3A_117 : vector<16xf32>
        %add3A_1641 = arith.addf %get3A_1639, %mul3A_1640 : vector<16xf32>
        %add3A_1642 = arith.addf %add3A_1641, %get3A_165 : vector<16xf32>
        %swap3A_1643 = arith.index_cast %rem3A_262 : i32 to index
        %swap3A_1644 = arith.index_cast %add3A_1564 : i32 to index
        %swap3A_1645 = arith.constant 80 : index
        %swap3A_1646 = tpu.vector_load %arg11[%swap3A_1643, %swap3A_1644, %swap3A_1645] {strides = array<i32>} : memref<3x64x256xf32, #tpu.memory_space<vmem>>, vector<1x1x16xf32>,
        %swap3A_1647 = vector.shape_cast %swap3A_1646 : vector<1x1x16xf32> to vector<16xf32>
        %swap3A_1648 = vector.shape_cast %add3A_1642 : vector<16xf32> to vector<1x1x16xf32>
        tpu.vector_store %arg11[%swap3A_1643, %swap3A_1644, %swap3A_1645], %swap3A_1648 {strides = array<i32>} : memref<3x64x256xf32, #tpu.memory_space<vmem>>, vector<1x1x16xf32>,
        %get3A_1649 = arith.index_cast %rem3A_260 : i32 to index
        %get3A_1650 = arith.index_cast %add3A_1564 : i32 to index
        %get3A_1651 = arith.constant 96 : index
        %get3A_1652 = tpu.vector_load %arg10[%get3A_1649, %get3A_1650, %get3A_1651] {strides = array<i32>} : memref<3x64x256xf32, #tpu.memory_space<vmem>>, vector<1x1x16xf32>,
        %get3A_1653 = vector.shape_cast %get3A_1652 : vector<1x1x16xf32> to vector<16xf32>
        %mul3A_1654 = arith.mulf %gather3A_1560, %get3A_120 : vector<16xf32>
        %add3A_1655 = arith.addf %get3A_1653, %mul3A_1654 : vector<16xf32>
        %add3A_1656 = arith.addf %add3A_1655, %get3A_168 : vector<16xf32>
        %swap3A_1657 = arith.index_cast %rem3A_262 : i32 to index
        %swap3A_1658 = arith.index_cast %add3A_1564 : i32 to index
        %swap3A_1659 = arith.constant 96 : index
        %swap3A_1660 = tpu.vector_load %arg11[%swap3A_1657, %swap3A_1658, %swap3A_1659] {strides = array<i32>} : memref<3x64x256xf32, #tpu.memory_space<vmem>>, vector<1x1x16xf32>,
        %swap3A_1661 = vector.shape_cast %swap3A_1660 : vector<1x1x16xf32> to vector<16xf32>
        %swap3A_1662 = vector.shape_cast %add3A_1656 : vector<16xf32> to vector<1x1x16xf32>
        tpu.vector_store %arg11[%swap3A_1657, %swap3A_1658, %swap3A_1659], %swap3A_1662 {strides = array<i32>} : memref<3x64x256xf32, #tpu.memory_space<vmem>>, vector<1x1x16xf32>,
        %get3A_1663 = arith.index_cast %rem3A_260 : i32 to index
        %get3A_1664 = arith.index_cast %add3A_1564 : i32 to index
        %get3A_1665 = arith.constant 112 : index
        %get3A_1666 = tpu.vector_load %arg10[%get3A_1663, %get3A_1664, %get3A_1665] {strides = array<i32>} : memref<3x64x256xf32, #tpu.memory_space<vmem>>, vector<1x1x16xf32>,
        %get3A_1667 = vector.shape_cast %get3A_1666 : vector<1x1x16xf32> to vector<16xf32>
        %mul3A_1668 = arith.mulf %gather3A_1560, %get3A_123 : vector<16xf32>
        %add3A_1669 = arith.addf %get3A_1667, %mul3A_1668 : vector<16xf32>
        %add3A_1670 = arith.addf %add3A_1669, %get3A_171 : vector<16xf32>
        %swap3A_1671 = arith.index_cast %rem3A_262 : i32 to index
        %swap3A_1672 = arith.index_cast %add3A_1564 : i32 to index
        %swap3A_1673 = arith.constant 112 : index
        %swap3A_1674 = tpu.vector_load %arg11[%swap3A_1671, %swap3A_1672, %swap3A_1673] {strides = array<i32>} : memref<3x64x256xf32, #tpu.memory_space<vmem>>, vector<1x1x16xf32>,
        %swap3A_1675 = vector.shape_cast %swap3A_1674 : vector<1x1x16xf32> to vector<16xf32>
        %swap3A_1676 = vector.shape_cast %add3A_1670 : vector<16xf32> to vector<1x1x16xf32>
        tpu.vector_store %arg11[%swap3A_1671, %swap3A_1672, %swap3A_1673], %swap3A_1676 {strides = array<i32>} : memref<3x64x256xf32, #tpu.memory_space<vmem>>, vector<1x1x16xf32>,
        %get3A_1677 = arith.index_cast %rem3A_260 : i32 to index
        %get3A_1678 = arith.index_cast %add3A_1564 : i32 to index
        %get3A_1679 = arith.constant 128 : index
        %get3A_1680 = tpu.vector_load %arg10[%get3A_1677, %get3A_1678, %get3A_1679] {strides = array<i32>} : memref<3x64x256xf32, #tpu.memory_space<vmem>>, vector<1x1x16xf32>,
        %get3A_1681 = vector.shape_cast %get3A_1680 : vector<1x1x16xf32> to vector<16xf32>
        %mul3A_1682 = arith.mulf %gather3A_1560, %get3A_126 : vector<16xf32>
        %add3A_1683 = arith.addf %get3A_1681, %mul3A_1682 : vector<16xf32>
        %add3A_1684 = arith.addf %add3A_1683, %get3A_174 : vector<16xf32>
        %swap3A_1685 = arith.index_cast %rem3A_262 : i32 to index
        %swap3A_1686 = arith.index_cast %add3A_1564 : i32 to index
        %swap3A_1687 = arith.constant 128 : index
        %swap3A_1688 = tpu.vector_load %arg11[%swap3A_1685, %swap3A_1686, %swap3A_1687] {strides = array<i32>} : memref<3x64x256xf32, #tpu.memory_space<vmem>>, vector<1x1x16xf32>,
        %swap3A_1689 = vector.shape_cast %swap3A_1688 : vector<1x1x16xf32> to vector<16xf32>
        %swap3A_1690 = vector.shape_cast %add3A_1684 : vector<16xf32> to vector<1x1x16xf32>
        tpu.vector_store %arg11[%swap3A_1685, %swap3A_1686, %swap3A_1687], %swap3A_1690 {strides = array<i32>} : memref<3x64x256xf32, #tpu.memory_space<vmem>>, vector<1x1x16xf32>,
        %get3A_1691 = arith.index_cast %rem3A_260 : i32 to index
        %get3A_1692 = arith.index_cast %add3A_1564 : i32 to index
        %get3A_1693 = arith.constant 144 : index
        %get3A_1694 = tpu.vector_load %arg10[%get3A_1691, %get3A_1692, %get3A_1693] {strides = array<i32>} : memref<3x64x256xf32, #tpu.memory_space<vmem>>, vector<1x1x16xf32>,
        %get3A_1695 = vector.shape_cast %get3A_1694 : vector<1x1x16xf32> to vector<16xf32>
        %mul3A_1696 = arith.mulf %gather3A_1560, %get3A_129 : vector<16xf32>
        %add3A_1697 = arith.addf %get3A_1695, %mul3A_1696 : vector<16xf32>
        %add3A_1698 = arith.addf %add3A_1697, %get3A_177 : vector<16xf32>
        %swap3A_1699 = arith.index_cast %rem3A_262 : i32 to index
        %swap3A_1700 = arith.index_cast %add3A_1564 : i32 to index
        %swap3A_1701 = arith.constant 144 : index
        %swap3A_1702 = tpu.vector_load %arg11[%swap3A_1699, %swap3A_1700, %swap3A_1701] {strides = array<i32>} : memref<3x64x256xf32, #tpu.memory_space<vmem>>, vector<1x1x16xf32>,
        %swap3A_1703 = vector.shape_cast %swap3A_1702 : vector<1x1x16xf32> to vector<16xf32>
        %swap3A_1704 = vector.shape_cast %add3A_1698 : vector<16xf32> to vector<1x1x16xf32>
        tpu.vector_store %arg11[%swap3A_1699, %swap3A_1700, %swap3A_1701], %swap3A_1704 {strides = array<i32>} : memref<3x64x256xf32, #tpu.memory_space<vmem>>, vector<1x1x16xf32>,
        %get3A_1705 = arith.index_cast %rem3A_260 : i32 to index
        %get3A_1706 = arith.index_cast %add3A_1564 : i32 to index
        %get3A_1707 = arith.constant 160 : index
        %get3A_1708 = tpu.vector_load %arg10[%get3A_1705, %get3A_1706, %get3A_1707] {strides = array<i32>} : memref<3x64x256xf32, #tpu.memory_space<vmem>>, vector<1x1x16xf32>,
        %get3A_1709 = vector.shape_cast %get3A_1708 : vector<1x1x16xf32> to vector<16xf32>
        %mul3A_1710 = arith.mulf %gather3A_1560, %get3A_132 : vector<16xf32>
        %add3A_1711 = arith.addf %get3A_1709, %mul3A_1710 : vector<16xf32>
        %add3A_1712 = arith.addf %add3A_1711, %get3A_180 : vector<16xf32>
        %swap3A_1713 = arith.index_cast %rem3A_262 : i32 to index
        %swap3A_1714 = arith.index_cast %add3A_1564 : i32 to index
        %swap3A_1715 = arith.constant 160 : index
        %swap3A_1716 = tpu.vector_load %arg11[%swap3A_1713, %swap3A_1714, %swap3A_1715] {strides = array<i32>} : memref<3x64x256xf32, #tpu.memory_space<vmem>>, vector<1x1x16xf32>,
        %swap3A_1717 = vector.shape_cast %swap3A_1716 : vector<1x1x16xf32> to vector<16xf32>
        %swap3A_1718 = vector.shape_cast %add3A_1712 : vector<16xf32> to vector<1x1x16xf32>
        tpu.vector_store %arg11[%swap3A_1713, %swap3A_1714, %swap3A_1715], %swap3A_1718 {strides = array<i32>} : memref<3x64x256xf32, #tpu.memory_space<vmem>>, vector<1x1x16xf32>,
        %get3A_1719 = arith.index_cast %rem3A_260 : i32 to index
        %get3A_1720 = arith.index_cast %add3A_1564 : i32 to index
        %get3A_1721 = arith.constant 176 : index
        %get3A_1722 = tpu.vector_load %arg10[%get3A_1719, %get3A_1720, %get3A_1721] {strides = array<i32>} : memref<3x64x256xf32, #tpu.memory_space<vmem>>, vector<1x1x16xf32>,
        %get3A_1723 = vector.shape_cast %get3A_1722 : vector<1x1x16xf32> to vector<16xf32>
        %mul3A_1724 = arith.mulf %gather3A_1560, %get3A_135 : vector<16xf32>
        %add3A_1725 = arith.addf %get3A_1723, %mul3A_1724 : vector<16xf32>
        %add3A_1726 = arith.addf %add3A_1725, %get3A_183 : vector<16xf32>
        %swap3A_1727 = arith.index_cast %rem3A_262 : i32 to index
        %swap3A_1728 = arith.index_cast %add3A_1564 : i32 to index
        %swap3A_1729 = arith.constant 176 : index
        %swap3A_1730 = tpu.vector_load %arg11[%swap3A_1727, %swap3A_1728, %swap3A_1729] {strides = array<i32>} : memref<3x64x256xf32, #tpu.memory_space<vmem>>, vector<1x1x16xf32>,
        %swap3A_1731 = vector.shape_cast %swap3A_1730 : vector<1x1x16xf32> to vector<16xf32>
        %swap3A_1732 = vector.shape_cast %add3A_1726 : vector<16xf32> to vector<1x1x16xf32>
        tpu.vector_store %arg11[%swap3A_1727, %swap3A_1728, %swap3A_1729], %swap3A_1732 {strides = array<i32>} : memref<3x64x256xf32, #tpu.memory_space<vmem>>, vector<1x1x16xf32>,
        %get3A_1733 = arith.index_cast %rem3A_260 : i32 to index
        %get3A_1734 = arith.index_cast %add3A_1564 : i32 to index
        %get3A_1735 = arith.constant 192 : index
        %get3A_1736 = tpu.vector_load %arg10[%get3A_1733, %get3A_1734, %get3A_1735] {strides = array<i32>} : memref<3x64x256xf32, #tpu.memory_space<vmem>>, vector<1x1x16xf32>,
        %get3A_1737 = vector.shape_cast %get3A_1736 : vector<1x1x16xf32> to vector<16xf32>
        %mul3A_1738 = arith.mulf %gather3A_1560, %get3A_138 : vector<16xf32>
        %add3A_1739 = arith.addf %get3A_1737, %mul3A_1738 : vector<16xf32>
        %add3A_1740 = arith.addf %add3A_1739, %get3A_186 : vector<16xf32>
        %swap3A_1741 = arith.index_cast %rem3A_262 : i32 to index
        %swap3A_1742 = arith.index_cast %add3A_1564 : i32 to index
        %swap3A_1743 = arith.constant 192 : index
        %swap3A_1744 = tpu.vector_load %arg11[%swap3A_1741, %swap3A_1742, %swap3A_1743] {strides = array<i32>} : memref<3x64x256xf32, #tpu.memory_space<vmem>>, vector<1x1x16xf32>,
        %swap3A_1745 = vector.shape_cast %swap3A_1744 : vector<1x1x16xf32> to vector<16xf32>
        %swap3A_1746 = vector.shape_cast %add3A_1740 : vector<16xf32> to vector<1x1x16xf32>
        tpu.vector_store %arg11[%swap3A_1741, %swap3A_1742, %swap3A_1743], %swap3A_1746 {strides = array<i32>} : memref<3x64x256xf32, #tpu.memory_space<vmem>>, vector<1x1x16xf32>,
        %get3A_1747 = arith.index_cast %rem3A_260 : i32 to index
        %get3A_1748 = arith.index_cast %add3A_1564 : i32 to index
        %get3A_1749 = arith.constant 208 : index
        %get3A_1750 = tpu.vector_load %arg10[%get3A_1747, %get3A_1748, %get3A_1749] {strides = array<i32>} : memref<3x64x256xf32, #tpu.memory_space<vmem>>, vector<1x1x16xf32>,
        %get3A_1751 = vector.shape_cast %get3A_1750 : vector<1x1x16xf32> to vector<16xf32>
        %mul3A_1752 = arith.mulf %gather3A_1560, %get3A_141 : vector<16xf32>
        %add3A_1753 = arith.addf %get3A_1751, %mul3A_1752 : vector<16xf32>
        %add3A_1754 = arith.addf %add3A_1753, %get3A_189 : vector<16xf32>
        %swap3A_1755 = arith.index_cast %rem3A_262 : i32 to index
        %swap3A_1756 = arith.index_cast %add3A_1564 : i32 to index
        %swap3A_1757 = arith.constant 208 : index
        %swap3A_1758 = tpu.vector_load %arg11[%swap3A_1755, %swap3A_1756, %swap3A_1757] {strides = array<i32>} : memref<3x64x256xf32, #tpu.memory_space<vmem>>, vector<1x1x16xf32>,
        %swap3A_1759 = vector.shape_cast %swap3A_1758 : vector<1x1x16xf32> to vector<16xf32>
        %swap3A_1760 = vector.shape_cast %add3A_1754 : vector<16xf32> to vector<1x1x16xf32>
        tpu.vector_store %arg11[%swap3A_1755, %swap3A_1756, %swap3A_1757], %swap3A_1760 {strides = array<i32>} : memref<3x64x256xf32, #tpu.memory_space<vmem>>, vector<1x1x16xf32>,
        %get3A_1761 = arith.index_cast %rem3A_260 : i32 to index
        %get3A_1762 = arith.index_cast %add3A_1564 : i32 to index
        %get3A_1763 = arith.constant 224 : index
        %get3A_1764 = tpu.vector_load %arg10[%get3A_1761, %get3A_1762, %get3A_1763] {strides = array<i32>} : memref<3x64x256xf32, #tpu.memory_space<vmem>>, vector<1x1x16xf32>,
        %get3A_1765 = vector.shape_cast %get3A_1764 : vector<1x1x16xf32> to vector<16xf32>
        %mul3A_1766 = arith.mulf %gather3A_1560, %get3A_144 : vector<16xf32>
        %add3A_1767 = arith.addf %get3A_1765, %mul3A_1766 : vector<16xf32>
        %add3A_1768 = arith.addf %add3A_1767, %get3A_192 : vector<16xf32>
        %swap3A_1769 = arith.index_cast %rem3A_262 : i32 to index
        %swap3A_1770 = arith.index_cast %add3A_1564 : i32 to index
        %swap3A_1771 = arith.constant 224 : index
        %swap3A_1772 = tpu.vector_load %arg11[%swap3A_1769, %swap3A_1770, %swap3A_1771] {strides = array<i32>} : memref<3x64x256xf32, #tpu.memory_space<vmem>>, vector<1x1x16xf32>,
        %swap3A_1773 = vector.shape_cast %swap3A_1772 : vector<1x1x16xf32> to vector<16xf32>
        %swap3A_1774 = vector.shape_cast %add3A_1768 : vector<16xf32> to vector<1x1x16xf32>
        tpu.vector_store %arg11[%swap3A_1769, %swap3A_1770, %swap3A_1771], %swap3A_1774 {strides = array<i32>} : memref<3x64x256xf32, #tpu.memory_space<vmem>>, vector<1x1x16xf32>,
        %get3A_1775 = arith.index_cast %rem3A_260 : i32 to index
        %get3A_1776 = arith.index_cast %add3A_1564 : i32 to index
        %get3A_1777 = arith.constant 240 : index
        %get3A_1778 = tpu.vector_load %arg10[%get3A_1775, %get3A_1776, %get3A_1777] {strides = array<i32>} : memref<3x64x256xf32, #tpu.memory_space<vmem>>, vector<1x1x16xf32>,
        %get3A_1779 = vector.shape_cast %get3A_1778 : vector<1x1x16xf32> to vector<16xf32>
        %mul3A_1780 = arith.mulf %gather3A_1560, %get3A_147 : vector<16xf32>
        %add3A_1781 = arith.addf %get3A_1779, %mul3A_1780 : vector<16xf32>
        %add3A_1782 = arith.addf %add3A_1781, %get3A_195 : vector<16xf32>
        %swap3A_1783 = arith.index_cast %rem3A_262 : i32 to index
        %swap3A_1784 = arith.index_cast %add3A_1564 : i32 to index
        %swap3A_1785 = arith.constant 240 : index
        %swap3A_1786 = tpu.vector_load %arg11[%swap3A_1783, %swap3A_1784, %swap3A_1785] {strides = array<i32>} : memref<3x64x256xf32, #tpu.memory_space<vmem>>, vector<1x1x16xf32>,
        %swap3A_1787 = vector.shape_cast %swap3A_1786 : vector<1x1x16xf32> to vector<16xf32>
        %swap3A_1788 = vector.shape_cast %add3A_1782 : vector<16xf32> to vector<1x1x16xf32>
        tpu.vector_store %arg11[%swap3A_1783, %swap3A_1784, %swap3A_1785], %swap3A_1788 {strides = array<i32>} : memref<3x64x256xf32, #tpu.memory_space<vmem>>, vector<1x1x16xf32>,
        %broadcast_in_dim3A_1789 = arith.constant 6 : i32
        %broadcast_in_dim3A_1790 = vector.broadcast %broadcast_in_dim3A_1789 : i32 to vector<16x1xi32>
        %gather3A_1791 = vector.shape_cast %broadcast_in_dim3A_1790 : vector<16x1xi32> to vector<16xi32>
        %gather3A_1792 = tpu.dynamic_gather %get3A_399[%gather3A_1791] in [0] : vector<16xf32>, vector<16xi32> -> vector<16xf32>
        %mul3A_1793 = arith.constant 16 : i32
        %mul3A_1794 = arith.muli %scan3A_350, %mul3A_1793 : i32
        %add3A_1795 = arith.constant 6 : i32
        %add3A_1796 = arith.addi %mul3A_1794, %add3A_1795 : i32
        %get3A_1797 = arith.index_cast %rem3A_260 : i32 to index
        %get3A_1798 = arith.index_cast %add3A_1796 : i32 to index
        %get3A_1799 = arith.constant 0 : index
        %get3A_1800 = tpu.vector_load %arg10[%get3A_1797, %get3A_1798, %get3A_1799] {strides = array<i32>} : memref<3x64x256xf32, #tpu.memory_space<vmem>>, vector<1x1x16xf32>,
        %get3A_1801 = vector.shape_cast %get3A_1800 : vector<1x1x16xf32> to vector<16xf32>
        %mul3A_1802 = arith.mulf %gather3A_1792, %get3A_102 : vector<16xf32>
        %add3A_1803 = arith.addf %get3A_1801, %mul3A_1802 : vector<16xf32>
        %add3A_1804 = arith.addf %add3A_1803, %get3A_150 : vector<16xf32>
        %swap3A_1805 = arith.index_cast %rem3A_262 : i32 to index
        %swap3A_1806 = arith.index_cast %add3A_1796 : i32 to index
        %swap3A_1807 = arith.constant 0 : index
        %swap3A_1808 = tpu.vector_load %arg11[%swap3A_1805, %swap3A_1806, %swap3A_1807] {strides = array<i32>} : memref<3x64x256xf32, #tpu.memory_space<vmem>>, vector<1x1x16xf32>,
        %swap3A_1809 = vector.shape_cast %swap3A_1808 : vector<1x1x16xf32> to vector<16xf32>
        %swap3A_1810 = vector.shape_cast %add3A_1804 : vector<16xf32> to vector<1x1x16xf32>
        tpu.vector_store %arg11[%swap3A_1805, %swap3A_1806, %swap3A_1807], %swap3A_1810 {strides = array<i32>} : memref<3x64x256xf32, #tpu.memory_space<vmem>>, vector<1x1x16xf32>,
        %get3A_1811 = arith.index_cast %rem3A_260 : i32 to index
        %get3A_1812 = arith.index_cast %add3A_1796 : i32 to index
        %get3A_1813 = arith.constant 16 : index
        %get3A_1814 = tpu.vector_load %arg10[%get3A_1811, %get3A_1812, %get3A_1813] {strides = array<i32>} : memref<3x64x256xf32, #tpu.memory_space<vmem>>, vector<1x1x16xf32>,
        %get3A_1815 = vector.shape_cast %get3A_1814 : vector<1x1x16xf32> to vector<16xf32>
        %mul3A_1816 = arith.mulf %gather3A_1792, %get3A_105 : vector<16xf32>
        %add3A_1817 = arith.addf %get3A_1815, %mul3A_1816 : vector<16xf32>
        %add3A_1818 = arith.addf %add3A_1817, %get3A_153 : vector<16xf32>
        %swap3A_1819 = arith.index_cast %rem3A_262 : i32 to index
        %swap3A_1820 = arith.index_cast %add3A_1796 : i32 to index
        %swap3A_1821 = arith.constant 16 : index
        %swap3A_1822 = tpu.vector_load %arg11[%swap3A_1819, %swap3A_1820, %swap3A_1821] {strides = array<i32>} : memref<3x64x256xf32, #tpu.memory_space<vmem>>, vector<1x1x16xf32>,
        %swap3A_1823 = vector.shape_cast %swap3A_1822 : vector<1x1x16xf32> to vector<16xf32>
        %swap3A_1824 = vector.shape_cast %add3A_1818 : vector<16xf32> to vector<1x1x16xf32>
        tpu.vector_store %arg11[%swap3A_1819, %swap3A_1820, %swap3A_1821], %swap3A_1824 {strides = array<i32>} : memref<3x64x256xf32, #tpu.memory_space<vmem>>, vector<1x1x16xf32>,
        %get3A_1825 = arith.index_cast %rem3A_260 : i32 to index
        %get3A_1826 = arith.index_cast %add3A_1796 : i32 to index
        %get3A_1827 = arith.constant 32 : index
        %get3A_1828 = tpu.vector_load %arg10[%get3A_1825, %get3A_1826, %get3A_1827] {strides = array<i32>} : memref<3x64x256xf32, #tpu.memory_space<vmem>>, vector<1x1x16xf32>,
        %get3A_1829 = vector.shape_cast %get3A_1828 : vector<1x1x16xf32> to vector<16xf32>
        %mul3A_1830 = arith.mulf %gather3A_1792, %get3A_108 : vector<16xf32>
        %add3A_1831 = arith.addf %get3A_1829, %mul3A_1830 : vector<16xf32>
        %add3A_1832 = arith.addf %add3A_1831, %get3A_156 : vector<16xf32>
        %swap3A_1833 = arith.index_cast %rem3A_262 : i32 to index
        %swap3A_1834 = arith.index_cast %add3A_1796 : i32 to index
        %swap3A_1835 = arith.constant 32 : index
        %swap3A_1836 = tpu.vector_load %arg11[%swap3A_1833, %swap3A_1834, %swap3A_1835] {strides = array<i32>} : memref<3x64x256xf32, #tpu.memory_space<vmem>>, vector<1x1x16xf32>,
        %swap3A_1837 = vector.shape_cast %swap3A_1836 : vector<1x1x16xf32> to vector<16xf32>
        %swap3A_1838 = vector.shape_cast %add3A_1832 : vector<16xf32> to vector<1x1x16xf32>
        tpu.vector_store %arg11[%swap3A_1833, %swap3A_1834, %swap3A_1835], %swap3A_1838 {strides = array<i32>} : memref<3x64x256xf32, #tpu.memory_space<vmem>>, vector<1x1x16xf32>,
        %get3A_1839 = arith.index_cast %rem3A_260 : i32 to index
        %get3A_1840 = arith.index_cast %add3A_1796 : i32 to index
        %get3A_1841 = arith.constant 48 : index
        %get3A_1842 = tpu.vector_load %arg10[%get3A_1839, %get3A_1840, %get3A_1841] {strides = array<i32>} : memref<3x64x256xf32, #tpu.memory_space<vmem>>, vector<1x1x16xf32>,
        %get3A_1843 = vector.shape_cast %get3A_1842 : vector<1x1x16xf32> to vector<16xf32>
        %mul3A_1844 = arith.mulf %gather3A_1792, %get3A_111 : vector<16xf32>
        %add3A_1845 = arith.addf %get3A_1843, %mul3A_1844 : vector<16xf32>
        %add3A_1846 = arith.addf %add3A_1845, %get3A_159 : vector<16xf32>
        %swap3A_1847 = arith.index_cast %rem3A_262 : i32 to index
        %swap3A_1848 = arith.index_cast %add3A_1796 : i32 to index
        %swap3A_1849 = arith.constant 48 : index
        %swap3A_1850 = tpu.vector_load %arg11[%swap3A_1847, %swap3A_1848, %swap3A_1849] {strides = array<i32>} : memref<3x64x256xf32, #tpu.memory_space<vmem>>, vector<1x1x16xf32>,
        %swap3A_1851 = vector.shape_cast %swap3A_1850 : vector<1x1x16xf32> to vector<16xf32>
        %swap3A_1852 = vector.shape_cast %add3A_1846 : vector<16xf32> to vector<1x1x16xf32>
        tpu.vector_store %arg11[%swap3A_1847, %swap3A_1848, %swap3A_1849], %swap3A_1852 {strides = array<i32>} : memref<3x64x256xf32, #tpu.memory_space<vmem>>, vector<1x1x16xf32>,
        %get3A_1853 = arith.index_cast %rem3A_260 : i32 to index
        %get3A_1854 = arith.index_cast %add3A_1796 : i32 to index
        %get3A_1855 = arith.constant 64 : index
        %get3A_1856 = tpu.vector_load %arg10[%get3A_1853, %get3A_1854, %get3A_1855] {strides = array<i32>} : memref<3x64x256xf32, #tpu.memory_space<vmem>>, vector<1x1x16xf32>,
        %get3A_1857 = vector.shape_cast %get3A_1856 : vector<1x1x16xf32> to vector<16xf32>
        %mul3A_1858 = arith.mulf %gather3A_1792, %get3A_114 : vector<16xf32>
        %add3A_1859 = arith.addf %get3A_1857, %mul3A_1858 : vector<16xf32>
        %add3A_1860 = arith.addf %add3A_1859, %get3A_162 : vector<16xf32>
        %swap3A_1861 = arith.index_cast %rem3A_262 : i32 to index
        %swap3A_1862 = arith.index_cast %add3A_1796 : i32 to index
        %swap3A_1863 = arith.constant 64 : index
        %swap3A_1864 = tpu.vector_load %arg11[%swap3A_1861, %swap3A_1862, %swap3A_1863] {strides = array<i32>} : memref<3x64x256xf32, #tpu.memory_space<vmem>>, vector<1x1x16xf32>,
        %swap3A_1865 = vector.shape_cast %swap3A_1864 : vector<1x1x16xf32> to vector<16xf32>
        %swap3A_1866 = vector.shape_cast %add3A_1860 : vector<16xf32> to vector<1x1x16xf32>
        tpu.vector_store %arg11[%swap3A_1861, %swap3A_1862, %swap3A_1863], %swap3A_1866 {strides = array<i32>} : memref<3x64x256xf32, #tpu.memory_space<vmem>>, vector<1x1x16xf32>,
        %get3A_1867 = arith.index_cast %rem3A_260 : i32 to index
        %get3A_1868 = arith.index_cast %add3A_1796 : i32 to index
        %get3A_1869 = arith.constant 80 : index
        %get3A_1870 = tpu.vector_load %arg10[%get3A_1867, %get3A_1868, %get3A_1869] {strides = array<i32>} : memref<3x64x256xf32, #tpu.memory_space<vmem>>, vector<1x1x16xf32>,
        %get3A_1871 = vector.shape_cast %get3A_1870 : vector<1x1x16xf32> to vector<16xf32>
        %mul3A_1872 = arith.mulf %gather3A_1792, %get3A_117 : vector<16xf32>
        %add3A_1873 = arith.addf %get3A_1871, %mul3A_1872 : vector<16xf32>
        %add3A_1874 = arith.addf %add3A_1873, %get3A_165 : vector<16xf32>
        %swap3A_1875 = arith.index_cast %rem3A_262 : i32 to index
        %swap3A_1876 = arith.index_cast %add3A_1796 : i32 to index
        %swap3A_1877 = arith.constant 80 : index
        %swap3A_1878 = tpu.vector_load %arg11[%swap3A_1875, %swap3A_1876, %swap3A_1877] {strides = array<i32>} : memref<3x64x256xf32, #tpu.memory_space<vmem>>, vector<1x1x16xf32>,
        %swap3A_1879 = vector.shape_cast %swap3A_1878 : vector<1x1x16xf32> to vector<16xf32>
        %swap3A_1880 = vector.shape_cast %add3A_1874 : vector<16xf32> to vector<1x1x16xf32>
        tpu.vector_store %arg11[%swap3A_1875, %swap3A_1876, %swap3A_1877], %swap3A_1880 {strides = array<i32>} : memref<3x64x256xf32, #tpu.memory_space<vmem>>, vector<1x1x16xf32>,
        %get3A_1881 = arith.index_cast %rem3A_260 : i32 to index
        %get3A_1882 = arith.index_cast %add3A_1796 : i32 to index
        %get3A_1883 = arith.constant 96 : index
        %get3A_1884 = tpu.vector_load %arg10[%get3A_1881, %get3A_1882, %get3A_1883] {strides = array<i32>} : memref<3x64x256xf32, #tpu.memory_space<vmem>>, vector<1x1x16xf32>,
        %get3A_1885 = vector.shape_cast %get3A_1884 : vector<1x1x16xf32> to vector<16xf32>
        %mul3A_1886 = arith.mulf %gather3A_1792, %get3A_120 : vector<16xf32>
        %add3A_1887 = arith.addf %get3A_1885, %mul3A_1886 : vector<16xf32>
        %add3A_1888 = arith.addf %add3A_1887, %get3A_168 : vector<16xf32>
        %swap3A_1889 = arith.index_cast %rem3A_262 : i32 to index
        %swap3A_1890 = arith.index_cast %add3A_1796 : i32 to index
        %swap3A_1891 = arith.constant 96 : index
        %swap3A_1892 = tpu.vector_load %arg11[%swap3A_1889, %swap3A_1890, %swap3A_1891] {strides = array<i32>} : memref<3x64x256xf32, #tpu.memory_space<vmem>>, vector<1x1x16xf32>,
        %swap3A_1893 = vector.shape_cast %swap3A_1892 : vector<1x1x16xf32> to vector<16xf32>
        %swap3A_1894 = vector.shape_cast %add3A_1888 : vector<16xf32> to vector<1x1x16xf32>
        tpu.vector_store %arg11[%swap3A_1889, %swap3A_1890, %swap3A_1891], %swap3A_1894 {strides = array<i32>} : memref<3x64x256xf32, #tpu.memory_space<vmem>>, vector<1x1x16xf32>,
        %get3A_1895 = arith.index_cast %rem3A_260 : i32 to index
        %get3A_1896 = arith.index_cast %add3A_1796 : i32 to index
        %get3A_1897 = arith.constant 112 : index
        %get3A_1898 = tpu.vector_load %arg10[%get3A_1895, %get3A_1896, %get3A_1897] {strides = array<i32>} : memref<3x64x256xf32, #tpu.memory_space<vmem>>, vector<1x1x16xf32>,
        %get3A_1899 = vector.shape_cast %get3A_1898 : vector<1x1x16xf32> to vector<16xf32>
        %mul3A_1900 = arith.mulf %gather3A_1792, %get3A_123 : vector<16xf32>
        %add3A_1901 = arith.addf %get3A_1899, %mul3A_1900 : vector<16xf32>
        %add3A_1902 = arith.addf %add3A_1901, %get3A_171 : vector<16xf32>
        %swap3A_1903 = arith.index_cast %rem3A_262 : i32 to index
        %swap3A_1904 = arith.index_cast %add3A_1796 : i32 to index
        %swap3A_1905 = arith.constant 112 : index
        %swap3A_1906 = tpu.vector_load %arg11[%swap3A_1903, %swap3A_1904, %swap3A_1905] {strides = array<i32>} : memref<3x64x256xf32, #tpu.memory_space<vmem>>, vector<1x1x16xf32>,
        %swap3A_1907 = vector.shape_cast %swap3A_1906 : vector<1x1x16xf32> to vector<16xf32>
        %swap3A_1908 = vector.shape_cast %add3A_1902 : vector<16xf32> to vector<1x1x16xf32>
        tpu.vector_store %arg11[%swap3A_1903, %swap3A_1904, %swap3A_1905], %swap3A_1908 {strides = array<i32>} : memref<3x64x256xf32, #tpu.memory_space<vmem>>, vector<1x1x16xf32>,
        %get3A_1909 = arith.index_cast %rem3A_260 : i32 to index
        %get3A_1910 = arith.index_cast %add3A_1796 : i32 to index
        %get3A_1911 = arith.constant 128 : index
        %get3A_1912 = tpu.vector_load %arg10[%get3A_1909, %get3A_1910, %get3A_1911] {strides = array<i32>} : memref<3x64x256xf32, #tpu.memory_space<vmem>>, vector<1x1x16xf32>,
        %get3A_1913 = vector.shape_cast %get3A_1912 : vector<1x1x16xf32> to vector<16xf32>
        %mul3A_1914 = arith.mulf %gather3A_1792, %get3A_126 : vector<16xf32>
        %add3A_1915 = arith.addf %get3A_1913, %mul3A_1914 : vector<16xf32>
        %add3A_1916 = arith.addf %add3A_1915, %get3A_174 : vector<16xf32>
        %swap3A_1917 = arith.index_cast %rem3A_262 : i32 to index
        %swap3A_1918 = arith.index_cast %add3A_1796 : i32 to index
        %swap3A_1919 = arith.constant 128 : index
        %swap3A_1920 = tpu.vector_load %arg11[%swap3A_1917, %swap3A_1918, %swap3A_1919] {strides = array<i32>} : memref<3x64x256xf32, #tpu.memory_space<vmem>>, vector<1x1x16xf32>,
        %swap3A_1921 = vector.shape_cast %swap3A_1920 : vector<1x1x16xf32> to vector<16xf32>
        %swap3A_1922 = vector.shape_cast %add3A_1916 : vector<16xf32> to vector<1x1x16xf32>
        tpu.vector_store %arg11[%swap3A_1917, %swap3A_1918, %swap3A_1919], %swap3A_1922 {strides = array<i32>} : memref<3x64x256xf32, #tpu.memory_space<vmem>>, vector<1x1x16xf32>,
        %get3A_1923 = arith.index_cast %rem3A_260 : i32 to index
        %get3A_1924 = arith.index_cast %add3A_1796 : i32 to index
        %get3A_1925 = arith.constant 144 : index
        %get3A_1926 = tpu.vector_load %arg10[%get3A_1923, %get3A_1924, %get3A_1925] {strides = array<i32>} : memref<3x64x256xf32, #tpu.memory_space<vmem>>, vector<1x1x16xf32>,
        %get3A_1927 = vector.shape_cast %get3A_1926 : vector<1x1x16xf32> to vector<16xf32>
        %mul3A_1928 = arith.mulf %gather3A_1792, %get3A_129 : vector<16xf32>
        %add3A_1929 = arith.addf %get3A_1927, %mul3A_1928 : vector<16xf32>
        %add3A_1930 = arith.addf %add3A_1929, %get3A_177 : vector<16xf32>
        %swap3A_1931 = arith.index_cast %rem3A_262 : i32 to index
        %swap3A_1932 = arith.index_cast %add3A_1796 : i32 to index
        %swap3A_1933 = arith.constant 144 : index
        %swap3A_1934 = tpu.vector_load %arg11[%swap3A_1931, %swap3A_1932, %swap3A_1933] {strides = array<i32>} : memref<3x64x256xf32, #tpu.memory_space<vmem>>, vector<1x1x16xf32>,
        %swap3A_1935 = vector.shape_cast %swap3A_1934 : vector<1x1x16xf32> to vector<16xf32>
        %swap3A_1936 = vector.shape_cast %add3A_1930 : vector<16xf32> to vector<1x1x16xf32>
        tpu.vector_store %arg11[%swap3A_1931, %swap3A_1932, %swap3A_1933], %swap3A_1936 {strides = array<i32>} : memref<3x64x256xf32, #tpu.memory_space<vmem>>, vector<1x1x16xf32>,
        %get3A_1937 = arith.index_cast %rem3A_260 : i32 to index
        %get3A_1938 = arith.index_cast %add3A_1796 : i32 to index
        %get3A_1939 = arith.constant 160 : index
        %get3A_1940 = tpu.vector_load %arg10[%get3A_1937, %get3A_1938, %get3A_1939] {strides = array<i32>} : memref<3x64x256xf32, #tpu.memory_space<vmem>>, vector<1x1x16xf32>,
        %get3A_1941 = vector.shape_cast %get3A_1940 : vector<1x1x16xf32> to vector<16xf32>
        %mul3A_1942 = arith.mulf %gather3A_1792, %get3A_132 : vector<16xf32>
        %add3A_1943 = arith.addf %get3A_1941, %mul3A_1942 : vector<16xf32>
        %add3A_1944 = arith.addf %add3A_1943, %get3A_180 : vector<16xf32>
        %swap3A_1945 = arith.index_cast %rem3A_262 : i32 to index
        %swap3A_1946 = arith.index_cast %add3A_1796 : i32 to index
        %swap3A_1947 = arith.constant 160 : index
        %swap3A_1948 = tpu.vector_load %arg11[%swap3A_1945, %swap3A_1946, %swap3A_1947] {strides = array<i32>} : memref<3x64x256xf32, #tpu.memory_space<vmem>>, vector<1x1x16xf32>,
        %swap3A_1949 = vector.shape_cast %swap3A_1948 : vector<1x1x16xf32> to vector<16xf32>
        %swap3A_1950 = vector.shape_cast %add3A_1944 : vector<16xf32> to vector<1x1x16xf32>
        tpu.vector_store %arg11[%swap3A_1945, %swap3A_1946, %swap3A_1947], %swap3A_1950 {strides = array<i32>} : memref<3x64x256xf32, #tpu.memory_space<vmem>>, vector<1x1x16xf32>,
        %get3A_1951 = arith.index_cast %rem3A_260 : i32 to index
        %get3A_1952 = arith.index_cast %add3A_1796 : i32 to index
        %get3A_1953 = arith.constant 176 : index
        %get3A_1954 = tpu.vector_load %arg10[%get3A_1951, %get3A_1952, %get3A_1953] {strides = array<i32>} : memref<3x64x256xf32, #tpu.memory_space<vmem>>, vector<1x1x16xf32>,
        %get3A_1955 = vector.shape_cast %get3A_1954 : vector<1x1x16xf32> to vector<16xf32>
        %mul3A_1956 = arith.mulf %gather3A_1792, %get3A_135 : vector<16xf32>
        %add3A_1957 = arith.addf %get3A_1955, %mul3A_1956 : vector<16xf32>
        %add3A_1958 = arith.addf %add3A_1957, %get3A_183 : vector<16xf32>
        %swap3A_1959 = arith.index_cast %rem3A_262 : i32 to index
        %swap3A_1960 = arith.index_cast %add3A_1796 : i32 to index
        %swap3A_1961 = arith.constant 176 : index
        %swap3A_1962 = tpu.vector_load %arg11[%swap3A_1959, %swap3A_1960, %swap3A_1961] {strides = array<i32>} : memref<3x64x256xf32, #tpu.memory_space<vmem>>, vector<1x1x16xf32>,
        %swap3A_1963 = vector.shape_cast %swap3A_1962 : vector<1x1x16xf32> to vector<16xf32>
        %swap3A_1964 = vector.shape_cast %add3A_1958 : vector<16xf32> to vector<1x1x16xf32>
        tpu.vector_store %arg11[%swap3A_1959, %swap3A_1960, %swap3A_1961], %swap3A_1964 {strides = array<i32>} : memref<3x64x256xf32, #tpu.memory_space<vmem>>, vector<1x1x16xf32>,
        %get3A_1965 = arith.index_cast %rem3A_260 : i32 to index
        %get3A_1966 = arith.index_cast %add3A_1796 : i32 to index
        %get3A_1967 = arith.constant 192 : index
        %get3A_1968 = tpu.vector_load %arg10[%get3A_1965, %get3A_1966, %get3A_1967] {strides = array<i32>} : memref<3x64x256xf32, #tpu.memory_space<vmem>>, vector<1x1x16xf32>,
        %get3A_1969 = vector.shape_cast %get3A_1968 : vector<1x1x16xf32> to vector<16xf32>
        %mul3A_1970 = arith.mulf %gather3A_1792, %get3A_138 : vector<16xf32>
        %add3A_1971 = arith.addf %get3A_1969, %mul3A_1970 : vector<16xf32>
        %add3A_1972 = arith.addf %add3A_1971, %get3A_186 : vector<16xf32>
        %swap3A_1973 = arith.index_cast %rem3A_262 : i32 to index
        %swap3A_1974 = arith.index_cast %add3A_1796 : i32 to index
        %swap3A_1975 = arith.constant 192 : index
        %swap3A_1976 = tpu.vector_load %arg11[%swap3A_1973, %swap3A_1974, %swap3A_1975] {strides = array<i32>} : memref<3x64x256xf32, #tpu.memory_space<vmem>>, vector<1x1x16xf32>,
        %swap3A_1977 = vector.shape_cast %swap3A_1976 : vector<1x1x16xf32> to vector<16xf32>
        %swap3A_1978 = vector.shape_cast %add3A_1972 : vector<16xf32> to vector<1x1x16xf32>
        tpu.vector_store %arg11[%swap3A_1973, %swap3A_1974, %swap3A_1975], %swap3A_1978 {strides = array<i32>} : memref<3x64x256xf32, #tpu.memory_space<vmem>>, vector<1x1x16xf32>,
        %get3A_1979 = arith.index_cast %rem3A_260 : i32 to index
        %get3A_1980 = arith.index_cast %add3A_1796 : i32 to index
        %get3A_1981 = arith.constant 208 : index
        %get3A_1982 = tpu.vector_load %arg10[%get3A_1979, %get3A_1980, %get3A_1981] {strides = array<i32>} : memref<3x64x256xf32, #tpu.memory_space<vmem>>, vector<1x1x16xf32>,
        %get3A_1983 = vector.shape_cast %get3A_1982 : vector<1x1x16xf32> to vector<16xf32>
        %mul3A_1984 = arith.mulf %gather3A_1792, %get3A_141 : vector<16xf32>
        %add3A_1985 = arith.addf %get3A_1983, %mul3A_1984 : vector<16xf32>
        %add3A_1986 = arith.addf %add3A_1985, %get3A_189 : vector<16xf32>
        %swap3A_1987 = arith.index_cast %rem3A_262 : i32 to index
        %swap3A_1988 = arith.index_cast %add3A_1796 : i32 to index
        %swap3A_1989 = arith.constant 208 : index
        %swap3A_1990 = tpu.vector_load %arg11[%swap3A_1987, %swap3A_1988, %swap3A_1989] {strides = array<i32>} : memref<3x64x256xf32, #tpu.memory_space<vmem>>, vector<1x1x16xf32>,
        %swap3A_1991 = vector.shape_cast %swap3A_1990 : vector<1x1x16xf32> to vector<16xf32>
        %swap3A_1992 = vector.shape_cast %add3A_1986 : vector<16xf32> to vector<1x1x16xf32>
        tpu.vector_store %arg11[%swap3A_1987, %swap3A_1988, %swap3A_1989], %swap3A_1992 {strides = array<i32>} : memref<3x64x256xf32, #tpu.memory_space<vmem>>, vector<1x1x16xf32>,
        %get3A_1993 = arith.index_cast %rem3A_260 : i32 to index
        %get3A_1994 = arith.index_cast %add3A_1796 : i32 to index
        %get3A_1995 = arith.constant 224 : index
        %get3A_1996 = tpu.vector_load %arg10[%get3A_1993, %get3A_1994, %get3A_1995] {strides = array<i32>} : memref<3x64x256xf32, #tpu.memory_space<vmem>>, vector<1x1x16xf32>,
        %get3A_1997 = vector.shape_cast %get3A_1996 : vector<1x1x16xf32> to vector<16xf32>
        %mul3A_1998 = arith.mulf %gather3A_1792, %get3A_144 : vector<16xf32>
        %add3A_1999 = arith.addf %get3A_1997, %mul3A_1998 : vector<16xf32>
        %add3A_2000 = arith.addf %add3A_1999, %get3A_192 : vector<16xf32>
        %swap3A_2001 = arith.index_cast %rem3A_262 : i32 to index
        %swap3A_2002 = arith.index_cast %add3A_1796 : i32 to index
        %swap3A_2003 = arith.constant 224 : index
        %swap3A_2004 = tpu.vector_load %arg11[%swap3A_2001, %swap3A_2002, %swap3A_2003] {strides = array<i32>} : memref<3x64x256xf32, #tpu.memory_space<vmem>>, vector<1x1x16xf32>,
        %swap3A_2005 = vector.shape_cast %swap3A_2004 : vector<1x1x16xf32> to vector<16xf32>
        %swap3A_2006 = vector.shape_cast %add3A_2000 : vector<16xf32> to vector<1x1x16xf32>
        tpu.vector_store %arg11[%swap3A_2001, %swap3A_2002, %swap3A_2003], %swap3A_2006 {strides = array<i32>} : memref<3x64x256xf32, #tpu.memory_space<vmem>>, vector<1x1x16xf32>,
        %get3A_2007 = arith.index_cast %rem3A_260 : i32 to index
        %get3A_2008 = arith.index_cast %add3A_1796 : i32 to index
        %get3A_2009 = arith.constant 240 : index
        %get3A_2010 = tpu.vector_load %arg10[%get3A_2007, %get3A_2008, %get3A_2009] {strides = array<i32>} : memref<3x64x256xf32, #tpu.memory_space<vmem>>, vector<1x1x16xf32>,
        %get3A_2011 = vector.shape_cast %get3A_2010 : vector<1x1x16xf32> to vector<16xf32>
        %mul3A_2012 = arith.mulf %gather3A_1792, %get3A_147 : vector<16xf32>
        %add3A_2013 = arith.addf %get3A_2011, %mul3A_2012 : vector<16xf32>
        %add3A_2014 = arith.addf %add3A_2013, %get3A_195 : vector<16xf32>
        %swap3A_2015 = arith.index_cast %rem3A_262 : i32 to index
        %swap3A_2016 = arith.index_cast %add3A_1796 : i32 to index
        %swap3A_2017 = arith.constant 240 : index
        %swap3A_2018 = tpu.vector_load %arg11[%swap3A_2015, %swap3A_2016, %swap3A_2017] {strides = array<i32>} : memref<3x64x256xf32, #tpu.memory_space<vmem>>, vector<1x1x16xf32>,
        %swap3A_2019 = vector.shape_cast %swap3A_2018 : vector<1x1x16xf32> to vector<16xf32>
        %swap3A_2020 = vector.shape_cast %add3A_2014 : vector<16xf32> to vector<1x1x16xf32>
        tpu.vector_store %arg11[%swap3A_2015, %swap3A_2016, %swap3A_2017], %swap3A_2020 {strides = array<i32>} : memref<3x64x256xf32, #tpu.memory_space<vmem>>, vector<1x1x16xf32>,
        %broadcast_in_dim3A_2021 = arith.constant 7 : i32
        %broadcast_in_dim3A_2022 = vector.broadcast %broadcast_in_dim3A_2021 : i32 to vector<16x1xi32>
        %gather3A_2023 = vector.shape_cast %broadcast_in_dim3A_2022 : vector<16x1xi32> to vector<16xi32>
        %gather3A_2024 = tpu.dynamic_gather %get3A_399[%gather3A_2023] in [0] : vector<16xf32>, vector<16xi32> -> vector<16xf32>
        %mul3A_2025 = arith.constant 16 : i32
        %mul3A_2026 = arith.muli %scan3A_350, %mul3A_2025 : i32
        %add3A_2027 = arith.constant 7 : i32
        %add3A_2028 = arith.addi %mul3A_2026, %add3A_2027 : i32
        %get3A_2029 = arith.index_cast %rem3A_260 : i32 to index
        %get3A_2030 = arith.index_cast %add3A_2028 : i32 to index
        %get3A_2031 = arith.constant 0 : index
        %get3A_2032 = tpu.vector_load %arg10[%get3A_2029, %get3A_2030, %get3A_2031] {strides = array<i32>} : memref<3x64x256xf32, #tpu.memory_space<vmem>>, vector<1x1x16xf32>,
        %get3A_2033 = vector.shape_cast %get3A_2032 : vector<1x1x16xf32> to vector<16xf32>
        %mul3A_2034 = arith.mulf %gather3A_2024, %get3A_102 : vector<16xf32>
        %add3A_2035 = arith.addf %get3A_2033, %mul3A_2034 : vector<16xf32>
        %add3A_2036 = arith.addf %add3A_2035, %get3A_150 : vector<16xf32>
        %swap3A_2037 = arith.index_cast %rem3A_262 : i32 to index
        %swap3A_2038 = arith.index_cast %add3A_2028 : i32 to index
        %swap3A_2039 = arith.constant 0 : index
        %swap3A_2040 = tpu.vector_load %arg11[%swap3A_2037, %swap3A_2038, %swap3A_2039] {strides = array<i32>} : memref<3x64x256xf32, #tpu.memory_space<vmem>>, vector<1x1x16xf32>,
        %swap3A_2041 = vector.shape_cast %swap3A_2040 : vector<1x1x16xf32> to vector<16xf32>
        %swap3A_2042 = vector.shape_cast %add3A_2036 : vector<16xf32> to vector<1x1x16xf32>
        tpu.vector_store %arg11[%swap3A_2037, %swap3A_2038, %swap3A_2039], %swap3A_2042 {strides = array<i32>} : memref<3x64x256xf32, #tpu.memory_space<vmem>>, vector<1x1x16xf32>,
        %get3A_2043 = arith.index_cast %rem3A_260 : i32 to index
        %get3A_2044 = arith.index_cast %add3A_2028 : i32 to index
        %get3A_2045 = arith.constant 16 : index
        %get3A_2046 = tpu.vector_load %arg10[%get3A_2043, %get3A_2044, %get3A_2045] {strides = array<i32>} : memref<3x64x256xf32, #tpu.memory_space<vmem>>, vector<1x1x16xf32>,
        %get3A_2047 = vector.shape_cast %get3A_2046 : vector<1x1x16xf32> to vector<16xf32>
        %mul3A_2048 = arith.mulf %gather3A_2024, %get3A_105 : vector<16xf32>
        %add3A_2049 = arith.addf %get3A_2047, %mul3A_2048 : vector<16xf32>
        %add3A_2050 = arith.addf %add3A_2049, %get3A_153 : vector<16xf32>
        %swap3A_2051 = arith.index_cast %rem3A_262 : i32 to index
        %swap3A_2052 = arith.index_cast %add3A_2028 : i32 to index
        %swap3A_2053 = arith.constant 16 : index
        %swap3A_2054 = tpu.vector_load %arg11[%swap3A_2051, %swap3A_2052, %swap3A_2053] {strides = array<i32>} : memref<3x64x256xf32, #tpu.memory_space<vmem>>, vector<1x1x16xf32>,
        %swap3A_2055 = vector.shape_cast %swap3A_2054 : vector<1x1x16xf32> to vector<16xf32>
        %swap3A_2056 = vector.shape_cast %add3A_2050 : vector<16xf32> to vector<1x1x16xf32>
        tpu.vector_store %arg11[%swap3A_2051, %swap3A_2052, %swap3A_2053], %swap3A_2056 {strides = array<i32>} : memref<3x64x256xf32, #tpu.memory_space<vmem>>, vector<1x1x16xf32>,
        %get3A_2057 = arith.index_cast %rem3A_260 : i32 to index
        %get3A_2058 = arith.index_cast %add3A_2028 : i32 to index
        %get3A_2059 = arith.constant 32 : index
        %get3A_2060 = tpu.vector_load %arg10[%get3A_2057, %get3A_2058, %get3A_2059] {strides = array<i32>} : memref<3x64x256xf32, #tpu.memory_space<vmem>>, vector<1x1x16xf32>,
        %get3A_2061 = vector.shape_cast %get3A_2060 : vector<1x1x16xf32> to vector<16xf32>
        %mul3A_2062 = arith.mulf %gather3A_2024, %get3A_108 : vector<16xf32>
        %add3A_2063 = arith.addf %get3A_2061, %mul3A_2062 : vector<16xf32>
        %add3A_2064 = arith.addf %add3A_2063, %get3A_156 : vector<16xf32>
        %swap3A_2065 = arith.index_cast %rem3A_262 : i32 to index
        %swap3A_2066 = arith.index_cast %add3A_2028 : i32 to index
        %swap3A_2067 = arith.constant 32 : index
        %swap3A_2068 = tpu.vector_load %arg11[%swap3A_2065, %swap3A_2066, %swap3A_2067] {strides = array<i32>} : memref<3x64x256xf32, #tpu.memory_space<vmem>>, vector<1x1x16xf32>,
        %swap3A_2069 = vector.shape_cast %swap3A_2068 : vector<1x1x16xf32> to vector<16xf32>
        %swap3A_2070 = vector.shape_cast %add3A_2064 : vector<16xf32> to vector<1x1x16xf32>
        tpu.vector_store %arg11[%swap3A_2065, %swap3A_2066, %swap3A_2067], %swap3A_2070 {strides = array<i32>} : memref<3x64x256xf32, #tpu.memory_space<vmem>>, vector<1x1x16xf32>,
        %get3A_2071 = arith.index_cast %rem3A_260 : i32 to index
        %get3A_2072 = arith.index_cast %add3A_2028 : i32 to index
        %get3A_2073 = arith.constant 48 : index
        %get3A_2074 = tpu.vector_load %arg10[%get3A_2071, %get3A_2072, %get3A_2073] {strides = array<i32>} : memref<3x64x256xf32, #tpu.memory_space<vmem>>, vector<1x1x16xf32>,
        %get3A_2075 = vector.shape_cast %get3A_2074 : vector<1x1x16xf32> to vector<16xf32>
        %mul3A_2076 = arith.mulf %gather3A_2024, %get3A_111 : vector<16xf32>
        %add3A_2077 = arith.addf %get3A_2075, %mul3A_2076 : vector<16xf32>
        %add3A_2078 = arith.addf %add3A_2077, %get3A_159 : vector<16xf32>
        %swap3A_2079 = arith.index_cast %rem3A_262 : i32 to index
        %swap3A_2080 = arith.index_cast %add3A_2028 : i32 to index
        %swap3A_2081 = arith.constant 48 : index
        %swap3A_2082 = tpu.vector_load %arg11[%swap3A_2079, %swap3A_2080, %swap3A_2081] {strides = array<i32>} : memref<3x64x256xf32, #tpu.memory_space<vmem>>, vector<1x1x16xf32>,
        %swap3A_2083 = vector.shape_cast %swap3A_2082 : vector<1x1x16xf32> to vector<16xf32>
        %swap3A_2084 = vector.shape_cast %add3A_2078 : vector<16xf32> to vector<1x1x16xf32>
        tpu.vector_store %arg11[%swap3A_2079, %swap3A_2080, %swap3A_2081], %swap3A_2084 {strides = array<i32>} : memref<3x64x256xf32, #tpu.memory_space<vmem>>, vector<1x1x16xf32>,
        %get3A_2085 = arith.index_cast %rem3A_260 : i32 to index
        %get3A_2086 = arith.index_cast %add3A_2028 : i32 to index
        %get3A_2087 = arith.constant 64 : index
        %get3A_2088 = tpu.vector_load %arg10[%get3A_2085, %get3A_2086, %get3A_2087] {strides = array<i32>} : memref<3x64x256xf32, #tpu.memory_space<vmem>>, vector<1x1x16xf32>,
        %get3A_2089 = vector.shape_cast %get3A_2088 : vector<1x1x16xf32> to vector<16xf32>
        %mul3A_2090 = arith.mulf %gather3A_2024, %get3A_114 : vector<16xf32>
        %add3A_2091 = arith.addf %get3A_2089, %mul3A_2090 : vector<16xf32>
        %add3A_2092 = arith.addf %add3A_2091, %get3A_162 : vector<16xf32>
        %swap3A_2093 = arith.index_cast %rem3A_262 : i32 to index
        %swap3A_2094 = arith.index_cast %add3A_2028 : i32 to index
        %swap3A_2095 = arith.constant 64 : index
        %swap3A_2096 = tpu.vector_load %arg11[%swap3A_2093, %swap3A_2094, %swap3A_2095] {strides = array<i32>} : memref<3x64x256xf32, #tpu.memory_space<vmem>>, vector<1x1x16xf32>,
        %swap3A_2097 = vector.shape_cast %swap3A_2096 : vector<1x1x16xf32> to vector<16xf32>
        %swap3A_2098 = vector.shape_cast %add3A_2092 : vector<16xf32> to vector<1x1x16xf32>
        tpu.vector_store %arg11[%swap3A_2093, %swap3A_2094, %swap3A_2095], %swap3A_2098 {strides = array<i32>} : memref<3x64x256xf32, #tpu.memory_space<vmem>>, vector<1x1x16xf32>,
        %get3A_2099 = arith.index_cast %rem3A_260 : i32 to index
        %get3A_2100 = arith.index_cast %add3A_2028 : i32 to index
        %get3A_2101 = arith.constant 80 : index
        %get3A_2102 = tpu.vector_load %arg10[%get3A_2099, %get3A_2100, %get3A_2101] {strides = array<i32>} : memref<3x64x256xf32, #tpu.memory_space<vmem>>, vector<1x1x16xf32>,
        %get3A_2103 = vector.shape_cast %get3A_2102 : vector<1x1x16xf32> to vector<16xf32>
        %mul3A_2104 = arith.mulf %gather3A_2024, %get3A_117 : vector<16xf32>
        %add3A_2105 = arith.addf %get3A_2103, %mul3A_2104 : vector<16xf32>
        %add3A_2106 = arith.addf %add3A_2105, %get3A_165 : vector<16xf32>
        %swap3A_2107 = arith.index_cast %rem3A_262 : i32 to index
        %swap3A_2108 = arith.index_cast %add3A_2028 : i32 to index
        %swap3A_2109 = arith.constant 80 : index
        %swap3A_2110 = tpu.vector_load %arg11[%swap3A_2107, %swap3A_2108, %swap3A_2109] {strides = array<i32>} : memref<3x64x256xf32, #tpu.memory_space<vmem>>, vector<1x1x16xf32>,
        %swap3A_2111 = vector.shape_cast %swap3A_2110 : vector<1x1x16xf32> to vector<16xf32>
        %swap3A_2112 = vector.shape_cast %add3A_2106 : vector<16xf32> to vector<1x1x16xf32>
        tpu.vector_store %arg11[%swap3A_2107, %swap3A_2108, %swap3A_2109], %swap3A_2112 {strides = array<i32>} : memref<3x64x256xf32, #tpu.memory_space<vmem>>, vector<1x1x16xf32>,
        %get3A_2113 = arith.index_cast %rem3A_260 : i32 to index
        %get3A_2114 = arith.index_cast %add3A_2028 : i32 to index
        %get3A_2115 = arith.constant 96 : index
        %get3A_2116 = tpu.vector_load %arg10[%get3A_2113, %get3A_2114, %get3A_2115] {strides = array<i32>} : memref<3x64x256xf32, #tpu.memory_space<vmem>>, vector<1x1x16xf32>,
        %get3A_2117 = vector.shape_cast %get3A_2116 : vector<1x1x16xf32> to vector<16xf32>
        %mul3A_2118 = arith.mulf %gather3A_2024, %get3A_120 : vector<16xf32>
        %add3A_2119 = arith.addf %get3A_2117, %mul3A_2118 : vector<16xf32>
        %add3A_2120 = arith.addf %add3A_2119, %get3A_168 : vector<16xf32>
        %swap3A_2121 = arith.index_cast %rem3A_262 : i32 to index
        %swap3A_2122 = arith.index_cast %add3A_2028 : i32 to index
        %swap3A_2123 = arith.constant 96 : index
        %swap3A_2124 = tpu.vector_load %arg11[%swap3A_2121, %swap3A_2122, %swap3A_2123] {strides = array<i32>} : memref<3x64x256xf32, #tpu.memory_space<vmem>>, vector<1x1x16xf32>,
        %swap3A_2125 = vector.shape_cast %swap3A_2124 : vector<1x1x16xf32> to vector<16xf32>
        %swap3A_2126 = vector.shape_cast %add3A_2120 : vector<16xf32> to vector<1x1x16xf32>
        tpu.vector_store %arg11[%swap3A_2121, %swap3A_2122, %swap3A_2123], %swap3A_2126 {strides = array<i32>} : memref<3x64x256xf32, #tpu.memory_space<vmem>>, vector<1x1x16xf32>,
        %get3A_2127 = arith.index_cast %rem3A_260 : i32 to index
        %get3A_2128 = arith.index_cast %add3A_2028 : i32 to index
        %get3A_2129 = arith.constant 112 : index
        %get3A_2130 = tpu.vector_load %arg10[%get3A_2127, %get3A_2128, %get3A_2129] {strides = array<i32>} : memref<3x64x256xf32, #tpu.memory_space<vmem>>, vector<1x1x16xf32>,
        %get3A_2131 = vector.shape_cast %get3A_2130 : vector<1x1x16xf32> to vector<16xf32>
        %mul3A_2132 = arith.mulf %gather3A_2024, %get3A_123 : vector<16xf32>
        %add3A_2133 = arith.addf %get3A_2131, %mul3A_2132 : vector<16xf32>
        %add3A_2134 = arith.addf %add3A_2133, %get3A_171 : vector<16xf32>
        %swap3A_2135 = arith.index_cast %rem3A_262 : i32 to index
        %swap3A_2136 = arith.index_cast %add3A_2028 : i32 to index
        %swap3A_2137 = arith.constant 112 : index
        %swap3A_2138 = tpu.vector_load %arg11[%swap3A_2135, %swap3A_2136, %swap3A_2137] {strides = array<i32>} : memref<3x64x256xf32, #tpu.memory_space<vmem>>, vector<1x1x16xf32>,
        %swap3A_2139 = vector.shape_cast %swap3A_2138 : vector<1x1x16xf32> to vector<16xf32>
        %swap3A_2140 = vector.shape_cast %add3A_2134 : vector<16xf32> to vector<1x1x16xf32>
        tpu.vector_store %arg11[%swap3A_2135, %swap3A_2136, %swap3A_2137], %swap3A_2140 {strides = array<i32>} : memref<3x64x256xf32, #tpu.memory_space<vmem>>, vector<1x1x16xf32>,
        %get3A_2141 = arith.index_cast %rem3A_260 : i32 to index
        %get3A_2142 = arith.index_cast %add3A_2028 : i32 to index
        %get3A_2143 = arith.constant 128 : index
        %get3A_2144 = tpu.vector_load %arg10[%get3A_2141, %get3A_2142, %get3A_2143] {strides = array<i32>} : memref<3x64x256xf32, #tpu.memory_space<vmem>>, vector<1x1x16xf32>,
        %get3A_2145 = vector.shape_cast %get3A_2144 : vector<1x1x16xf32> to vector<16xf32>
        %mul3A_2146 = arith.mulf %gather3A_2024, %get3A_126 : vector<16xf32>
        %add3A_2147 = arith.addf %get3A_2145, %mul3A_2146 : vector<16xf32>
        %add3A_2148 = arith.addf %add3A_2147, %get3A_174 : vector<16xf32>
        %swap3A_2149 = arith.index_cast %rem3A_262 : i32 to index
        %swap3A_2150 = arith.index_cast %add3A_2028 : i32 to index
        %swap3A_2151 = arith.constant 128 : index
        %swap3A_2152 = tpu.vector_load %arg11[%swap3A_2149, %swap3A_2150, %swap3A_2151] {strides = array<i32>} : memref<3x64x256xf32, #tpu.memory_space<vmem>>, vector<1x1x16xf32>,
        %swap3A_2153 = vector.shape_cast %swap3A_2152 : vector<1x1x16xf32> to vector<16xf32>
        %swap3A_2154 = vector.shape_cast %add3A_2148 : vector<16xf32> to vector<1x1x16xf32>
        tpu.vector_store %arg11[%swap3A_2149, %swap3A_2150, %swap3A_2151], %swap3A_2154 {strides = array<i32>} : memref<3x64x256xf32, #tpu.memory_space<vmem>>, vector<1x1x16xf32>,
        %get3A_2155 = arith.index_cast %rem3A_260 : i32 to index
        %get3A_2156 = arith.index_cast %add3A_2028 : i32 to index
        %get3A_2157 = arith.constant 144 : index
        %get3A_2158 = tpu.vector_load %arg10[%get3A_2155, %get3A_2156, %get3A_2157] {strides = array<i32>} : memref<3x64x256xf32, #tpu.memory_space<vmem>>, vector<1x1x16xf32>,
        %get3A_2159 = vector.shape_cast %get3A_2158 : vector<1x1x16xf32> to vector<16xf32>
        %mul3A_2160 = arith.mulf %gather3A_2024, %get3A_129 : vector<16xf32>
        %add3A_2161 = arith.addf %get3A_2159, %mul3A_2160 : vector<16xf32>
        %add3A_2162 = arith.addf %add3A_2161, %get3A_177 : vector<16xf32>
        %swap3A_2163 = arith.index_cast %rem3A_262 : i32 to index
        %swap3A_2164 = arith.index_cast %add3A_2028 : i32 to index
        %swap3A_2165 = arith.constant 144 : index
        %swap3A_2166 = tpu.vector_load %arg11[%swap3A_2163, %swap3A_2164, %swap3A_2165] {strides = array<i32>} : memref<3x64x256xf32, #tpu.memory_space<vmem>>, vector<1x1x16xf32>,
        %swap3A_2167 = vector.shape_cast %swap3A_2166 : vector<1x1x16xf32> to vector<16xf32>
        %swap3A_2168 = vector.shape_cast %add3A_2162 : vector<16xf32> to vector<1x1x16xf32>
        tpu.vector_store %arg11[%swap3A_2163, %swap3A_2164, %swap3A_2165], %swap3A_2168 {strides = array<i32>} : memref<3x64x256xf32, #tpu.memory_space<vmem>>, vector<1x1x16xf32>,
        %get3A_2169 = arith.index_cast %rem3A_260 : i32 to index
        %get3A_2170 = arith.index_cast %add3A_2028 : i32 to index
        %get3A_2171 = arith.constant 160 : index
        %get3A_2172 = tpu.vector_load %arg10[%get3A_2169, %get3A_2170, %get3A_2171] {strides = array<i32>} : memref<3x64x256xf32, #tpu.memory_space<vmem>>, vector<1x1x16xf32>,
        %get3A_2173 = vector.shape_cast %get3A_2172 : vector<1x1x16xf32> to vector<16xf32>
        %mul3A_2174 = arith.mulf %gather3A_2024, %get3A_132 : vector<16xf32>
        %add3A_2175 = arith.addf %get3A_2173, %mul3A_2174 : vector<16xf32>
        %add3A_2176 = arith.addf %add3A_2175, %get3A_180 : vector<16xf32>
        %swap3A_2177 = arith.index_cast %rem3A_262 : i32 to index
        %swap3A_2178 = arith.index_cast %add3A_2028 : i32 to index
        %swap3A_2179 = arith.constant 160 : index
        %swap3A_2180 = tpu.vector_load %arg11[%swap3A_2177, %swap3A_2178, %swap3A_2179] {strides = array<i32>} : memref<3x64x256xf32, #tpu.memory_space<vmem>>, vector<1x1x16xf32>,
        %swap3A_2181 = vector.shape_cast %swap3A_2180 : vector<1x1x16xf32> to vector<16xf32>
        %swap3A_2182 = vector.shape_cast %add3A_2176 : vector<16xf32> to vector<1x1x16xf32>
        tpu.vector_store %arg11[%swap3A_2177, %swap3A_2178, %swap3A_2179], %swap3A_2182 {strides = array<i32>} : memref<3x64x256xf32, #tpu.memory_space<vmem>>, vector<1x1x16xf32>,
        %get3A_2183 = arith.index_cast %rem3A_260 : i32 to index
        %get3A_2184 = arith.index_cast %add3A_2028 : i32 to index
        %get3A_2185 = arith.constant 176 : index
        %get3A_2186 = tpu.vector_load %arg10[%get3A_2183, %get3A_2184, %get3A_2185] {strides = array<i32>} : memref<3x64x256xf32, #tpu.memory_space<vmem>>, vector<1x1x16xf32>,
        %get3A_2187 = vector.shape_cast %get3A_2186 : vector<1x1x16xf32> to vector<16xf32>
        %mul3A_2188 = arith.mulf %gather3A_2024, %get3A_135 : vector<16xf32>
        %add3A_2189 = arith.addf %get3A_2187, %mul3A_2188 : vector<16xf32>
        %add3A_2190 = arith.addf %add3A_2189, %get3A_183 : vector<16xf32>
        %swap3A_2191 = arith.index_cast %rem3A_262 : i32 to index
        %swap3A_2192 = arith.index_cast %add3A_2028 : i32 to index
        %swap3A_2193 = arith.constant 176 : index
        %swap3A_2194 = tpu.vector_load %arg11[%swap3A_2191, %swap3A_2192, %swap3A_2193] {strides = array<i32>} : memref<3x64x256xf32, #tpu.memory_space<vmem>>, vector<1x1x16xf32>,
        %swap3A_2195 = vector.shape_cast %swap3A_2194 : vector<1x1x16xf32> to vector<16xf32>
        %swap3A_2196 = vector.shape_cast %add3A_2190 : vector<16xf32> to vector<1x1x16xf32>
        tpu.vector_store %arg11[%swap3A_2191, %swap3A_2192, %swap3A_2193], %swap3A_2196 {strides = array<i32>} : memref<3x64x256xf32, #tpu.memory_space<vmem>>, vector<1x1x16xf32>,
        %get3A_2197 = arith.index_cast %rem3A_260 : i32 to index
        %get3A_2198 = arith.index_cast %add3A_2028 : i32 to index
        %get3A_2199 = arith.constant 192 : index
        %get3A_2200 = tpu.vector_load %arg10[%get3A_2197, %get3A_2198, %get3A_2199] {strides = array<i32>} : memref<3x64x256xf32, #tpu.memory_space<vmem>>, vector<1x1x16xf32>,
        %get3A_2201 = vector.shape_cast %get3A_2200 : vector<1x1x16xf32> to vector<16xf32>
        %mul3A_2202 = arith.mulf %gather3A_2024, %get3A_138 : vector<16xf32>
        %add3A_2203 = arith.addf %get3A_2201, %mul3A_2202 : vector<16xf32>
        %add3A_2204 = arith.addf %add3A_2203, %get3A_186 : vector<16xf32>
        %swap3A_2205 = arith.index_cast %rem3A_262 : i32 to index
        %swap3A_2206 = arith.index_cast %add3A_2028 : i32 to index
        %swap3A_2207 = arith.constant 192 : index
        %swap3A_2208 = tpu.vector_load %arg11[%swap3A_2205, %swap3A_2206, %swap3A_2207] {strides = array<i32>} : memref<3x64x256xf32, #tpu.memory_space<vmem>>, vector<1x1x16xf32>,
        %swap3A_2209 = vector.shape_cast %swap3A_2208 : vector<1x1x16xf32> to vector<16xf32>
        %swap3A_2210 = vector.shape_cast %add3A_2204 : vector<16xf32> to vector<1x1x16xf32>
        tpu.vector_store %arg11[%swap3A_2205, %swap3A_2206, %swap3A_2207], %swap3A_2210 {strides = array<i32>} : memref<3x64x256xf32, #tpu.memory_space<vmem>>, vector<1x1x16xf32>,
        %get3A_2211 = arith.index_cast %rem3A_260 : i32 to index
        %get3A_2212 = arith.index_cast %add3A_2028 : i32 to index
        %get3A_2213 = arith.constant 208 : index
        %get3A_2214 = tpu.vector_load %arg10[%get3A_2211, %get3A_2212, %get3A_2213] {strides = array<i32>} : memref<3x64x256xf32, #tpu.memory_space<vmem>>, vector<1x1x16xf32>,
        %get3A_2215 = vector.shape_cast %get3A_2214 : vector<1x1x16xf32> to vector<16xf32>
        %mul3A_2216 = arith.mulf %gather3A_2024, %get3A_141 : vector<16xf32>
        %add3A_2217 = arith.addf %get3A_2215, %mul3A_2216 : vector<16xf32>
        %add3A_2218 = arith.addf %add3A_2217, %get3A_189 : vector<16xf32>
        %swap3A_2219 = arith.index_cast %rem3A_262 : i32 to index
        %swap3A_2220 = arith.index_cast %add3A_2028 : i32 to index
        %swap3A_2221 = arith.constant 208 : index
        %swap3A_2222 = tpu.vector_load %arg11[%swap3A_2219, %swap3A_2220, %swap3A_2221] {strides = array<i32>} : memref<3x64x256xf32, #tpu.memory_space<vmem>>, vector<1x1x16xf32>,
        %swap3A_2223 = vector.shape_cast %swap3A_2222 : vector<1x1x16xf32> to vector<16xf32>
        %swap3A_2224 = vector.shape_cast %add3A_2218 : vector<16xf32> to vector<1x1x16xf32>
        tpu.vector_store %arg11[%swap3A_2219, %swap3A_2220, %swap3A_2221], %swap3A_2224 {strides = array<i32>} : memref<3x64x256xf32, #tpu.memory_space<vmem>>, vector<1x1x16xf32>,
        %get3A_2225 = arith.index_cast %rem3A_260 : i32 to index
        %get3A_2226 = arith.index_cast %add3A_2028 : i32 to index
        %get3A_2227 = arith.constant 224 : index
        %get3A_2228 = tpu.vector_load %arg10[%get3A_2225, %get3A_2226, %get3A_2227] {strides = array<i32>} : memref<3x64x256xf32, #tpu.memory_space<vmem>>, vector<1x1x16xf32>,
        %get3A_2229 = vector.shape_cast %get3A_2228 : vector<1x1x16xf32> to vector<16xf32>
        %mul3A_2230 = arith.mulf %gather3A_2024, %get3A_144 : vector<16xf32>
        %add3A_2231 = arith.addf %get3A_2229, %mul3A_2230 : vector<16xf32>
        %add3A_2232 = arith.addf %add3A_2231, %get3A_192 : vector<16xf32>
        %swap3A_2233 = arith.index_cast %rem3A_262 : i32 to index
        %swap3A_2234 = arith.index_cast %add3A_2028 : i32 to index
        %swap3A_2235 = arith.constant 224 : index
        %swap3A_2236 = tpu.vector_load %arg11[%swap3A_2233, %swap3A_2234, %swap3A_2235] {strides = array<i32>} : memref<3x64x256xf32, #tpu.memory_space<vmem>>, vector<1x1x16xf32>,
        %swap3A_2237 = vector.shape_cast %swap3A_2236 : vector<1x1x16xf32> to vector<16xf32>
        %swap3A_2238 = vector.shape_cast %add3A_2232 : vector<16xf32> to vector<1x1x16xf32>
        tpu.vector_store %arg11[%swap3A_2233, %swap3A_2234, %swap3A_2235], %swap3A_2238 {strides = array<i32>} : memref<3x64x256xf32, #tpu.memory_space<vmem>>, vector<1x1x16xf32>,
        %get3A_2239 = arith.index_cast %rem3A_260 : i32 to index
        %get3A_2240 = arith.index_cast %add3A_2028 : i32 to index
        %get3A_2241 = arith.constant 240 : index
        %get3A_2242 = tpu.vector_load %arg10[%get3A_2239, %get3A_2240, %get3A_2241] {strides = array<i32>} : memref<3x64x256xf32, #tpu.memory_space<vmem>>, vector<1x1x16xf32>,
        %get3A_2243 = vector.shape_cast %get3A_2242 : vector<1x1x16xf32> to vector<16xf32>
        %mul3A_2244 = arith.mulf %gather3A_2024, %get3A_147 : vector<16xf32>
        %add3A_2245 = arith.addf %get3A_2243, %mul3A_2244 : vector<16xf32>
        %add3A_2246 = arith.addf %add3A_2245, %get3A_195 : vector<16xf32>
        %swap3A_2247 = arith.index_cast %rem3A_262 : i32 to index
        %swap3A_2248 = arith.index_cast %add3A_2028 : i32 to index
        %swap3A_2249 = arith.constant 240 : index
        %swap3A_2250 = tpu.vector_load %arg11[%swap3A_2247, %swap3A_2248, %swap3A_2249] {strides = array<i32>} : memref<3x64x256xf32, #tpu.memory_space<vmem>>, vector<1x1x16xf32>,
        %swap3A_2251 = vector.shape_cast %swap3A_2250 : vector<1x1x16xf32> to vector<16xf32>
        %swap3A_2252 = vector.shape_cast %add3A_2246 : vector<16xf32> to vector<1x1x16xf32>
        tpu.vector_store %arg11[%swap3A_2247, %swap3A_2248, %swap3A_2249], %swap3A_2252 {strides = array<i32>} : memref<3x64x256xf32, #tpu.memory_space<vmem>>, vector<1x1x16xf32>,
        %broadcast_in_dim3A_2253 = arith.constant 8 : i32
        %broadcast_in_dim3A_2254 = vector.broadcast %broadcast_in_dim3A_2253 : i32 to vector<16x1xi32>
        %gather3A_2255 = vector.shape_cast %broadcast_in_dim3A_2254 : vector<16x1xi32> to vector<16xi32>
        %gather3A_2256 = tpu.dynamic_gather %get3A_399[%gather3A_2255] in [0] : vector<16xf32>, vector<16xi32> -> vector<16xf32>
        %mul3A_2257 = arith.constant 16 : i32
        %mul3A_2258 = arith.muli %scan3A_350, %mul3A_2257 : i32
        %add3A_2259 = arith.constant 8 : i32
        %add3A_2260 = arith.addi %mul3A_2258, %add3A_2259 : i32
        %get3A_2261 = arith.index_cast %rem3A_260 : i32 to index
        %get3A_2262 = arith.index_cast %add3A_2260 : i32 to index
        %get3A_2263 = arith.constant 0 : index
        %get3A_2264 = tpu.vector_load %arg10[%get3A_2261, %get3A_2262, %get3A_2263] {strides = array<i32>} : memref<3x64x256xf32, #tpu.memory_space<vmem>>, vector<1x1x16xf32>,
        %get3A_2265 = vector.shape_cast %get3A_2264 : vector<1x1x16xf32> to vector<16xf32>
        %mul3A_2266 = arith.mulf %gather3A_2256, %get3A_102 : vector<16xf32>
        %add3A_2267 = arith.addf %get3A_2265, %mul3A_2266 : vector<16xf32>
        %add3A_2268 = arith.addf %add3A_2267, %get3A_150 : vector<16xf32>
        %swap3A_2269 = arith.index_cast %rem3A_262 : i32 to index
        %swap3A_2270 = arith.index_cast %add3A_2260 : i32 to index
        %swap3A_2271 = arith.constant 0 : index
        %swap3A_2272 = tpu.vector_load %arg11[%swap3A_2269, %swap3A_2270, %swap3A_2271] {strides = array<i32>} : memref<3x64x256xf32, #tpu.memory_space<vmem>>, vector<1x1x16xf32>,
        %swap3A_2273 = vector.shape_cast %swap3A_2272 : vector<1x1x16xf32> to vector<16xf32>
        %swap3A_2274 = vector.shape_cast %add3A_2268 : vector<16xf32> to vector<1x1x16xf32>
        tpu.vector_store %arg11[%swap3A_2269, %swap3A_2270, %swap3A_2271], %swap3A_2274 {strides = array<i32>} : memref<3x64x256xf32, #tpu.memory_space<vmem>>, vector<1x1x16xf32>,
        %get3A_2275 = arith.index_cast %rem3A_260 : i32 to index
        %get3A_2276 = arith.index_cast %add3A_2260 : i32 to index
        %get3A_2277 = arith.constant 16 : index
        %get3A_2278 = tpu.vector_load %arg10[%get3A_2275, %get3A_2276, %get3A_2277] {strides = array<i32>} : memref<3x64x256xf32, #tpu.memory_space<vmem>>, vector<1x1x16xf32>,
        %get3A_2279 = vector.shape_cast %get3A_2278 : vector<1x1x16xf32> to vector<16xf32>
        %mul3A_2280 = arith.mulf %gather3A_2256, %get3A_105 : vector<16xf32>
        %add3A_2281 = arith.addf %get3A_2279, %mul3A_2280 : vector<16xf32>
        %add3A_2282 = arith.addf %add3A_2281, %get3A_153 : vector<16xf32>
        %swap3A_2283 = arith.index_cast %rem3A_262 : i32 to index
        %swap3A_2284 = arith.index_cast %add3A_2260 : i32 to index
        %swap3A_2285 = arith.constant 16 : index
        %swap3A_2286 = tpu.vector_load %arg11[%swap3A_2283, %swap3A_2284, %swap3A_2285] {strides = array<i32>} : memref<3x64x256xf32, #tpu.memory_space<vmem>>, vector<1x1x16xf32>,
        %swap3A_2287 = vector.shape_cast %swap3A_2286 : vector<1x1x16xf32> to vector<16xf32>
        %swap3A_2288 = vector.shape_cast %add3A_2282 : vector<16xf32> to vector<1x1x16xf32>
        tpu.vector_store %arg11[%swap3A_2283, %swap3A_2284, %swap3A_2285], %swap3A_2288 {strides = array<i32>} : memref<3x64x256xf32, #tpu.memory_space<vmem>>, vector<1x1x16xf32>,
        %get3A_2289 = arith.index_cast %rem3A_260 : i32 to index
        %get3A_2290 = arith.index_cast %add3A_2260 : i32 to index
        %get3A_2291 = arith.constant 32 : index
        %get3A_2292 = tpu.vector_load %arg10[%get3A_2289, %get3A_2290, %get3A_2291] {strides = array<i32>} : memref<3x64x256xf32, #tpu.memory_space<vmem>>, vector<1x1x16xf32>,
        %get3A_2293 = vector.shape_cast %get3A_2292 : vector<1x1x16xf32> to vector<16xf32>
        %mul3A_2294 = arith.mulf %gather3A_2256, %get3A_108 : vector<16xf32>
        %add3A_2295 = arith.addf %get3A_2293, %mul3A_2294 : vector<16xf32>
        %add3A_2296 = arith.addf %add3A_2295, %get3A_156 : vector<16xf32>
        %swap3A_2297 = arith.index_cast %rem3A_262 : i32 to index
        %swap3A_2298 = arith.index_cast %add3A_2260 : i32 to index
        %swap3A_2299 = arith.constant 32 : index
        %swap3A_2300 = tpu.vector_load %arg11[%swap3A_2297, %swap3A_2298, %swap3A_2299] {strides = array<i32>} : memref<3x64x256xf32, #tpu.memory_space<vmem>>, vector<1x1x16xf32>,
        %swap3A_2301 = vector.shape_cast %swap3A_2300 : vector<1x1x16xf32> to vector<16xf32>
        %swap3A_2302 = vector.shape_cast %add3A_2296 : vector<16xf32> to vector<1x1x16xf32>
        tpu.vector_store %arg11[%swap3A_2297, %swap3A_2298, %swap3A_2299], %swap3A_2302 {strides = array<i32>} : memref<3x64x256xf32, #tpu.memory_space<vmem>>, vector<1x1x16xf32>,
        %get3A_2303 = arith.index_cast %rem3A_260 : i32 to index
        %get3A_2304 = arith.index_cast %add3A_2260 : i32 to index
        %get3A_2305 = arith.constant 48 : index
        %get3A_2306 = tpu.vector_load %arg10[%get3A_2303, %get3A_2304, %get3A_2305] {strides = array<i32>} : memref<3x64x256xf32, #tpu.memory_space<vmem>>, vector<1x1x16xf32>,
        %get3A_2307 = vector.shape_cast %get3A_2306 : vector<1x1x16xf32> to vector<16xf32>
        %mul3A_2308 = arith.mulf %gather3A_2256, %get3A_111 : vector<16xf32>
        %add3A_2309 = arith.addf %get3A_2307, %mul3A_2308 : vector<16xf32>
        %add3A_2310 = arith.addf %add3A_2309, %get3A_159 : vector<16xf32>
        %swap3A_2311 = arith.index_cast %rem3A_262 : i32 to index
        %swap3A_2312 = arith.index_cast %add3A_2260 : i32 to index
        %swap3A_2313 = arith.constant 48 : index
        %swap3A_2314 = tpu.vector_load %arg11[%swap3A_2311, %swap3A_2312, %swap3A_2313] {strides = array<i32>} : memref<3x64x256xf32, #tpu.memory_space<vmem>>, vector<1x1x16xf32>,
        %swap3A_2315 = vector.shape_cast %swap3A_2314 : vector<1x1x16xf32> to vector<16xf32>
        %swap3A_2316 = vector.shape_cast %add3A_2310 : vector<16xf32> to vector<1x1x16xf32>
        tpu.vector_store %arg11[%swap3A_2311, %swap3A_2312, %swap3A_2313], %swap3A_2316 {strides = array<i32>} : memref<3x64x256xf32, #tpu.memory_space<vmem>>, vector<1x1x16xf32>,
        %get3A_2317 = arith.index_cast %rem3A_260 : i32 to index
        %get3A_2318 = arith.index_cast %add3A_2260 : i32 to index
        %get3A_2319 = arith.constant 64 : index
        %get3A_2320 = tpu.vector_load %arg10[%get3A_2317, %get3A_2318, %get3A_2319] {strides = array<i32>} : memref<3x64x256xf32, #tpu.memory_space<vmem>>, vector<1x1x16xf32>,
        %get3A_2321 = vector.shape_cast %get3A_2320 : vector<1x1x16xf32> to vector<16xf32>
        %mul3A_2322 = arith.mulf %gather3A_2256, %get3A_114 : vector<16xf32>
        %add3A_2323 = arith.addf %get3A_2321, %mul3A_2322 : vector<16xf32>
        %add3A_2324 = arith.addf %add3A_2323, %get3A_162 : vector<16xf32>
        %swap3A_2325 = arith.index_cast %rem3A_262 : i32 to index
        %swap3A_2326 = arith.index_cast %add3A_2260 : i32 to index
        %swap3A_2327 = arith.constant 64 : index
        %swap3A_2328 = tpu.vector_load %arg11[%swap3A_2325, %swap3A_2326, %swap3A_2327] {strides = array<i32>} : memref<3x64x256xf32, #tpu.memory_space<vmem>>, vector<1x1x16xf32>,
        %swap3A_2329 = vector.shape_cast %swap3A_2328 : vector<1x1x16xf32> to vector<16xf32>
        %swap3A_2330 = vector.shape_cast %add3A_2324 : vector<16xf32> to vector<1x1x16xf32>
        tpu.vector_store %arg11[%swap3A_2325, %swap3A_2326, %swap3A_2327], %swap3A_2330 {strides = array<i32>} : memref<3x64x256xf32, #tpu.memory_space<vmem>>, vector<1x1x16xf32>,
        %get3A_2331 = arith.index_cast %rem3A_260 : i32 to index
        %get3A_2332 = arith.index_cast %add3A_2260 : i32 to index
        %get3A_2333 = arith.constant 80 : index
        %get3A_2334 = tpu.vector_load %arg10[%get3A_2331, %get3A_2332, %get3A_2333] {strides = array<i32>} : memref<3x64x256xf32, #tpu.memory_space<vmem>>, vector<1x1x16xf32>,
        %get3A_2335 = vector.shape_cast %get3A_2334 : vector<1x1x16xf32> to vector<16xf32>
        %mul3A_2336 = arith.mulf %gather3A_2256, %get3A_117 : vector<16xf32>
        %add3A_2337 = arith.addf %get3A_2335, %mul3A_2336 : vector<16xf32>
        %add3A_2338 = arith.addf %add3A_2337, %get3A_165 : vector<16xf32>
        %swap3A_2339 = arith.index_cast %rem3A_262 : i32 to index
        %swap3A_2340 = arith.index_cast %add3A_2260 : i32 to index
        %swap3A_2341 = arith.constant 80 : index
        %swap3A_2342 = tpu.vector_load %arg11[%swap3A_2339, %swap3A_2340, %swap3A_2341] {strides = array<i32>} : memref<3x64x256xf32, #tpu.memory_space<vmem>>, vector<1x1x16xf32>,
        %swap3A_2343 = vector.shape_cast %swap3A_2342 : vector<1x1x16xf32> to vector<16xf32>
        %swap3A_2344 = vector.shape_cast %add3A_2338 : vector<16xf32> to vector<1x1x16xf32>
        tpu.vector_store %arg11[%swap3A_2339, %swap3A_2340, %swap3A_2341], %swap3A_2344 {strides = array<i32>} : memref<3x64x256xf32, #tpu.memory_space<vmem>>, vector<1x1x16xf32>,
        %get3A_2345 = arith.index_cast %rem3A_260 : i32 to index
        %get3A_2346 = arith.index_cast %add3A_2260 : i32 to index
        %get3A_2347 = arith.constant 96 : index
        %get3A_2348 = tpu.vector_load %arg10[%get3A_2345, %get3A_2346, %get3A_2347] {strides = array<i32>} : memref<3x64x256xf32, #tpu.memory_space<vmem>>, vector<1x1x16xf32>,
        %get3A_2349 = vector.shape_cast %get3A_2348 : vector<1x1x16xf32> to vector<16xf32>
        %mul3A_2350 = arith.mulf %gather3A_2256, %get3A_120 : vector<16xf32>
        %add3A_2351 = arith.addf %get3A_2349, %mul3A_2350 : vector<16xf32>
        %add3A_2352 = arith.addf %add3A_2351, %get3A_168 : vector<16xf32>
        %swap3A_2353 = arith.index_cast %rem3A_262 : i32 to index
        %swap3A_2354 = arith.index_cast %add3A_2260 : i32 to index
        %swap3A_2355 = arith.constant 96 : index
        %swap3A_2356 = tpu.vector_load %arg11[%swap3A_2353, %swap3A_2354, %swap3A_2355] {strides = array<i32>} : memref<3x64x256xf32, #tpu.memory_space<vmem>>, vector<1x1x16xf32>,
        %swap3A_2357 = vector.shape_cast %swap3A_2356 : vector<1x1x16xf32> to vector<16xf32>
        %swap3A_2358 = vector.shape_cast %add3A_2352 : vector<16xf32> to vector<1x1x16xf32>
        tpu.vector_store %arg11[%swap3A_2353, %swap3A_2354, %swap3A_2355], %swap3A_2358 {strides = array<i32>} : memref<3x64x256xf32, #tpu.memory_space<vmem>>, vector<1x1x16xf32>,
        %get3A_2359 = arith.index_cast %rem3A_260 : i32 to index
        %get3A_2360 = arith.index_cast %add3A_2260 : i32 to index
        %get3A_2361 = arith.constant 112 : index
        %get3A_2362 = tpu.vector_load %arg10[%get3A_2359, %get3A_2360, %get3A_2361] {strides = array<i32>} : memref<3x64x256xf32, #tpu.memory_space<vmem>>, vector<1x1x16xf32>,
        %get3A_2363 = vector.shape_cast %get3A_2362 : vector<1x1x16xf32> to vector<16xf32>
        %mul3A_2364 = arith.mulf %gather3A_2256, %get3A_123 : vector<16xf32>
        %add3A_2365 = arith.addf %get3A_2363, %mul3A_2364 : vector<16xf32>
        %add3A_2366 = arith.addf %add3A_2365, %get3A_171 : vector<16xf32>
        %swap3A_2367 = arith.index_cast %rem3A_262 : i32 to index
        %swap3A_2368 = arith.index_cast %add3A_2260 : i32 to index
        %swap3A_2369 = arith.constant 112 : index
        %swap3A_2370 = tpu.vector_load %arg11[%swap3A_2367, %swap3A_2368, %swap3A_2369] {strides = array<i32>} : memref<3x64x256xf32, #tpu.memory_space<vmem>>, vector<1x1x16xf32>,
        %swap3A_2371 = vector.shape_cast %swap3A_2370 : vector<1x1x16xf32> to vector<16xf32>
        %swap3A_2372 = vector.shape_cast %add3A_2366 : vector<16xf32> to vector<1x1x16xf32>
        tpu.vector_store %arg11[%swap3A_2367, %swap3A_2368, %swap3A_2369], %swap3A_2372 {strides = array<i32>} : memref<3x64x256xf32, #tpu.memory_space<vmem>>, vector<1x1x16xf32>,
        %get3A_2373 = arith.index_cast %rem3A_260 : i32 to index
        %get3A_2374 = arith.index_cast %add3A_2260 : i32 to index
        %get3A_2375 = arith.constant 128 : index
        %get3A_2376 = tpu.vector_load %arg10[%get3A_2373, %get3A_2374, %get3A_2375] {strides = array<i32>} : memref<3x64x256xf32, #tpu.memory_space<vmem>>, vector<1x1x16xf32>,
        %get3A_2377 = vector.shape_cast %get3A_2376 : vector<1x1x16xf32> to vector<16xf32>
        %mul3A_2378 = arith.mulf %gather3A_2256, %get3A_126 : vector<16xf32>
        %add3A_2379 = arith.addf %get3A_2377, %mul3A_2378 : vector<16xf32>
        %add3A_2380 = arith.addf %add3A_2379, %get3A_174 : vector<16xf32>
        %swap3A_2381 = arith.index_cast %rem3A_262 : i32 to index
        %swap3A_2382 = arith.index_cast %add3A_2260 : i32 to index
        %swap3A_2383 = arith.constant 128 : index
        %swap3A_2384 = tpu.vector_load %arg11[%swap3A_2381, %swap3A_2382, %swap3A_2383] {strides = array<i32>} : memref<3x64x256xf32, #tpu.memory_space<vmem>>, vector<1x1x16xf32>,
        %swap3A_2385 = vector.shape_cast %swap3A_2384 : vector<1x1x16xf32> to vector<16xf32>
        %swap3A_2386 = vector.shape_cast %add3A_2380 : vector<16xf32> to vector<1x1x16xf32>
        tpu.vector_store %arg11[%swap3A_2381, %swap3A_2382, %swap3A_2383], %swap3A_2386 {strides = array<i32>} : memref<3x64x256xf32, #tpu.memory_space<vmem>>, vector<1x1x16xf32>,
        %get3A_2387 = arith.index_cast %rem3A_260 : i32 to index
        %get3A_2388 = arith.index_cast %add3A_2260 : i32 to index
        %get3A_2389 = arith.constant 144 : index
        %get3A_2390 = tpu.vector_load %arg10[%get3A_2387, %get3A_2388, %get3A_2389] {strides = array<i32>} : memref<3x64x256xf32, #tpu.memory_space<vmem>>, vector<1x1x16xf32>,
        %get3A_2391 = vector.shape_cast %get3A_2390 : vector<1x1x16xf32> to vector<16xf32>
        %mul3A_2392 = arith.mulf %gather3A_2256, %get3A_129 : vector<16xf32>
        %add3A_2393 = arith.addf %get3A_2391, %mul3A_2392 : vector<16xf32>
        %add3A_2394 = arith.addf %add3A_2393, %get3A_177 : vector<16xf32>
        %swap3A_2395 = arith.index_cast %rem3A_262 : i32 to index
        %swap3A_2396 = arith.index_cast %add3A_2260 : i32 to index
        %swap3A_2397 = arith.constant 144 : index
        %swap3A_2398 = tpu.vector_load %arg11[%swap3A_2395, %swap3A_2396, %swap3A_2397] {strides = array<i32>} : memref<3x64x256xf32, #tpu.memory_space<vmem>>, vector<1x1x16xf32>,
        %swap3A_2399 = vector.shape_cast %swap3A_2398 : vector<1x1x16xf32> to vector<16xf32>
        %swap3A_2400 = vector.shape_cast %add3A_2394 : vector<16xf32> to vector<1x1x16xf32>
        tpu.vector_store %arg11[%swap3A_2395, %swap3A_2396, %swap3A_2397], %swap3A_2400 {strides = array<i32>} : memref<3x64x256xf32, #tpu.memory_space<vmem>>, vector<1x1x16xf32>,
        %get3A_2401 = arith.index_cast %rem3A_260 : i32 to index
        %get3A_2402 = arith.index_cast %add3A_2260 : i32 to index
        %get3A_2403 = arith.constant 160 : index
        %get3A_2404 = tpu.vector_load %arg10[%get3A_2401, %get3A_2402, %get3A_2403] {strides = array<i32>} : memref<3x64x256xf32, #tpu.memory_space<vmem>>, vector<1x1x16xf32>,
        %get3A_2405 = vector.shape_cast %get3A_2404 : vector<1x1x16xf32> to vector<16xf32>
        %mul3A_2406 = arith.mulf %gather3A_2256, %get3A_132 : vector<16xf32>
        %add3A_2407 = arith.addf %get3A_2405, %mul3A_2406 : vector<16xf32>
        %add3A_2408 = arith.addf %add3A_2407, %get3A_180 : vector<16xf32>
        %swap3A_2409 = arith.index_cast %rem3A_262 : i32 to index
        %swap3A_2410 = arith.index_cast %add3A_2260 : i32 to index
        %swap3A_2411 = arith.constant 160 : index
        %swap3A_2412 = tpu.vector_load %arg11[%swap3A_2409, %swap3A_2410, %swap3A_2411] {strides = array<i32>} : memref<3x64x256xf32, #tpu.memory_space<vmem>>, vector<1x1x16xf32>,
        %swap3A_2413 = vector.shape_cast %swap3A_2412 : vector<1x1x16xf32> to vector<16xf32>
        %swap3A_2414 = vector.shape_cast %add3A_2408 : vector<16xf32> to vector<1x1x16xf32>
        tpu.vector_store %arg11[%swap3A_2409, %swap3A_2410, %swap3A_2411], %swap3A_2414 {strides = array<i32>} : memref<3x64x256xf32, #tpu.memory_space<vmem>>, vector<1x1x16xf32>,
        %get3A_2415 = arith.index_cast %rem3A_260 : i32 to index
        %get3A_2416 = arith.index_cast %add3A_2260 : i32 to index
        %get3A_2417 = arith.constant 176 : index
        %get3A_2418 = tpu.vector_load %arg10[%get3A_2415, %get3A_2416, %get3A_2417] {strides = array<i32>} : memref<3x64x256xf32, #tpu.memory_space<vmem>>, vector<1x1x16xf32>,
        %get3A_2419 = vector.shape_cast %get3A_2418 : vector<1x1x16xf32> to vector<16xf32>
        %mul3A_2420 = arith.mulf %gather3A_2256, %get3A_135 : vector<16xf32>
        %add3A_2421 = arith.addf %get3A_2419, %mul3A_2420 : vector<16xf32>
        %add3A_2422 = arith.addf %add3A_2421, %get3A_183 : vector<16xf32>
        %swap3A_2423 = arith.index_cast %rem3A_262 : i32 to index
        %swap3A_2424 = arith.index_cast %add3A_2260 : i32 to index
        %swap3A_2425 = arith.constant 176 : index
        %swap3A_2426 = tpu.vector_load %arg11[%swap3A_2423, %swap3A_2424, %swap3A_2425] {strides = array<i32>} : memref<3x64x256xf32, #tpu.memory_space<vmem>>, vector<1x1x16xf32>,
        %swap3A_2427 = vector.shape_cast %swap3A_2426 : vector<1x1x16xf32> to vector<16xf32>
        %swap3A_2428 = vector.shape_cast %add3A_2422 : vector<16xf32> to vector<1x1x16xf32>
        tpu.vector_store %arg11[%swap3A_2423, %swap3A_2424, %swap3A_2425], %swap3A_2428 {strides = array<i32>} : memref<3x64x256xf32, #tpu.memory_space<vmem>>, vector<1x1x16xf32>,
        %get3A_2429 = arith.index_cast %rem3A_260 : i32 to index
        %get3A_2430 = arith.index_cast %add3A_2260 : i32 to index
        %get3A_2431 = arith.constant 192 : index
        %get3A_2432 = tpu.vector_load %arg10[%get3A_2429, %get3A_2430, %get3A_2431] {strides = array<i32>} : memref<3x64x256xf32, #tpu.memory_space<vmem>>, vector<1x1x16xf32>,
        %get3A_2433 = vector.shape_cast %get3A_2432 : vector<1x1x16xf32> to vector<16xf32>
        %mul3A_2434 = arith.mulf %gather3A_2256, %get3A_138 : vector<16xf32>
        %add3A_2435 = arith.addf %get3A_2433, %mul3A_2434 : vector<16xf32>
        %add3A_2436 = arith.addf %add3A_2435, %get3A_186 : vector<16xf32>
        %swap3A_2437 = arith.index_cast %rem3A_262 : i32 to index
        %swap3A_2438 = arith.index_cast %add3A_2260 : i32 to index
        %swap3A_2439 = arith.constant 192 : index
        %swap3A_2440 = tpu.vector_load %arg11[%swap3A_2437, %swap3A_2438, %swap3A_2439] {strides = array<i32>} : memref<3x64x256xf32, #tpu.memory_space<vmem>>, vector<1x1x16xf32>,
        %swap3A_2441 = vector.shape_cast %swap3A_2440 : vector<1x1x16xf32> to vector<16xf32>
        %swap3A_2442 = vector.shape_cast %add3A_2436 : vector<16xf32> to vector<1x1x16xf32>
        tpu.vector_store %arg11[%swap3A_2437, %swap3A_2438, %swap3A_2439], %swap3A_2442 {strides = array<i32>} : memref<3x64x256xf32, #tpu.memory_space<vmem>>, vector<1x1x16xf32>,
        %get3A_2443 = arith.index_cast %rem3A_260 : i32 to index
        %get3A_2444 = arith.index_cast %add3A_2260 : i32 to index
        %get3A_2445 = arith.constant 208 : index
        %get3A_2446 = tpu.vector_load %arg10[%get3A_2443, %get3A_2444, %get3A_2445] {strides = array<i32>} : memref<3x64x256xf32, #tpu.memory_space<vmem>>, vector<1x1x16xf32>,
        %get3A_2447 = vector.shape_cast %get3A_2446 : vector<1x1x16xf32> to vector<16xf32>
        %mul3A_2448 = arith.mulf %gather3A_2256, %get3A_141 : vector<16xf32>
        %add3A_2449 = arith.addf %get3A_2447, %mul3A_2448 : vector<16xf32>
        %add3A_2450 = arith.addf %add3A_2449, %get3A_189 : vector<16xf32>
        %swap3A_2451 = arith.index_cast %rem3A_262 : i32 to index
        %swap3A_2452 = arith.index_cast %add3A_2260 : i32 to index
        %swap3A_2453 = arith.constant 208 : index
        %swap3A_2454 = tpu.vector_load %arg11[%swap3A_2451, %swap3A_2452, %swap3A_2453] {strides = array<i32>} : memref<3x64x256xf32, #tpu.memory_space<vmem>>, vector<1x1x16xf32>,
        %swap3A_2455 = vector.shape_cast %swap3A_2454 : vector<1x1x16xf32> to vector<16xf32>
        %swap3A_2456 = vector.shape_cast %add3A_2450 : vector<16xf32> to vector<1x1x16xf32>
        tpu.vector_store %arg11[%swap3A_2451, %swap3A_2452, %swap3A_2453], %swap3A_2456 {strides = array<i32>} : memref<3x64x256xf32, #tpu.memory_space<vmem>>, vector<1x1x16xf32>,
        %get3A_2457 = arith.index_cast %rem3A_260 : i32 to index
        %get3A_2458 = arith.index_cast %add3A_2260 : i32 to index
        %get3A_2459 = arith.constant 224 : index
        %get3A_2460 = tpu.vector_load %arg10[%get3A_2457, %get3A_2458, %get3A_2459] {strides = array<i32>} : memref<3x64x256xf32, #tpu.memory_space<vmem>>, vector<1x1x16xf32>,
        %get3A_2461 = vector.shape_cast %get3A_2460 : vector<1x1x16xf32> to vector<16xf32>
        %mul3A_2462 = arith.mulf %gather3A_2256, %get3A_144 : vector<16xf32>
        %add3A_2463 = arith.addf %get3A_2461, %mul3A_2462 : vector<16xf32>
        %add3A_2464 = arith.addf %add3A_2463, %get3A_192 : vector<16xf32>
        %swap3A_2465 = arith.index_cast %rem3A_262 : i32 to index
        %swap3A_2466 = arith.index_cast %add3A_2260 : i32 to index
        %swap3A_2467 = arith.constant 224 : index
        %swap3A_2468 = tpu.vector_load %arg11[%swap3A_2465, %swap3A_2466, %swap3A_2467] {strides = array<i32>} : memref<3x64x256xf32, #tpu.memory_space<vmem>>, vector<1x1x16xf32>,
        %swap3A_2469 = vector.shape_cast %swap3A_2468 : vector<1x1x16xf32> to vector<16xf32>
        %swap3A_2470 = vector.shape_cast %add3A_2464 : vector<16xf32> to vector<1x1x16xf32>
        tpu.vector_store %arg11[%swap3A_2465, %swap3A_2466, %swap3A_2467], %swap3A_2470 {strides = array<i32>} : memref<3x64x256xf32, #tpu.memory_space<vmem>>, vector<1x1x16xf32>,
        %get3A_2471 = arith.index_cast %rem3A_260 : i32 to index
        %get3A_2472 = arith.index_cast %add3A_2260 : i32 to index
        %get3A_2473 = arith.constant 240 : index
        %get3A_2474 = tpu.vector_load %arg10[%get3A_2471, %get3A_2472, %get3A_2473] {strides = array<i32>} : memref<3x64x256xf32, #tpu.memory_space<vmem>>, vector<1x1x16xf32>,
        %get3A_2475 = vector.shape_cast %get3A_2474 : vector<1x1x16xf32> to vector<16xf32>
        %mul3A_2476 = arith.mulf %gather3A_2256, %get3A_147 : vector<16xf32>
        %add3A_2477 = arith.addf %get3A_2475, %mul3A_2476 : vector<16xf32>
        %add3A_2478 = arith.addf %add3A_2477, %get3A_195 : vector<16xf32>
        %swap3A_2479 = arith.index_cast %rem3A_262 : i32 to index
        %swap3A_2480 = arith.index_cast %add3A_2260 : i32 to index
        %swap3A_2481 = arith.constant 240 : index
        %swap3A_2482 = tpu.vector_load %arg11[%swap3A_2479, %swap3A_2480, %swap3A_2481] {strides = array<i32>} : memref<3x64x256xf32, #tpu.memory_space<vmem>>, vector<1x1x16xf32>,
        %swap3A_2483 = vector.shape_cast %swap3A_2482 : vector<1x1x16xf32> to vector<16xf32>
        %swap3A_2484 = vector.shape_cast %add3A_2478 : vector<16xf32> to vector<1x1x16xf32>
        tpu.vector_store %arg11[%swap3A_2479, %swap3A_2480, %swap3A_2481], %swap3A_2484 {strides = array<i32>} : memref<3x64x256xf32, #tpu.memory_space<vmem>>, vector<1x1x16xf32>,
        %broadcast_in_dim3A_2485 = arith.constant 9 : i32
        %broadcast_in_dim3A_2486 = vector.broadcast %broadcast_in_dim3A_2485 : i32 to vector<16x1xi32>
        %gather3A_2487 = vector.shape_cast %broadcast_in_dim3A_2486 : vector<16x1xi32> to vector<16xi32>
        %gather3A_2488 = tpu.dynamic_gather %get3A_399[%gather3A_2487] in [0] : vector<16xf32>, vector<16xi32> -> vector<16xf32>
        %mul3A_2489 = arith.constant 16 : i32
        %mul3A_2490 = arith.muli %scan3A_350, %mul3A_2489 : i32
        %add3A_2491 = arith.constant 9 : i32
        %add3A_2492 = arith.addi %mul3A_2490, %add3A_2491 : i32
        %get3A_2493 = arith.index_cast %rem3A_260 : i32 to index
        %get3A_2494 = arith.index_cast %add3A_2492 : i32 to index
        %get3A_2495 = arith.constant 0 : index
        %get3A_2496 = tpu.vector_load %arg10[%get3A_2493, %get3A_2494, %get3A_2495] {strides = array<i32>} : memref<3x64x256xf32, #tpu.memory_space<vmem>>, vector<1x1x16xf32>,
        %get3A_2497 = vector.shape_cast %get3A_2496 : vector<1x1x16xf32> to vector<16xf32>
        %mul3A_2498 = arith.mulf %gather3A_2488, %get3A_102 : vector<16xf32>
        %add3A_2499 = arith.addf %get3A_2497, %mul3A_2498 : vector<16xf32>
        %add3A_2500 = arith.addf %add3A_2499, %get3A_150 : vector<16xf32>
        %swap3A_2501 = arith.index_cast %rem3A_262 : i32 to index
        %swap3A_2502 = arith.index_cast %add3A_2492 : i32 to index
        %swap3A_2503 = arith.constant 0 : index
        %swap3A_2504 = tpu.vector_load %arg11[%swap3A_2501, %swap3A_2502, %swap3A_2503] {strides = array<i32>} : memref<3x64x256xf32, #tpu.memory_space<vmem>>, vector<1x1x16xf32>,
        %swap3A_2505 = vector.shape_cast %swap3A_2504 : vector<1x1x16xf32> to vector<16xf32>
        %swap3A_2506 = vector.shape_cast %add3A_2500 : vector<16xf32> to vector<1x1x16xf32>
        tpu.vector_store %arg11[%swap3A_2501, %swap3A_2502, %swap3A_2503], %swap3A_2506 {strides = array<i32>} : memref<3x64x256xf32, #tpu.memory_space<vmem>>, vector<1x1x16xf32>,
        %get3A_2507 = arith.index_cast %rem3A_260 : i32 to index
        %get3A_2508 = arith.index_cast %add3A_2492 : i32 to index
        %get3A_2509 = arith.constant 16 : index
        %get3A_2510 = tpu.vector_load %arg10[%get3A_2507, %get3A_2508, %get3A_2509] {strides = array<i32>} : memref<3x64x256xf32, #tpu.memory_space<vmem>>, vector<1x1x16xf32>,
        %get3A_2511 = vector.shape_cast %get3A_2510 : vector<1x1x16xf32> to vector<16xf32>
        %mul3A_2512 = arith.mulf %gather3A_2488, %get3A_105 : vector<16xf32>
        %add3A_2513 = arith.addf %get3A_2511, %mul3A_2512 : vector<16xf32>
        %add3A_2514 = arith.addf %add3A_2513, %get3A_153 : vector<16xf32>
        %swap3A_2515 = arith.index_cast %rem3A_262 : i32 to index
        %swap3A_2516 = arith.index_cast %add3A_2492 : i32 to index
        %swap3A_2517 = arith.constant 16 : index
        %swap3A_2518 = tpu.vector_load %arg11[%swap3A_2515, %swap3A_2516, %swap3A_2517] {strides = array<i32>} : memref<3x64x256xf32, #tpu.memory_space<vmem>>, vector<1x1x16xf32>,
        %swap3A_2519 = vector.shape_cast %swap3A_2518 : vector<1x1x16xf32> to vector<16xf32>
        %swap3A_2520 = vector.shape_cast %add3A_2514 : vector<16xf32> to vector<1x1x16xf32>
        tpu.vector_store %arg11[%swap3A_2515, %swap3A_2516, %swap3A_2517], %swap3A_2520 {strides = array<i32>} : memref<3x64x256xf32, #tpu.memory_space<vmem>>, vector<1x1x16xf32>,
        %get3A_2521 = arith.index_cast %rem3A_260 : i32 to index
        %get3A_2522 = arith.index_cast %add3A_2492 : i32 to index
        %get3A_2523 = arith.constant 32 : index
        %get3A_2524 = tpu.vector_load %arg10[%get3A_2521, %get3A_2522, %get3A_2523] {strides = array<i32>} : memref<3x64x256xf32, #tpu.memory_space<vmem>>, vector<1x1x16xf32>,
        %get3A_2525 = vector.shape_cast %get3A_2524 : vector<1x1x16xf32> to vector<16xf32>
        %mul3A_2526 = arith.mulf %gather3A_2488, %get3A_108 : vector<16xf32>
        %add3A_2527 = arith.addf %get3A_2525, %mul3A_2526 : vector<16xf32>
        %add3A_2528 = arith.addf %add3A_2527, %get3A_156 : vector<16xf32>
        %swap3A_2529 = arith.index_cast %rem3A_262 : i32 to index
        %swap3A_2530 = arith.index_cast %add3A_2492 : i32 to index
        %swap3A_2531 = arith.constant 32 : index
        %swap3A_2532 = tpu.vector_load %arg11[%swap3A_2529, %swap3A_2530, %swap3A_2531] {strides = array<i32>} : memref<3x64x256xf32, #tpu.memory_space<vmem>>, vector<1x1x16xf32>,
        %swap3A_2533 = vector.shape_cast %swap3A_2532 : vector<1x1x16xf32> to vector<16xf32>
        %swap3A_2534 = vector.shape_cast %add3A_2528 : vector<16xf32> to vector<1x1x16xf32>
        tpu.vector_store %arg11[%swap3A_2529, %swap3A_2530, %swap3A_2531], %swap3A_2534 {strides = array<i32>} : memref<3x64x256xf32, #tpu.memory_space<vmem>>, vector<1x1x16xf32>,
        %get3A_2535 = arith.index_cast %rem3A_260 : i32 to index
        %get3A_2536 = arith.index_cast %add3A_2492 : i32 to index
        %get3A_2537 = arith.constant 48 : index
        %get3A_2538 = tpu.vector_load %arg10[%get3A_2535, %get3A_2536, %get3A_2537] {strides = array<i32>} : memref<3x64x256xf32, #tpu.memory_space<vmem>>, vector<1x1x16xf32>,
        %get3A_2539 = vector.shape_cast %get3A_2538 : vector<1x1x16xf32> to vector<16xf32>
        %mul3A_2540 = arith.mulf %gather3A_2488, %get3A_111 : vector<16xf32>
        %add3A_2541 = arith.addf %get3A_2539, %mul3A_2540 : vector<16xf32>
        %add3A_2542 = arith.addf %add3A_2541, %get3A_159 : vector<16xf32>
        %swap3A_2543 = arith.index_cast %rem3A_262 : i32 to index
        %swap3A_2544 = arith.index_cast %add3A_2492 : i32 to index
        %swap3A_2545 = arith.constant 48 : index
        %swap3A_2546 = tpu.vector_load %arg11[%swap3A_2543, %swap3A_2544, %swap3A_2545] {strides = array<i32>} : memref<3x64x256xf32, #tpu.memory_space<vmem>>, vector<1x1x16xf32>,
        %swap3A_2547 = vector.shape_cast %swap3A_2546 : vector<1x1x16xf32> to vector<16xf32>
        %swap3A_2548 = vector.shape_cast %add3A_2542 : vector<16xf32> to vector<1x1x16xf32>
        tpu.vector_store %arg11[%swap3A_2543, %swap3A_2544, %swap3A_2545], %swap3A_2548 {strides = array<i32>} : memref<3x64x256xf32, #tpu.memory_space<vmem>>, vector<1x1x16xf32>,
        %get3A_2549 = arith.index_cast %rem3A_260 : i32 to index
        %get3A_2550 = arith.index_cast %add3A_2492 : i32 to index
        %get3A_2551 = arith.constant 64 : index
        %get3A_2552 = tpu.vector_load %arg10[%get3A_2549, %get3A_2550, %get3A_2551] {strides = array<i32>} : memref<3x64x256xf32, #tpu.memory_space<vmem>>, vector<1x1x16xf32>,
        %get3A_2553 = vector.shape_cast %get3A_2552 : vector<1x1x16xf32> to vector<16xf32>
        %mul3A_2554 = arith.mulf %gather3A_2488, %get3A_114 : vector<16xf32>
        %add3A_2555 = arith.addf %get3A_2553, %mul3A_2554 : vector<16xf32>
        %add3A_2556 = arith.addf %add3A_2555, %get3A_162 : vector<16xf32>
        %swap3A_2557 = arith.index_cast %rem3A_262 : i32 to index
        %swap3A_2558 = arith.index_cast %add3A_2492 : i32 to index
        %swap3A_2559 = arith.constant 64 : index
        %swap3A_2560 = tpu.vector_load %arg11[%swap3A_2557, %swap3A_2558, %swap3A_2559] {strides = array<i32>} : memref<3x64x256xf32, #tpu.memory_space<vmem>>, vector<1x1x16xf32>,
        %swap3A_2561 = vector.shape_cast %swap3A_2560 : vector<1x1x16xf32> to vector<16xf32>
        %swap3A_2562 = vector.shape_cast %add3A_2556 : vector<16xf32> to vector<1x1x16xf32>
        tpu.vector_store %arg11[%swap3A_2557, %swap3A_2558, %swap3A_2559], %swap3A_2562 {strides = array<i32>} : memref<3x64x256xf32, #tpu.memory_space<vmem>>, vector<1x1x16xf32>,
        %get3A_2563 = arith.index_cast %rem3A_260 : i32 to index
        %get3A_2564 = arith.index_cast %add3A_2492 : i32 to index
        %get3A_2565 = arith.constant 80 : index
        %get3A_2566 = tpu.vector_load %arg10[%get3A_2563, %get3A_2564, %get3A_2565] {strides = array<i32>} : memref<3x64x256xf32, #tpu.memory_space<vmem>>, vector<1x1x16xf32>,
        %get3A_2567 = vector.shape_cast %get3A_2566 : vector<1x1x16xf32> to vector<16xf32>
        %mul3A_2568 = arith.mulf %gather3A_2488, %get3A_117 : vector<16xf32>
        %add3A_2569 = arith.addf %get3A_2567, %mul3A_2568 : vector<16xf32>
        %add3A_2570 = arith.addf %add3A_2569, %get3A_165 : vector<16xf32>
        %swap3A_2571 = arith.index_cast %rem3A_262 : i32 to index
        %swap3A_2572 = arith.index_cast %add3A_2492 : i32 to index
        %swap3A_2573 = arith.constant 80 : index
        %swap3A_2574 = tpu.vector_load %arg11[%swap3A_2571, %swap3A_2572, %swap3A_2573] {strides = array<i32>} : memref<3x64x256xf32, #tpu.memory_space<vmem>>, vector<1x1x16xf32>,
        %swap3A_2575 = vector.shape_cast %swap3A_2574 : vector<1x1x16xf32> to vector<16xf32>
        %swap3A_2576 = vector.shape_cast %add3A_2570 : vector<16xf32> to vector<1x1x16xf32>
        tpu.vector_store %arg11[%swap3A_2571, %swap3A_2572, %swap3A_2573], %swap3A_2576 {strides = array<i32>} : memref<3x64x256xf32, #tpu.memory_space<vmem>>, vector<1x1x16xf32>,
        %get3A_2577 = arith.index_cast %rem3A_260 : i32 to index
        %get3A_2578 = arith.index_cast %add3A_2492 : i32 to index
        %get3A_2579 = arith.constant 96 : index
        %get3A_2580 = tpu.vector_load %arg10[%get3A_2577, %get3A_2578, %get3A_2579] {strides = array<i32>} : memref<3x64x256xf32, #tpu.memory_space<vmem>>, vector<1x1x16xf32>,
        %get3A_2581 = vector.shape_cast %get3A_2580 : vector<1x1x16xf32> to vector<16xf32>
        %mul3A_2582 = arith.mulf %gather3A_2488, %get3A_120 : vector<16xf32>
        %add3A_2583 = arith.addf %get3A_2581, %mul3A_2582 : vector<16xf32>
        %add3A_2584 = arith.addf %add3A_2583, %get3A_168 : vector<16xf32>
        %swap3A_2585 = arith.index_cast %rem3A_262 : i32 to index
        %swap3A_2586 = arith.index_cast %add3A_2492 : i32 to index
        %swap3A_2587 = arith.constant 96 : index
        %swap3A_2588 = tpu.vector_load %arg11[%swap3A_2585, %swap3A_2586, %swap3A_2587] {strides = array<i32>} : memref<3x64x256xf32, #tpu.memory_space<vmem>>, vector<1x1x16xf32>,
        %swap3A_2589 = vector.shape_cast %swap3A_2588 : vector<1x1x16xf32> to vector<16xf32>
        %swap3A_2590 = vector.shape_cast %add3A_2584 : vector<16xf32> to vector<1x1x16xf32>
        tpu.vector_store %arg11[%swap3A_2585, %swap3A_2586, %swap3A_2587], %swap3A_2590 {strides = array<i32>} : memref<3x64x256xf32, #tpu.memory_space<vmem>>, vector<1x1x16xf32>,
        %get3A_2591 = arith.index_cast %rem3A_260 : i32 to index
        %get3A_2592 = arith.index_cast %add3A_2492 : i32 to index
        %get3A_2593 = arith.constant 112 : index
        %get3A_2594 = tpu.vector_load %arg10[%get3A_2591, %get3A_2592, %get3A_2593] {strides = array<i32>} : memref<3x64x256xf32, #tpu.memory_space<vmem>>, vector<1x1x16xf32>,
        %get3A_2595 = vector.shape_cast %get3A_2594 : vector<1x1x16xf32> to vector<16xf32>
        %mul3A_2596 = arith.mulf %gather3A_2488, %get3A_123 : vector<16xf32>
        %add3A_2597 = arith.addf %get3A_2595, %mul3A_2596 : vector<16xf32>
        %add3A_2598 = arith.addf %add3A_2597, %get3A_171 : vector<16xf32>
        %swap3A_2599 = arith.index_cast %rem3A_262 : i32 to index
        %swap3A_2600 = arith.index_cast %add3A_2492 : i32 to index
        %swap3A_2601 = arith.constant 112 : index
        %swap3A_2602 = tpu.vector_load %arg11[%swap3A_2599, %swap3A_2600, %swap3A_2601] {strides = array<i32>} : memref<3x64x256xf32, #tpu.memory_space<vmem>>, vector<1x1x16xf32>,
        %swap3A_2603 = vector.shape_cast %swap3A_2602 : vector<1x1x16xf32> to vector<16xf32>
        %swap3A_2604 = vector.shape_cast %add3A_2598 : vector<16xf32> to vector<1x1x16xf32>
        tpu.vector_store %arg11[%swap3A_2599, %swap3A_2600, %swap3A_2601], %swap3A_2604 {strides = array<i32>} : memref<3x64x256xf32, #tpu.memory_space<vmem>>, vector<1x1x16xf32>,
        %get3A_2605 = arith.index_cast %rem3A_260 : i32 to index
        %get3A_2606 = arith.index_cast %add3A_2492 : i32 to index
        %get3A_2607 = arith.constant 128 : index
        %get3A_2608 = tpu.vector_load %arg10[%get3A_2605, %get3A_2606, %get3A_2607] {strides = array<i32>} : memref<3x64x256xf32, #tpu.memory_space<vmem>>, vector<1x1x16xf32>,
        %get3A_2609 = vector.shape_cast %get3A_2608 : vector<1x1x16xf32> to vector<16xf32>
        %mul3A_2610 = arith.mulf %gather3A_2488, %get3A_126 : vector<16xf32>
        %add3A_2611 = arith.addf %get3A_2609, %mul3A_2610 : vector<16xf32>
        %add3A_2612 = arith.addf %add3A_2611, %get3A_174 : vector<16xf32>
        %swap3A_2613 = arith.index_cast %rem3A_262 : i32 to index
        %swap3A_2614 = arith.index_cast %add3A_2492 : i32 to index
        %swap3A_2615 = arith.constant 128 : index
        %swap3A_2616 = tpu.vector_load %arg11[%swap3A_2613, %swap3A_2614, %swap3A_2615] {strides = array<i32>} : memref<3x64x256xf32, #tpu.memory_space<vmem>>, vector<1x1x16xf32>,
        %swap3A_2617 = vector.shape_cast %swap3A_2616 : vector<1x1x16xf32> to vector<16xf32>
        %swap3A_2618 = vector.shape_cast %add3A_2612 : vector<16xf32> to vector<1x1x16xf32>
        tpu.vector_store %arg11[%swap3A_2613, %swap3A_2614, %swap3A_2615], %swap3A_2618 {strides = array<i32>} : memref<3x64x256xf32, #tpu.memory_space<vmem>>, vector<1x1x16xf32>,
        %get3A_2619 = arith.index_cast %rem3A_260 : i32 to index
        %get3A_2620 = arith.index_cast %add3A_2492 : i32 to index
        %get3A_2621 = arith.constant 144 : index
        %get3A_2622 = tpu.vector_load %arg10[%get3A_2619, %get3A_2620, %get3A_2621] {strides = array<i32>} : memref<3x64x256xf32, #tpu.memory_space<vmem>>, vector<1x1x16xf32>,
        %get3A_2623 = vector.shape_cast %get3A_2622 : vector<1x1x16xf32> to vector<16xf32>
        %mul3A_2624 = arith.mulf %gather3A_2488, %get3A_129 : vector<16xf32>
        %add3A_2625 = arith.addf %get3A_2623, %mul3A_2624 : vector<16xf32>
        %add3A_2626 = arith.addf %add3A_2625, %get3A_177 : vector<16xf32>
        %swap3A_2627 = arith.index_cast %rem3A_262 : i32 to index
        %swap3A_2628 = arith.index_cast %add3A_2492 : i32 to index
        %swap3A_2629 = arith.constant 144 : index
        %swap3A_2630 = tpu.vector_load %arg11[%swap3A_2627, %swap3A_2628, %swap3A_2629] {strides = array<i32>} : memref<3x64x256xf32, #tpu.memory_space<vmem>>, vector<1x1x16xf32>,
        %swap3A_2631 = vector.shape_cast %swap3A_2630 : vector<1x1x16xf32> to vector<16xf32>
        %swap3A_2632 = vector.shape_cast %add3A_2626 : vector<16xf32> to vector<1x1x16xf32>
        tpu.vector_store %arg11[%swap3A_2627, %swap3A_2628, %swap3A_2629], %swap3A_2632 {strides = array<i32>} : memref<3x64x256xf32, #tpu.memory_space<vmem>>, vector<1x1x16xf32>,
        %get3A_2633 = arith.index_cast %rem3A_260 : i32 to index
        %get3A_2634 = arith.index_cast %add3A_2492 : i32 to index
        %get3A_2635 = arith.constant 160 : index
        %get3A_2636 = tpu.vector_load %arg10[%get3A_2633, %get3A_2634, %get3A_2635] {strides = array<i32>} : memref<3x64x256xf32, #tpu.memory_space<vmem>>, vector<1x1x16xf32>,
        %get3A_2637 = vector.shape_cast %get3A_2636 : vector<1x1x16xf32> to vector<16xf32>
        %mul3A_2638 = arith.mulf %gather3A_2488, %get3A_132 : vector<16xf32>
        %add3A_2639 = arith.addf %get3A_2637, %mul3A_2638 : vector<16xf32>
        %add3A_2640 = arith.addf %add3A_2639, %get3A_180 : vector<16xf32>
        %swap3A_2641 = arith.index_cast %rem3A_262 : i32 to index
        %swap3A_2642 = arith.index_cast %add3A_2492 : i32 to index
        %swap3A_2643 = arith.constant 160 : index
        %swap3A_2644 = tpu.vector_load %arg11[%swap3A_2641, %swap3A_2642, %swap3A_2643] {strides = array<i32>} : memref<3x64x256xf32, #tpu.memory_space<vmem>>, vector<1x1x16xf32>,
        %swap3A_2645 = vector.shape_cast %swap3A_2644 : vector<1x1x16xf32> to vector<16xf32>
        %swap3A_2646 = vector.shape_cast %add3A_2640 : vector<16xf32> to vector<1x1x16xf32>
        tpu.vector_store %arg11[%swap3A_2641, %swap3A_2642, %swap3A_2643], %swap3A_2646 {strides = array<i32>} : memref<3x64x256xf32, #tpu.memory_space<vmem>>, vector<1x1x16xf32>,
        %get3A_2647 = arith.index_cast %rem3A_260 : i32 to index
        %get3A_2648 = arith.index_cast %add3A_2492 : i32 to index
        %get3A_2649 = arith.constant 176 : index
        %get3A_2650 = tpu.vector_load %arg10[%get3A_2647, %get3A_2648, %get3A_2649] {strides = array<i32>} : memref<3x64x256xf32, #tpu.memory_space<vmem>>, vector<1x1x16xf32>,
        %get3A_2651 = vector.shape_cast %get3A_2650 : vector<1x1x16xf32> to vector<16xf32>
        %mul3A_2652 = arith.mulf %gather3A_2488, %get3A_135 : vector<16xf32>
        %add3A_2653 = arith.addf %get3A_2651, %mul3A_2652 : vector<16xf32>
        %add3A_2654 = arith.addf %add3A_2653, %get3A_183 : vector<16xf32>
        %swap3A_2655 = arith.index_cast %rem3A_262 : i32 to index
        %swap3A_2656 = arith.index_cast %add3A_2492 : i32 to index
        %swap3A_2657 = arith.constant 176 : index
        %swap3A_2658 = tpu.vector_load %arg11[%swap3A_2655, %swap3A_2656, %swap3A_2657] {strides = array<i32>} : memref<3x64x256xf32, #tpu.memory_space<vmem>>, vector<1x1x16xf32>,
        %swap3A_2659 = vector.shape_cast %swap3A_2658 : vector<1x1x16xf32> to vector<16xf32>
        %swap3A_2660 = vector.shape_cast %add3A_2654 : vector<16xf32> to vector<1x1x16xf32>
        tpu.vector_store %arg11[%swap3A_2655, %swap3A_2656, %swap3A_2657], %swap3A_2660 {strides = array<i32>} : memref<3x64x256xf32, #tpu.memory_space<vmem>>, vector<1x1x16xf32>,
        %get3A_2661 = arith.index_cast %rem3A_260 : i32 to index
        %get3A_2662 = arith.index_cast %add3A_2492 : i32 to index
        %get3A_2663 = arith.constant 192 : index
        %get3A_2664 = tpu.vector_load %arg10[%get3A_2661, %get3A_2662, %get3A_2663] {strides = array<i32>} : memref<3x64x256xf32, #tpu.memory_space<vmem>>, vector<1x1x16xf32>,
        %get3A_2665 = vector.shape_cast %get3A_2664 : vector<1x1x16xf32> to vector<16xf32>
        %mul3A_2666 = arith.mulf %gather3A_2488, %get3A_138 : vector<16xf32>
        %add3A_2667 = arith.addf %get3A_2665, %mul3A_2666 : vector<16xf32>
        %add3A_2668 = arith.addf %add3A_2667, %get3A_186 : vector<16xf32>
        %swap3A_2669 = arith.index_cast %rem3A_262 : i32 to index
        %swap3A_2670 = arith.index_cast %add3A_2492 : i32 to index
        %swap3A_2671 = arith.constant 192 : index
        %swap3A_2672 = tpu.vector_load %arg11[%swap3A_2669, %swap3A_2670, %swap3A_2671] {strides = array<i32>} : memref<3x64x256xf32, #tpu.memory_space<vmem>>, vector<1x1x16xf32>,
        %swap3A_2673 = vector.shape_cast %swap3A_2672 : vector<1x1x16xf32> to vector<16xf32>
        %swap3A_2674 = vector.shape_cast %add3A_2668 : vector<16xf32> to vector<1x1x16xf32>
        tpu.vector_store %arg11[%swap3A_2669, %swap3A_2670, %swap3A_2671], %swap3A_2674 {strides = array<i32>} : memref<3x64x256xf32, #tpu.memory_space<vmem>>, vector<1x1x16xf32>,
        %get3A_2675 = arith.index_cast %rem3A_260 : i32 to index
        %get3A_2676 = arith.index_cast %add3A_2492 : i32 to index
        %get3A_2677 = arith.constant 208 : index
        %get3A_2678 = tpu.vector_load %arg10[%get3A_2675, %get3A_2676, %get3A_2677] {strides = array<i32>} : memref<3x64x256xf32, #tpu.memory_space<vmem>>, vector<1x1x16xf32>,
        %get3A_2679 = vector.shape_cast %get3A_2678 : vector<1x1x16xf32> to vector<16xf32>
        %mul3A_2680 = arith.mulf %gather3A_2488, %get3A_141 : vector<16xf32>
        %add3A_2681 = arith.addf %get3A_2679, %mul3A_2680 : vector<16xf32>
        %add3A_2682 = arith.addf %add3A_2681, %get3A_189 : vector<16xf32>
        %swap3A_2683 = arith.index_cast %rem3A_262 : i32 to index
        %swap3A_2684 = arith.index_cast %add3A_2492 : i32 to index
        %swap3A_2685 = arith.constant 208 : index
        %swap3A_2686 = tpu.vector_load %arg11[%swap3A_2683, %swap3A_2684, %swap3A_2685] {strides = array<i32>} : memref<3x64x256xf32, #tpu.memory_space<vmem>>, vector<1x1x16xf32>,
        %swap3A_2687 = vector.shape_cast %swap3A_2686 : vector<1x1x16xf32> to vector<16xf32>
        %swap3A_2688 = vector.shape_cast %add3A_2682 : vector<16xf32> to vector<1x1x16xf32>
        tpu.vector_store %arg11[%swap3A_2683, %swap3A_2684, %swap3A_2685], %swap3A_2688 {strides = array<i32>} : memref<3x64x256xf32, #tpu.memory_space<vmem>>, vector<1x1x16xf32>,
        %get3A_2689 = arith.index_cast %rem3A_260 : i32 to index
        %get3A_2690 = arith.index_cast %add3A_2492 : i32 to index
        %get3A_2691 = arith.constant 224 : index
        %get3A_2692 = tpu.vector_load %arg10[%get3A_2689, %get3A_2690, %get3A_2691] {strides = array<i32>} : memref<3x64x256xf32, #tpu.memory_space<vmem>>, vector<1x1x16xf32>,
        %get3A_2693 = vector.shape_cast %get3A_2692 : vector<1x1x16xf32> to vector<16xf32>
        %mul3A_2694 = arith.mulf %gather3A_2488, %get3A_144 : vector<16xf32>
        %add3A_2695 = arith.addf %get3A_2693, %mul3A_2694 : vector<16xf32>
        %add3A_2696 = arith.addf %add3A_2695, %get3A_192 : vector<16xf32>
        %swap3A_2697 = arith.index_cast %rem3A_262 : i32 to index
        %swap3A_2698 = arith.index_cast %add3A_2492 : i32 to index
        %swap3A_2699 = arith.constant 224 : index
        %swap3A_2700 = tpu.vector_load %arg11[%swap3A_2697, %swap3A_2698, %swap3A_2699] {strides = array<i32>} : memref<3x64x256xf32, #tpu.memory_space<vmem>>, vector<1x1x16xf32>,
        %swap3A_2701 = vector.shape_cast %swap3A_2700 : vector<1x1x16xf32> to vector<16xf32>
        %swap3A_2702 = vector.shape_cast %add3A_2696 : vector<16xf32> to vector<1x1x16xf32>
        tpu.vector_store %arg11[%swap3A_2697, %swap3A_2698, %swap3A_2699], %swap3A_2702 {strides = array<i32>} : memref<3x64x256xf32, #tpu.memory_space<vmem>>, vector<1x1x16xf32>,
        %get3A_2703 = arith.index_cast %rem3A_260 : i32 to index
        %get3A_2704 = arith.index_cast %add3A_2492 : i32 to index
        %get3A_2705 = arith.constant 240 : index
        %get3A_2706 = tpu.vector_load %arg10[%get3A_2703, %get3A_2704, %get3A_2705] {strides = array<i32>} : memref<3x64x256xf32, #tpu.memory_space<vmem>>, vector<1x1x16xf32>,
        %get3A_2707 = vector.shape_cast %get3A_2706 : vector<1x1x16xf32> to vector<16xf32>
        %mul3A_2708 = arith.mulf %gather3A_2488, %get3A_147 : vector<16xf32>
        %add3A_2709 = arith.addf %get3A_2707, %mul3A_2708 : vector<16xf32>
        %add3A_2710 = arith.addf %add3A_2709, %get3A_195 : vector<16xf32>
        %swap3A_2711 = arith.index_cast %rem3A_262 : i32 to index
        %swap3A_2712 = arith.index_cast %add3A_2492 : i32 to index
        %swap3A_2713 = arith.constant 240 : index
        %swap3A_2714 = tpu.vector_load %arg11[%swap3A_2711, %swap3A_2712, %swap3A_2713] {strides = array<i32>} : memref<3x64x256xf32, #tpu.memory_space<vmem>>, vector<1x1x16xf32>,
        %swap3A_2715 = vector.shape_cast %swap3A_2714 : vector<1x1x16xf32> to vector<16xf32>
        %swap3A_2716 = vector.shape_cast %add3A_2710 : vector<16xf32> to vector<1x1x16xf32>
        tpu.vector_store %arg11[%swap3A_2711, %swap3A_2712, %swap3A_2713], %swap3A_2716 {strides = array<i32>} : memref<3x64x256xf32, #tpu.memory_space<vmem>>, vector<1x1x16xf32>,
        %broadcast_in_dim3A_2717 = arith.constant 10 : i32
        %broadcast_in_dim3A_2718 = vector.broadcast %broadcast_in_dim3A_2717 : i32 to vector<16x1xi32>
        %gather3A_2719 = vector.shape_cast %broadcast_in_dim3A_2718 : vector<16x1xi32> to vector<16xi32>
        %gather3A_2720 = tpu.dynamic_gather %get3A_399[%gather3A_2719] in [0] : vector<16xf32>, vector<16xi32> -> vector<16xf32>
        %mul3A_2721 = arith.constant 16 : i32
        %mul3A_2722 = arith.muli %scan3A_350, %mul3A_2721 : i32
        %add3A_2723 = arith.constant 10 : i32
        %add3A_2724 = arith.addi %mul3A_2722, %add3A_2723 : i32
        %get3A_2725 = arith.index_cast %rem3A_260 : i32 to index
        %get3A_2726 = arith.index_cast %add3A_2724 : i32 to index
        %get3A_2727 = arith.constant 0 : index
        %get3A_2728 = tpu.vector_load %arg10[%get3A_2725, %get3A_2726, %get3A_2727] {strides = array<i32>} : memref<3x64x256xf32, #tpu.memory_space<vmem>>, vector<1x1x16xf32>,
        %get3A_2729 = vector.shape_cast %get3A_2728 : vector<1x1x16xf32> to vector<16xf32>
        %mul3A_2730 = arith.mulf %gather3A_2720, %get3A_102 : vector<16xf32>
        %add3A_2731 = arith.addf %get3A_2729, %mul3A_2730 : vector<16xf32>
        %add3A_2732 = arith.addf %add3A_2731, %get3A_150 : vector<16xf32>
        %swap3A_2733 = arith.index_cast %rem3A_262 : i32 to index
        %swap3A_2734 = arith.index_cast %add3A_2724 : i32 to index
        %swap3A_2735 = arith.constant 0 : index
        %swap3A_2736 = tpu.vector_load %arg11[%swap3A_2733, %swap3A_2734, %swap3A_2735] {strides = array<i32>} : memref<3x64x256xf32, #tpu.memory_space<vmem>>, vector<1x1x16xf32>,
        %swap3A_2737 = vector.shape_cast %swap3A_2736 : vector<1x1x16xf32> to vector<16xf32>
        %swap3A_2738 = vector.shape_cast %add3A_2732 : vector<16xf32> to vector<1x1x16xf32>
        tpu.vector_store %arg11[%swap3A_2733, %swap3A_2734, %swap3A_2735], %swap3A_2738 {strides = array<i32>} : memref<3x64x256xf32, #tpu.memory_space<vmem>>, vector<1x1x16xf32>,
        %get3A_2739 = arith.index_cast %rem3A_260 : i32 to index
        %get3A_2740 = arith.index_cast %add3A_2724 : i32 to index
        %get3A_2741 = arith.constant 16 : index
        %get3A_2742 = tpu.vector_load %arg10[%get3A_2739, %get3A_2740, %get3A_2741] {strides = array<i32>} : memref<3x64x256xf32, #tpu.memory_space<vmem>>, vector<1x1x16xf32>,
        %get3A_2743 = vector.shape_cast %get3A_2742 : vector<1x1x16xf32> to vector<16xf32>
        %mul3A_2744 = arith.mulf %gather3A_2720, %get3A_105 : vector<16xf32>
        %add3A_2745 = arith.addf %get3A_2743, %mul3A_2744 : vector<16xf32>
        %add3A_2746 = arith.addf %add3A_2745, %get3A_153 : vector<16xf32>
        %swap3A_2747 = arith.index_cast %rem3A_262 : i32 to index
        %swap3A_2748 = arith.index_cast %add3A_2724 : i32 to index
        %swap3A_2749 = arith.constant 16 : index
        %swap3A_2750 = tpu.vector_load %arg11[%swap3A_2747, %swap3A_2748, %swap3A_2749] {strides = array<i32>} : memref<3x64x256xf32, #tpu.memory_space<vmem>>, vector<1x1x16xf32>,
        %swap3A_2751 = vector.shape_cast %swap3A_2750 : vector<1x1x16xf32> to vector<16xf32>
        %swap3A_2752 = vector.shape_cast %add3A_2746 : vector<16xf32> to vector<1x1x16xf32>
        tpu.vector_store %arg11[%swap3A_2747, %swap3A_2748, %swap3A_2749], %swap3A_2752 {strides = array<i32>} : memref<3x64x256xf32, #tpu.memory_space<vmem>>, vector<1x1x16xf32>,
        %get3A_2753 = arith.index_cast %rem3A_260 : i32 to index
        %get3A_2754 = arith.index_cast %add3A_2724 : i32 to index
        %get3A_2755 = arith.constant 32 : index
        %get3A_2756 = tpu.vector_load %arg10[%get3A_2753, %get3A_2754, %get3A_2755] {strides = array<i32>} : memref<3x64x256xf32, #tpu.memory_space<vmem>>, vector<1x1x16xf32>,
        %get3A_2757 = vector.shape_cast %get3A_2756 : vector<1x1x16xf32> to vector<16xf32>
        %mul3A_2758 = arith.mulf %gather3A_2720, %get3A_108 : vector<16xf32>
        %add3A_2759 = arith.addf %get3A_2757, %mul3A_2758 : vector<16xf32>
        %add3A_2760 = arith.addf %add3A_2759, %get3A_156 : vector<16xf32>
        %swap3A_2761 = arith.index_cast %rem3A_262 : i32 to index
        %swap3A_2762 = arith.index_cast %add3A_2724 : i32 to index
        %swap3A_2763 = arith.constant 32 : index
        %swap3A_2764 = tpu.vector_load %arg11[%swap3A_2761, %swap3A_2762, %swap3A_2763] {strides = array<i32>} : memref<3x64x256xf32, #tpu.memory_space<vmem>>, vector<1x1x16xf32>,
        %swap3A_2765 = vector.shape_cast %swap3A_2764 : vector<1x1x16xf32> to vector<16xf32>
        %swap3A_2766 = vector.shape_cast %add3A_2760 : vector<16xf32> to vector<1x1x16xf32>
        tpu.vector_store %arg11[%swap3A_2761, %swap3A_2762, %swap3A_2763], %swap3A_2766 {strides = array<i32>} : memref<3x64x256xf32, #tpu.memory_space<vmem>>, vector<1x1x16xf32>,
        %get3A_2767 = arith.index_cast %rem3A_260 : i32 to index
        %get3A_2768 = arith.index_cast %add3A_2724 : i32 to index
        %get3A_2769 = arith.constant 48 : index
        %get3A_2770 = tpu.vector_load %arg10[%get3A_2767, %get3A_2768, %get3A_2769] {strides = array<i32>} : memref<3x64x256xf32, #tpu.memory_space<vmem>>, vector<1x1x16xf32>,
        %get3A_2771 = vector.shape_cast %get3A_2770 : vector<1x1x16xf32> to vector<16xf32>
        %mul3A_2772 = arith.mulf %gather3A_2720, %get3A_111 : vector<16xf32>
        %add3A_2773 = arith.addf %get3A_2771, %mul3A_2772 : vector<16xf32>
        %add3A_2774 = arith.addf %add3A_2773, %get3A_159 : vector<16xf32>
        %swap3A_2775 = arith.index_cast %rem3A_262 : i32 to index
        %swap3A_2776 = arith.index_cast %add3A_2724 : i32 to index
        %swap3A_2777 = arith.constant 48 : index
        %swap3A_2778 = tpu.vector_load %arg11[%swap3A_2775, %swap3A_2776, %swap3A_2777] {strides = array<i32>} : memref<3x64x256xf32, #tpu.memory_space<vmem>>, vector<1x1x16xf32>,
        %swap3A_2779 = vector.shape_cast %swap3A_2778 : vector<1x1x16xf32> to vector<16xf32>
        %swap3A_2780 = vector.shape_cast %add3A_2774 : vector<16xf32> to vector<1x1x16xf32>
        tpu.vector_store %arg11[%swap3A_2775, %swap3A_2776, %swap3A_2777], %swap3A_2780 {strides = array<i32>} : memref<3x64x256xf32, #tpu.memory_space<vmem>>, vector<1x1x16xf32>,
        %get3A_2781 = arith.index_cast %rem3A_260 : i32 to index
        %get3A_2782 = arith.index_cast %add3A_2724 : i32 to index
        %get3A_2783 = arith.constant 64 : index
        %get3A_2784 = tpu.vector_load %arg10[%get3A_2781, %get3A_2782, %get3A_2783] {strides = array<i32>} : memref<3x64x256xf32, #tpu.memory_space<vmem>>, vector<1x1x16xf32>,
        %get3A_2785 = vector.shape_cast %get3A_2784 : vector<1x1x16xf32> to vector<16xf32>
        %mul3A_2786 = arith.mulf %gather3A_2720, %get3A_114 : vector<16xf32>
        %add3A_2787 = arith.addf %get3A_2785, %mul3A_2786 : vector<16xf32>
        %add3A_2788 = arith.addf %add3A_2787, %get3A_162 : vector<16xf32>
        %swap3A_2789 = arith.index_cast %rem3A_262 : i32 to index
        %swap3A_2790 = arith.index_cast %add3A_2724 : i32 to index
        %swap3A_2791 = arith.constant 64 : index
        %swap3A_2792 = tpu.vector_load %arg11[%swap3A_2789, %swap3A_2790, %swap3A_2791] {strides = array<i32>} : memref<3x64x256xf32, #tpu.memory_space<vmem>>, vector<1x1x16xf32>,
        %swap3A_2793 = vector.shape_cast %swap3A_2792 : vector<1x1x16xf32> to vector<16xf32>
        %swap3A_2794 = vector.shape_cast %add3A_2788 : vector<16xf32> to vector<1x1x16xf32>
        tpu.vector_store %arg11[%swap3A_2789, %swap3A_2790, %swap3A_2791], %swap3A_2794 {strides = array<i32>} : memref<3x64x256xf32, #tpu.memory_space<vmem>>, vector<1x1x16xf32>,
        %get3A_2795 = arith.index_cast %rem3A_260 : i32 to index
        %get3A_2796 = arith.index_cast %add3A_2724 : i32 to index
        %get3A_2797 = arith.constant 80 : index
        %get3A_2798 = tpu.vector_load %arg10[%get3A_2795, %get3A_2796, %get3A_2797] {strides = array<i32>} : memref<3x64x256xf32, #tpu.memory_space<vmem>>, vector<1x1x16xf32>,
        %get3A_2799 = vector.shape_cast %get3A_2798 : vector<1x1x16xf32> to vector<16xf32>
        %mul3A_2800 = arith.mulf %gather3A_2720, %get3A_117 : vector<16xf32>
        %add3A_2801 = arith.addf %get3A_2799, %mul3A_2800 : vector<16xf32>
        %add3A_2802 = arith.addf %add3A_2801, %get3A_165 : vector<16xf32>
        %swap3A_2803 = arith.index_cast %rem3A_262 : i32 to index
        %swap3A_2804 = arith.index_cast %add3A_2724 : i32 to index
        %swap3A_2805 = arith.constant 80 : index
        %swap3A_2806 = tpu.vector_load %arg11[%swap3A_2803, %swap3A_2804, %swap3A_2805] {strides = array<i32>} : memref<3x64x256xf32, #tpu.memory_space<vmem>>, vector<1x1x16xf32>,
        %swap3A_2807 = vector.shape_cast %swap3A_2806 : vector<1x1x16xf32> to vector<16xf32>
        %swap3A_2808 = vector.shape_cast %add3A_2802 : vector<16xf32> to vector<1x1x16xf32>
        tpu.vector_store %arg11[%swap3A_2803, %swap3A_2804, %swap3A_2805], %swap3A_2808 {strides = array<i32>} : memref<3x64x256xf32, #tpu.memory_space<vmem>>, vector<1x1x16xf32>,
        %get3A_2809 = arith.index_cast %rem3A_260 : i32 to index
        %get3A_2810 = arith.index_cast %add3A_2724 : i32 to index
        %get3A_2811 = arith.constant 96 : index
        %get3A_2812 = tpu.vector_load %arg10[%get3A_2809, %get3A_2810, %get3A_2811] {strides = array<i32>} : memref<3x64x256xf32, #tpu.memory_space<vmem>>, vector<1x1x16xf32>,
        %get3A_2813 = vector.shape_cast %get3A_2812 : vector<1x1x16xf32> to vector<16xf32>
        %mul3A_2814 = arith.mulf %gather3A_2720, %get3A_120 : vector<16xf32>
        %add3A_2815 = arith.addf %get3A_2813, %mul3A_2814 : vector<16xf32>
        %add3A_2816 = arith.addf %add3A_2815, %get3A_168 : vector<16xf32>
        %swap3A_2817 = arith.index_cast %rem3A_262 : i32 to index
        %swap3A_2818 = arith.index_cast %add3A_2724 : i32 to index
        %swap3A_2819 = arith.constant 96 : index
        %swap3A_2820 = tpu.vector_load %arg11[%swap3A_2817, %swap3A_2818, %swap3A_2819] {strides = array<i32>} : memref<3x64x256xf32, #tpu.memory_space<vmem>>, vector<1x1x16xf32>,
        %swap3A_2821 = vector.shape_cast %swap3A_2820 : vector<1x1x16xf32> to vector<16xf32>
        %swap3A_2822 = vector.shape_cast %add3A_2816 : vector<16xf32> to vector<1x1x16xf32>
        tpu.vector_store %arg11[%swap3A_2817, %swap3A_2818, %swap3A_2819], %swap3A_2822 {strides = array<i32>} : memref<3x64x256xf32, #tpu.memory_space<vmem>>, vector<1x1x16xf32>,
        %get3A_2823 = arith.index_cast %rem3A_260 : i32 to index
        %get3A_2824 = arith.index_cast %add3A_2724 : i32 to index
        %get3A_2825 = arith.constant 112 : index
        %get3A_2826 = tpu.vector_load %arg10[%get3A_2823, %get3A_2824, %get3A_2825] {strides = array<i32>} : memref<3x64x256xf32, #tpu.memory_space<vmem>>, vector<1x1x16xf32>,
        %get3A_2827 = vector.shape_cast %get3A_2826 : vector<1x1x16xf32> to vector<16xf32>
        %mul3A_2828 = arith.mulf %gather3A_2720, %get3A_123 : vector<16xf32>
        %add3A_2829 = arith.addf %get3A_2827, %mul3A_2828 : vector<16xf32>
        %add3A_2830 = arith.addf %add3A_2829, %get3A_171 : vector<16xf32>
        %swap3A_2831 = arith.index_cast %rem3A_262 : i32 to index
        %swap3A_2832 = arith.index_cast %add3A_2724 : i32 to index
        %swap3A_2833 = arith.constant 112 : index
        %swap3A_2834 = tpu.vector_load %arg11[%swap3A_2831, %swap3A_2832, %swap3A_2833] {strides = array<i32>} : memref<3x64x256xf32, #tpu.memory_space<vmem>>, vector<1x1x16xf32>,
        %swap3A_2835 = vector.shape_cast %swap3A_2834 : vector<1x1x16xf32> to vector<16xf32>
        %swap3A_2836 = vector.shape_cast %add3A_2830 : vector<16xf32> to vector<1x1x16xf32>
        tpu.vector_store %arg11[%swap3A_2831, %swap3A_2832, %swap3A_2833], %swap3A_2836 {strides = array<i32>} : memref<3x64x256xf32, #tpu.memory_space<vmem>>, vector<1x1x16xf32>,
        %get3A_2837 = arith.index_cast %rem3A_260 : i32 to index
        %get3A_2838 = arith.index_cast %add3A_2724 : i32 to index
        %get3A_2839 = arith.constant 128 : index
        %get3A_2840 = tpu.vector_load %arg10[%get3A_2837, %get3A_2838, %get3A_2839] {strides = array<i32>} : memref<3x64x256xf32, #tpu.memory_space<vmem>>, vector<1x1x16xf32>,
        %get3A_2841 = vector.shape_cast %get3A_2840 : vector<1x1x16xf32> to vector<16xf32>
        %mul3A_2842 = arith.mulf %gather3A_2720, %get3A_126 : vector<16xf32>
        %add3A_2843 = arith.addf %get3A_2841, %mul3A_2842 : vector<16xf32>
        %add3A_2844 = arith.addf %add3A_2843, %get3A_174 : vector<16xf32>
        %swap3A_2845 = arith.index_cast %rem3A_262 : i32 to index
        %swap3A_2846 = arith.index_cast %add3A_2724 : i32 to index
        %swap3A_2847 = arith.constant 128 : index
        %swap3A_2848 = tpu.vector_load %arg11[%swap3A_2845, %swap3A_2846, %swap3A_2847] {strides = array<i32>} : memref<3x64x256xf32, #tpu.memory_space<vmem>>, vector<1x1x16xf32>,
        %swap3A_2849 = vector.shape_cast %swap3A_2848 : vector<1x1x16xf32> to vector<16xf32>
        %swap3A_2850 = vector.shape_cast %add3A_2844 : vector<16xf32> to vector<1x1x16xf32>
        tpu.vector_store %arg11[%swap3A_2845, %swap3A_2846, %swap3A_2847], %swap3A_2850 {strides = array<i32>} : memref<3x64x256xf32, #tpu.memory_space<vmem>>, vector<1x1x16xf32>,
        %get3A_2851 = arith.index_cast %rem3A_260 : i32 to index
        %get3A_2852 = arith.index_cast %add3A_2724 : i32 to index
        %get3A_2853 = arith.constant 144 : index
        %get3A_2854 = tpu.vector_load %arg10[%get3A_2851, %get3A_2852, %get3A_2853] {strides = array<i32>} : memref<3x64x256xf32, #tpu.memory_space<vmem>>, vector<1x1x16xf32>,
        %get3A_2855 = vector.shape_cast %get3A_2854 : vector<1x1x16xf32> to vector<16xf32>
        %mul3A_2856 = arith.mulf %gather3A_2720, %get3A_129 : vector<16xf32>
        %add3A_2857 = arith.addf %get3A_2855, %mul3A_2856 : vector<16xf32>
        %add3A_2858 = arith.addf %add3A_2857, %get3A_177 : vector<16xf32>
        %swap3A_2859 = arith.index_cast %rem3A_262 : i32 to index
        %swap3A_2860 = arith.index_cast %add3A_2724 : i32 to index
        %swap3A_2861 = arith.constant 144 : index
        %swap3A_2862 = tpu.vector_load %arg11[%swap3A_2859, %swap3A_2860, %swap3A_2861] {strides = array<i32>} : memref<3x64x256xf32, #tpu.memory_space<vmem>>, vector<1x1x16xf32>,
        %swap3A_2863 = vector.shape_cast %swap3A_2862 : vector<1x1x16xf32> to vector<16xf32>
        %swap3A_2864 = vector.shape_cast %add3A_2858 : vector<16xf32> to vector<1x1x16xf32>
        tpu.vector_store %arg11[%swap3A_2859, %swap3A_2860, %swap3A_2861], %swap3A_2864 {strides = array<i32>} : memref<3x64x256xf32, #tpu.memory_space<vmem>>, vector<1x1x16xf32>,
        %get3A_2865 = arith.index_cast %rem3A_260 : i32 to index
        %get3A_2866 = arith.index_cast %add3A_2724 : i32 to index
        %get3A_2867 = arith.constant 160 : index
        %get3A_2868 = tpu.vector_load %arg10[%get3A_2865, %get3A_2866, %get3A_2867] {strides = array<i32>} : memref<3x64x256xf32, #tpu.memory_space<vmem>>, vector<1x1x16xf32>,
        %get3A_2869 = vector.shape_cast %get3A_2868 : vector<1x1x16xf32> to vector<16xf32>
        %mul3A_2870 = arith.mulf %gather3A_2720, %get3A_132 : vector<16xf32>
        %add3A_2871 = arith.addf %get3A_2869, %mul3A_2870 : vector<16xf32>
        %add3A_2872 = arith.addf %add3A_2871, %get3A_180 : vector<16xf32>
        %swap3A_2873 = arith.index_cast %rem3A_262 : i32 to index
        %swap3A_2874 = arith.index_cast %add3A_2724 : i32 to index
        %swap3A_2875 = arith.constant 160 : index
        %swap3A_2876 = tpu.vector_load %arg11[%swap3A_2873, %swap3A_2874, %swap3A_2875] {strides = array<i32>} : memref<3x64x256xf32, #tpu.memory_space<vmem>>, vector<1x1x16xf32>,
        %swap3A_2877 = vector.shape_cast %swap3A_2876 : vector<1x1x16xf32> to vector<16xf32>
        %swap3A_2878 = vector.shape_cast %add3A_2872 : vector<16xf32> to vector<1x1x16xf32>
        tpu.vector_store %arg11[%swap3A_2873, %swap3A_2874, %swap3A_2875], %swap3A_2878 {strides = array<i32>} : memref<3x64x256xf32, #tpu.memory_space<vmem>>, vector<1x1x16xf32>,
        %get3A_2879 = arith.index_cast %rem3A_260 : i32 to index
        %get3A_2880 = arith.index_cast %add3A_2724 : i32 to index
        %get3A_2881 = arith.constant 176 : index
        %get3A_2882 = tpu.vector_load %arg10[%get3A_2879, %get3A_2880, %get3A_2881] {strides = array<i32>} : memref<3x64x256xf32, #tpu.memory_space<vmem>>, vector<1x1x16xf32>,
        %get3A_2883 = vector.shape_cast %get3A_2882 : vector<1x1x16xf32> to vector<16xf32>
        %mul3A_2884 = arith.mulf %gather3A_2720, %get3A_135 : vector<16xf32>
        %add3A_2885 = arith.addf %get3A_2883, %mul3A_2884 : vector<16xf32>
        %add3A_2886 = arith.addf %add3A_2885, %get3A_183 : vector<16xf32>
        %swap3A_2887 = arith.index_cast %rem3A_262 : i32 to index
        %swap3A_2888 = arith.index_cast %add3A_2724 : i32 to index
        %swap3A_2889 = arith.constant 176 : index
        %swap3A_2890 = tpu.vector_load %arg11[%swap3A_2887, %swap3A_2888, %swap3A_2889] {strides = array<i32>} : memref<3x64x256xf32, #tpu.memory_space<vmem>>, vector<1x1x16xf32>,
        %swap3A_2891 = vector.shape_cast %swap3A_2890 : vector<1x1x16xf32> to vector<16xf32>
        %swap3A_2892 = vector.shape_cast %add3A_2886 : vector<16xf32> to vector<1x1x16xf32>
        tpu.vector_store %arg11[%swap3A_2887, %swap3A_2888, %swap3A_2889], %swap3A_2892 {strides = array<i32>} : memref<3x64x256xf32, #tpu.memory_space<vmem>>, vector<1x1x16xf32>,
        %get3A_2893 = arith.index_cast %rem3A_260 : i32 to index
        %get3A_2894 = arith.index_cast %add3A_2724 : i32 to index
        %get3A_2895 = arith.constant 192 : index
        %get3A_2896 = tpu.vector_load %arg10[%get3A_2893, %get3A_2894, %get3A_2895] {strides = array<i32>} : memref<3x64x256xf32, #tpu.memory_space<vmem>>, vector<1x1x16xf32>,
        %get3A_2897 = vector.shape_cast %get3A_2896 : vector<1x1x16xf32> to vector<16xf32>
        %mul3A_2898 = arith.mulf %gather3A_2720, %get3A_138 : vector<16xf32>
        %add3A_2899 = arith.addf %get3A_2897, %mul3A_2898 : vector<16xf32>
        %add3A_2900 = arith.addf %add3A_2899, %get3A_186 : vector<16xf32>
        %swap3A_2901 = arith.index_cast %rem3A_262 : i32 to index
        %swap3A_2902 = arith.index_cast %add3A_2724 : i32 to index
        %swap3A_2903 = arith.constant 192 : index
        %swap3A_2904 = tpu.vector_load %arg11[%swap3A_2901, %swap3A_2902, %swap3A_2903] {strides = array<i32>} : memref<3x64x256xf32, #tpu.memory_space<vmem>>, vector<1x1x16xf32>,
        %swap3A_2905 = vector.shape_cast %swap3A_2904 : vector<1x1x16xf32> to vector<16xf32>
        %swap3A_2906 = vector.shape_cast %add3A_2900 : vector<16xf32> to vector<1x1x16xf32>
        tpu.vector_store %arg11[%swap3A_2901, %swap3A_2902, %swap3A_2903], %swap3A_2906 {strides = array<i32>} : memref<3x64x256xf32, #tpu.memory_space<vmem>>, vector<1x1x16xf32>,
        %get3A_2907 = arith.index_cast %rem3A_260 : i32 to index
        %get3A_2908 = arith.index_cast %add3A_2724 : i32 to index
        %get3A_2909 = arith.constant 208 : index
        %get3A_2910 = tpu.vector_load %arg10[%get3A_2907, %get3A_2908, %get3A_2909] {strides = array<i32>} : memref<3x64x256xf32, #tpu.memory_space<vmem>>, vector<1x1x16xf32>,
        %get3A_2911 = vector.shape_cast %get3A_2910 : vector<1x1x16xf32> to vector<16xf32>
        %mul3A_2912 = arith.mulf %gather3A_2720, %get3A_141 : vector<16xf32>
        %add3A_2913 = arith.addf %get3A_2911, %mul3A_2912 : vector<16xf32>
        %add3A_2914 = arith.addf %add3A_2913, %get3A_189 : vector<16xf32>
        %swap3A_2915 = arith.index_cast %rem3A_262 : i32 to index
        %swap3A_2916 = arith.index_cast %add3A_2724 : i32 to index
        %swap3A_2917 = arith.constant 208 : index
        %swap3A_2918 = tpu.vector_load %arg11[%swap3A_2915, %swap3A_2916, %swap3A_2917] {strides = array<i32>} : memref<3x64x256xf32, #tpu.memory_space<vmem>>, vector<1x1x16xf32>,
        %swap3A_2919 = vector.shape_cast %swap3A_2918 : vector<1x1x16xf32> to vector<16xf32>
        %swap3A_2920 = vector.shape_cast %add3A_2914 : vector<16xf32> to vector<1x1x16xf32>
        tpu.vector_store %arg11[%swap3A_2915, %swap3A_2916, %swap3A_2917], %swap3A_2920 {strides = array<i32>} : memref<3x64x256xf32, #tpu.memory_space<vmem>>, vector<1x1x16xf32>,
        %get3A_2921 = arith.index_cast %rem3A_260 : i32 to index
        %get3A_2922 = arith.index_cast %add3A_2724 : i32 to index
        %get3A_2923 = arith.constant 224 : index
        %get3A_2924 = tpu.vector_load %arg10[%get3A_2921, %get3A_2922, %get3A_2923] {strides = array<i32>} : memref<3x64x256xf32, #tpu.memory_space<vmem>>, vector<1x1x16xf32>,
        %get3A_2925 = vector.shape_cast %get3A_2924 : vector<1x1x16xf32> to vector<16xf32>
        %mul3A_2926 = arith.mulf %gather3A_2720, %get3A_144 : vector<16xf32>
        %add3A_2927 = arith.addf %get3A_2925, %mul3A_2926 : vector<16xf32>
        %add3A_2928 = arith.addf %add3A_2927, %get3A_192 : vector<16xf32>
        %swap3A_2929 = arith.index_cast %rem3A_262 : i32 to index
        %swap3A_2930 = arith.index_cast %add3A_2724 : i32 to index
        %swap3A_2931 = arith.constant 224 : index
        %swap3A_2932 = tpu.vector_load %arg11[%swap3A_2929, %swap3A_2930, %swap3A_2931] {strides = array<i32>} : memref<3x64x256xf32, #tpu.memory_space<vmem>>, vector<1x1x16xf32>,
        %swap3A_2933 = vector.shape_cast %swap3A_2932 : vector<1x1x16xf32> to vector<16xf32>
        %swap3A_2934 = vector.shape_cast %add3A_2928 : vector<16xf32> to vector<1x1x16xf32>
        tpu.vector_store %arg11[%swap3A_2929, %swap3A_2930, %swap3A_2931], %swap3A_2934 {strides = array<i32>} : memref<3x64x256xf32, #tpu.memory_space<vmem>>, vector<1x1x16xf32>,
        %get3A_2935 = arith.index_cast %rem3A_260 : i32 to index
        %get3A_2936 = arith.index_cast %add3A_2724 : i32 to index
        %get3A_2937 = arith.constant 240 : index
        %get3A_2938 = tpu.vector_load %arg10[%get3A_2935, %get3A_2936, %get3A_2937] {strides = array<i32>} : memref<3x64x256xf32, #tpu.memory_space<vmem>>, vector<1x1x16xf32>,
        %get3A_2939 = vector.shape_cast %get3A_2938 : vector<1x1x16xf32> to vector<16xf32>
        %mul3A_2940 = arith.mulf %gather3A_2720, %get3A_147 : vector<16xf32>
        %add3A_2941 = arith.addf %get3A_2939, %mul3A_2940 : vector<16xf32>
        %add3A_2942 = arith.addf %add3A_2941, %get3A_195 : vector<16xf32>
        %swap3A_2943 = arith.index_cast %rem3A_262 : i32 to index
        %swap3A_2944 = arith.index_cast %add3A_2724 : i32 to index
        %swap3A_2945 = arith.constant 240 : index
        %swap3A_2946 = tpu.vector_load %arg11[%swap3A_2943, %swap3A_2944, %swap3A_2945] {strides = array<i32>} : memref<3x64x256xf32, #tpu.memory_space<vmem>>, vector<1x1x16xf32>,
        %swap3A_2947 = vector.shape_cast %swap3A_2946 : vector<1x1x16xf32> to vector<16xf32>
        %swap3A_2948 = vector.shape_cast %add3A_2942 : vector<16xf32> to vector<1x1x16xf32>
        tpu.vector_store %arg11[%swap3A_2943, %swap3A_2944, %swap3A_2945], %swap3A_2948 {strides = array<i32>} : memref<3x64x256xf32, #tpu.memory_space<vmem>>, vector<1x1x16xf32>,
        %broadcast_in_dim3A_2949 = arith.constant 11 : i32
        %broadcast_in_dim3A_2950 = vector.broadcast %broadcast_in_dim3A_2949 : i32 to vector<16x1xi32>
        %gather3A_2951 = vector.shape_cast %broadcast_in_dim3A_2950 : vector<16x1xi32> to vector<16xi32>
        %gather3A_2952 = tpu.dynamic_gather %get3A_399[%gather3A_2951] in [0] : vector<16xf32>, vector<16xi32> -> vector<16xf32>
        %mul3A_2953 = arith.constant 16 : i32
        %mul3A_2954 = arith.muli %scan3A_350, %mul3A_2953 : i32
        %add3A_2955 = arith.constant 11 : i32
        %add3A_2956 = arith.addi %mul3A_2954, %add3A_2955 : i32
        %get3A_2957 = arith.index_cast %rem3A_260 : i32 to index
        %get3A_2958 = arith.index_cast %add3A_2956 : i32 to index
        %get3A_2959 = arith.constant 0 : index
        %get3A_2960 = tpu.vector_load %arg10[%get3A_2957, %get3A_2958, %get3A_2959] {strides = array<i32>} : memref<3x64x256xf32, #tpu.memory_space<vmem>>, vector<1x1x16xf32>,
        %get3A_2961 = vector.shape_cast %get3A_2960 : vector<1x1x16xf32> to vector<16xf32>
        %mul3A_2962 = arith.mulf %gather3A_2952, %get3A_102 : vector<16xf32>
        %add3A_2963 = arith.addf %get3A_2961, %mul3A_2962 : vector<16xf32>
        %add3A_2964 = arith.addf %add3A_2963, %get3A_150 : vector<16xf32>
        %swap3A_2965 = arith.index_cast %rem3A_262 : i32 to index
        %swap3A_2966 = arith.index_cast %add3A_2956 : i32 to index
        %swap3A_2967 = arith.constant 0 : index
        %swap3A_2968 = tpu.vector_load %arg11[%swap3A_2965, %swap3A_2966, %swap3A_2967] {strides = array<i32>} : memref<3x64x256xf32, #tpu.memory_space<vmem>>, vector<1x1x16xf32>,
        %swap3A_2969 = vector.shape_cast %swap3A_2968 : vector<1x1x16xf32> to vector<16xf32>
        %swap3A_2970 = vector.shape_cast %add3A_2964 : vector<16xf32> to vector<1x1x16xf32>
        tpu.vector_store %arg11[%swap3A_2965, %swap3A_2966, %swap3A_2967], %swap3A_2970 {strides = array<i32>} : memref<3x64x256xf32, #tpu.memory_space<vmem>>, vector<1x1x16xf32>,
        %get3A_2971 = arith.index_cast %rem3A_260 : i32 to index
        %get3A_2972 = arith.index_cast %add3A_2956 : i32 to index
        %get3A_2973 = arith.constant 16 : index
        %get3A_2974 = tpu.vector_load %arg10[%get3A_2971, %get3A_2972, %get3A_2973] {strides = array<i32>} : memref<3x64x256xf32, #tpu.memory_space<vmem>>, vector<1x1x16xf32>,
        %get3A_2975 = vector.shape_cast %get3A_2974 : vector<1x1x16xf32> to vector<16xf32>
        %mul3A_2976 = arith.mulf %gather3A_2952, %get3A_105 : vector<16xf32>
        %add3A_2977 = arith.addf %get3A_2975, %mul3A_2976 : vector<16xf32>
        %add3A_2978 = arith.addf %add3A_2977, %get3A_153 : vector<16xf32>
        %swap3A_2979 = arith.index_cast %rem3A_262 : i32 to index
        %swap3A_2980 = arith.index_cast %add3A_2956 : i32 to index
        %swap3A_2981 = arith.constant 16 : index
        %swap3A_2982 = tpu.vector_load %arg11[%swap3A_2979, %swap3A_2980, %swap3A_2981] {strides = array<i32>} : memref<3x64x256xf32, #tpu.memory_space<vmem>>, vector<1x1x16xf32>,
        %swap3A_2983 = vector.shape_cast %swap3A_2982 : vector<1x1x16xf32> to vector<16xf32>
        %swap3A_2984 = vector.shape_cast %add3A_2978 : vector<16xf32> to vector<1x1x16xf32>
        tpu.vector_store %arg11[%swap3A_2979, %swap3A_2980, %swap3A_2981], %swap3A_2984 {strides = array<i32>} : memref<3x64x256xf32, #tpu.memory_space<vmem>>, vector<1x1x16xf32>,
        %get3A_2985 = arith.index_cast %rem3A_260 : i32 to index
        %get3A_2986 = arith.index_cast %add3A_2956 : i32 to index
        %get3A_2987 = arith.constant 32 : index
        %get3A_2988 = tpu.vector_load %arg10[%get3A_2985, %get3A_2986, %get3A_2987] {strides = array<i32>} : memref<3x64x256xf32, #tpu.memory_space<vmem>>, vector<1x1x16xf32>,
        %get3A_2989 = vector.shape_cast %get3A_2988 : vector<1x1x16xf32> to vector<16xf32>
        %mul3A_2990 = arith.mulf %gather3A_2952, %get3A_108 : vector<16xf32>
        %add3A_2991 = arith.addf %get3A_2989, %mul3A_2990 : vector<16xf32>
        %add3A_2992 = arith.addf %add3A_2991, %get3A_156 : vector<16xf32>
        %swap3A_2993 = arith.index_cast %rem3A_262 : i32 to index
        %swap3A_2994 = arith.index_cast %add3A_2956 : i32 to index
        %swap3A_2995 = arith.constant 32 : index
        %swap3A_2996 = tpu.vector_load %arg11[%swap3A_2993, %swap3A_2994, %swap3A_2995] {strides = array<i32>} : memref<3x64x256xf32, #tpu.memory_space<vmem>>, vector<1x1x16xf32>,
        %swap3A_2997 = vector.shape_cast %swap3A_2996 : vector<1x1x16xf32> to vector<16xf32>
        %swap3A_2998 = vector.shape_cast %add3A_2992 : vector<16xf32> to vector<1x1x16xf32>
        tpu.vector_store %arg11[%swap3A_2993, %swap3A_2994, %swap3A_2995], %swap3A_2998 {strides = array<i32>} : memref<3x64x256xf32, #tpu.memory_space<vmem>>, vector<1x1x16xf32>,
        %get3A_2999 = arith.index_cast %rem3A_260 : i32 to index
        %get3A_3000 = arith.index_cast %add3A_2956 : i32 to index
        %get3A_3001 = arith.constant 48 : index
        %get3A_3002 = tpu.vector_load %arg10[%get3A_2999, %get3A_3000, %get3A_3001] {strides = array<i32>} : memref<3x64x256xf32, #tpu.memory_space<vmem>>, vector<1x1x16xf32>,
        %get3A_3003 = vector.shape_cast %get3A_3002 : vector<1x1x16xf32> to vector<16xf32>
        %mul3A_3004 = arith.mulf %gather3A_2952, %get3A_111 : vector<16xf32>
        %add3A_3005 = arith.addf %get3A_3003, %mul3A_3004 : vector<16xf32>
        %add3A_3006 = arith.addf %add3A_3005, %get3A_159 : vector<16xf32>
        %swap3A_3007 = arith.index_cast %rem3A_262 : i32 to index
        %swap3A_3008 = arith.index_cast %add3A_2956 : i32 to index
        %swap3A_3009 = arith.constant 48 : index
        %swap3A_3010 = tpu.vector_load %arg11[%swap3A_3007, %swap3A_3008, %swap3A_3009] {strides = array<i32>} : memref<3x64x256xf32, #tpu.memory_space<vmem>>, vector<1x1x16xf32>,
        %swap3A_3011 = vector.shape_cast %swap3A_3010 : vector<1x1x16xf32> to vector<16xf32>
        %swap3A_3012 = vector.shape_cast %add3A_3006 : vector<16xf32> to vector<1x1x16xf32>
        tpu.vector_store %arg11[%swap3A_3007, %swap3A_3008, %swap3A_3009], %swap3A_3012 {strides = array<i32>} : memref<3x64x256xf32, #tpu.memory_space<vmem>>, vector<1x1x16xf32>,
        %get3A_3013 = arith.index_cast %rem3A_260 : i32 to index
        %get3A_3014 = arith.index_cast %add3A_2956 : i32 to index
        %get3A_3015 = arith.constant 64 : index
        %get3A_3016 = tpu.vector_load %arg10[%get3A_3013, %get3A_3014, %get3A_3015] {strides = array<i32>} : memref<3x64x256xf32, #tpu.memory_space<vmem>>, vector<1x1x16xf32>,
        %get3A_3017 = vector.shape_cast %get3A_3016 : vector<1x1x16xf32> to vector<16xf32>
        %mul3A_3018 = arith.mulf %gather3A_2952, %get3A_114 : vector<16xf32>
        %add3A_3019 = arith.addf %get3A_3017, %mul3A_3018 : vector<16xf32>
        %add3A_3020 = arith.addf %add3A_3019, %get3A_162 : vector<16xf32>
        %swap3A_3021 = arith.index_cast %rem3A_262 : i32 to index
        %swap3A_3022 = arith.index_cast %add3A_2956 : i32 to index
        %swap3A_3023 = arith.constant 64 : index
        %swap3A_3024 = tpu.vector_load %arg11[%swap3A_3021, %swap3A_3022, %swap3A_3023] {strides = array<i32>} : memref<3x64x256xf32, #tpu.memory_space<vmem>>, vector<1x1x16xf32>,
        %swap3A_3025 = vector.shape_cast %swap3A_3024 : vector<1x1x16xf32> to vector<16xf32>
        %swap3A_3026 = vector.shape_cast %add3A_3020 : vector<16xf32> to vector<1x1x16xf32>
        tpu.vector_store %arg11[%swap3A_3021, %swap3A_3022, %swap3A_3023], %swap3A_3026 {strides = array<i32>} : memref<3x64x256xf32, #tpu.memory_space<vmem>>, vector<1x1x16xf32>,
        %get3A_3027 = arith.index_cast %rem3A_260 : i32 to index
        %get3A_3028 = arith.index_cast %add3A_2956 : i32 to index
        %get3A_3029 = arith.constant 80 : index
        %get3A_3030 = tpu.vector_load %arg10[%get3A_3027, %get3A_3028, %get3A_3029] {strides = array<i32>} : memref<3x64x256xf32, #tpu.memory_space<vmem>>, vector<1x1x16xf32>,
        %get3A_3031 = vector.shape_cast %get3A_3030 : vector<1x1x16xf32> to vector<16xf32>
        %mul3A_3032 = arith.mulf %gather3A_2952, %get3A_117 : vector<16xf32>
        %add3A_3033 = arith.addf %get3A_3031, %mul3A_3032 : vector<16xf32>
        %add3A_3034 = arith.addf %add3A_3033, %get3A_165 : vector<16xf32>
        %swap3A_3035 = arith.index_cast %rem3A_262 : i32 to index
        %swap3A_3036 = arith.index_cast %add3A_2956 : i32 to index
        %swap3A_3037 = arith.constant 80 : index
        %swap3A_3038 = tpu.vector_load %arg11[%swap3A_3035, %swap3A_3036, %swap3A_3037] {strides = array<i32>} : memref<3x64x256xf32, #tpu.memory_space<vmem>>, vector<1x1x16xf32>,
        %swap3A_3039 = vector.shape_cast %swap3A_3038 : vector<1x1x16xf32> to vector<16xf32>
        %swap3A_3040 = vector.shape_cast %add3A_3034 : vector<16xf32> to vector<1x1x16xf32>
        tpu.vector_store %arg11[%swap3A_3035, %swap3A_3036, %swap3A_3037], %swap3A_3040 {strides = array<i32>} : memref<3x64x256xf32, #tpu.memory_space<vmem>>, vector<1x1x16xf32>,
        %get3A_3041 = arith.index_cast %rem3A_260 : i32 to index
        %get3A_3042 = arith.index_cast %add3A_2956 : i32 to index
        %get3A_3043 = arith.constant 96 : index
        %get3A_3044 = tpu.vector_load %arg10[%get3A_3041, %get3A_3042, %get3A_3043] {strides = array<i32>} : memref<3x64x256xf32, #tpu.memory_space<vmem>>, vector<1x1x16xf32>,
        %get3A_3045 = vector.shape_cast %get3A_3044 : vector<1x1x16xf32> to vector<16xf32>
        %mul3A_3046 = arith.mulf %gather3A_2952, %get3A_120 : vector<16xf32>
        %add3A_3047 = arith.addf %get3A_3045, %mul3A_3046 : vector<16xf32>
        %add3A_3048 = arith.addf %add3A_3047, %get3A_168 : vector<16xf32>
        %swap3A_3049 = arith.index_cast %rem3A_262 : i32 to index
        %swap3A_3050 = arith.index_cast %add3A_2956 : i32 to index
        %swap3A_3051 = arith.constant 96 : index
        %swap3A_3052 = tpu.vector_load %arg11[%swap3A_3049, %swap3A_3050, %swap3A_3051] {strides = array<i32>} : memref<3x64x256xf32, #tpu.memory_space<vmem>>, vector<1x1x16xf32>,
        %swap3A_3053 = vector.shape_cast %swap3A_3052 : vector<1x1x16xf32> to vector<16xf32>
        %swap3A_3054 = vector.shape_cast %add3A_3048 : vector<16xf32> to vector<1x1x16xf32>
        tpu.vector_store %arg11[%swap3A_3049, %swap3A_3050, %swap3A_3051], %swap3A_3054 {strides = array<i32>} : memref<3x64x256xf32, #tpu.memory_space<vmem>>, vector<1x1x16xf32>,
        %get3A_3055 = arith.index_cast %rem3A_260 : i32 to index
        %get3A_3056 = arith.index_cast %add3A_2956 : i32 to index
        %get3A_3057 = arith.constant 112 : index
        %get3A_3058 = tpu.vector_load %arg10[%get3A_3055, %get3A_3056, %get3A_3057] {strides = array<i32>} : memref<3x64x256xf32, #tpu.memory_space<vmem>>, vector<1x1x16xf32>,
        %get3A_3059 = vector.shape_cast %get3A_3058 : vector<1x1x16xf32> to vector<16xf32>
        %mul3A_3060 = arith.mulf %gather3A_2952, %get3A_123 : vector<16xf32>
        %add3A_3061 = arith.addf %get3A_3059, %mul3A_3060 : vector<16xf32>
        %add3A_3062 = arith.addf %add3A_3061, %get3A_171 : vector<16xf32>
        %swap3A_3063 = arith.index_cast %rem3A_262 : i32 to index
        %swap3A_3064 = arith.index_cast %add3A_2956 : i32 to index
        %swap3A_3065 = arith.constant 112 : index
        %swap3A_3066 = tpu.vector_load %arg11[%swap3A_3063, %swap3A_3064, %swap3A_3065] {strides = array<i32>} : memref<3x64x256xf32, #tpu.memory_space<vmem>>, vector<1x1x16xf32>,
        %swap3A_3067 = vector.shape_cast %swap3A_3066 : vector<1x1x16xf32> to vector<16xf32>
        %swap3A_3068 = vector.shape_cast %add3A_3062 : vector<16xf32> to vector<1x1x16xf32>
        tpu.vector_store %arg11[%swap3A_3063, %swap3A_3064, %swap3A_3065], %swap3A_3068 {strides = array<i32>} : memref<3x64x256xf32, #tpu.memory_space<vmem>>, vector<1x1x16xf32>,
        %get3A_3069 = arith.index_cast %rem3A_260 : i32 to index
        %get3A_3070 = arith.index_cast %add3A_2956 : i32 to index
        %get3A_3071 = arith.constant 128 : index
        %get3A_3072 = tpu.vector_load %arg10[%get3A_3069, %get3A_3070, %get3A_3071] {strides = array<i32>} : memref<3x64x256xf32, #tpu.memory_space<vmem>>, vector<1x1x16xf32>,
        %get3A_3073 = vector.shape_cast %get3A_3072 : vector<1x1x16xf32> to vector<16xf32>
        %mul3A_3074 = arith.mulf %gather3A_2952, %get3A_126 : vector<16xf32>
        %add3A_3075 = arith.addf %get3A_3073, %mul3A_3074 : vector<16xf32>
        %add3A_3076 = arith.addf %add3A_3075, %get3A_174 : vector<16xf32>
        %swap3A_3077 = arith.index_cast %rem3A_262 : i32 to index
        %swap3A_3078 = arith.index_cast %add3A_2956 : i32 to index
        %swap3A_3079 = arith.constant 128 : index
        %swap3A_3080 = tpu.vector_load %arg11[%swap3A_3077, %swap3A_3078, %swap3A_3079] {strides = array<i32>} : memref<3x64x256xf32, #tpu.memory_space<vmem>>, vector<1x1x16xf32>,
        %swap3A_3081 = vector.shape_cast %swap3A_3080 : vector<1x1x16xf32> to vector<16xf32>
        %swap3A_3082 = vector.shape_cast %add3A_3076 : vector<16xf32> to vector<1x1x16xf32>
        tpu.vector_store %arg11[%swap3A_3077, %swap3A_3078, %swap3A_3079], %swap3A_3082 {strides = array<i32>} : memref<3x64x256xf32, #tpu.memory_space<vmem>>, vector<1x1x16xf32>,
        %get3A_3083 = arith.index_cast %rem3A_260 : i32 to index
        %get3A_3084 = arith.index_cast %add3A_2956 : i32 to index
        %get3A_3085 = arith.constant 144 : index
        %get3A_3086 = tpu.vector_load %arg10[%get3A_3083, %get3A_3084, %get3A_3085] {strides = array<i32>} : memref<3x64x256xf32, #tpu.memory_space<vmem>>, vector<1x1x16xf32>,
        %get3A_3087 = vector.shape_cast %get3A_3086 : vector<1x1x16xf32> to vector<16xf32>
        %mul3A_3088 = arith.mulf %gather3A_2952, %get3A_129 : vector<16xf32>
        %add3A_3089 = arith.addf %get3A_3087, %mul3A_3088 : vector<16xf32>
        %add3A_3090 = arith.addf %add3A_3089, %get3A_177 : vector<16xf32>
        %swap3A_3091 = arith.index_cast %rem3A_262 : i32 to index
        %swap3A_3092 = arith.index_cast %add3A_2956 : i32 to index
        %swap3A_3093 = arith.constant 144 : index
        %swap3A_3094 = tpu.vector_load %arg11[%swap3A_3091, %swap3A_3092, %swap3A_3093] {strides = array<i32>} : memref<3x64x256xf32, #tpu.memory_space<vmem>>, vector<1x1x16xf32>,
        %swap3A_3095 = vector.shape_cast %swap3A_3094 : vector<1x1x16xf32> to vector<16xf32>
        %swap3A_3096 = vector.shape_cast %add3A_3090 : vector<16xf32> to vector<1x1x16xf32>
        tpu.vector_store %arg11[%swap3A_3091, %swap3A_3092, %swap3A_3093], %swap3A_3096 {strides = array<i32>} : memref<3x64x256xf32, #tpu.memory_space<vmem>>, vector<1x1x16xf32>,
        %get3A_3097 = arith.index_cast %rem3A_260 : i32 to index
        %get3A_3098 = arith.index_cast %add3A_2956 : i32 to index
        %get3A_3099 = arith.constant 160 : index
        %get3A_3100 = tpu.vector_load %arg10[%get3A_3097, %get3A_3098, %get3A_3099] {strides = array<i32>} : memref<3x64x256xf32, #tpu.memory_space<vmem>>, vector<1x1x16xf32>,
        %get3A_3101 = vector.shape_cast %get3A_3100 : vector<1x1x16xf32> to vector<16xf32>
        %mul3A_3102 = arith.mulf %gather3A_2952, %get3A_132 : vector<16xf32>
        %add3A_3103 = arith.addf %get3A_3101, %mul3A_3102 : vector<16xf32>
        %add3A_3104 = arith.addf %add3A_3103, %get3A_180 : vector<16xf32>
        %swap3A_3105 = arith.index_cast %rem3A_262 : i32 to index
        %swap3A_3106 = arith.index_cast %add3A_2956 : i32 to index
        %swap3A_3107 = arith.constant 160 : index
        %swap3A_3108 = tpu.vector_load %arg11[%swap3A_3105, %swap3A_3106, %swap3A_3107] {strides = array<i32>} : memref<3x64x256xf32, #tpu.memory_space<vmem>>, vector<1x1x16xf32>,
        %swap3A_3109 = vector.shape_cast %swap3A_3108 : vector<1x1x16xf32> to vector<16xf32>
        %swap3A_3110 = vector.shape_cast %add3A_3104 : vector<16xf32> to vector<1x1x16xf32>
        tpu.vector_store %arg11[%swap3A_3105, %swap3A_3106, %swap3A_3107], %swap3A_3110 {strides = array<i32>} : memref<3x64x256xf32, #tpu.memory_space<vmem>>, vector<1x1x16xf32>,
        %get3A_3111 = arith.index_cast %rem3A_260 : i32 to index
        %get3A_3112 = arith.index_cast %add3A_2956 : i32 to index
        %get3A_3113 = arith.constant 176 : index
        %get3A_3114 = tpu.vector_load %arg10[%get3A_3111, %get3A_3112, %get3A_3113] {strides = array<i32>} : memref<3x64x256xf32, #tpu.memory_space<vmem>>, vector<1x1x16xf32>,
        %get3A_3115 = vector.shape_cast %get3A_3114 : vector<1x1x16xf32> to vector<16xf32>
        %mul3A_3116 = arith.mulf %gather3A_2952, %get3A_135 : vector<16xf32>
        %add3A_3117 = arith.addf %get3A_3115, %mul3A_3116 : vector<16xf32>
        %add3A_3118 = arith.addf %add3A_3117, %get3A_183 : vector<16xf32>
        %swap3A_3119 = arith.index_cast %rem3A_262 : i32 to index
        %swap3A_3120 = arith.index_cast %add3A_2956 : i32 to index
        %swap3A_3121 = arith.constant 176 : index
        %swap3A_3122 = tpu.vector_load %arg11[%swap3A_3119, %swap3A_3120, %swap3A_3121] {strides = array<i32>} : memref<3x64x256xf32, #tpu.memory_space<vmem>>, vector<1x1x16xf32>,
        %swap3A_3123 = vector.shape_cast %swap3A_3122 : vector<1x1x16xf32> to vector<16xf32>
        %swap3A_3124 = vector.shape_cast %add3A_3118 : vector<16xf32> to vector<1x1x16xf32>
        tpu.vector_store %arg11[%swap3A_3119, %swap3A_3120, %swap3A_3121], %swap3A_3124 {strides = array<i32>} : memref<3x64x256xf32, #tpu.memory_space<vmem>>, vector<1x1x16xf32>,
        %get3A_3125 = arith.index_cast %rem3A_260 : i32 to index
        %get3A_3126 = arith.index_cast %add3A_2956 : i32 to index
        %get3A_3127 = arith.constant 192 : index
        %get3A_3128 = tpu.vector_load %arg10[%get3A_3125, %get3A_3126, %get3A_3127] {strides = array<i32>} : memref<3x64x256xf32, #tpu.memory_space<vmem>>, vector<1x1x16xf32>,
        %get3A_3129 = vector.shape_cast %get3A_3128 : vector<1x1x16xf32> to vector<16xf32>
        %mul3A_3130 = arith.mulf %gather3A_2952, %get3A_138 : vector<16xf32>
        %add3A_3131 = arith.addf %get3A_3129, %mul3A_3130 : vector<16xf32>
        %add3A_3132 = arith.addf %add3A_3131, %get3A_186 : vector<16xf32>
        %swap3A_3133 = arith.index_cast %rem3A_262 : i32 to index
        %swap3A_3134 = arith.index_cast %add3A_2956 : i32 to index
        %swap3A_3135 = arith.constant 192 : index
        %swap3A_3136 = tpu.vector_load %arg11[%swap3A_3133, %swap3A_3134, %swap3A_3135] {strides = array<i32>} : memref<3x64x256xf32, #tpu.memory_space<vmem>>, vector<1x1x16xf32>,
        %swap3A_3137 = vector.shape_cast %swap3A_3136 : vector<1x1x16xf32> to vector<16xf32>
        %swap3A_3138 = vector.shape_cast %add3A_3132 : vector<16xf32> to vector<1x1x16xf32>
        tpu.vector_store %arg11[%swap3A_3133, %swap3A_3134, %swap3A_3135], %swap3A_3138 {strides = array<i32>} : memref<3x64x256xf32, #tpu.memory_space<vmem>>, vector<1x1x16xf32>,
        %get3A_3139 = arith.index_cast %rem3A_260 : i32 to index
        %get3A_3140 = arith.index_cast %add3A_2956 : i32 to index
        %get3A_3141 = arith.constant 208 : index
        %get3A_3142 = tpu.vector_load %arg10[%get3A_3139, %get3A_3140, %get3A_3141] {strides = array<i32>} : memref<3x64x256xf32, #tpu.memory_space<vmem>>, vector<1x1x16xf32>,
        %get3A_3143 = vector.shape_cast %get3A_3142 : vector<1x1x16xf32> to vector<16xf32>
        %mul3A_3144 = arith.mulf %gather3A_2952, %get3A_141 : vector<16xf32>
        %add3A_3145 = arith.addf %get3A_3143, %mul3A_3144 : vector<16xf32>
        %add3A_3146 = arith.addf %add3A_3145, %get3A_189 : vector<16xf32>
        %swap3A_3147 = arith.index_cast %rem3A_262 : i32 to index
        %swap3A_3148 = arith.index_cast %add3A_2956 : i32 to index
        %swap3A_3149 = arith.constant 208 : index
        %swap3A_3150 = tpu.vector_load %arg11[%swap3A_3147, %swap3A_3148, %swap3A_3149] {strides = array<i32>} : memref<3x64x256xf32, #tpu.memory_space<vmem>>, vector<1x1x16xf32>,
        %swap3A_3151 = vector.shape_cast %swap3A_3150 : vector<1x1x16xf32> to vector<16xf32>
        %swap3A_3152 = vector.shape_cast %add3A_3146 : vector<16xf32> to vector<1x1x16xf32>
        tpu.vector_store %arg11[%swap3A_3147, %swap3A_3148, %swap3A_3149], %swap3A_3152 {strides = array<i32>} : memref<3x64x256xf32, #tpu.memory_space<vmem>>, vector<1x1x16xf32>,
        %get3A_3153 = arith.index_cast %rem3A_260 : i32 to index
        %get3A_3154 = arith.index_cast %add3A_2956 : i32 to index
        %get3A_3155 = arith.constant 224 : index
        %get3A_3156 = tpu.vector_load %arg10[%get3A_3153, %get3A_3154, %get3A_3155] {strides = array<i32>} : memref<3x64x256xf32, #tpu.memory_space<vmem>>, vector<1x1x16xf32>,
        %get3A_3157 = vector.shape_cast %get3A_3156 : vector<1x1x16xf32> to vector<16xf32>
        %mul3A_3158 = arith.mulf %gather3A_2952, %get3A_144 : vector<16xf32>
        %add3A_3159 = arith.addf %get3A_3157, %mul3A_3158 : vector<16xf32>
        %add3A_3160 = arith.addf %add3A_3159, %get3A_192 : vector<16xf32>
        %swap3A_3161 = arith.index_cast %rem3A_262 : i32 to index
        %swap3A_3162 = arith.index_cast %add3A_2956 : i32 to index
        %swap3A_3163 = arith.constant 224 : index
        %swap3A_3164 = tpu.vector_load %arg11[%swap3A_3161, %swap3A_3162, %swap3A_3163] {strides = array<i32>} : memref<3x64x256xf32, #tpu.memory_space<vmem>>, vector<1x1x16xf32>,
        %swap3A_3165 = vector.shape_cast %swap3A_3164 : vector<1x1x16xf32> to vector<16xf32>
        %swap3A_3166 = vector.shape_cast %add3A_3160 : vector<16xf32> to vector<1x1x16xf32>
        tpu.vector_store %arg11[%swap3A_3161, %swap3A_3162, %swap3A_3163], %swap3A_3166 {strides = array<i32>} : memref<3x64x256xf32, #tpu.memory_space<vmem>>, vector<1x1x16xf32>,
        %get3A_3167 = arith.index_cast %rem3A_260 : i32 to index
        %get3A_3168 = arith.index_cast %add3A_2956 : i32 to index
        %get3A_3169 = arith.constant 240 : index
        %get3A_3170 = tpu.vector_load %arg10[%get3A_3167, %get3A_3168, %get3A_3169] {strides = array<i32>} : memref<3x64x256xf32, #tpu.memory_space<vmem>>, vector<1x1x16xf32>,
        %get3A_3171 = vector.shape_cast %get3A_3170 : vector<1x1x16xf32> to vector<16xf32>
        %mul3A_3172 = arith.mulf %gather3A_2952, %get3A_147 : vector<16xf32>
        %add3A_3173 = arith.addf %get3A_3171, %mul3A_3172 : vector<16xf32>
        %add3A_3174 = arith.addf %add3A_3173, %get3A_195 : vector<16xf32>
        %swap3A_3175 = arith.index_cast %rem3A_262 : i32 to index
        %swap3A_3176 = arith.index_cast %add3A_2956 : i32 to index
        %swap3A_3177 = arith.constant 240 : index
        %swap3A_3178 = tpu.vector_load %arg11[%swap3A_3175, %swap3A_3176, %swap3A_3177] {strides = array<i32>} : memref<3x64x256xf32, #tpu.memory_space<vmem>>, vector<1x1x16xf32>,
        %swap3A_3179 = vector.shape_cast %swap3A_3178 : vector<1x1x16xf32> to vector<16xf32>
        %swap3A_3180 = vector.shape_cast %add3A_3174 : vector<16xf32> to vector<1x1x16xf32>
        tpu.vector_store %arg11[%swap3A_3175, %swap3A_3176, %swap3A_3177], %swap3A_3180 {strides = array<i32>} : memref<3x64x256xf32, #tpu.memory_space<vmem>>, vector<1x1x16xf32>,
        %broadcast_in_dim3A_3181 = arith.constant 12 : i32
        %broadcast_in_dim3A_3182 = vector.broadcast %broadcast_in_dim3A_3181 : i32 to vector<16x1xi32>
        %gather3A_3183 = vector.shape_cast %broadcast_in_dim3A_3182 : vector<16x1xi32> to vector<16xi32>
        %gather3A_3184 = tpu.dynamic_gather %get3A_399[%gather3A_3183] in [0] : vector<16xf32>, vector<16xi32> -> vector<16xf32>
        %mul3A_3185 = arith.constant 16 : i32
        %mul3A_3186 = arith.muli %scan3A_350, %mul3A_3185 : i32
        %add3A_3187 = arith.constant 12 : i32
        %add3A_3188 = arith.addi %mul3A_3186, %add3A_3187 : i32
        %get3A_3189 = arith.index_cast %rem3A_260 : i32 to index
        %get3A_3190 = arith.index_cast %add3A_3188 : i32 to index
        %get3A_3191 = arith.constant 0 : index
        %get3A_3192 = tpu.vector_load %arg10[%get3A_3189, %get3A_3190, %get3A_3191] {strides = array<i32>} : memref<3x64x256xf32, #tpu.memory_space<vmem>>, vector<1x1x16xf32>,
        %get3A_3193 = vector.shape_cast %get3A_3192 : vector<1x1x16xf32> to vector<16xf32>
        %mul3A_3194 = arith.mulf %gather3A_3184, %get3A_102 : vector<16xf32>
        %add3A_3195 = arith.addf %get3A_3193, %mul3A_3194 : vector<16xf32>
        %add3A_3196 = arith.addf %add3A_3195, %get3A_150 : vector<16xf32>
        %swap3A_3197 = arith.index_cast %rem3A_262 : i32 to index
        %swap3A_3198 = arith.index_cast %add3A_3188 : i32 to index
        %swap3A_3199 = arith.constant 0 : index
        %swap3A_3200 = tpu.vector_load %arg11[%swap3A_3197, %swap3A_3198, %swap3A_3199] {strides = array<i32>} : memref<3x64x256xf32, #tpu.memory_space<vmem>>, vector<1x1x16xf32>,
        %swap3A_3201 = vector.shape_cast %swap3A_3200 : vector<1x1x16xf32> to vector<16xf32>
        %swap3A_3202 = vector.shape_cast %add3A_3196 : vector<16xf32> to vector<1x1x16xf32>
        tpu.vector_store %arg11[%swap3A_3197, %swap3A_3198, %swap3A_3199], %swap3A_3202 {strides = array<i32>} : memref<3x64x256xf32, #tpu.memory_space<vmem>>, vector<1x1x16xf32>,
        %get3A_3203 = arith.index_cast %rem3A_260 : i32 to index
        %get3A_3204 = arith.index_cast %add3A_3188 : i32 to index
        %get3A_3205 = arith.constant 16 : index
        %get3A_3206 = tpu.vector_load %arg10[%get3A_3203, %get3A_3204, %get3A_3205] {strides = array<i32>} : memref<3x64x256xf32, #tpu.memory_space<vmem>>, vector<1x1x16xf32>,
        %get3A_3207 = vector.shape_cast %get3A_3206 : vector<1x1x16xf32> to vector<16xf32>
        %mul3A_3208 = arith.mulf %gather3A_3184, %get3A_105 : vector<16xf32>
        %add3A_3209 = arith.addf %get3A_3207, %mul3A_3208 : vector<16xf32>
        %add3A_3210 = arith.addf %add3A_3209, %get3A_153 : vector<16xf32>
        %swap3A_3211 = arith.index_cast %rem3A_262 : i32 to index
        %swap3A_3212 = arith.index_cast %add3A_3188 : i32 to index
        %swap3A_3213 = arith.constant 16 : index
        %swap3A_3214 = tpu.vector_load %arg11[%swap3A_3211, %swap3A_3212, %swap3A_3213] {strides = array<i32>} : memref<3x64x256xf32, #tpu.memory_space<vmem>>, vector<1x1x16xf32>,
        %swap3A_3215 = vector.shape_cast %swap3A_3214 : vector<1x1x16xf32> to vector<16xf32>
        %swap3A_3216 = vector.shape_cast %add3A_3210 : vector<16xf32> to vector<1x1x16xf32>
        tpu.vector_store %arg11[%swap3A_3211, %swap3A_3212, %swap3A_3213], %swap3A_3216 {strides = array<i32>} : memref<3x64x256xf32, #tpu.memory_space<vmem>>, vector<1x1x16xf32>,
        %get3A_3217 = arith.index_cast %rem3A_260 : i32 to index
        %get3A_3218 = arith.index_cast %add3A_3188 : i32 to index
        %get3A_3219 = arith.constant 32 : index
        %get3A_3220 = tpu.vector_load %arg10[%get3A_3217, %get3A_3218, %get3A_3219] {strides = array<i32>} : memref<3x64x256xf32, #tpu.memory_space<vmem>>, vector<1x1x16xf32>,
        %get3A_3221 = vector.shape_cast %get3A_3220 : vector<1x1x16xf32> to vector<16xf32>
        %mul3A_3222 = arith.mulf %gather3A_3184, %get3A_108 : vector<16xf32>
        %add3A_3223 = arith.addf %get3A_3221, %mul3A_3222 : vector<16xf32>
        %add3A_3224 = arith.addf %add3A_3223, %get3A_156 : vector<16xf32>
        %swap3A_3225 = arith.index_cast %rem3A_262 : i32 to index
        %swap3A_3226 = arith.index_cast %add3A_3188 : i32 to index
        %swap3A_3227 = arith.constant 32 : index
        %swap3A_3228 = tpu.vector_load %arg11[%swap3A_3225, %swap3A_3226, %swap3A_3227] {strides = array<i32>} : memref<3x64x256xf32, #tpu.memory_space<vmem>>, vector<1x1x16xf32>,
        %swap3A_3229 = vector.shape_cast %swap3A_3228 : vector<1x1x16xf32> to vector<16xf32>
        %swap3A_3230 = vector.shape_cast %add3A_3224 : vector<16xf32> to vector<1x1x16xf32>
        tpu.vector_store %arg11[%swap3A_3225, %swap3A_3226, %swap3A_3227], %swap3A_3230 {strides = array<i32>} : memref<3x64x256xf32, #tpu.memory_space<vmem>>, vector<1x1x16xf32>,
        %get3A_3231 = arith.index_cast %rem3A_260 : i32 to index
        %get3A_3232 = arith.index_cast %add3A_3188 : i32 to index
        %get3A_3233 = arith.constant 48 : index
        %get3A_3234 = tpu.vector_load %arg10[%get3A_3231, %get3A_3232, %get3A_3233] {strides = array<i32>} : memref<3x64x256xf32, #tpu.memory_space<vmem>>, vector<1x1x16xf32>,
        %get3A_3235 = vector.shape_cast %get3A_3234 : vector<1x1x16xf32> to vector<16xf32>
        %mul3A_3236 = arith.mulf %gather3A_3184, %get3A_111 : vector<16xf32>
        %add3A_3237 = arith.addf %get3A_3235, %mul3A_3236 : vector<16xf32>
        %add3A_3238 = arith.addf %add3A_3237, %get3A_159 : vector<16xf32>
        %swap3A_3239 = arith.index_cast %rem3A_262 : i32 to index
        %swap3A_3240 = arith.index_cast %add3A_3188 : i32 to index
        %swap3A_3241 = arith.constant 48 : index
        %swap3A_3242 = tpu.vector_load %arg11[%swap3A_3239, %swap3A_3240, %swap3A_3241] {strides = array<i32>} : memref<3x64x256xf32, #tpu.memory_space<vmem>>, vector<1x1x16xf32>,
        %swap3A_3243 = vector.shape_cast %swap3A_3242 : vector<1x1x16xf32> to vector<16xf32>
        %swap3A_3244 = vector.shape_cast %add3A_3238 : vector<16xf32> to vector<1x1x16xf32>
        tpu.vector_store %arg11[%swap3A_3239, %swap3A_3240, %swap3A_3241], %swap3A_3244 {strides = array<i32>} : memref<3x64x256xf32, #tpu.memory_space<vmem>>, vector<1x1x16xf32>,
        %get3A_3245 = arith.index_cast %rem3A_260 : i32 to index
        %get3A_3246 = arith.index_cast %add3A_3188 : i32 to index
        %get3A_3247 = arith.constant 64 : index
        %get3A_3248 = tpu.vector_load %arg10[%get3A_3245, %get3A_3246, %get3A_3247] {strides = array<i32>} : memref<3x64x256xf32, #tpu.memory_space<vmem>>, vector<1x1x16xf32>,
        %get3A_3249 = vector.shape_cast %get3A_3248 : vector<1x1x16xf32> to vector<16xf32>
        %mul3A_3250 = arith.mulf %gather3A_3184, %get3A_114 : vector<16xf32>
        %add3A_3251 = arith.addf %get3A_3249, %mul3A_3250 : vector<16xf32>
        %add3A_3252 = arith.addf %add3A_3251, %get3A_162 : vector<16xf32>
        %swap3A_3253 = arith.index_cast %rem3A_262 : i32 to index
        %swap3A_3254 = arith.index_cast %add3A_3188 : i32 to index
        %swap3A_3255 = arith.constant 64 : index
        %swap3A_3256 = tpu.vector_load %arg11[%swap3A_3253, %swap3A_3254, %swap3A_3255] {strides = array<i32>} : memref<3x64x256xf32, #tpu.memory_space<vmem>>, vector<1x1x16xf32>,
        %swap3A_3257 = vector.shape_cast %swap3A_3256 : vector<1x1x16xf32> to vector<16xf32>
        %swap3A_3258 = vector.shape_cast %add3A_3252 : vector<16xf32> to vector<1x1x16xf32>
        tpu.vector_store %arg11[%swap3A_3253, %swap3A_3254, %swap3A_3255], %swap3A_3258 {strides = array<i32>} : memref<3x64x256xf32, #tpu.memory_space<vmem>>, vector<1x1x16xf32>,
        %get3A_3259 = arith.index_cast %rem3A_260 : i32 to index
        %get3A_3260 = arith.index_cast %add3A_3188 : i32 to index
        %get3A_3261 = arith.constant 80 : index
        %get3A_3262 = tpu.vector_load %arg10[%get3A_3259, %get3A_3260, %get3A_3261] {strides = array<i32>} : memref<3x64x256xf32, #tpu.memory_space<vmem>>, vector<1x1x16xf32>,
        %get3A_3263 = vector.shape_cast %get3A_3262 : vector<1x1x16xf32> to vector<16xf32>
        %mul3A_3264 = arith.mulf %gather3A_3184, %get3A_117 : vector<16xf32>
        %add3A_3265 = arith.addf %get3A_3263, %mul3A_3264 : vector<16xf32>
        %add3A_3266 = arith.addf %add3A_3265, %get3A_165 : vector<16xf32>
        %swap3A_3267 = arith.index_cast %rem3A_262 : i32 to index
        %swap3A_3268 = arith.index_cast %add3A_3188 : i32 to index
        %swap3A_3269 = arith.constant 80 : index
        %swap3A_3270 = tpu.vector_load %arg11[%swap3A_3267, %swap3A_3268, %swap3A_3269] {strides = array<i32>} : memref<3x64x256xf32, #tpu.memory_space<vmem>>, vector<1x1x16xf32>,
        %swap3A_3271 = vector.shape_cast %swap3A_3270 : vector<1x1x16xf32> to vector<16xf32>
        %swap3A_3272 = vector.shape_cast %add3A_3266 : vector<16xf32> to vector<1x1x16xf32>
        tpu.vector_store %arg11[%swap3A_3267, %swap3A_3268, %swap3A_3269], %swap3A_3272 {strides = array<i32>} : memref<3x64x256xf32, #tpu.memory_space<vmem>>, vector<1x1x16xf32>,
        %get3A_3273 = arith.index_cast %rem3A_260 : i32 to index
        %get3A_3274 = arith.index_cast %add3A_3188 : i32 to index
        %get3A_3275 = arith.constant 96 : index
        %get3A_3276 = tpu.vector_load %arg10[%get3A_3273, %get3A_3274, %get3A_3275] {strides = array<i32>} : memref<3x64x256xf32, #tpu.memory_space<vmem>>, vector<1x1x16xf32>,
        %get3A_3277 = vector.shape_cast %get3A_3276 : vector<1x1x16xf32> to vector<16xf32>
        %mul3A_3278 = arith.mulf %gather3A_3184, %get3A_120 : vector<16xf32>
        %add3A_3279 = arith.addf %get3A_3277, %mul3A_3278 : vector<16xf32>
        %add3A_3280 = arith.addf %add3A_3279, %get3A_168 : vector<16xf32>
        %swap3A_3281 = arith.index_cast %rem3A_262 : i32 to index
        %swap3A_3282 = arith.index_cast %add3A_3188 : i32 to index
        %swap3A_3283 = arith.constant 96 : index
        %swap3A_3284 = tpu.vector_load %arg11[%swap3A_3281, %swap3A_3282, %swap3A_3283] {strides = array<i32>} : memref<3x64x256xf32, #tpu.memory_space<vmem>>, vector<1x1x16xf32>,
        %swap3A_3285 = vector.shape_cast %swap3A_3284 : vector<1x1x16xf32> to vector<16xf32>
        %swap3A_3286 = vector.shape_cast %add3A_3280 : vector<16xf32> to vector<1x1x16xf32>
        tpu.vector_store %arg11[%swap3A_3281, %swap3A_3282, %swap3A_3283], %swap3A_3286 {strides = array<i32>} : memref<3x64x256xf32, #tpu.memory_space<vmem>>, vector<1x1x16xf32>,
        %get3A_3287 = arith.index_cast %rem3A_260 : i32 to index
        %get3A_3288 = arith.index_cast %add3A_3188 : i32 to index
        %get3A_3289 = arith.constant 112 : index
        %get3A_3290 = tpu.vector_load %arg10[%get3A_3287, %get3A_3288, %get3A_3289] {strides = array<i32>} : memref<3x64x256xf32, #tpu.memory_space<vmem>>, vector<1x1x16xf32>,
        %get3A_3291 = vector.shape_cast %get3A_3290 : vector<1x1x16xf32> to vector<16xf32>
        %mul3A_3292 = arith.mulf %gather3A_3184, %get3A_123 : vector<16xf32>
        %add3A_3293 = arith.addf %get3A_3291, %mul3A_3292 : vector<16xf32>
        %add3A_3294 = arith.addf %add3A_3293, %get3A_171 : vector<16xf32>
        %swap3A_3295 = arith.index_cast %rem3A_262 : i32 to index
        %swap3A_3296 = arith.index_cast %add3A_3188 : i32 to index
        %swap3A_3297 = arith.constant 112 : index
        %swap3A_3298 = tpu.vector_load %arg11[%swap3A_3295, %swap3A_3296, %swap3A_3297] {strides = array<i32>} : memref<3x64x256xf32, #tpu.memory_space<vmem>>, vector<1x1x16xf32>,
        %swap3A_3299 = vector.shape_cast %swap3A_3298 : vector<1x1x16xf32> to vector<16xf32>
        %swap3A_3300 = vector.shape_cast %add3A_3294 : vector<16xf32> to vector<1x1x16xf32>
        tpu.vector_store %arg11[%swap3A_3295, %swap3A_3296, %swap3A_3297], %swap3A_3300 {strides = array<i32>} : memref<3x64x256xf32, #tpu.memory_space<vmem>>, vector<1x1x16xf32>,
        %get3A_3301 = arith.index_cast %rem3A_260 : i32 to index
        %get3A_3302 = arith.index_cast %add3A_3188 : i32 to index
        %get3A_3303 = arith.constant 128 : index
        %get3A_3304 = tpu.vector_load %arg10[%get3A_3301, %get3A_3302, %get3A_3303] {strides = array<i32>} : memref<3x64x256xf32, #tpu.memory_space<vmem>>, vector<1x1x16xf32>,
        %get3A_3305 = vector.shape_cast %get3A_3304 : vector<1x1x16xf32> to vector<16xf32>
        %mul3A_3306 = arith.mulf %gather3A_3184, %get3A_126 : vector<16xf32>
        %add3A_3307 = arith.addf %get3A_3305, %mul3A_3306 : vector<16xf32>
        %add3A_3308 = arith.addf %add3A_3307, %get3A_174 : vector<16xf32>
        %swap3A_3309 = arith.index_cast %rem3A_262 : i32 to index
        %swap3A_3310 = arith.index_cast %add3A_3188 : i32 to index
        %swap3A_3311 = arith.constant 128 : index
        %swap3A_3312 = tpu.vector_load %arg11[%swap3A_3309, %swap3A_3310, %swap3A_3311] {strides = array<i32>} : memref<3x64x256xf32, #tpu.memory_space<vmem>>, vector<1x1x16xf32>,
        %swap3A_3313 = vector.shape_cast %swap3A_3312 : vector<1x1x16xf32> to vector<16xf32>
        %swap3A_3314 = vector.shape_cast %add3A_3308 : vector<16xf32> to vector<1x1x16xf32>
        tpu.vector_store %arg11[%swap3A_3309, %swap3A_3310, %swap3A_3311], %swap3A_3314 {strides = array<i32>} : memref<3x64x256xf32, #tpu.memory_space<vmem>>, vector<1x1x16xf32>,
        %get3A_3315 = arith.index_cast %rem3A_260 : i32 to index
        %get3A_3316 = arith.index_cast %add3A_3188 : i32 to index
        %get3A_3317 = arith.constant 144 : index
        %get3A_3318 = tpu.vector_load %arg10[%get3A_3315, %get3A_3316, %get3A_3317] {strides = array<i32>} : memref<3x64x256xf32, #tpu.memory_space<vmem>>, vector<1x1x16xf32>,
        %get3A_3319 = vector.shape_cast %get3A_3318 : vector<1x1x16xf32> to vector<16xf32>
        %mul3A_3320 = arith.mulf %gather3A_3184, %get3A_129 : vector<16xf32>
        %add3A_3321 = arith.addf %get3A_3319, %mul3A_3320 : vector<16xf32>
        %add3A_3322 = arith.addf %add3A_3321, %get3A_177 : vector<16xf32>
        %swap3A_3323 = arith.index_cast %rem3A_262 : i32 to index
        %swap3A_3324 = arith.index_cast %add3A_3188 : i32 to index
        %swap3A_3325 = arith.constant 144 : index
        %swap3A_3326 = tpu.vector_load %arg11[%swap3A_3323, %swap3A_3324, %swap3A_3325] {strides = array<i32>} : memref<3x64x256xf32, #tpu.memory_space<vmem>>, vector<1x1x16xf32>,
        %swap3A_3327 = vector.shape_cast %swap3A_3326 : vector<1x1x16xf32> to vector<16xf32>
        %swap3A_3328 = vector.shape_cast %add3A_3322 : vector<16xf32> to vector<1x1x16xf32>
        tpu.vector_store %arg11[%swap3A_3323, %swap3A_3324, %swap3A_3325], %swap3A_3328 {strides = array<i32>} : memref<3x64x256xf32, #tpu.memory_space<vmem>>, vector<1x1x16xf32>,
        %get3A_3329 = arith.index_cast %rem3A_260 : i32 to index
        %get3A_3330 = arith.index_cast %add3A_3188 : i32 to index
        %get3A_3331 = arith.constant 160 : index
        %get3A_3332 = tpu.vector_load %arg10[%get3A_3329, %get3A_3330, %get3A_3331] {strides = array<i32>} : memref<3x64x256xf32, #tpu.memory_space<vmem>>, vector<1x1x16xf32>,
        %get3A_3333 = vector.shape_cast %get3A_3332 : vector<1x1x16xf32> to vector<16xf32>
        %mul3A_3334 = arith.mulf %gather3A_3184, %get3A_132 : vector<16xf32>
        %add3A_3335 = arith.addf %get3A_3333, %mul3A_3334 : vector<16xf32>
        %add3A_3336 = arith.addf %add3A_3335, %get3A_180 : vector<16xf32>
        %swap3A_3337 = arith.index_cast %rem3A_262 : i32 to index
        %swap3A_3338 = arith.index_cast %add3A_3188 : i32 to index
        %swap3A_3339 = arith.constant 160 : index
        %swap3A_3340 = tpu.vector_load %arg11[%swap3A_3337, %swap3A_3338, %swap3A_3339] {strides = array<i32>} : memref<3x64x256xf32, #tpu.memory_space<vmem>>, vector<1x1x16xf32>,
        %swap3A_3341 = vector.shape_cast %swap3A_3340 : vector<1x1x16xf32> to vector<16xf32>
        %swap3A_3342 = vector.shape_cast %add3A_3336 : vector<16xf32> to vector<1x1x16xf32>
        tpu.vector_store %arg11[%swap3A_3337, %swap3A_3338, %swap3A_3339], %swap3A_3342 {strides = array<i32>} : memref<3x64x256xf32, #tpu.memory_space<vmem>>, vector<1x1x16xf32>,
        %get3A_3343 = arith.index_cast %rem3A_260 : i32 to index
        %get3A_3344 = arith.index_cast %add3A_3188 : i32 to index
        %get3A_3345 = arith.constant 176 : index
        %get3A_3346 = tpu.vector_load %arg10[%get3A_3343, %get3A_3344, %get3A_3345] {strides = array<i32>} : memref<3x64x256xf32, #tpu.memory_space<vmem>>, vector<1x1x16xf32>,
        %get3A_3347 = vector.shape_cast %get3A_3346 : vector<1x1x16xf32> to vector<16xf32>
        %mul3A_3348 = arith.mulf %gather3A_3184, %get3A_135 : vector<16xf32>
        %add3A_3349 = arith.addf %get3A_3347, %mul3A_3348 : vector<16xf32>
        %add3A_3350 = arith.addf %add3A_3349, %get3A_183 : vector<16xf32>
        %swap3A_3351 = arith.index_cast %rem3A_262 : i32 to index
        %swap3A_3352 = arith.index_cast %add3A_3188 : i32 to index
        %swap3A_3353 = arith.constant 176 : index
        %swap3A_3354 = tpu.vector_load %arg11[%swap3A_3351, %swap3A_3352, %swap3A_3353] {strides = array<i32>} : memref<3x64x256xf32, #tpu.memory_space<vmem>>, vector<1x1x16xf32>,
        %swap3A_3355 = vector.shape_cast %swap3A_3354 : vector<1x1x16xf32> to vector<16xf32>
        %swap3A_3356 = vector.shape_cast %add3A_3350 : vector<16xf32> to vector<1x1x16xf32>
        tpu.vector_store %arg11[%swap3A_3351, %swap3A_3352, %swap3A_3353], %swap3A_3356 {strides = array<i32>} : memref<3x64x256xf32, #tpu.memory_space<vmem>>, vector<1x1x16xf32>,
        %get3A_3357 = arith.index_cast %rem3A_260 : i32 to index
        %get3A_3358 = arith.index_cast %add3A_3188 : i32 to index
        %get3A_3359 = arith.constant 192 : index
        %get3A_3360 = tpu.vector_load %arg10[%get3A_3357, %get3A_3358, %get3A_3359] {strides = array<i32>} : memref<3x64x256xf32, #tpu.memory_space<vmem>>, vector<1x1x16xf32>,
        %get3A_3361 = vector.shape_cast %get3A_3360 : vector<1x1x16xf32> to vector<16xf32>
        %mul3A_3362 = arith.mulf %gather3A_3184, %get3A_138 : vector<16xf32>
        %add3A_3363 = arith.addf %get3A_3361, %mul3A_3362 : vector<16xf32>
        %add3A_3364 = arith.addf %add3A_3363, %get3A_186 : vector<16xf32>
        %swap3A_3365 = arith.index_cast %rem3A_262 : i32 to index
        %swap3A_3366 = arith.index_cast %add3A_3188 : i32 to index
        %swap3A_3367 = arith.constant 192 : index
        %swap3A_3368 = tpu.vector_load %arg11[%swap3A_3365, %swap3A_3366, %swap3A_3367] {strides = array<i32>} : memref<3x64x256xf32, #tpu.memory_space<vmem>>, vector<1x1x16xf32>,
        %swap3A_3369 = vector.shape_cast %swap3A_3368 : vector<1x1x16xf32> to vector<16xf32>
        %swap3A_3370 = vector.shape_cast %add3A_3364 : vector<16xf32> to vector<1x1x16xf32>
        tpu.vector_store %arg11[%swap3A_3365, %swap3A_3366, %swap3A_3367], %swap3A_3370 {strides = array<i32>} : memref<3x64x256xf32, #tpu.memory_space<vmem>>, vector<1x1x16xf32>,
        %get3A_3371 = arith.index_cast %rem3A_260 : i32 to index
        %get3A_3372 = arith.index_cast %add3A_3188 : i32 to index
        %get3A_3373 = arith.constant 208 : index
        %get3A_3374 = tpu.vector_load %arg10[%get3A_3371, %get3A_3372, %get3A_3373] {strides = array<i32>} : memref<3x64x256xf32, #tpu.memory_space<vmem>>, vector<1x1x16xf32>,
        %get3A_3375 = vector.shape_cast %get3A_3374 : vector<1x1x16xf32> to vector<16xf32>
        %mul3A_3376 = arith.mulf %gather3A_3184, %get3A_141 : vector<16xf32>
        %add3A_3377 = arith.addf %get3A_3375, %mul3A_3376 : vector<16xf32>
        %add3A_3378 = arith.addf %add3A_3377, %get3A_189 : vector<16xf32>
        %swap3A_3379 = arith.index_cast %rem3A_262 : i32 to index
        %swap3A_3380 = arith.index_cast %add3A_3188 : i32 to index
        %swap3A_3381 = arith.constant 208 : index
        %swap3A_3382 = tpu.vector_load %arg11[%swap3A_3379, %swap3A_3380, %swap3A_3381] {strides = array<i32>} : memref<3x64x256xf32, #tpu.memory_space<vmem>>, vector<1x1x16xf32>,
        %swap3A_3383 = vector.shape_cast %swap3A_3382 : vector<1x1x16xf32> to vector<16xf32>
        %swap3A_3384 = vector.shape_cast %add3A_3378 : vector<16xf32> to vector<1x1x16xf32>
        tpu.vector_store %arg11[%swap3A_3379, %swap3A_3380, %swap3A_3381], %swap3A_3384 {strides = array<i32>} : memref<3x64x256xf32, #tpu.memory_space<vmem>>, vector<1x1x16xf32>,
        %get3A_3385 = arith.index_cast %rem3A_260 : i32 to index
        %get3A_3386 = arith.index_cast %add3A_3188 : i32 to index
        %get3A_3387 = arith.constant 224 : index
        %get3A_3388 = tpu.vector_load %arg10[%get3A_3385, %get3A_3386, %get3A_3387] {strides = array<i32>} : memref<3x64x256xf32, #tpu.memory_space<vmem>>, vector<1x1x16xf32>,
        %get3A_3389 = vector.shape_cast %get3A_3388 : vector<1x1x16xf32> to vector<16xf32>
        %mul3A_3390 = arith.mulf %gather3A_3184, %get3A_144 : vector<16xf32>
        %add3A_3391 = arith.addf %get3A_3389, %mul3A_3390 : vector<16xf32>
        %add3A_3392 = arith.addf %add3A_3391, %get3A_192 : vector<16xf32>
        %swap3A_3393 = arith.index_cast %rem3A_262 : i32 to index
        %swap3A_3394 = arith.index_cast %add3A_3188 : i32 to index
        %swap3A_3395 = arith.constant 224 : index
        %swap3A_3396 = tpu.vector_load %arg11[%swap3A_3393, %swap3A_3394, %swap3A_3395] {strides = array<i32>} : memref<3x64x256xf32, #tpu.memory_space<vmem>>, vector<1x1x16xf32>,
        %swap3A_3397 = vector.shape_cast %swap3A_3396 : vector<1x1x16xf32> to vector<16xf32>
        %swap3A_3398 = vector.shape_cast %add3A_3392 : vector<16xf32> to vector<1x1x16xf32>
        tpu.vector_store %arg11[%swap3A_3393, %swap3A_3394, %swap3A_3395], %swap3A_3398 {strides = array<i32>} : memref<3x64x256xf32, #tpu.memory_space<vmem>>, vector<1x1x16xf32>,
        %get3A_3399 = arith.index_cast %rem3A_260 : i32 to index
        %get3A_3400 = arith.index_cast %add3A_3188 : i32 to index
        %get3A_3401 = arith.constant 240 : index
        %get3A_3402 = tpu.vector_load %arg10[%get3A_3399, %get3A_3400, %get3A_3401] {strides = array<i32>} : memref<3x64x256xf32, #tpu.memory_space<vmem>>, vector<1x1x16xf32>,
        %get3A_3403 = vector.shape_cast %get3A_3402 : vector<1x1x16xf32> to vector<16xf32>
        %mul3A_3404 = arith.mulf %gather3A_3184, %get3A_147 : vector<16xf32>
        %add3A_3405 = arith.addf %get3A_3403, %mul3A_3404 : vector<16xf32>
        %add3A_3406 = arith.addf %add3A_3405, %get3A_195 : vector<16xf32>
        %swap3A_3407 = arith.index_cast %rem3A_262 : i32 to index
        %swap3A_3408 = arith.index_cast %add3A_3188 : i32 to index
        %swap3A_3409 = arith.constant 240 : index
        %swap3A_3410 = tpu.vector_load %arg11[%swap3A_3407, %swap3A_3408, %swap3A_3409] {strides = array<i32>} : memref<3x64x256xf32, #tpu.memory_space<vmem>>, vector<1x1x16xf32>,
        %swap3A_3411 = vector.shape_cast %swap3A_3410 : vector<1x1x16xf32> to vector<16xf32>
        %swap3A_3412 = vector.shape_cast %add3A_3406 : vector<16xf32> to vector<1x1x16xf32>
        tpu.vector_store %arg11[%swap3A_3407, %swap3A_3408, %swap3A_3409], %swap3A_3412 {strides = array<i32>} : memref<3x64x256xf32, #tpu.memory_space<vmem>>, vector<1x1x16xf32>,
        %broadcast_in_dim3A_3413 = arith.constant 13 : i32
        %broadcast_in_dim3A_3414 = vector.broadcast %broadcast_in_dim3A_3413 : i32 to vector<16x1xi32>
        %gather3A_3415 = vector.shape_cast %broadcast_in_dim3A_3414 : vector<16x1xi32> to vector<16xi32>
        %gather3A_3416 = tpu.dynamic_gather %get3A_399[%gather3A_3415] in [0] : vector<16xf32>, vector<16xi32> -> vector<16xf32>
        %mul3A_3417 = arith.constant 16 : i32
        %mul3A_3418 = arith.muli %scan3A_350, %mul3A_3417 : i32
        %add3A_3419 = arith.constant 13 : i32
        %add3A_3420 = arith.addi %mul3A_3418, %add3A_3419 : i32
        %get3A_3421 = arith.index_cast %rem3A_260 : i32 to index
        %get3A_3422 = arith.index_cast %add3A_3420 : i32 to index
        %get3A_3423 = arith.constant 0 : index
        %get3A_3424 = tpu.vector_load %arg10[%get3A_3421, %get3A_3422, %get3A_3423] {strides = array<i32>} : memref<3x64x256xf32, #tpu.memory_space<vmem>>, vector<1x1x16xf32>,
        %get3A_3425 = vector.shape_cast %get3A_3424 : vector<1x1x16xf32> to vector<16xf32>
        %mul3A_3426 = arith.mulf %gather3A_3416, %get3A_102 : vector<16xf32>
        %add3A_3427 = arith.addf %get3A_3425, %mul3A_3426 : vector<16xf32>
        %add3A_3428 = arith.addf %add3A_3427, %get3A_150 : vector<16xf32>
        %swap3A_3429 = arith.index_cast %rem3A_262 : i32 to index
        %swap3A_3430 = arith.index_cast %add3A_3420 : i32 to index
        %swap3A_3431 = arith.constant 0 : index
        %swap3A_3432 = tpu.vector_load %arg11[%swap3A_3429, %swap3A_3430, %swap3A_3431] {strides = array<i32>} : memref<3x64x256xf32, #tpu.memory_space<vmem>>, vector<1x1x16xf32>,
        %swap3A_3433 = vector.shape_cast %swap3A_3432 : vector<1x1x16xf32> to vector<16xf32>
        %swap3A_3434 = vector.shape_cast %add3A_3428 : vector<16xf32> to vector<1x1x16xf32>
        tpu.vector_store %arg11[%swap3A_3429, %swap3A_3430, %swap3A_3431], %swap3A_3434 {strides = array<i32>} : memref<3x64x256xf32, #tpu.memory_space<vmem>>, vector<1x1x16xf32>,
        %get3A_3435 = arith.index_cast %rem3A_260 : i32 to index
        %get3A_3436 = arith.index_cast %add3A_3420 : i32 to index
        %get3A_3437 = arith.constant 16 : index
        %get3A_3438 = tpu.vector_load %arg10[%get3A_3435, %get3A_3436, %get3A_3437] {strides = array<i32>} : memref<3x64x256xf32, #tpu.memory_space<vmem>>, vector<1x1x16xf32>,
        %get3A_3439 = vector.shape_cast %get3A_3438 : vector<1x1x16xf32> to vector<16xf32>
        %mul3A_3440 = arith.mulf %gather3A_3416, %get3A_105 : vector<16xf32>
        %add3A_3441 = arith.addf %get3A_3439, %mul3A_3440 : vector<16xf32>
        %add3A_3442 = arith.addf %add3A_3441, %get3A_153 : vector<16xf32>
        %swap3A_3443 = arith.index_cast %rem3A_262 : i32 to index
        %swap3A_3444 = arith.index_cast %add3A_3420 : i32 to index
        %swap3A_3445 = arith.constant 16 : index
        %swap3A_3446 = tpu.vector_load %arg11[%swap3A_3443, %swap3A_3444, %swap3A_3445] {strides = array<i32>} : memref<3x64x256xf32, #tpu.memory_space<vmem>>, vector<1x1x16xf32>,
        %swap3A_3447 = vector.shape_cast %swap3A_3446 : vector<1x1x16xf32> to vector<16xf32>
        %swap3A_3448 = vector.shape_cast %add3A_3442 : vector<16xf32> to vector<1x1x16xf32>
        tpu.vector_store %arg11[%swap3A_3443, %swap3A_3444, %swap3A_3445], %swap3A_3448 {strides = array<i32>} : memref<3x64x256xf32, #tpu.memory_space<vmem>>, vector<1x1x16xf32>,
        %get3A_3449 = arith.index_cast %rem3A_260 : i32 to index
        %get3A_3450 = arith.index_cast %add3A_3420 : i32 to index
        %get3A_3451 = arith.constant 32 : index
        %get3A_3452 = tpu.vector_load %arg10[%get3A_3449, %get3A_3450, %get3A_3451] {strides = array<i32>} : memref<3x64x256xf32, #tpu.memory_space<vmem>>, vector<1x1x16xf32>,
        %get3A_3453 = vector.shape_cast %get3A_3452 : vector<1x1x16xf32> to vector<16xf32>
        %mul3A_3454 = arith.mulf %gather3A_3416, %get3A_108 : vector<16xf32>
        %add3A_3455 = arith.addf %get3A_3453, %mul3A_3454 : vector<16xf32>
        %add3A_3456 = arith.addf %add3A_3455, %get3A_156 : vector<16xf32>
        %swap3A_3457 = arith.index_cast %rem3A_262 : i32 to index
        %swap3A_3458 = arith.index_cast %add3A_3420 : i32 to index
        %swap3A_3459 = arith.constant 32 : index
        %swap3A_3460 = tpu.vector_load %arg11[%swap3A_3457, %swap3A_3458, %swap3A_3459] {strides = array<i32>} : memref<3x64x256xf32, #tpu.memory_space<vmem>>, vector<1x1x16xf32>,
        %swap3A_3461 = vector.shape_cast %swap3A_3460 : vector<1x1x16xf32> to vector<16xf32>
        %swap3A_3462 = vector.shape_cast %add3A_3456 : vector<16xf32> to vector<1x1x16xf32>
        tpu.vector_store %arg11[%swap3A_3457, %swap3A_3458, %swap3A_3459], %swap3A_3462 {strides = array<i32>} : memref<3x64x256xf32, #tpu.memory_space<vmem>>, vector<1x1x16xf32>,
        %get3A_3463 = arith.index_cast %rem3A_260 : i32 to index
        %get3A_3464 = arith.index_cast %add3A_3420 : i32 to index
        %get3A_3465 = arith.constant 48 : index
        %get3A_3466 = tpu.vector_load %arg10[%get3A_3463, %get3A_3464, %get3A_3465] {strides = array<i32>} : memref<3x64x256xf32, #tpu.memory_space<vmem>>, vector<1x1x16xf32>,
        %get3A_3467 = vector.shape_cast %get3A_3466 : vector<1x1x16xf32> to vector<16xf32>
        %mul3A_3468 = arith.mulf %gather3A_3416, %get3A_111 : vector<16xf32>
        %add3A_3469 = arith.addf %get3A_3467, %mul3A_3468 : vector<16xf32>
        %add3A_3470 = arith.addf %add3A_3469, %get3A_159 : vector<16xf32>
        %swap3A_3471 = arith.index_cast %rem3A_262 : i32 to index
        %swap3A_3472 = arith.index_cast %add3A_3420 : i32 to index
        %swap3A_3473 = arith.constant 48 : index
        %swap3A_3474 = tpu.vector_load %arg11[%swap3A_3471, %swap3A_3472, %swap3A_3473] {strides = array<i32>} : memref<3x64x256xf32, #tpu.memory_space<vmem>>, vector<1x1x16xf32>,
        %swap3A_3475 = vector.shape_cast %swap3A_3474 : vector<1x1x16xf32> to vector<16xf32>
        %swap3A_3476 = vector.shape_cast %add3A_3470 : vector<16xf32> to vector<1x1x16xf32>
        tpu.vector_store %arg11[%swap3A_3471, %swap3A_3472, %swap3A_3473], %swap3A_3476 {strides = array<i32>} : memref<3x64x256xf32, #tpu.memory_space<vmem>>, vector<1x1x16xf32>,
        %get3A_3477 = arith.index_cast %rem3A_260 : i32 to index
        %get3A_3478 = arith.index_cast %add3A_3420 : i32 to index
        %get3A_3479 = arith.constant 64 : index
        %get3A_3480 = tpu.vector_load %arg10[%get3A_3477, %get3A_3478, %get3A_3479] {strides = array<i32>} : memref<3x64x256xf32, #tpu.memory_space<vmem>>, vector<1x1x16xf32>,
        %get3A_3481 = vector.shape_cast %get3A_3480 : vector<1x1x16xf32> to vector<16xf32>
        %mul3A_3482 = arith.mulf %gather3A_3416, %get3A_114 : vector<16xf32>
        %add3A_3483 = arith.addf %get3A_3481, %mul3A_3482 : vector<16xf32>
        %add3A_3484 = arith.addf %add3A_3483, %get3A_162 : vector<16xf32>
        %swap3A_3485 = arith.index_cast %rem3A_262 : i32 to index
        %swap3A_3486 = arith.index_cast %add3A_3420 : i32 to index
        %swap3A_3487 = arith.constant 64 : index
        %swap3A_3488 = tpu.vector_load %arg11[%swap3A_3485, %swap3A_3486, %swap3A_3487] {strides = array<i32>} : memref<3x64x256xf32, #tpu.memory_space<vmem>>, vector<1x1x16xf32>,
        %swap3A_3489 = vector.shape_cast %swap3A_3488 : vector<1x1x16xf32> to vector<16xf32>
        %swap3A_3490 = vector.shape_cast %add3A_3484 : vector<16xf32> to vector<1x1x16xf32>
        tpu.vector_store %arg11[%swap3A_3485, %swap3A_3486, %swap3A_3487], %swap3A_3490 {strides = array<i32>} : memref<3x64x256xf32, #tpu.memory_space<vmem>>, vector<1x1x16xf32>,
        %get3A_3491 = arith.index_cast %rem3A_260 : i32 to index
        %get3A_3492 = arith.index_cast %add3A_3420 : i32 to index
        %get3A_3493 = arith.constant 80 : index
        %get3A_3494 = tpu.vector_load %arg10[%get3A_3491, %get3A_3492, %get3A_3493] {strides = array<i32>} : memref<3x64x256xf32, #tpu.memory_space<vmem>>, vector<1x1x16xf32>,
        %get3A_3495 = vector.shape_cast %get3A_3494 : vector<1x1x16xf32> to vector<16xf32>
        %mul3A_3496 = arith.mulf %gather3A_3416, %get3A_117 : vector<16xf32>
        %add3A_3497 = arith.addf %get3A_3495, %mul3A_3496 : vector<16xf32>
        %add3A_3498 = arith.addf %add3A_3497, %get3A_165 : vector<16xf32>
        %swap3A_3499 = arith.index_cast %rem3A_262 : i32 to index
        %swap3A_3500 = arith.index_cast %add3A_3420 : i32 to index
        %swap3A_3501 = arith.constant 80 : index
        %swap3A_3502 = tpu.vector_load %arg11[%swap3A_3499, %swap3A_3500, %swap3A_3501] {strides = array<i32>} : memref<3x64x256xf32, #tpu.memory_space<vmem>>, vector<1x1x16xf32>,
        %swap3A_3503 = vector.shape_cast %swap3A_3502 : vector<1x1x16xf32> to vector<16xf32>
        %swap3A_3504 = vector.shape_cast %add3A_3498 : vector<16xf32> to vector<1x1x16xf32>
        tpu.vector_store %arg11[%swap3A_3499, %swap3A_3500, %swap3A_3501], %swap3A_3504 {strides = array<i32>} : memref<3x64x256xf32, #tpu.memory_space<vmem>>, vector<1x1x16xf32>,
        %get3A_3505 = arith.index_cast %rem3A_260 : i32 to index
        %get3A_3506 = arith.index_cast %add3A_3420 : i32 to index
        %get3A_3507 = arith.constant 96 : index
        %get3A_3508 = tpu.vector_load %arg10[%get3A_3505, %get3A_3506, %get3A_3507] {strides = array<i32>} : memref<3x64x256xf32, #tpu.memory_space<vmem>>, vector<1x1x16xf32>,
        %get3A_3509 = vector.shape_cast %get3A_3508 : vector<1x1x16xf32> to vector<16xf32>
        %mul3A_3510 = arith.mulf %gather3A_3416, %get3A_120 : vector<16xf32>
        %add3A_3511 = arith.addf %get3A_3509, %mul3A_3510 : vector<16xf32>
        %add3A_3512 = arith.addf %add3A_3511, %get3A_168 : vector<16xf32>
        %swap3A_3513 = arith.index_cast %rem3A_262 : i32 to index
        %swap3A_3514 = arith.index_cast %add3A_3420 : i32 to index
        %swap3A_3515 = arith.constant 96 : index
        %swap3A_3516 = tpu.vector_load %arg11[%swap3A_3513, %swap3A_3514, %swap3A_3515] {strides = array<i32>} : memref<3x64x256xf32, #tpu.memory_space<vmem>>, vector<1x1x16xf32>,
        %swap3A_3517 = vector.shape_cast %swap3A_3516 : vector<1x1x16xf32> to vector<16xf32>
        %swap3A_3518 = vector.shape_cast %add3A_3512 : vector<16xf32> to vector<1x1x16xf32>
        tpu.vector_store %arg11[%swap3A_3513, %swap3A_3514, %swap3A_3515], %swap3A_3518 {strides = array<i32>} : memref<3x64x256xf32, #tpu.memory_space<vmem>>, vector<1x1x16xf32>,
        %get3A_3519 = arith.index_cast %rem3A_260 : i32 to index
        %get3A_3520 = arith.index_cast %add3A_3420 : i32 to index
        %get3A_3521 = arith.constant 112 : index
        %get3A_3522 = tpu.vector_load %arg10[%get3A_3519, %get3A_3520, %get3A_3521] {strides = array<i32>} : memref<3x64x256xf32, #tpu.memory_space<vmem>>, vector<1x1x16xf32>,
        %get3A_3523 = vector.shape_cast %get3A_3522 : vector<1x1x16xf32> to vector<16xf32>
        %mul3A_3524 = arith.mulf %gather3A_3416, %get3A_123 : vector<16xf32>
        %add3A_3525 = arith.addf %get3A_3523, %mul3A_3524 : vector<16xf32>
        %add3A_3526 = arith.addf %add3A_3525, %get3A_171 : vector<16xf32>
        %swap3A_3527 = arith.index_cast %rem3A_262 : i32 to index
        %swap3A_3528 = arith.index_cast %add3A_3420 : i32 to index
        %swap3A_3529 = arith.constant 112 : index
        %swap3A_3530 = tpu.vector_load %arg11[%swap3A_3527, %swap3A_3528, %swap3A_3529] {strides = array<i32>} : memref<3x64x256xf32, #tpu.memory_space<vmem>>, vector<1x1x16xf32>,
        %swap3A_3531 = vector.shape_cast %swap3A_3530 : vector<1x1x16xf32> to vector<16xf32>
        %swap3A_3532 = vector.shape_cast %add3A_3526 : vector<16xf32> to vector<1x1x16xf32>
        tpu.vector_store %arg11[%swap3A_3527, %swap3A_3528, %swap3A_3529], %swap3A_3532 {strides = array<i32>} : memref<3x64x256xf32, #tpu.memory_space<vmem>>, vector<1x1x16xf32>,
        %get3A_3533 = arith.index_cast %rem3A_260 : i32 to index
        %get3A_3534 = arith.index_cast %add3A_3420 : i32 to index
        %get3A_3535 = arith.constant 128 : index
        %get3A_3536 = tpu.vector_load %arg10[%get3A_3533, %get3A_3534, %get3A_3535] {strides = array<i32>} : memref<3x64x256xf32, #tpu.memory_space<vmem>>, vector<1x1x16xf32>,
        %get3A_3537 = vector.shape_cast %get3A_3536 : vector<1x1x16xf32> to vector<16xf32>
        %mul3A_3538 = arith.mulf %gather3A_3416, %get3A_126 : vector<16xf32>
        %add3A_3539 = arith.addf %get3A_3537, %mul3A_3538 : vector<16xf32>
        %add3A_3540 = arith.addf %add3A_3539, %get3A_174 : vector<16xf32>
        %swap3A_3541 = arith.index_cast %rem3A_262 : i32 to index
        %swap3A_3542 = arith.index_cast %add3A_3420 : i32 to index
        %swap3A_3543 = arith.constant 128 : index
        %swap3A_3544 = tpu.vector_load %arg11[%swap3A_3541, %swap3A_3542, %swap3A_3543] {strides = array<i32>} : memref<3x64x256xf32, #tpu.memory_space<vmem>>, vector<1x1x16xf32>,
        %swap3A_3545 = vector.shape_cast %swap3A_3544 : vector<1x1x16xf32> to vector<16xf32>
        %swap3A_3546 = vector.shape_cast %add3A_3540 : vector<16xf32> to vector<1x1x16xf32>
        tpu.vector_store %arg11[%swap3A_3541, %swap3A_3542, %swap3A_3543], %swap3A_3546 {strides = array<i32>} : memref<3x64x256xf32, #tpu.memory_space<vmem>>, vector<1x1x16xf32>,
        %get3A_3547 = arith.index_cast %rem3A_260 : i32 to index
        %get3A_3548 = arith.index_cast %add3A_3420 : i32 to index
        %get3A_3549 = arith.constant 144 : index
        %get3A_3550 = tpu.vector_load %arg10[%get3A_3547, %get3A_3548, %get3A_3549] {strides = array<i32>} : memref<3x64x256xf32, #tpu.memory_space<vmem>>, vector<1x1x16xf32>,
        %get3A_3551 = vector.shape_cast %get3A_3550 : vector<1x1x16xf32> to vector<16xf32>
        %mul3A_3552 = arith.mulf %gather3A_3416, %get3A_129 : vector<16xf32>
        %add3A_3553 = arith.addf %get3A_3551, %mul3A_3552 : vector<16xf32>
        %add3A_3554 = arith.addf %add3A_3553, %get3A_177 : vector<16xf32>
        %swap3A_3555 = arith.index_cast %rem3A_262 : i32 to index
        %swap3A_3556 = arith.index_cast %add3A_3420 : i32 to index
        %swap3A_3557 = arith.constant 144 : index
        %swap3A_3558 = tpu.vector_load %arg11[%swap3A_3555, %swap3A_3556, %swap3A_3557] {strides = array<i32>} : memref<3x64x256xf32, #tpu.memory_space<vmem>>, vector<1x1x16xf32>,
        %swap3A_3559 = vector.shape_cast %swap3A_3558 : vector<1x1x16xf32> to vector<16xf32>
        %swap3A_3560 = vector.shape_cast %add3A_3554 : vector<16xf32> to vector<1x1x16xf32>
        tpu.vector_store %arg11[%swap3A_3555, %swap3A_3556, %swap3A_3557], %swap3A_3560 {strides = array<i32>} : memref<3x64x256xf32, #tpu.memory_space<vmem>>, vector<1x1x16xf32>,
        %get3A_3561 = arith.index_cast %rem3A_260 : i32 to index
        %get3A_3562 = arith.index_cast %add3A_3420 : i32 to index
        %get3A_3563 = arith.constant 160 : index
        %get3A_3564 = tpu.vector_load %arg10[%get3A_3561, %get3A_3562, %get3A_3563] {strides = array<i32>} : memref<3x64x256xf32, #tpu.memory_space<vmem>>, vector<1x1x16xf32>,
        %get3A_3565 = vector.shape_cast %get3A_3564 : vector<1x1x16xf32> to vector<16xf32>
        %mul3A_3566 = arith.mulf %gather3A_3416, %get3A_132 : vector<16xf32>
        %add3A_3567 = arith.addf %get3A_3565, %mul3A_3566 : vector<16xf32>
        %add3A_3568 = arith.addf %add3A_3567, %get3A_180 : vector<16xf32>
        %swap3A_3569 = arith.index_cast %rem3A_262 : i32 to index
        %swap3A_3570 = arith.index_cast %add3A_3420 : i32 to index
        %swap3A_3571 = arith.constant 160 : index
        %swap3A_3572 = tpu.vector_load %arg11[%swap3A_3569, %swap3A_3570, %swap3A_3571] {strides = array<i32>} : memref<3x64x256xf32, #tpu.memory_space<vmem>>, vector<1x1x16xf32>,
        %swap3A_3573 = vector.shape_cast %swap3A_3572 : vector<1x1x16xf32> to vector<16xf32>
        %swap3A_3574 = vector.shape_cast %add3A_3568 : vector<16xf32> to vector<1x1x16xf32>
        tpu.vector_store %arg11[%swap3A_3569, %swap3A_3570, %swap3A_3571], %swap3A_3574 {strides = array<i32>} : memref<3x64x256xf32, #tpu.memory_space<vmem>>, vector<1x1x16xf32>,
        %get3A_3575 = arith.index_cast %rem3A_260 : i32 to index
        %get3A_3576 = arith.index_cast %add3A_3420 : i32 to index
        %get3A_3577 = arith.constant 176 : index
        %get3A_3578 = tpu.vector_load %arg10[%get3A_3575, %get3A_3576, %get3A_3577] {strides = array<i32>} : memref<3x64x256xf32, #tpu.memory_space<vmem>>, vector<1x1x16xf32>,
        %get3A_3579 = vector.shape_cast %get3A_3578 : vector<1x1x16xf32> to vector<16xf32>
        %mul3A_3580 = arith.mulf %gather3A_3416, %get3A_135 : vector<16xf32>
        %add3A_3581 = arith.addf %get3A_3579, %mul3A_3580 : vector<16xf32>
        %add3A_3582 = arith.addf %add3A_3581, %get3A_183 : vector<16xf32>
        %swap3A_3583 = arith.index_cast %rem3A_262 : i32 to index
        %swap3A_3584 = arith.index_cast %add3A_3420 : i32 to index
        %swap3A_3585 = arith.constant 176 : index
        %swap3A_3586 = tpu.vector_load %arg11[%swap3A_3583, %swap3A_3584, %swap3A_3585] {strides = array<i32>} : memref<3x64x256xf32, #tpu.memory_space<vmem>>, vector<1x1x16xf32>,
        %swap3A_3587 = vector.shape_cast %swap3A_3586 : vector<1x1x16xf32> to vector<16xf32>
        %swap3A_3588 = vector.shape_cast %add3A_3582 : vector<16xf32> to vector<1x1x16xf32>
        tpu.vector_store %arg11[%swap3A_3583, %swap3A_3584, %swap3A_3585], %swap3A_3588 {strides = array<i32>} : memref<3x64x256xf32, #tpu.memory_space<vmem>>, vector<1x1x16xf32>,
        %get3A_3589 = arith.index_cast %rem3A_260 : i32 to index
        %get3A_3590 = arith.index_cast %add3A_3420 : i32 to index
        %get3A_3591 = arith.constant 192 : index
        %get3A_3592 = tpu.vector_load %arg10[%get3A_3589, %get3A_3590, %get3A_3591] {strides = array<i32>} : memref<3x64x256xf32, #tpu.memory_space<vmem>>, vector<1x1x16xf32>,
        %get3A_3593 = vector.shape_cast %get3A_3592 : vector<1x1x16xf32> to vector<16xf32>
        %mul3A_3594 = arith.mulf %gather3A_3416, %get3A_138 : vector<16xf32>
        %add3A_3595 = arith.addf %get3A_3593, %mul3A_3594 : vector<16xf32>
        %add3A_3596 = arith.addf %add3A_3595, %get3A_186 : vector<16xf32>
        %swap3A_3597 = arith.index_cast %rem3A_262 : i32 to index
        %swap3A_3598 = arith.index_cast %add3A_3420 : i32 to index
        %swap3A_3599 = arith.constant 192 : index
        %swap3A_3600 = tpu.vector_load %arg11[%swap3A_3597, %swap3A_3598, %swap3A_3599] {strides = array<i32>} : memref<3x64x256xf32, #tpu.memory_space<vmem>>, vector<1x1x16xf32>,
        %swap3A_3601 = vector.shape_cast %swap3A_3600 : vector<1x1x16xf32> to vector<16xf32>
        %swap3A_3602 = vector.shape_cast %add3A_3596 : vector<16xf32> to vector<1x1x16xf32>
        tpu.vector_store %arg11[%swap3A_3597, %swap3A_3598, %swap3A_3599], %swap3A_3602 {strides = array<i32>} : memref<3x64x256xf32, #tpu.memory_space<vmem>>, vector<1x1x16xf32>,
        %get3A_3603 = arith.index_cast %rem3A_260 : i32 to index
        %get3A_3604 = arith.index_cast %add3A_3420 : i32 to index
        %get3A_3605 = arith.constant 208 : index
        %get3A_3606 = tpu.vector_load %arg10[%get3A_3603, %get3A_3604, %get3A_3605] {strides = array<i32>} : memref<3x64x256xf32, #tpu.memory_space<vmem>>, vector<1x1x16xf32>,
        %get3A_3607 = vector.shape_cast %get3A_3606 : vector<1x1x16xf32> to vector<16xf32>
        %mul3A_3608 = arith.mulf %gather3A_3416, %get3A_141 : vector<16xf32>
        %add3A_3609 = arith.addf %get3A_3607, %mul3A_3608 : vector<16xf32>
        %add3A_3610 = arith.addf %add3A_3609, %get3A_189 : vector<16xf32>
        %swap3A_3611 = arith.index_cast %rem3A_262 : i32 to index
        %swap3A_3612 = arith.index_cast %add3A_3420 : i32 to index
        %swap3A_3613 = arith.constant 208 : index
        %swap3A_3614 = tpu.vector_load %arg11[%swap3A_3611, %swap3A_3612, %swap3A_3613] {strides = array<i32>} : memref<3x64x256xf32, #tpu.memory_space<vmem>>, vector<1x1x16xf32>,
        %swap3A_3615 = vector.shape_cast %swap3A_3614 : vector<1x1x16xf32> to vector<16xf32>
        %swap3A_3616 = vector.shape_cast %add3A_3610 : vector<16xf32> to vector<1x1x16xf32>
        tpu.vector_store %arg11[%swap3A_3611, %swap3A_3612, %swap3A_3613], %swap3A_3616 {strides = array<i32>} : memref<3x64x256xf32, #tpu.memory_space<vmem>>, vector<1x1x16xf32>,
        %get3A_3617 = arith.index_cast %rem3A_260 : i32 to index
        %get3A_3618 = arith.index_cast %add3A_3420 : i32 to index
        %get3A_3619 = arith.constant 224 : index
        %get3A_3620 = tpu.vector_load %arg10[%get3A_3617, %get3A_3618, %get3A_3619] {strides = array<i32>} : memref<3x64x256xf32, #tpu.memory_space<vmem>>, vector<1x1x16xf32>,
        %get3A_3621 = vector.shape_cast %get3A_3620 : vector<1x1x16xf32> to vector<16xf32>
        %mul3A_3622 = arith.mulf %gather3A_3416, %get3A_144 : vector<16xf32>
        %add3A_3623 = arith.addf %get3A_3621, %mul3A_3622 : vector<16xf32>
        %add3A_3624 = arith.addf %add3A_3623, %get3A_192 : vector<16xf32>
        %swap3A_3625 = arith.index_cast %rem3A_262 : i32 to index
        %swap3A_3626 = arith.index_cast %add3A_3420 : i32 to index
        %swap3A_3627 = arith.constant 224 : index
        %swap3A_3628 = tpu.vector_load %arg11[%swap3A_3625, %swap3A_3626, %swap3A_3627] {strides = array<i32>} : memref<3x64x256xf32, #tpu.memory_space<vmem>>, vector<1x1x16xf32>,
        %swap3A_3629 = vector.shape_cast %swap3A_3628 : vector<1x1x16xf32> to vector<16xf32>
        %swap3A_3630 = vector.shape_cast %add3A_3624 : vector<16xf32> to vector<1x1x16xf32>
        tpu.vector_store %arg11[%swap3A_3625, %swap3A_3626, %swap3A_3627], %swap3A_3630 {strides = array<i32>} : memref<3x64x256xf32, #tpu.memory_space<vmem>>, vector<1x1x16xf32>,
        %get3A_3631 = arith.index_cast %rem3A_260 : i32 to index
        %get3A_3632 = arith.index_cast %add3A_3420 : i32 to index
        %get3A_3633 = arith.constant 240 : index
        %get3A_3634 = tpu.vector_load %arg10[%get3A_3631, %get3A_3632, %get3A_3633] {strides = array<i32>} : memref<3x64x256xf32, #tpu.memory_space<vmem>>, vector<1x1x16xf32>,
        %get3A_3635 = vector.shape_cast %get3A_3634 : vector<1x1x16xf32> to vector<16xf32>
        %mul3A_3636 = arith.mulf %gather3A_3416, %get3A_147 : vector<16xf32>
        %add3A_3637 = arith.addf %get3A_3635, %mul3A_3636 : vector<16xf32>
        %add3A_3638 = arith.addf %add3A_3637, %get3A_195 : vector<16xf32>
        %swap3A_3639 = arith.index_cast %rem3A_262 : i32 to index
        %swap3A_3640 = arith.index_cast %add3A_3420 : i32 to index
        %swap3A_3641 = arith.constant 240 : index
        %swap3A_3642 = tpu.vector_load %arg11[%swap3A_3639, %swap3A_3640, %swap3A_3641] {strides = array<i32>} : memref<3x64x256xf32, #tpu.memory_space<vmem>>, vector<1x1x16xf32>,
        %swap3A_3643 = vector.shape_cast %swap3A_3642 : vector<1x1x16xf32> to vector<16xf32>
        %swap3A_3644 = vector.shape_cast %add3A_3638 : vector<16xf32> to vector<1x1x16xf32>
        tpu.vector_store %arg11[%swap3A_3639, %swap3A_3640, %swap3A_3641], %swap3A_3644 {strides = array<i32>} : memref<3x64x256xf32, #tpu.memory_space<vmem>>, vector<1x1x16xf32>,
        %broadcast_in_dim3A_3645 = arith.constant 14 : i32
        %broadcast_in_dim3A_3646 = vector.broadcast %broadcast_in_dim3A_3645 : i32 to vector<16x1xi32>
        %gather3A_3647 = vector.shape_cast %broadcast_in_dim3A_3646 : vector<16x1xi32> to vector<16xi32>
        %gather3A_3648 = tpu.dynamic_gather %get3A_399[%gather3A_3647] in [0] : vector<16xf32>, vector<16xi32> -> vector<16xf32>
        %mul3A_3649 = arith.constant 16 : i32
        %mul3A_3650 = arith.muli %scan3A_350, %mul3A_3649 : i32
        %add3A_3651 = arith.constant 14 : i32
        %add3A_3652 = arith.addi %mul3A_3650, %add3A_3651 : i32
        %get3A_3653 = arith.index_cast %rem3A_260 : i32 to index
        %get3A_3654 = arith.index_cast %add3A_3652 : i32 to index
        %get3A_3655 = arith.constant 0 : index
        %get3A_3656 = tpu.vector_load %arg10[%get3A_3653, %get3A_3654, %get3A_3655] {strides = array<i32>} : memref<3x64x256xf32, #tpu.memory_space<vmem>>, vector<1x1x16xf32>,
        %get3A_3657 = vector.shape_cast %get3A_3656 : vector<1x1x16xf32> to vector<16xf32>
        %mul3A_3658 = arith.mulf %gather3A_3648, %get3A_102 : vector<16xf32>
        %add3A_3659 = arith.addf %get3A_3657, %mul3A_3658 : vector<16xf32>
        %add3A_3660 = arith.addf %add3A_3659, %get3A_150 : vector<16xf32>
        %swap3A_3661 = arith.index_cast %rem3A_262 : i32 to index
        %swap3A_3662 = arith.index_cast %add3A_3652 : i32 to index
        %swap3A_3663 = arith.constant 0 : index
        %swap3A_3664 = tpu.vector_load %arg11[%swap3A_3661, %swap3A_3662, %swap3A_3663] {strides = array<i32>} : memref<3x64x256xf32, #tpu.memory_space<vmem>>, vector<1x1x16xf32>,
        %swap3A_3665 = vector.shape_cast %swap3A_3664 : vector<1x1x16xf32> to vector<16xf32>
        %swap3A_3666 = vector.shape_cast %add3A_3660 : vector<16xf32> to vector<1x1x16xf32>
        tpu.vector_store %arg11[%swap3A_3661, %swap3A_3662, %swap3A_3663], %swap3A_3666 {strides = array<i32>} : memref<3x64x256xf32, #tpu.memory_space<vmem>>, vector<1x1x16xf32>,
        %get3A_3667 = arith.index_cast %rem3A_260 : i32 to index
        %get3A_3668 = arith.index_cast %add3A_3652 : i32 to index
        %get3A_3669 = arith.constant 16 : index
        %get3A_3670 = tpu.vector_load %arg10[%get3A_3667, %get3A_3668, %get3A_3669] {strides = array<i32>} : memref<3x64x256xf32, #tpu.memory_space<vmem>>, vector<1x1x16xf32>,
        %get3A_3671 = vector.shape_cast %get3A_3670 : vector<1x1x16xf32> to vector<16xf32>
        %mul3A_3672 = arith.mulf %gather3A_3648, %get3A_105 : vector<16xf32>
        %add3A_3673 = arith.addf %get3A_3671, %mul3A_3672 : vector<16xf32>
        %add3A_3674 = arith.addf %add3A_3673, %get3A_153 : vector<16xf32>
        %swap3A_3675 = arith.index_cast %rem3A_262 : i32 to index
        %swap3A_3676 = arith.index_cast %add3A_3652 : i32 to index
        %swap3A_3677 = arith.constant 16 : index
        %swap3A_3678 = tpu.vector_load %arg11[%swap3A_3675, %swap3A_3676, %swap3A_3677] {strides = array<i32>} : memref<3x64x256xf32, #tpu.memory_space<vmem>>, vector<1x1x16xf32>,
        %swap3A_3679 = vector.shape_cast %swap3A_3678 : vector<1x1x16xf32> to vector<16xf32>
        %swap3A_3680 = vector.shape_cast %add3A_3674 : vector<16xf32> to vector<1x1x16xf32>
        tpu.vector_store %arg11[%swap3A_3675, %swap3A_3676, %swap3A_3677], %swap3A_3680 {strides = array<i32>} : memref<3x64x256xf32, #tpu.memory_space<vmem>>, vector<1x1x16xf32>,
        %get3A_3681 = arith.index_cast %rem3A_260 : i32 to index
        %get3A_3682 = arith.index_cast %add3A_3652 : i32 to index
        %get3A_3683 = arith.constant 32 : index
        %get3A_3684 = tpu.vector_load %arg10[%get3A_3681, %get3A_3682, %get3A_3683] {strides = array<i32>} : memref<3x64x256xf32, #tpu.memory_space<vmem>>, vector<1x1x16xf32>,
        %get3A_3685 = vector.shape_cast %get3A_3684 : vector<1x1x16xf32> to vector<16xf32>
        %mul3A_3686 = arith.mulf %gather3A_3648, %get3A_108 : vector<16xf32>
        %add3A_3687 = arith.addf %get3A_3685, %mul3A_3686 : vector<16xf32>
        %add3A_3688 = arith.addf %add3A_3687, %get3A_156 : vector<16xf32>
        %swap3A_3689 = arith.index_cast %rem3A_262 : i32 to index
        %swap3A_3690 = arith.index_cast %add3A_3652 : i32 to index
        %swap3A_3691 = arith.constant 32 : index
        %swap3A_3692 = tpu.vector_load %arg11[%swap3A_3689, %swap3A_3690, %swap3A_3691] {strides = array<i32>} : memref<3x64x256xf32, #tpu.memory_space<vmem>>, vector<1x1x16xf32>,
        %swap3A_3693 = vector.shape_cast %swap3A_3692 : vector<1x1x16xf32> to vector<16xf32>
        %swap3A_3694 = vector.shape_cast %add3A_3688 : vector<16xf32> to vector<1x1x16xf32>
        tpu.vector_store %arg11[%swap3A_3689, %swap3A_3690, %swap3A_3691], %swap3A_3694 {strides = array<i32>} : memref<3x64x256xf32, #tpu.memory_space<vmem>>, vector<1x1x16xf32>,
        %get3A_3695 = arith.index_cast %rem3A_260 : i32 to index
        %get3A_3696 = arith.index_cast %add3A_3652 : i32 to index
        %get3A_3697 = arith.constant 48 : index
        %get3A_3698 = tpu.vector_load %arg10[%get3A_3695, %get3A_3696, %get3A_3697] {strides = array<i32>} : memref<3x64x256xf32, #tpu.memory_space<vmem>>, vector<1x1x16xf32>,
        %get3A_3699 = vector.shape_cast %get3A_3698 : vector<1x1x16xf32> to vector<16xf32>
        %mul3A_3700 = arith.mulf %gather3A_3648, %get3A_111 : vector<16xf32>
        %add3A_3701 = arith.addf %get3A_3699, %mul3A_3700 : vector<16xf32>
        %add3A_3702 = arith.addf %add3A_3701, %get3A_159 : vector<16xf32>
        %swap3A_3703 = arith.index_cast %rem3A_262 : i32 to index
        %swap3A_3704 = arith.index_cast %add3A_3652 : i32 to index
        %swap3A_3705 = arith.constant 48 : index
        %swap3A_3706 = tpu.vector_load %arg11[%swap3A_3703, %swap3A_3704, %swap3A_3705] {strides = array<i32>} : memref<3x64x256xf32, #tpu.memory_space<vmem>>, vector<1x1x16xf32>,
        %swap3A_3707 = vector.shape_cast %swap3A_3706 : vector<1x1x16xf32> to vector<16xf32>
        %swap3A_3708 = vector.shape_cast %add3A_3702 : vector<16xf32> to vector<1x1x16xf32>
        tpu.vector_store %arg11[%swap3A_3703, %swap3A_3704, %swap3A_3705], %swap3A_3708 {strides = array<i32>} : memref<3x64x256xf32, #tpu.memory_space<vmem>>, vector<1x1x16xf32>,
        %get3A_3709 = arith.index_cast %rem3A_260 : i32 to index
        %get3A_3710 = arith.index_cast %add3A_3652 : i32 to index
        %get3A_3711 = arith.constant 64 : index
        %get3A_3712 = tpu.vector_load %arg10[%get3A_3709, %get3A_3710, %get3A_3711] {strides = array<i32>} : memref<3x64x256xf32, #tpu.memory_space<vmem>>, vector<1x1x16xf32>,
        %get3A_3713 = vector.shape_cast %get3A_3712 : vector<1x1x16xf32> to vector<16xf32>
        %mul3A_3714 = arith.mulf %gather3A_3648, %get3A_114 : vector<16xf32>
        %add3A_3715 = arith.addf %get3A_3713, %mul3A_3714 : vector<16xf32>
        %add3A_3716 = arith.addf %add3A_3715, %get3A_162 : vector<16xf32>
        %swap3A_3717 = arith.index_cast %rem3A_262 : i32 to index
        %swap3A_3718 = arith.index_cast %add3A_3652 : i32 to index
        %swap3A_3719 = arith.constant 64 : index
        %swap3A_3720 = tpu.vector_load %arg11[%swap3A_3717, %swap3A_3718, %swap3A_3719] {strides = array<i32>} : memref<3x64x256xf32, #tpu.memory_space<vmem>>, vector<1x1x16xf32>,
        %swap3A_3721 = vector.shape_cast %swap3A_3720 : vector<1x1x16xf32> to vector<16xf32>
        %swap3A_3722 = vector.shape_cast %add3A_3716 : vector<16xf32> to vector<1x1x16xf32>
        tpu.vector_store %arg11[%swap3A_3717, %swap3A_3718, %swap3A_3719], %swap3A_3722 {strides = array<i32>} : memref<3x64x256xf32, #tpu.memory_space<vmem>>, vector<1x1x16xf32>,
        %get3A_3723 = arith.index_cast %rem3A_260 : i32 to index
        %get3A_3724 = arith.index_cast %add3A_3652 : i32 to index
        %get3A_3725 = arith.constant 80 : index
        %get3A_3726 = tpu.vector_load %arg10[%get3A_3723, %get3A_3724, %get3A_3725] {strides = array<i32>} : memref<3x64x256xf32, #tpu.memory_space<vmem>>, vector<1x1x16xf32>,
        %get3A_3727 = vector.shape_cast %get3A_3726 : vector<1x1x16xf32> to vector<16xf32>
        %mul3A_3728 = arith.mulf %gather3A_3648, %get3A_117 : vector<16xf32>
        %add3A_3729 = arith.addf %get3A_3727, %mul3A_3728 : vector<16xf32>
        %add3A_3730 = arith.addf %add3A_3729, %get3A_165 : vector<16xf32>
        %swap3A_3731 = arith.index_cast %rem3A_262 : i32 to index
        %swap3A_3732 = arith.index_cast %add3A_3652 : i32 to index
        %swap3A_3733 = arith.constant 80 : index
        %swap3A_3734 = tpu.vector_load %arg11[%swap3A_3731, %swap3A_3732, %swap3A_3733] {strides = array<i32>} : memref<3x64x256xf32, #tpu.memory_space<vmem>>, vector<1x1x16xf32>,
        %swap3A_3735 = vector.shape_cast %swap3A_3734 : vector<1x1x16xf32> to vector<16xf32>
        %swap3A_3736 = vector.shape_cast %add3A_3730 : vector<16xf32> to vector<1x1x16xf32>
        tpu.vector_store %arg11[%swap3A_3731, %swap3A_3732, %swap3A_3733], %swap3A_3736 {strides = array<i32>} : memref<3x64x256xf32, #tpu.memory_space<vmem>>, vector<1x1x16xf32>,
        %get3A_3737 = arith.index_cast %rem3A_260 : i32 to index
        %get3A_3738 = arith.index_cast %add3A_3652 : i32 to index
        %get3A_3739 = arith.constant 96 : index
        %get3A_3740 = tpu.vector_load %arg10[%get3A_3737, %get3A_3738, %get3A_3739] {strides = array<i32>} : memref<3x64x256xf32, #tpu.memory_space<vmem>>, vector<1x1x16xf32>,
        %get3A_3741 = vector.shape_cast %get3A_3740 : vector<1x1x16xf32> to vector<16xf32>
        %mul3A_3742 = arith.mulf %gather3A_3648, %get3A_120 : vector<16xf32>
        %add3A_3743 = arith.addf %get3A_3741, %mul3A_3742 : vector<16xf32>
        %add3A_3744 = arith.addf %add3A_3743, %get3A_168 : vector<16xf32>
        %swap3A_3745 = arith.index_cast %rem3A_262 : i32 to index
        %swap3A_3746 = arith.index_cast %add3A_3652 : i32 to index
        %swap3A_3747 = arith.constant 96 : index
        %swap3A_3748 = tpu.vector_load %arg11[%swap3A_3745, %swap3A_3746, %swap3A_3747] {strides = array<i32>} : memref<3x64x256xf32, #tpu.memory_space<vmem>>, vector<1x1x16xf32>,
        %swap3A_3749 = vector.shape_cast %swap3A_3748 : vector<1x1x16xf32> to vector<16xf32>
        %swap3A_3750 = vector.shape_cast %add3A_3744 : vector<16xf32> to vector<1x1x16xf32>
        tpu.vector_store %arg11[%swap3A_3745, %swap3A_3746, %swap3A_3747], %swap3A_3750 {strides = array<i32>} : memref<3x64x256xf32, #tpu.memory_space<vmem>>, vector<1x1x16xf32>,
        %get3A_3751 = arith.index_cast %rem3A_260 : i32 to index
        %get3A_3752 = arith.index_cast %add3A_3652 : i32 to index
        %get3A_3753 = arith.constant 112 : index
        %get3A_3754 = tpu.vector_load %arg10[%get3A_3751, %get3A_3752, %get3A_3753] {strides = array<i32>} : memref<3x64x256xf32, #tpu.memory_space<vmem>>, vector<1x1x16xf32>,
        %get3A_3755 = vector.shape_cast %get3A_3754 : vector<1x1x16xf32> to vector<16xf32>
        %mul3A_3756 = arith.mulf %gather3A_3648, %get3A_123 : vector<16xf32>
        %add3A_3757 = arith.addf %get3A_3755, %mul3A_3756 : vector<16xf32>
        %add3A_3758 = arith.addf %add3A_3757, %get3A_171 : vector<16xf32>
        %swap3A_3759 = arith.index_cast %rem3A_262 : i32 to index
        %swap3A_3760 = arith.index_cast %add3A_3652 : i32 to index
        %swap3A_3761 = arith.constant 112 : index
        %swap3A_3762 = tpu.vector_load %arg11[%swap3A_3759, %swap3A_3760, %swap3A_3761] {strides = array<i32>} : memref<3x64x256xf32, #tpu.memory_space<vmem>>, vector<1x1x16xf32>,
        %swap3A_3763 = vector.shape_cast %swap3A_3762 : vector<1x1x16xf32> to vector<16xf32>
        %swap3A_3764 = vector.shape_cast %add3A_3758 : vector<16xf32> to vector<1x1x16xf32>
        tpu.vector_store %arg11[%swap3A_3759, %swap3A_3760, %swap3A_3761], %swap3A_3764 {strides = array<i32>} : memref<3x64x256xf32, #tpu.memory_space<vmem>>, vector<1x1x16xf32>,
        %get3A_3765 = arith.index_cast %rem3A_260 : i32 to index
        %get3A_3766 = arith.index_cast %add3A_3652 : i32 to index
        %get3A_3767 = arith.constant 128 : index
        %get3A_3768 = tpu.vector_load %arg10[%get3A_3765, %get3A_3766, %get3A_3767] {strides = array<i32>} : memref<3x64x256xf32, #tpu.memory_space<vmem>>, vector<1x1x16xf32>,
        %get3A_3769 = vector.shape_cast %get3A_3768 : vector<1x1x16xf32> to vector<16xf32>
        %mul3A_3770 = arith.mulf %gather3A_3648, %get3A_126 : vector<16xf32>
        %add3A_3771 = arith.addf %get3A_3769, %mul3A_3770 : vector<16xf32>
        %add3A_3772 = arith.addf %add3A_3771, %get3A_174 : vector<16xf32>
        %swap3A_3773 = arith.index_cast %rem3A_262 : i32 to index
        %swap3A_3774 = arith.index_cast %add3A_3652 : i32 to index
        %swap3A_3775 = arith.constant 128 : index
        %swap3A_3776 = tpu.vector_load %arg11[%swap3A_3773, %swap3A_3774, %swap3A_3775] {strides = array<i32>} : memref<3x64x256xf32, #tpu.memory_space<vmem>>, vector<1x1x16xf32>,
        %swap3A_3777 = vector.shape_cast %swap3A_3776 : vector<1x1x16xf32> to vector<16xf32>
        %swap3A_3778 = vector.shape_cast %add3A_3772 : vector<16xf32> to vector<1x1x16xf32>
        tpu.vector_store %arg11[%swap3A_3773, %swap3A_3774, %swap3A_3775], %swap3A_3778 {strides = array<i32>} : memref<3x64x256xf32, #tpu.memory_space<vmem>>, vector<1x1x16xf32>,
        %get3A_3779 = arith.index_cast %rem3A_260 : i32 to index
        %get3A_3780 = arith.index_cast %add3A_3652 : i32 to index
        %get3A_3781 = arith.constant 144 : index
        %get3A_3782 = tpu.vector_load %arg10[%get3A_3779, %get3A_3780, %get3A_3781] {strides = array<i32>} : memref<3x64x256xf32, #tpu.memory_space<vmem>>, vector<1x1x16xf32>,
        %get3A_3783 = vector.shape_cast %get3A_3782 : vector<1x1x16xf32> to vector<16xf32>
        %mul3A_3784 = arith.mulf %gather3A_3648, %get3A_129 : vector<16xf32>
        %add3A_3785 = arith.addf %get3A_3783, %mul3A_3784 : vector<16xf32>
        %add3A_3786 = arith.addf %add3A_3785, %get3A_177 : vector<16xf32>
        %swap3A_3787 = arith.index_cast %rem3A_262 : i32 to index
        %swap3A_3788 = arith.index_cast %add3A_3652 : i32 to index
        %swap3A_3789 = arith.constant 144 : index
        %swap3A_3790 = tpu.vector_load %arg11[%swap3A_3787, %swap3A_3788, %swap3A_3789] {strides = array<i32>} : memref<3x64x256xf32, #tpu.memory_space<vmem>>, vector<1x1x16xf32>,
        %swap3A_3791 = vector.shape_cast %swap3A_3790 : vector<1x1x16xf32> to vector<16xf32>
        %swap3A_3792 = vector.shape_cast %add3A_3786 : vector<16xf32> to vector<1x1x16xf32>
        tpu.vector_store %arg11[%swap3A_3787, %swap3A_3788, %swap3A_3789], %swap3A_3792 {strides = array<i32>} : memref<3x64x256xf32, #tpu.memory_space<vmem>>, vector<1x1x16xf32>,
        %get3A_3793 = arith.index_cast %rem3A_260 : i32 to index
        %get3A_3794 = arith.index_cast %add3A_3652 : i32 to index
        %get3A_3795 = arith.constant 160 : index
        %get3A_3796 = tpu.vector_load %arg10[%get3A_3793, %get3A_3794, %get3A_3795] {strides = array<i32>} : memref<3x64x256xf32, #tpu.memory_space<vmem>>, vector<1x1x16xf32>,
        %get3A_3797 = vector.shape_cast %get3A_3796 : vector<1x1x16xf32> to vector<16xf32>
        %mul3A_3798 = arith.mulf %gather3A_3648, %get3A_132 : vector<16xf32>
        %add3A_3799 = arith.addf %get3A_3797, %mul3A_3798 : vector<16xf32>
        %add3A_3800 = arith.addf %add3A_3799, %get3A_180 : vector<16xf32>
        %swap3A_3801 = arith.index_cast %rem3A_262 : i32 to index
        %swap3A_3802 = arith.index_cast %add3A_3652 : i32 to index
        %swap3A_3803 = arith.constant 160 : index
        %swap3A_3804 = tpu.vector_load %arg11[%swap3A_3801, %swap3A_3802, %swap3A_3803] {strides = array<i32>} : memref<3x64x256xf32, #tpu.memory_space<vmem>>, vector<1x1x16xf32>,
        %swap3A_3805 = vector.shape_cast %swap3A_3804 : vector<1x1x16xf32> to vector<16xf32>
        %swap3A_3806 = vector.shape_cast %add3A_3800 : vector<16xf32> to vector<1x1x16xf32>
        tpu.vector_store %arg11[%swap3A_3801, %swap3A_3802, %swap3A_3803], %swap3A_3806 {strides = array<i32>} : memref<3x64x256xf32, #tpu.memory_space<vmem>>, vector<1x1x16xf32>,
        %get3A_3807 = arith.index_cast %rem3A_260 : i32 to index
        %get3A_3808 = arith.index_cast %add3A_3652 : i32 to index
        %get3A_3809 = arith.constant 176 : index
        %get3A_3810 = tpu.vector_load %arg10[%get3A_3807, %get3A_3808, %get3A_3809] {strides = array<i32>} : memref<3x64x256xf32, #tpu.memory_space<vmem>>, vector<1x1x16xf32>,
        %get3A_3811 = vector.shape_cast %get3A_3810 : vector<1x1x16xf32> to vector<16xf32>
        %mul3A_3812 = arith.mulf %gather3A_3648, %get3A_135 : vector<16xf32>
        %add3A_3813 = arith.addf %get3A_3811, %mul3A_3812 : vector<16xf32>
        %add3A_3814 = arith.addf %add3A_3813, %get3A_183 : vector<16xf32>
        %swap3A_3815 = arith.index_cast %rem3A_262 : i32 to index
        %swap3A_3816 = arith.index_cast %add3A_3652 : i32 to index
        %swap3A_3817 = arith.constant 176 : index
        %swap3A_3818 = tpu.vector_load %arg11[%swap3A_3815, %swap3A_3816, %swap3A_3817] {strides = array<i32>} : memref<3x64x256xf32, #tpu.memory_space<vmem>>, vector<1x1x16xf32>,
        %swap3A_3819 = vector.shape_cast %swap3A_3818 : vector<1x1x16xf32> to vector<16xf32>
        %swap3A_3820 = vector.shape_cast %add3A_3814 : vector<16xf32> to vector<1x1x16xf32>
        tpu.vector_store %arg11[%swap3A_3815, %swap3A_3816, %swap3A_3817], %swap3A_3820 {strides = array<i32>} : memref<3x64x256xf32, #tpu.memory_space<vmem>>, vector<1x1x16xf32>,
        %get3A_3821 = arith.index_cast %rem3A_260 : i32 to index
        %get3A_3822 = arith.index_cast %add3A_3652 : i32 to index
        %get3A_3823 = arith.constant 192 : index
        %get3A_3824 = tpu.vector_load %arg10[%get3A_3821, %get3A_3822, %get3A_3823] {strides = array<i32>} : memref<3x64x256xf32, #tpu.memory_space<vmem>>, vector<1x1x16xf32>,
        %get3A_3825 = vector.shape_cast %get3A_3824 : vector<1x1x16xf32> to vector<16xf32>
        %mul3A_3826 = arith.mulf %gather3A_3648, %get3A_138 : vector<16xf32>
        %add3A_3827 = arith.addf %get3A_3825, %mul3A_3826 : vector<16xf32>
        %add3A_3828 = arith.addf %add3A_3827, %get3A_186 : vector<16xf32>
        %swap3A_3829 = arith.index_cast %rem3A_262 : i32 to index
        %swap3A_3830 = arith.index_cast %add3A_3652 : i32 to index
        %swap3A_3831 = arith.constant 192 : index
        %swap3A_3832 = tpu.vector_load %arg11[%swap3A_3829, %swap3A_3830, %swap3A_3831] {strides = array<i32>} : memref<3x64x256xf32, #tpu.memory_space<vmem>>, vector<1x1x16xf32>,
        %swap3A_3833 = vector.shape_cast %swap3A_3832 : vector<1x1x16xf32> to vector<16xf32>
        %swap3A_3834 = vector.shape_cast %add3A_3828 : vector<16xf32> to vector<1x1x16xf32>
        tpu.vector_store %arg11[%swap3A_3829, %swap3A_3830, %swap3A_3831], %swap3A_3834 {strides = array<i32>} : memref<3x64x256xf32, #tpu.memory_space<vmem>>, vector<1x1x16xf32>,
        %get3A_3835 = arith.index_cast %rem3A_260 : i32 to index
        %get3A_3836 = arith.index_cast %add3A_3652 : i32 to index
        %get3A_3837 = arith.constant 208 : index
        %get3A_3838 = tpu.vector_load %arg10[%get3A_3835, %get3A_3836, %get3A_3837] {strides = array<i32>} : memref<3x64x256xf32, #tpu.memory_space<vmem>>, vector<1x1x16xf32>,
        %get3A_3839 = vector.shape_cast %get3A_3838 : vector<1x1x16xf32> to vector<16xf32>
        %mul3A_3840 = arith.mulf %gather3A_3648, %get3A_141 : vector<16xf32>
        %add3A_3841 = arith.addf %get3A_3839, %mul3A_3840 : vector<16xf32>
        %add3A_3842 = arith.addf %add3A_3841, %get3A_189 : vector<16xf32>
        %swap3A_3843 = arith.index_cast %rem3A_262 : i32 to index
        %swap3A_3844 = arith.index_cast %add3A_3652 : i32 to index
        %swap3A_3845 = arith.constant 208 : index
        %swap3A_3846 = tpu.vector_load %arg11[%swap3A_3843, %swap3A_3844, %swap3A_3845] {strides = array<i32>} : memref<3x64x256xf32, #tpu.memory_space<vmem>>, vector<1x1x16xf32>,
        %swap3A_3847 = vector.shape_cast %swap3A_3846 : vector<1x1x16xf32> to vector<16xf32>
        %swap3A_3848 = vector.shape_cast %add3A_3842 : vector<16xf32> to vector<1x1x16xf32>
        tpu.vector_store %arg11[%swap3A_3843, %swap3A_3844, %swap3A_3845], %swap3A_3848 {strides = array<i32>} : memref<3x64x256xf32, #tpu.memory_space<vmem>>, vector<1x1x16xf32>,
        %get3A_3849 = arith.index_cast %rem3A_260 : i32 to index
        %get3A_3850 = arith.index_cast %add3A_3652 : i32 to index
        %get3A_3851 = arith.constant 224 : index
        %get3A_3852 = tpu.vector_load %arg10[%get3A_3849, %get3A_3850, %get3A_3851] {strides = array<i32>} : memref<3x64x256xf32, #tpu.memory_space<vmem>>, vector<1x1x16xf32>,
        %get3A_3853 = vector.shape_cast %get3A_3852 : vector<1x1x16xf32> to vector<16xf32>
        %mul3A_3854 = arith.mulf %gather3A_3648, %get3A_144 : vector<16xf32>
        %add3A_3855 = arith.addf %get3A_3853, %mul3A_3854 : vector<16xf32>
        %add3A_3856 = arith.addf %add3A_3855, %get3A_192 : vector<16xf32>
        %swap3A_3857 = arith.index_cast %rem3A_262 : i32 to index
        %swap3A_3858 = arith.index_cast %add3A_3652 : i32 to index
        %swap3A_3859 = arith.constant 224 : index
        %swap3A_3860 = tpu.vector_load %arg11[%swap3A_3857, %swap3A_3858, %swap3A_3859] {strides = array<i32>} : memref<3x64x256xf32, #tpu.memory_space<vmem>>, vector<1x1x16xf32>,
        %swap3A_3861 = vector.shape_cast %swap3A_3860 : vector<1x1x16xf32> to vector<16xf32>
        %swap3A_3862 = vector.shape_cast %add3A_3856 : vector<16xf32> to vector<1x1x16xf32>
        tpu.vector_store %arg11[%swap3A_3857, %swap3A_3858, %swap3A_3859], %swap3A_3862 {strides = array<i32>} : memref<3x64x256xf32, #tpu.memory_space<vmem>>, vector<1x1x16xf32>,
        %get3A_3863 = arith.index_cast %rem3A_260 : i32 to index
        %get3A_3864 = arith.index_cast %add3A_3652 : i32 to index
        %get3A_3865 = arith.constant 240 : index
        %get3A_3866 = tpu.vector_load %arg10[%get3A_3863, %get3A_3864, %get3A_3865] {strides = array<i32>} : memref<3x64x256xf32, #tpu.memory_space<vmem>>, vector<1x1x16xf32>,
        %get3A_3867 = vector.shape_cast %get3A_3866 : vector<1x1x16xf32> to vector<16xf32>
        %mul3A_3868 = arith.mulf %gather3A_3648, %get3A_147 : vector<16xf32>
        %add3A_3869 = arith.addf %get3A_3867, %mul3A_3868 : vector<16xf32>
        %add3A_3870 = arith.addf %add3A_3869, %get3A_195 : vector<16xf32>
        %swap3A_3871 = arith.index_cast %rem3A_262 : i32 to index
        %swap3A_3872 = arith.index_cast %add3A_3652 : i32 to index
        %swap3A_3873 = arith.constant 240 : index
        %swap3A_3874 = tpu.vector_load %arg11[%swap3A_3871, %swap3A_3872, %swap3A_3873] {strides = array<i32>} : memref<3x64x256xf32, #tpu.memory_space<vmem>>, vector<1x1x16xf32>,
        %swap3A_3875 = vector.shape_cast %swap3A_3874 : vector<1x1x16xf32> to vector<16xf32>
        %swap3A_3876 = vector.shape_cast %add3A_3870 : vector<16xf32> to vector<1x1x16xf32>
        tpu.vector_store %arg11[%swap3A_3871, %swap3A_3872, %swap3A_3873], %swap3A_3876 {strides = array<i32>} : memref<3x64x256xf32, #tpu.memory_space<vmem>>, vector<1x1x16xf32>,
        %broadcast_in_dim3A_3877 = arith.constant 15 : i32
        %broadcast_in_dim3A_3878 = vector.broadcast %broadcast_in_dim3A_3877 : i32 to vector<16x1xi32>
        %gather3A_3879 = vector.shape_cast %broadcast_in_dim3A_3878 : vector<16x1xi32> to vector<16xi32>
        %gather3A_3880 = tpu.dynamic_gather %get3A_399[%gather3A_3879] in [0] : vector<16xf32>, vector<16xi32> -> vector<16xf32>
        %mul3A_3881 = arith.constant 16 : i32
        %mul3A_3882 = arith.muli %scan3A_350, %mul3A_3881 : i32
        %add3A_3883 = arith.constant 15 : i32
        %add3A_3884 = arith.addi %mul3A_3882, %add3A_3883 : i32
        %get3A_3885 = arith.index_cast %rem3A_260 : i32 to index
        %get3A_3886 = arith.index_cast %add3A_3884 : i32 to index
        %get3A_3887 = arith.constant 0 : index
        %get3A_3888 = tpu.vector_load %arg10[%get3A_3885, %get3A_3886, %get3A_3887] {strides = array<i32>} : memref<3x64x256xf32, #tpu.memory_space<vmem>>, vector<1x1x16xf32>,
        %get3A_3889 = vector.shape_cast %get3A_3888 : vector<1x1x16xf32> to vector<16xf32>
        %mul3A_3890 = arith.mulf %gather3A_3880, %get3A_102 : vector<16xf32>
        %add3A_3891 = arith.addf %get3A_3889, %mul3A_3890 : vector<16xf32>
        %add3A_3892 = arith.addf %add3A_3891, %get3A_150 : vector<16xf32>
        %swap3A_3893 = arith.index_cast %rem3A_262 : i32 to index
        %swap3A_3894 = arith.index_cast %add3A_3884 : i32 to index
        %swap3A_3895 = arith.constant 0 : index
        %swap3A_3896 = tpu.vector_load %arg11[%swap3A_3893, %swap3A_3894, %swap3A_3895] {strides = array<i32>} : memref<3x64x256xf32, #tpu.memory_space<vmem>>, vector<1x1x16xf32>,
        %swap3A_3897 = vector.shape_cast %swap3A_3896 : vector<1x1x16xf32> to vector<16xf32>
        %swap3A_3898 = vector.shape_cast %add3A_3892 : vector<16xf32> to vector<1x1x16xf32>
        tpu.vector_store %arg11[%swap3A_3893, %swap3A_3894, %swap3A_3895], %swap3A_3898 {strides = array<i32>} : memref<3x64x256xf32, #tpu.memory_space<vmem>>, vector<1x1x16xf32>,
        %get3A_3899 = arith.index_cast %rem3A_260 : i32 to index
        %get3A_3900 = arith.index_cast %add3A_3884 : i32 to index
        %get3A_3901 = arith.constant 16 : index
        %get3A_3902 = tpu.vector_load %arg10[%get3A_3899, %get3A_3900, %get3A_3901] {strides = array<i32>} : memref<3x64x256xf32, #tpu.memory_space<vmem>>, vector<1x1x16xf32>,
        %get3A_3903 = vector.shape_cast %get3A_3902 : vector<1x1x16xf32> to vector<16xf32>
        %mul3A_3904 = arith.mulf %gather3A_3880, %get3A_105 : vector<16xf32>
        %add3A_3905 = arith.addf %get3A_3903, %mul3A_3904 : vector<16xf32>
        %add3A_3906 = arith.addf %add3A_3905, %get3A_153 : vector<16xf32>
        %swap3A_3907 = arith.index_cast %rem3A_262 : i32 to index
        %swap3A_3908 = arith.index_cast %add3A_3884 : i32 to index
        %swap3A_3909 = arith.constant 16 : index
        %swap3A_3910 = tpu.vector_load %arg11[%swap3A_3907, %swap3A_3908, %swap3A_3909] {strides = array<i32>} : memref<3x64x256xf32, #tpu.memory_space<vmem>>, vector<1x1x16xf32>,
        %swap3A_3911 = vector.shape_cast %swap3A_3910 : vector<1x1x16xf32> to vector<16xf32>
        %swap3A_3912 = vector.shape_cast %add3A_3906 : vector<16xf32> to vector<1x1x16xf32>
        tpu.vector_store %arg11[%swap3A_3907, %swap3A_3908, %swap3A_3909], %swap3A_3912 {strides = array<i32>} : memref<3x64x256xf32, #tpu.memory_space<vmem>>, vector<1x1x16xf32>,
        %get3A_3913 = arith.index_cast %rem3A_260 : i32 to index
        %get3A_3914 = arith.index_cast %add3A_3884 : i32 to index
        %get3A_3915 = arith.constant 32 : index
        %get3A_3916 = tpu.vector_load %arg10[%get3A_3913, %get3A_3914, %get3A_3915] {strides = array<i32>} : memref<3x64x256xf32, #tpu.memory_space<vmem>>, vector<1x1x16xf32>,
        %get3A_3917 = vector.shape_cast %get3A_3916 : vector<1x1x16xf32> to vector<16xf32>
        %mul3A_3918 = arith.mulf %gather3A_3880, %get3A_108 : vector<16xf32>
        %add3A_3919 = arith.addf %get3A_3917, %mul3A_3918 : vector<16xf32>
        %add3A_3920 = arith.addf %add3A_3919, %get3A_156 : vector<16xf32>
        %swap3A_3921 = arith.index_cast %rem3A_262 : i32 to index
        %swap3A_3922 = arith.index_cast %add3A_3884 : i32 to index
        %swap3A_3923 = arith.constant 32 : index
        %swap3A_3924 = tpu.vector_load %arg11[%swap3A_3921, %swap3A_3922, %swap3A_3923] {strides = array<i32>} : memref<3x64x256xf32, #tpu.memory_space<vmem>>, vector<1x1x16xf32>,
        %swap3A_3925 = vector.shape_cast %swap3A_3924 : vector<1x1x16xf32> to vector<16xf32>
        %swap3A_3926 = vector.shape_cast %add3A_3920 : vector<16xf32> to vector<1x1x16xf32>
        tpu.vector_store %arg11[%swap3A_3921, %swap3A_3922, %swap3A_3923], %swap3A_3926 {strides = array<i32>} : memref<3x64x256xf32, #tpu.memory_space<vmem>>, vector<1x1x16xf32>,
        %get3A_3927 = arith.index_cast %rem3A_260 : i32 to index
        %get3A_3928 = arith.index_cast %add3A_3884 : i32 to index
        %get3A_3929 = arith.constant 48 : index
        %get3A_3930 = tpu.vector_load %arg10[%get3A_3927, %get3A_3928, %get3A_3929] {strides = array<i32>} : memref<3x64x256xf32, #tpu.memory_space<vmem>>, vector<1x1x16xf32>,
        %get3A_3931 = vector.shape_cast %get3A_3930 : vector<1x1x16xf32> to vector<16xf32>
        %mul3A_3932 = arith.mulf %gather3A_3880, %get3A_111 : vector<16xf32>
        %add3A_3933 = arith.addf %get3A_3931, %mul3A_3932 : vector<16xf32>
        %add3A_3934 = arith.addf %add3A_3933, %get3A_159 : vector<16xf32>
        %swap3A_3935 = arith.index_cast %rem3A_262 : i32 to index
        %swap3A_3936 = arith.index_cast %add3A_3884 : i32 to index
        %swap3A_3937 = arith.constant 48 : index
        %swap3A_3938 = tpu.vector_load %arg11[%swap3A_3935, %swap3A_3936, %swap3A_3937] {strides = array<i32>} : memref<3x64x256xf32, #tpu.memory_space<vmem>>, vector<1x1x16xf32>,
        %swap3A_3939 = vector.shape_cast %swap3A_3938 : vector<1x1x16xf32> to vector<16xf32>
        %swap3A_3940 = vector.shape_cast %add3A_3934 : vector<16xf32> to vector<1x1x16xf32>
        tpu.vector_store %arg11[%swap3A_3935, %swap3A_3936, %swap3A_3937], %swap3A_3940 {strides = array<i32>} : memref<3x64x256xf32, #tpu.memory_space<vmem>>, vector<1x1x16xf32>,
        %get3A_3941 = arith.index_cast %rem3A_260 : i32 to index
        %get3A_3942 = arith.index_cast %add3A_3884 : i32 to index
        %get3A_3943 = arith.constant 64 : index
        %get3A_3944 = tpu.vector_load %arg10[%get3A_3941, %get3A_3942, %get3A_3943] {strides = array<i32>} : memref<3x64x256xf32, #tpu.memory_space<vmem>>, vector<1x1x16xf32>,
        %get3A_3945 = vector.shape_cast %get3A_3944 : vector<1x1x16xf32> to vector<16xf32>
        %mul3A_3946 = arith.mulf %gather3A_3880, %get3A_114 : vector<16xf32>
        %add3A_3947 = arith.addf %get3A_3945, %mul3A_3946 : vector<16xf32>
        %add3A_3948 = arith.addf %add3A_3947, %get3A_162 : vector<16xf32>
        %swap3A_3949 = arith.index_cast %rem3A_262 : i32 to index
        %swap3A_3950 = arith.index_cast %add3A_3884 : i32 to index
        %swap3A_3951 = arith.constant 64 : index
        %swap3A_3952 = tpu.vector_load %arg11[%swap3A_3949, %swap3A_3950, %swap3A_3951] {strides = array<i32>} : memref<3x64x256xf32, #tpu.memory_space<vmem>>, vector<1x1x16xf32>,
        %swap3A_3953 = vector.shape_cast %swap3A_3952 : vector<1x1x16xf32> to vector<16xf32>
        %swap3A_3954 = vector.shape_cast %add3A_3948 : vector<16xf32> to vector<1x1x16xf32>
        tpu.vector_store %arg11[%swap3A_3949, %swap3A_3950, %swap3A_3951], %swap3A_3954 {strides = array<i32>} : memref<3x64x256xf32, #tpu.memory_space<vmem>>, vector<1x1x16xf32>,
        %get3A_3955 = arith.index_cast %rem3A_260 : i32 to index
        %get3A_3956 = arith.index_cast %add3A_3884 : i32 to index
        %get3A_3957 = arith.constant 80 : index
        %get3A_3958 = tpu.vector_load %arg10[%get3A_3955, %get3A_3956, %get3A_3957] {strides = array<i32>} : memref<3x64x256xf32, #tpu.memory_space<vmem>>, vector<1x1x16xf32>,
        %get3A_3959 = vector.shape_cast %get3A_3958 : vector<1x1x16xf32> to vector<16xf32>
        %mul3A_3960 = arith.mulf %gather3A_3880, %get3A_117 : vector<16xf32>
        %add3A_3961 = arith.addf %get3A_3959, %mul3A_3960 : vector<16xf32>
        %add3A_3962 = arith.addf %add3A_3961, %get3A_165 : vector<16xf32>
        %swap3A_3963 = arith.index_cast %rem3A_262 : i32 to index
        %swap3A_3964 = arith.index_cast %add3A_3884 : i32 to index
        %swap3A_3965 = arith.constant 80 : index
        %swap3A_3966 = tpu.vector_load %arg11[%swap3A_3963, %swap3A_3964, %swap3A_3965] {strides = array<i32>} : memref<3x64x256xf32, #tpu.memory_space<vmem>>, vector<1x1x16xf32>,
        %swap3A_3967 = vector.shape_cast %swap3A_3966 : vector<1x1x16xf32> to vector<16xf32>
        %swap3A_3968 = vector.shape_cast %add3A_3962 : vector<16xf32> to vector<1x1x16xf32>
        tpu.vector_store %arg11[%swap3A_3963, %swap3A_3964, %swap3A_3965], %swap3A_3968 {strides = array<i32>} : memref<3x64x256xf32, #tpu.memory_space<vmem>>, vector<1x1x16xf32>,
        %get3A_3969 = arith.index_cast %rem3A_260 : i32 to index
        %get3A_3970 = arith.index_cast %add3A_3884 : i32 to index
        %get3A_3971 = arith.constant 96 : index
        %get3A_3972 = tpu.vector_load %arg10[%get3A_3969, %get3A_3970, %get3A_3971] {strides = array<i32>} : memref<3x64x256xf32, #tpu.memory_space<vmem>>, vector<1x1x16xf32>,
        %get3A_3973 = vector.shape_cast %get3A_3972 : vector<1x1x16xf32> to vector<16xf32>
        %mul3A_3974 = arith.mulf %gather3A_3880, %get3A_120 : vector<16xf32>
        %add3A_3975 = arith.addf %get3A_3973, %mul3A_3974 : vector<16xf32>
        %add3A_3976 = arith.addf %add3A_3975, %get3A_168 : vector<16xf32>
        %swap3A_3977 = arith.index_cast %rem3A_262 : i32 to index
        %swap3A_3978 = arith.index_cast %add3A_3884 : i32 to index
        %swap3A_3979 = arith.constant 96 : index
        %swap3A_3980 = tpu.vector_load %arg11[%swap3A_3977, %swap3A_3978, %swap3A_3979] {strides = array<i32>} : memref<3x64x256xf32, #tpu.memory_space<vmem>>, vector<1x1x16xf32>,
        %swap3A_3981 = vector.shape_cast %swap3A_3980 : vector<1x1x16xf32> to vector<16xf32>
        %swap3A_3982 = vector.shape_cast %add3A_3976 : vector<16xf32> to vector<1x1x16xf32>
        tpu.vector_store %arg11[%swap3A_3977, %swap3A_3978, %swap3A_3979], %swap3A_3982 {strides = array<i32>} : memref<3x64x256xf32, #tpu.memory_space<vmem>>, vector<1x1x16xf32>,
        %get3A_3983 = arith.index_cast %rem3A_260 : i32 to index
        %get3A_3984 = arith.index_cast %add3A_3884 : i32 to index
        %get3A_3985 = arith.constant 112 : index
        %get3A_3986 = tpu.vector_load %arg10[%get3A_3983, %get3A_3984, %get3A_3985] {strides = array<i32>} : memref<3x64x256xf32, #tpu.memory_space<vmem>>, vector<1x1x16xf32>,
        %get3A_3987 = vector.shape_cast %get3A_3986 : vector<1x1x16xf32> to vector<16xf32>
        %mul3A_3988 = arith.mulf %gather3A_3880, %get3A_123 : vector<16xf32>
        %add3A_3989 = arith.addf %get3A_3987, %mul3A_3988 : vector<16xf32>
        %add3A_3990 = arith.addf %add3A_3989, %get3A_171 : vector<16xf32>
        %swap3A_3991 = arith.index_cast %rem3A_262 : i32 to index
        %swap3A_3992 = arith.index_cast %add3A_3884 : i32 to index
        %swap3A_3993 = arith.constant 112 : index
        %swap3A_3994 = tpu.vector_load %arg11[%swap3A_3991, %swap3A_3992, %swap3A_3993] {strides = array<i32>} : memref<3x64x256xf32, #tpu.memory_space<vmem>>, vector<1x1x16xf32>,
        %swap3A_3995 = vector.shape_cast %swap3A_3994 : vector<1x1x16xf32> to vector<16xf32>
        %swap3A_3996 = vector.shape_cast %add3A_3990 : vector<16xf32> to vector<1x1x16xf32>
        tpu.vector_store %arg11[%swap3A_3991, %swap3A_3992, %swap3A_3993], %swap3A_3996 {strides = array<i32>} : memref<3x64x256xf32, #tpu.memory_space<vmem>>, vector<1x1x16xf32>,
        %get3A_3997 = arith.index_cast %rem3A_260 : i32 to index
        %get3A_3998 = arith.index_cast %add3A_3884 : i32 to index
        %get3A_3999 = arith.constant 128 : index
        %get3A_4000 = tpu.vector_load %arg10[%get3A_3997, %get3A_3998, %get3A_3999] {strides = array<i32>} : memref<3x64x256xf32, #tpu.memory_space<vmem>>, vector<1x1x16xf32>,
        %get3A_4001 = vector.shape_cast %get3A_4000 : vector<1x1x16xf32> to vector<16xf32>
        %mul3A_4002 = arith.mulf %gather3A_3880, %get3A_126 : vector<16xf32>
        %add3A_4003 = arith.addf %get3A_4001, %mul3A_4002 : vector<16xf32>
        %add3A_4004 = arith.addf %add3A_4003, %get3A_174 : vector<16xf32>
        %swap3A_4005 = arith.index_cast %rem3A_262 : i32 to index
        %swap3A_4006 = arith.index_cast %add3A_3884 : i32 to index
        %swap3A_4007 = arith.constant 128 : index
        %swap3A_4008 = tpu.vector_load %arg11[%swap3A_4005, %swap3A_4006, %swap3A_4007] {strides = array<i32>} : memref<3x64x256xf32, #tpu.memory_space<vmem>>, vector<1x1x16xf32>,
        %swap3A_4009 = vector.shape_cast %swap3A_4008 : vector<1x1x16xf32> to vector<16xf32>
        %swap3A_4010 = vector.shape_cast %add3A_4004 : vector<16xf32> to vector<1x1x16xf32>
        tpu.vector_store %arg11[%swap3A_4005, %swap3A_4006, %swap3A_4007], %swap3A_4010 {strides = array<i32>} : memref<3x64x256xf32, #tpu.memory_space<vmem>>, vector<1x1x16xf32>,
        %get3A_4011 = arith.index_cast %rem3A_260 : i32 to index
        %get3A_4012 = arith.index_cast %add3A_3884 : i32 to index
        %get3A_4013 = arith.constant 144 : index
        %get3A_4014 = tpu.vector_load %arg10[%get3A_4011, %get3A_4012, %get3A_4013] {strides = array<i32>} : memref<3x64x256xf32, #tpu.memory_space<vmem>>, vector<1x1x16xf32>,
        %get3A_4015 = vector.shape_cast %get3A_4014 : vector<1x1x16xf32> to vector<16xf32>
        %mul3A_4016 = arith.mulf %gather3A_3880, %get3A_129 : vector<16xf32>
        %add3A_4017 = arith.addf %get3A_4015, %mul3A_4016 : vector<16xf32>
        %add3A_4018 = arith.addf %add3A_4017, %get3A_177 : vector<16xf32>
        %swap3A_4019 = arith.index_cast %rem3A_262 : i32 to index
        %swap3A_4020 = arith.index_cast %add3A_3884 : i32 to index
        %swap3A_4021 = arith.constant 144 : index
        %swap3A_4022 = tpu.vector_load %arg11[%swap3A_4019, %swap3A_4020, %swap3A_4021] {strides = array<i32>} : memref<3x64x256xf32, #tpu.memory_space<vmem>>, vector<1x1x16xf32>,
        %swap3A_4023 = vector.shape_cast %swap3A_4022 : vector<1x1x16xf32> to vector<16xf32>
        %swap3A_4024 = vector.shape_cast %add3A_4018 : vector<16xf32> to vector<1x1x16xf32>
        tpu.vector_store %arg11[%swap3A_4019, %swap3A_4020, %swap3A_4021], %swap3A_4024 {strides = array<i32>} : memref<3x64x256xf32, #tpu.memory_space<vmem>>, vector<1x1x16xf32>,
        %get3A_4025 = arith.index_cast %rem3A_260 : i32 to index
        %get3A_4026 = arith.index_cast %add3A_3884 : i32 to index
        %get3A_4027 = arith.constant 160 : index
        %get3A_4028 = tpu.vector_load %arg10[%get3A_4025, %get3A_4026, %get3A_4027] {strides = array<i32>} : memref<3x64x256xf32, #tpu.memory_space<vmem>>, vector<1x1x16xf32>,
        %get3A_4029 = vector.shape_cast %get3A_4028 : vector<1x1x16xf32> to vector<16xf32>
        %mul3A_4030 = arith.mulf %gather3A_3880, %get3A_132 : vector<16xf32>
        %add3A_4031 = arith.addf %get3A_4029, %mul3A_4030 : vector<16xf32>
        %add3A_4032 = arith.addf %add3A_4031, %get3A_180 : vector<16xf32>
        %swap3A_4033 = arith.index_cast %rem3A_262 : i32 to index
        %swap3A_4034 = arith.index_cast %add3A_3884 : i32 to index
        %swap3A_4035 = arith.constant 160 : index
        %swap3A_4036 = tpu.vector_load %arg11[%swap3A_4033, %swap3A_4034, %swap3A_4035] {strides = array<i32>} : memref<3x64x256xf32, #tpu.memory_space<vmem>>, vector<1x1x16xf32>,
        %swap3A_4037 = vector.shape_cast %swap3A_4036 : vector<1x1x16xf32> to vector<16xf32>
        %swap3A_4038 = vector.shape_cast %add3A_4032 : vector<16xf32> to vector<1x1x16xf32>
        tpu.vector_store %arg11[%swap3A_4033, %swap3A_4034, %swap3A_4035], %swap3A_4038 {strides = array<i32>} : memref<3x64x256xf32, #tpu.memory_space<vmem>>, vector<1x1x16xf32>,
        %get3A_4039 = arith.index_cast %rem3A_260 : i32 to index
        %get3A_4040 = arith.index_cast %add3A_3884 : i32 to index
        %get3A_4041 = arith.constant 176 : index
        %get3A_4042 = tpu.vector_load %arg10[%get3A_4039, %get3A_4040, %get3A_4041] {strides = array<i32>} : memref<3x64x256xf32, #tpu.memory_space<vmem>>, vector<1x1x16xf32>,
        %get3A_4043 = vector.shape_cast %get3A_4042 : vector<1x1x16xf32> to vector<16xf32>
        %mul3A_4044 = arith.mulf %gather3A_3880, %get3A_135 : vector<16xf32>
        %add3A_4045 = arith.addf %get3A_4043, %mul3A_4044 : vector<16xf32>
        %add3A_4046 = arith.addf %add3A_4045, %get3A_183 : vector<16xf32>
        %swap3A_4047 = arith.index_cast %rem3A_262 : i32 to index
        %swap3A_4048 = arith.index_cast %add3A_3884 : i32 to index
        %swap3A_4049 = arith.constant 176 : index
        %swap3A_4050 = tpu.vector_load %arg11[%swap3A_4047, %swap3A_4048, %swap3A_4049] {strides = array<i32>} : memref<3x64x256xf32, #tpu.memory_space<vmem>>, vector<1x1x16xf32>,
        %swap3A_4051 = vector.shape_cast %swap3A_4050 : vector<1x1x16xf32> to vector<16xf32>
        %swap3A_4052 = vector.shape_cast %add3A_4046 : vector<16xf32> to vector<1x1x16xf32>
        tpu.vector_store %arg11[%swap3A_4047, %swap3A_4048, %swap3A_4049], %swap3A_4052 {strides = array<i32>} : memref<3x64x256xf32, #tpu.memory_space<vmem>>, vector<1x1x16xf32>,
        %get3A_4053 = arith.index_cast %rem3A_260 : i32 to index
        %get3A_4054 = arith.index_cast %add3A_3884 : i32 to index
        %get3A_4055 = arith.constant 192 : index
        %get3A_4056 = tpu.vector_load %arg10[%get3A_4053, %get3A_4054, %get3A_4055] {strides = array<i32>} : memref<3x64x256xf32, #tpu.memory_space<vmem>>, vector<1x1x16xf32>,
        %get3A_4057 = vector.shape_cast %get3A_4056 : vector<1x1x16xf32> to vector<16xf32>
        %mul3A_4058 = arith.mulf %gather3A_3880, %get3A_138 : vector<16xf32>
        %add3A_4059 = arith.addf %get3A_4057, %mul3A_4058 : vector<16xf32>
        %add3A_4060 = arith.addf %add3A_4059, %get3A_186 : vector<16xf32>
        %swap3A_4061 = arith.index_cast %rem3A_262 : i32 to index
        %swap3A_4062 = arith.index_cast %add3A_3884 : i32 to index
        %swap3A_4063 = arith.constant 192 : index
        %swap3A_4064 = tpu.vector_load %arg11[%swap3A_4061, %swap3A_4062, %swap3A_4063] {strides = array<i32>} : memref<3x64x256xf32, #tpu.memory_space<vmem>>, vector<1x1x16xf32>,
        %swap3A_4065 = vector.shape_cast %swap3A_4064 : vector<1x1x16xf32> to vector<16xf32>
        %swap3A_4066 = vector.shape_cast %add3A_4060 : vector<16xf32> to vector<1x1x16xf32>
        tpu.vector_store %arg11[%swap3A_4061, %swap3A_4062, %swap3A_4063], %swap3A_4066 {strides = array<i32>} : memref<3x64x256xf32, #tpu.memory_space<vmem>>, vector<1x1x16xf32>,
        %get3A_4067 = arith.index_cast %rem3A_260 : i32 to index
        %get3A_4068 = arith.index_cast %add3A_3884 : i32 to index
        %get3A_4069 = arith.constant 208 : index
        %get3A_4070 = tpu.vector_load %arg10[%get3A_4067, %get3A_4068, %get3A_4069] {strides = array<i32>} : memref<3x64x256xf32, #tpu.memory_space<vmem>>, vector<1x1x16xf32>,
        %get3A_4071 = vector.shape_cast %get3A_4070 : vector<1x1x16xf32> to vector<16xf32>
        %mul3A_4072 = arith.mulf %gather3A_3880, %get3A_141 : vector<16xf32>
        %add3A_4073 = arith.addf %get3A_4071, %mul3A_4072 : vector<16xf32>
        %add3A_4074 = arith.addf %add3A_4073, %get3A_189 : vector<16xf32>
        %swap3A_4075 = arith.index_cast %rem3A_262 : i32 to index
        %swap3A_4076 = arith.index_cast %add3A_3884 : i32 to index
        %swap3A_4077 = arith.constant 208 : index
        %swap3A_4078 = tpu.vector_load %arg11[%swap3A_4075, %swap3A_4076, %swap3A_4077] {strides = array<i32>} : memref<3x64x256xf32, #tpu.memory_space<vmem>>, vector<1x1x16xf32>,
        %swap3A_4079 = vector.shape_cast %swap3A_4078 : vector<1x1x16xf32> to vector<16xf32>
        %swap3A_4080 = vector.shape_cast %add3A_4074 : vector<16xf32> to vector<1x1x16xf32>
        tpu.vector_store %arg11[%swap3A_4075, %swap3A_4076, %swap3A_4077], %swap3A_4080 {strides = array<i32>} : memref<3x64x256xf32, #tpu.memory_space<vmem>>, vector<1x1x16xf32>,
        %get3A_4081 = arith.index_cast %rem3A_260 : i32 to index
        %get3A_4082 = arith.index_cast %add3A_3884 : i32 to index
        %get3A_4083 = arith.constant 224 : index
        %get3A_4084 = tpu.vector_load %arg10[%get3A_4081, %get3A_4082, %get3A_4083] {strides = array<i32>} : memref<3x64x256xf32, #tpu.memory_space<vmem>>, vector<1x1x16xf32>,
        %get3A_4085 = vector.shape_cast %get3A_4084 : vector<1x1x16xf32> to vector<16xf32>
        %mul3A_4086 = arith.mulf %gather3A_3880, %get3A_144 : vector<16xf32>
        %add3A_4087 = arith.addf %get3A_4085, %mul3A_4086 : vector<16xf32>
        %add3A_4088 = arith.addf %add3A_4087, %get3A_192 : vector<16xf32>
        %swap3A_4089 = arith.index_cast %rem3A_262 : i32 to index
        %swap3A_4090 = arith.index_cast %add3A_3884 : i32 to index
        %swap3A_4091 = arith.constant 224 : index
        %swap3A_4092 = tpu.vector_load %arg11[%swap3A_4089, %swap3A_4090, %swap3A_4091] {strides = array<i32>} : memref<3x64x256xf32, #tpu.memory_space<vmem>>, vector<1x1x16xf32>,
        %swap3A_4093 = vector.shape_cast %swap3A_4092 : vector<1x1x16xf32> to vector<16xf32>
        %swap3A_4094 = vector.shape_cast %add3A_4088 : vector<16xf32> to vector<1x1x16xf32>
        tpu.vector_store %arg11[%swap3A_4089, %swap3A_4090, %swap3A_4091], %swap3A_4094 {strides = array<i32>} : memref<3x64x256xf32, #tpu.memory_space<vmem>>, vector<1x1x16xf32>,
        %get3A_4095 = arith.index_cast %rem3A_260 : i32 to index
        %get3A_4096 = arith.index_cast %add3A_3884 : i32 to index
        %get3A_4097 = arith.constant 240 : index
        %get3A_4098 = tpu.vector_load %arg10[%get3A_4095, %get3A_4096, %get3A_4097] {strides = array<i32>} : memref<3x64x256xf32, #tpu.memory_space<vmem>>, vector<1x1x16xf32>,
        %get3A_4099 = vector.shape_cast %get3A_4098 : vector<1x1x16xf32> to vector<16xf32>
        %mul3A_4100 = arith.mulf %gather3A_3880, %get3A_147 : vector<16xf32>
        %add3A_4101 = arith.addf %get3A_4099, %mul3A_4100 : vector<16xf32>
        %add3A_4102 = arith.addf %add3A_4101, %get3A_195 : vector<16xf32>
        %swap3A_4103 = arith.index_cast %rem3A_262 : i32 to index
        %swap3A_4104 = arith.index_cast %add3A_3884 : i32 to index
        %swap3A_4105 = arith.constant 240 : index
        %swap3A_4106 = tpu.vector_load %arg11[%swap3A_4103, %swap3A_4104, %swap3A_4105] {strides = array<i32>} : memref<3x64x256xf32, #tpu.memory_space<vmem>>, vector<1x1x16xf32>,
        %swap3A_4107 = vector.shape_cast %swap3A_4106 : vector<1x1x16xf32> to vector<16xf32>
        %swap3A_4108 = vector.shape_cast %add3A_4102 : vector<16xf32> to vector<1x1x16xf32>
        tpu.vector_store %arg11[%swap3A_4103, %swap3A_4104, %swap3A_4105], %swap3A_4108 {strides = array<i32>} : memref<3x64x256xf32, #tpu.memory_space<vmem>>, vector<1x1x16xf32>,
      }
      %scan3A_323 = arith.constant 4 : i32
      %rem3A_324 = arith.constant 3 : i32
      %rem3A_325 = arith.remsi %scan3A_258, %rem3A_324 : i32
      %mul3A_326 = arith.constant 64 : i32
      %mul3A_327 = arith.muli %scan3A_258, %mul3A_326 : i32
      %add3A_328 = arith.addi %mul3A_2, %mul3A_327 : i32
      %dma_start3A_329 = arith.constant 0 : i32
      %dma_start3A_330 = arith.constant 0 : i32
      %dma_start3A_331 = tpu.memref_slice %arg11[%rem3A_325, %dma_start3A_329, %dma_start3A_330] : memref<3x64x256xf32, #tpu.memory_space<vmem>> -> memref<1x64x256xf32, #tpu.memory_space<vmem>>
      %dma_start3A_332 = tpu.memref_squeeze %dma_start3A_331 : memref<1x64x256xf32, #tpu.memory_space<vmem>> -> memref<64x256xf32, #tpu.memory_space<vmem>>
      %dma_start3A_333 = arith.constant 0 : i32
      %dma_start3A_334 = tpu.memref_slice %arg7[%add3A_328, %dma_start3A_333] : memref<32768x256xf32, #tpu.memory_space<hbm>> -> memref<64x256xf32, #tpu.memory_space<hbm>>
      %dma_start3A_335 = tpu.memref_slice %arg15[%rem3A_325] : memref<3x!tpu.dma_semaphore, #tpu.memory_space<semaphore_mem>> -> memref<1x!tpu.dma_semaphore, #tpu.memory_space<semaphore_mem>>
      %dma_start3A_336 = tpu.memref_squeeze %dma_start3A_335 : memref<1x!tpu.dma_semaphore, #tpu.memory_space<semaphore_mem>> -> memref<!tpu.dma_semaphore, #tpu.memory_space<semaphore_mem>>
      %dma_start3A_337 = arith.constant 0 : i32
      %dma_start3A_338 = tpu.memref_slice %arg7[%add3A_328, %dma_start3A_337] : memref<32768x256xf32, #tpu.memory_space<hbm>> -> memref<64x256xf32, #tpu.memory_space<hbm>>
      %dma_start3A_339 = arith.constant 0 : i32
      %dma_start3A_340 = arith.constant 0 : i32
      %dma_start3A_341 = tpu.memref_slice %arg11[%rem3A_325, %dma_start3A_339, %dma_start3A_340] : memref<3x64x256xf32, #tpu.memory_space<vmem>> -> memref<1x64x256xf32, #tpu.memory_space<vmem>>
      %dma_start3A_342 = tpu.memref_squeeze %dma_start3A_341 : memref<1x64x256xf32, #tpu.memory_space<vmem>> -> memref<64x256xf32, #tpu.memory_space<vmem>>
      tpu.enqueue_dma source(%dma_start3A_342 : memref<64x256xf32, #tpu.memory_space<vmem>>) target(%dma_start3A_338 : memref<64x256xf32, #tpu.memory_space<hbm>>) target_semaphore(%dma_start3A_336 : memref<!tpu.dma_semaphore, #tpu.memory_space<semaphore_mem>>)
      %add3A_343 = arith.constant 3 : i32
      %add3A_344 = arith.addi %scan3A_258, %add3A_343 : i32
      %lt3A_345 = arith.constant 16 : i32
      %lt3A_346 = arith.cmpi slt, %add3A_344, %lt3A_345 : i32
      %convert_element_type3A_347 = arith.extui %lt3A_346 : i1 to i32
      %cond3A_348 = arith.constant 0 : i32
      %cond3A_349 = arith.cmpi ne, %convert_element_type3A_347, %cond3A_348 : i32
      scf.if %cond3A_349 {
        %add3A_350 = arith.constant 3 : i32
        %add3A_351 = arith.addi %scan3A_258, %add3A_350 : i32
        %rem3A_352 = arith.constant 3 : i32
        %rem3A_353 = arith.remsi %add3A_351, %rem3A_352 : i32
        %jit3A_354 = arith.constant 2 : i32
        %div3A_355 = arith.divsi %add3A_351, %jit3A_354 : i32
        %sign3A_356 = arith.constant 0 : i32
        %sign3A_357 = arith.cmpi sgt, %add3A_351, %sign3A_356 : i32
        %sign3A_358 = arith.extui %sign3A_357 : i1 to i32
        %sign3A_359 = arith.constant 0 : i32
        %sign3A_360 = arith.cmpi slt, %add3A_351, %sign3A_359 : i32
        %sign3A_361 = arith.extui %sign3A_360 : i1 to i32
        %sign3A_362 = arith.subi %sign3A_358, %sign3A_361 : i32
        %sign3A_363 = arith.constant 0 : i32
        %sign3A_364 = arith.cmpi sgt, %jit3A_354, %sign3A_363 : i32
        %sign3A_365 = arith.extui %sign3A_364 : i1 to i32
        %sign3A_366 = arith.constant 0 : i32
        %sign3A_367 = arith.cmpi slt, %jit3A_354, %sign3A_366 : i32
        %sign3A_368 = arith.extui %sign3A_367 : i1 to i32
        %sign3A_369 = arith.subi %sign3A_365, %sign3A_368 : i32
        %ne3A_370 = arith.cmpi ne, %sign3A_362, %sign3A_369 : i32
        %rem3A_371 = arith.remsi %add3A_351, %jit3A_354 : i32
        %ne3A_372 = arith.constant 0 : i32
        %ne3A_373 = arith.cmpi ne, %rem3A_371, %ne3A_372 : i32
        %and3A_374 = arith.andi %ne3A_370, %ne3A_373 : i1
        %sub3A_375 = arith.constant 1 : i32
        %sub3A_376 = arith.subi %div3A_355, %sub3A_375 : i32
        %select_n3A_377 = arith.select %and3A_374, %sub3A_376, %div3A_355 : i32
        %jit3A_378 = arith.constant 2 : i32
        %eq3A_379 = arith.constant 0 : i32
        %eq3A_380 = arith.cmpi eq, %jit3A_378, %eq3A_379 : i32
        %jit3A_381 = arith.constant 1 : i32
        %select_n3A_382 = arith.select %eq3A_380, %jit3A_381, %jit3A_378 : i32
        %rem3A_383 = arith.remsi %add3A_351, %select_n3A_382 : i32
        %ne3A_384 = arith.constant 0 : i32
        %ne3A_385 = arith.cmpi ne, %rem3A_383, %ne3A_384 : i32
        %lt3A_386 = arith.constant 0 : i32
        %lt3A_387 = arith.cmpi slt, %rem3A_383, %lt3A_386 : i32
        %lt3A_388 = arith.constant 0 : i32
        %lt3A_389 = arith.cmpi slt, %select_n3A_382, %lt3A_388 : i32
        %ne3A_390 = arith.xori %lt3A_387, %lt3A_389 : i1
        %and3A_391 = arith.andi %ne3A_390, %ne3A_385 : i1
        %add3A_392 = arith.addi %rem3A_383, %select_n3A_382 : i32
        %select_n3A_393 = arith.select %and3A_391, %add3A_392, %rem3A_383 : i32
        %mul3A_394 = arith.constant 64 : i32
        %mul3A_395 = arith.muli %select_n3A_393, %mul3A_394 : i32
        %dma_start3A_396 = arith.constant 0 : i32
        %dma_start3A_397 = arith.constant 0 : i32
        %dma_start3A_398 = tpu.memref_slice %arg10[%rem3A_353, %dma_start3A_396, %dma_start3A_397] : memref<3x64x256xf32, #tpu.memory_space<vmem>> -> memref<1x64x256xf32, #tpu.memory_space<vmem>>
        %dma_start3A_399 = tpu.memref_squeeze %dma_start3A_398 : memref<1x64x256xf32, #tpu.memory_space<vmem>> -> memref<64x256xf32, #tpu.memory_space<vmem>>
        %dma_start3A_400 = tpu.memref_slice %arg8[%select_n3A_377, %mul3A_395] : memref<8x128xi32, #tpu.memory_space<vmem>> -> memref<1x64xi32, #tpu.memory_space<vmem>>
        %dma_start3A_401 = tpu.memref_squeeze %dma_start3A_400 : memref<1x64xi32, #tpu.memory_space<vmem>> -> memref<64xi32, #tpu.memory_space<vmem>>
        %dma_start3A_402 = arith.constant 0 : i32
        %dma_start3A_403 = arith.constant 0 : i32
        %dma_start3A_404 = tpu.memref_slice %arg4[%dma_start3A_402, %dma_start3A_403] : memref<512x256xf32, #tpu.memory_space<hbm>> -> memref<512x256xf32, #tpu.memory_space<hbm>>
        %dma_start3A_405 = tpu.memref_slice %arg14[%rem3A_353] : memref<3x!tpu.dma_semaphore, #tpu.memory_space<semaphore_mem>> -> memref<1x!tpu.dma_semaphore, #tpu.memory_space<semaphore_mem>>
        %dma_start3A_406 = tpu.memref_squeeze %dma_start3A_405 : memref<1x!tpu.dma_semaphore, #tpu.memory_space<semaphore_mem>> -> memref<!tpu.dma_semaphore, #tpu.memory_space<semaphore_mem>>
        tpu.enqueue_indirect_dma source(%dma_start3A_404 : memref<512x256xf32, #tpu.memory_space<hbm>>) target(%dma_start3A_399 : memref<64x256xf32, #tpu.memory_space<vmem>>) offsets(%dma_start3A_401 : memref<64xi32, #tpu.memory_space<vmem>>) semaphore(%dma_start3A_406 : memref<!tpu.dma_semaphore, #tpu.memory_space<semaphore_mem>>)
      } else {
      }
    }
    %scan3A_200 = arith.constant 16 : i32
    %rem3A_201 = arith.constant 15 : i32
    %rem3A_202 = arith.constant 3 : i32
    %rem3A_203 = arith.remsi %rem3A_201, %rem3A_202 : i32
    %add3A_204 = arith.constant 960 : i32
    %add3A_205 = arith.addi %mul3A_2, %add3A_204 : i32
    %dma_wait3A_206 = arith.constant 0 : i32
    %dma_wait3A_207 = arith.constant 0 : i32
    %dma_wait3A_208 = tpu.memref_slice %arg11[%rem3A_203, %dma_wait3A_206, %dma_wait3A_207] : memref<3x64x256xf32, #tpu.memory_space<vmem>> -> memref<1x64x256xf32, #tpu.memory_space<vmem>>
    %dma_wait3A_209 = tpu.memref_squeeze %dma_wait3A_208 : memref<1x64x256xf32, #tpu.memory_space<vmem>> -> memref<64x256xf32, #tpu.memory_space<vmem>>
    %dma_wait3A_210 = arith.constant 0 : i32
    %dma_wait3A_211 = tpu.memref_slice %arg7[%add3A_205, %dma_wait3A_210] : memref<32768x256xf32, #tpu.memory_space<hbm>> -> memref<64x256xf32, #tpu.memory_space<hbm>>
    %dma_wait3A_212 = tpu.memref_slice %arg15[%rem3A_203] : memref<3x!tpu.dma_semaphore, #tpu.memory_space<semaphore_mem>> -> memref<1x!tpu.dma_semaphore, #tpu.memory_space<semaphore_mem>>
    %dma_wait3A_213 = tpu.memref_squeeze %dma_wait3A_212 : memref<1x!tpu.dma_semaphore, #tpu.memory_space<semaphore_mem>> -> memref<!tpu.dma_semaphore, #tpu.memory_space<semaphore_mem>>
    %dma_wait3A_214 = arith.constant 0 : i32
    %dma_wait3A_215 = tpu.memref_slice %arg7[%add3A_205, %dma_wait3A_214] : memref<32768x256xf32, #tpu.memory_space<hbm>> -> memref<64x256xf32, #tpu.memory_space<hbm>>
    %dma_wait3A_216 = arith.constant 0 : i32
    %dma_wait3A_217 = arith.constant 0 : i32
    %dma_wait3A_218 = tpu.memref_slice %arg11[%rem3A_203, %dma_wait3A_216, %dma_wait3A_217] : memref<3x64x256xf32, #tpu.memory_space<vmem>> -> memref<1x64x256xf32, #tpu.memory_space<vmem>>
    %dma_wait3A_219 = tpu.memref_squeeze %dma_wait3A_218 : memref<1x64x256xf32, #tpu.memory_space<vmem>> -> memref<64x256xf32, #tpu.memory_space<vmem>>
    tpu.wait_dma2 semaphore(%dma_wait3A_213 : memref<!tpu.dma_semaphore, #tpu.memory_space<semaphore_mem>>) src(%dma_wait3A_219 : memref<64x256xf32, #tpu.memory_space<vmem>>) dst(%dma_wait3A_215 : memref<64x256xf32, #tpu.memory_space<hbm>>)
    %rem3A_220 = arith.constant 14 : i32
    %rem3A_221 = arith.constant 3 : i32
    %rem3A_222 = arith.remsi %rem3A_220, %rem3A_221 : i32
    %add3A_223 = arith.constant 896 : i32
    %add3A_224 = arith.addi %mul3A_2, %add3A_223 : i32
    %dma_wait3A_225 = arith.constant 0 : i32
    %dma_wait3A_226 = arith.constant 0 : i32
    %dma_wait3A_227 = tpu.memref_slice %arg11[%rem3A_222, %dma_wait3A_225, %dma_wait3A_226] : memref<3x64x256xf32, #tpu.memory_space<vmem>> -> memref<1x64x256xf32, #tpu.memory_space<vmem>>
    %dma_wait3A_228 = tpu.memref_squeeze %dma_wait3A_227 : memref<1x64x256xf32, #tpu.memory_space<vmem>> -> memref<64x256xf32, #tpu.memory_space<vmem>>
    %dma_wait3A_229 = arith.constant 0 : i32
    %dma_wait3A_230 = tpu.memref_slice %arg7[%add3A_224, %dma_wait3A_229] : memref<32768x256xf32, #tpu.memory_space<hbm>> -> memref<64x256xf32, #tpu.memory_space<hbm>>
    %dma_wait3A_231 = tpu.memref_slice %arg15[%rem3A_222] : memref<3x!tpu.dma_semaphore, #tpu.memory_space<semaphore_mem>> -> memref<1x!tpu.dma_semaphore, #tpu.memory_space<semaphore_mem>>
    %dma_wait3A_232 = tpu.memref_squeeze %dma_wait3A_231 : memref<1x!tpu.dma_semaphore, #tpu.memory_space<semaphore_mem>> -> memref<!tpu.dma_semaphore, #tpu.memory_space<semaphore_mem>>
    %dma_wait3A_233 = arith.constant 0 : i32
    %dma_wait3A_234 = tpu.memref_slice %arg7[%add3A_224, %dma_wait3A_233] : memref<32768x256xf32, #tpu.memory_space<hbm>> -> memref<64x256xf32, #tpu.memory_space<hbm>>
    %dma_wait3A_235 = arith.constant 0 : i32
    %dma_wait3A_236 = arith.constant 0 : i32
    %dma_wait3A_237 = tpu.memref_slice %arg11[%rem3A_222, %dma_wait3A_235, %dma_wait3A_236] : memref<3x64x256xf32, #tpu.memory_space<vmem>> -> memref<1x64x256xf32, #tpu.memory_space<vmem>>
    %dma_wait3A_238 = tpu.memref_squeeze %dma_wait3A_237 : memref<1x64x256xf32, #tpu.memory_space<vmem>> -> memref<64x256xf32, #tpu.memory_space<vmem>>
    tpu.wait_dma2 semaphore(%dma_wait3A_232 : memref<!tpu.dma_semaphore, #tpu.memory_space<semaphore_mem>>) src(%dma_wait3A_238 : memref<64x256xf32, #tpu.memory_space<vmem>>) dst(%dma_wait3A_234 : memref<64x256xf32, #tpu.memory_space<hbm>>)
    %rem3A_239 = arith.constant 13 : i32
    %rem3A_240 = arith.constant 3 : i32
    %rem3A_241 = arith.remsi %rem3A_239, %rem3A_240 : i32
    %add3A_242 = arith.constant 832 : i32
    %add3A_243 = arith.addi %mul3A_2, %add3A_242 : i32
    %dma_wait3A_244 = arith.constant 0 : i32
    %dma_wait3A_245 = arith.constant 0 : i32
    %dma_wait3A_246 = tpu.memref_slice %arg11[%rem3A_241, %dma_wait3A_244, %dma_wait3A_245] : memref<3x64x256xf32, #tpu.memory_space<vmem>> -> memref<1x64x256xf32, #tpu.memory_space<vmem>>
    %dma_wait3A_247 = tpu.memref_squeeze %dma_wait3A_246 : memref<1x64x256xf32, #tpu.memory_space<vmem>> -> memref<64x256xf32, #tpu.memory_space<vmem>>
    %dma_wait3A_248 = arith.constant 0 : i32
    %dma_wait3A_249 = tpu.memref_slice %arg7[%add3A_243, %dma_wait3A_248] : memref<32768x256xf32, #tpu.memory_space<hbm>> -> memref<64x256xf32, #tpu.memory_space<hbm>>
    %dma_wait3A_250 = tpu.memref_slice %arg15[%rem3A_241] : memref<3x!tpu.dma_semaphore, #tpu.memory_space<semaphore_mem>> -> memref<1x!tpu.dma_semaphore, #tpu.memory_space<semaphore_mem>>
    %dma_wait3A_251 = tpu.memref_squeeze %dma_wait3A_250 : memref<1x!tpu.dma_semaphore, #tpu.memory_space<semaphore_mem>> -> memref<!tpu.dma_semaphore, #tpu.memory_space<semaphore_mem>>
    %dma_wait3A_252 = arith.constant 0 : i32
    %dma_wait3A_253 = tpu.memref_slice %arg7[%add3A_243, %dma_wait3A_252] : memref<32768x256xf32, #tpu.memory_space<hbm>> -> memref<64x256xf32, #tpu.memory_space<hbm>>
    %dma_wait3A_254 = arith.constant 0 : i32
    %dma_wait3A_255 = arith.constant 0 : i32
    %dma_wait3A_256 = tpu.memref_slice %arg11[%rem3A_241, %dma_wait3A_254, %dma_wait3A_255] : memref<3x64x256xf32, #tpu.memory_space<vmem>> -> memref<1x64x256xf32, #tpu.memory_space<vmem>>
    %dma_wait3A_257 = tpu.memref_squeeze %dma_wait3A_256 : memref<1x64x256xf32, #tpu.memory_space<vmem>> -> memref<64x256xf32, #tpu.memory_space<vmem>>
    tpu.wait_dma2 semaphore(%dma_wait3A_251 : memref<!tpu.dma_semaphore, #tpu.memory_space<semaphore_mem>>) src(%dma_wait3A_257 : memref<64x256xf32, #tpu.memory_space<vmem>>) dst(%dma_wait3A_253 : memref<64x256xf32, #tpu.memory_space<hbm>>)
    return
  }
}

module attributes {stable_mosaic.version = 14 : i64} {
  func.func @_tc_prelude_body(%arg0: memref<512x256xf32, #tpu.memory_space<vmem>>, %arg1: memref<256x256xf32, #tpu.memory_space<vmem>>, %arg2: memref<16x1xi32, #tpu.memory_space<vmem>>, %arg3: memref<1x256xf32, #tpu.memory_space<vmem>>, %arg4: memref<1x256xf32, #tpu.memory_space<vmem>>, %arg5: memref<256x256xf32, #tpu.memory_space<vmem>>, %arg6: memref<1x256xf32, #tpu.memory_space<vmem>>, %arg7: memref<16x2048xi32, #tpu.memory_space<vmem>>, %arg8: memref<16x2048xf32, #tpu.memory_space<vmem>>, %arg9: memref<512x256xf32, #tpu.memory_space<vmem>>, %arg10: memref<16x256xf32, #tpu.memory_space<vmem>>, %arg11: memref<8x256xf32, #tpu.memory_space<vmem>>, %arg12: memref<256x128xi32, #tpu.memory_space<vmem>>, %arg13: memref<256x128xf32, #tpu.memory_space<vmem>>) attributes {dimension_semantics = [], scalar_prefetch = 0 : i64, scratch_operands = 0 : i64, tpu.core_type = #tpu.core_type<tc>} {
    %get3A = arith.constant 0 : index
    %get3A_0 = arith.constant 0 : index
    %get3A_1 = vector.load %arg5[%get3A, %get3A_0] : memref<256x256xf32, #tpu.memory_space<vmem>>, vector<256x256xf32>
    %get3A_2 = arith.constant 0 : index
    %get3A_3 = arith.constant 0 : index
    %get3A_4 = vector.load %arg0[%get3A_2, %get3A_3] : memref<512x256xf32, #tpu.memory_space<vmem>>, vector<512x256xf32>
    %dot_general3A = arith.constant dense<0.000000e+00> : vector<512x256xf32>
    %dot_general3A_5 = tpu.matmul %get3A_4, %get3A_1, %dot_general3A {dimension_numbers = #tpu.dot_dimension_numbers<[1], [0], [0], [1], [0, 0, 1, 1], [], []>, precision = #tpu.contract_precision<fp32>, transpose_lhs_hint = false} : vector<512x256xf32>, vector<256x256xf32>, vector<512x256xf32> -> vector<512x256xf32>
    %swap3A = arith.constant 0 : index
    %swap3A_6 = arith.constant 0 : index
    %swap3A_7 = vector.load %arg9[%swap3A, %swap3A_6] : memref<512x256xf32, #tpu.memory_space<vmem>>, vector<512x256xf32>
    tpu.vector_store %arg9[%swap3A, %swap3A_6], %dot_general3A_5 {strides = array<i32>} : memref<512x256xf32, #tpu.memory_space<vmem>>, vector<512x256xf32>,
    %get3A_8 = arith.constant 0 : index
    %get3A_9 = arith.constant 0 : index
    %get3A_10 = vector.load %arg2[%get3A_8, %get3A_9] : memref<16x1xi32, #tpu.memory_space<vmem>>, vector<16x1xi32>
    %iota3A = tpu.iota {dimensions = array<i32: 1>} : vector<16x256xi32>
    %eq3A = vector.broadcast %get3A_10 : vector<16x1xi32> to vector<16x256xi32>
    %eq3A_11 = arith.cmpi eq, %eq3A, %iota3A : vector<16x256xi32>
    %convert_element_type3A = arith.extui %eq3A_11 : vector<16x256xi1> to vector<16x256xi32>
    %convert_element_type3A_12 = arith.sitofp %convert_element_type3A : vector<16x256xi32> to vector<16x256xf32>
    %get3A_13 = arith.constant 0 : index
    %get3A_14 = arith.constant 0 : index
    %get3A_15 = vector.load %arg1[%get3A_13, %get3A_14] : memref<256x256xf32, #tpu.memory_space<vmem>>, vector<256x256xf32>
    %dot_general3A_16 = arith.constant dense<0.000000e+00> : vector<16x256xf32>
    %dot_general3A_17 = tpu.matmul %convert_element_type3A_12, %get3A_15, %dot_general3A_16 {dimension_numbers = #tpu.dot_dimension_numbers<[1], [0], [0], [1], [0, 0, 1, 1], [], []>, precision = #tpu.contract_precision<fp32>, transpose_lhs_hint = false} : vector<16x256xf32>, vector<256x256xf32>, vector<16x256xf32> -> vector<16x256xf32>
    %get3A_18 = arith.constant 0 : index
    %get3A_19 = arith.constant 0 : index
    %get3A_20 = vector.load %arg4[%get3A_18, %get3A_19] : memref<1x256xf32, #tpu.memory_space<vmem>>, vector<1x256xf32>
    %dot_general3A_21 = arith.constant dense<0.000000e+00> : vector<1x256xf32>
    %dot_general3A_22 = tpu.matmul %get3A_20, %get3A_1, %dot_general3A_21 {dimension_numbers = #tpu.dot_dimension_numbers<[1], [0], [0], [1], [0, 0, 1, 1], [], []>, precision = #tpu.contract_precision<fp32>, transpose_lhs_hint = false} : vector<1x256xf32>, vector<256x256xf32>, vector<1x256xf32> -> vector<1x256xf32>
    %get3A_23 = arith.constant 0 : index
    %get3A_24 = arith.constant 0 : index
    %get3A_25 = vector.load %arg6[%get3A_23, %get3A_24] : memref<1x256xf32, #tpu.memory_space<vmem>>, vector<1x256xf32>
    %add3A = arith.addf %dot_general3A_22, %get3A_25 : vector<1x256xf32>
    %dot_general3A_26 = arith.constant dense<0.000000e+00> : vector<16x256xf32>
    %dot_general3A_27 = tpu.matmul %dot_general3A_17, %get3A_1, %dot_general3A_26 {dimension_numbers = #tpu.dot_dimension_numbers<[1], [0], [0], [1], [0, 0, 1, 1], [], []>, precision = #tpu.contract_precision<fp32>, transpose_lhs_hint = false} : vector<16x256xf32>, vector<256x256xf32>, vector<16x256xf32> -> vector<16x256xf32>
    %add3A_28 = vector.broadcast %add3A : vector<1x256xf32> to vector<16x256xf32>
    %add3A_29 = arith.addf %dot_general3A_27, %add3A_28 : vector<16x256xf32>
    %swap3A_30 = arith.constant 0 : index
    %swap3A_31 = arith.constant 0 : index
    %swap3A_32 = vector.load %arg10[%swap3A_30, %swap3A_31] : memref<16x256xf32, #tpu.memory_space<vmem>>, vector<16x256xf32>
    tpu.vector_store %arg10[%swap3A_30, %swap3A_31], %add3A_29 {strides = array<i32>} : memref<16x256xf32, #tpu.memory_space<vmem>>, vector<16x256xf32>,
    %get3A_33 = arith.constant 0 : index
    %get3A_34 = arith.constant 0 : index
    %get3A_35 = vector.load %arg3[%get3A_33, %get3A_34] : memref<1x256xf32, #tpu.memory_space<vmem>>, vector<1x256xf32>
    %dot_general3A_36 = arith.constant dense<0.000000e+00> : vector<1x256xf32>
    %dot_general3A_37 = tpu.matmul %get3A_35, %get3A_1, %dot_general3A_36 {dimension_numbers = #tpu.dot_dimension_numbers<[1], [0], [0], [1], [0, 0, 1, 1], [], []>, precision = #tpu.contract_precision<fp32>, transpose_lhs_hint = false} : vector<1x256xf32>, vector<256x256xf32>, vector<1x256xf32> -> vector<1x256xf32>
    %broadcast_in_dim3A = vector.shape_cast %dot_general3A_37 : vector<1x256xf32> to vector<1x256xf32>
    %broadcast_in_dim3A_38 = vector.broadcast %broadcast_in_dim3A : vector<1x256xf32> to vector<8x256xf32>
    %swap3A_39 = arith.constant 0 : index
    %swap3A_40 = arith.constant 0 : index
    %swap3A_41 = vector.load %arg11[%swap3A_39, %swap3A_40] : memref<8x256xf32, #tpu.memory_space<vmem>>, vector<8x256xf32>
    tpu.vector_store %arg11[%swap3A_39, %swap3A_40], %broadcast_in_dim3A_38 {strides = array<i32>} : memref<8x256xf32, #tpu.memory_space<vmem>>, vector<8x256xf32>,
    %get3A_42 = arith.constant 0 : index
    %get3A_43 = arith.constant 0 : index
    %get3A_44 = vector.load %arg7[%get3A_42, %get3A_43] : memref<16x2048xi32, #tpu.memory_space<vmem>>, vector<16x2048xi32>
    %reshape3A = vector.shape_cast %get3A_44 : vector<16x2048xi32> to vector<256x128xi32>
    %swap3A_45 = arith.constant 0 : index
    %swap3A_46 = arith.constant 0 : index
    %swap3A_47 = vector.load %arg12[%swap3A_45, %swap3A_46] : memref<256x128xi32, #tpu.memory_space<vmem>>, vector<256x128xi32>
    tpu.vector_store %arg12[%swap3A_45, %swap3A_46], %reshape3A {strides = array<i32>} : memref<256x128xi32, #tpu.memory_space<vmem>>, vector<256x128xi32>,
    %get3A_48 = arith.constant 0 : index
    %get3A_49 = arith.constant 0 : index
    %get3A_50 = vector.load %arg8[%get3A_48, %get3A_49] : memref<16x2048xf32, #tpu.memory_space<vmem>>, vector<16x2048xf32>
    %exp3A = math.exp %get3A_50 : vector<16x2048xf32>
    %sub3A = arith.constant 1.500000e+02 : f32
    %sub3A_51 = vector.broadcast %sub3A : f32 to vector<16x2048xf32>
    %sub3A_52 = arith.subf %exp3A, %sub3A_51 : vector<16x2048xf32>
    %div3A = arith.constant 5.000000e+01 : f32
    %div3A_53 = vector.broadcast %div3A : f32 to vector<16x2048xf32>
    %div3A_54 = arith.divf %sub3A_52, %div3A_53 : vector<16x2048xf32>
    %reshape3A_55 = vector.shape_cast %div3A_54 : vector<16x2048xf32> to vector<256x128xf32>
    %swap3A_56 = arith.constant 0 : index
    %swap3A_57 = arith.constant 0 : index
    %swap3A_58 = vector.load %arg13[%swap3A_56, %swap3A_57] : memref<256x128xf32, #tpu.memory_space<vmem>>, vector<256x128xf32>
    tpu.vector_store %arg13[%swap3A_56, %swap3A_57], %reshape3A_55 {strides = array<i32>} : memref<256x128xf32, #tpu.memory_space<vmem>>, vector<256x128xf32>,
    return
  }
}

</mosaic_0001>

<sc_bundles>
// kernel: kernel.4.cloned.1.call-start
scs
__scs_entry_jumppad:
0x0: {  	(pc) =	sbr.rel $0x88, $3  }
0x1: {  	(tag) =	ssettag $0x0;
	lr =	simm.s32 $0x1  }
0x2: {  	[smem:$0x3F98] =	sst lr;
	_ =	strace $0xD0000000  }
0x3: {  	_ = 	snop  }
0x4: {  	_ = 	snop  }
0x5: {  	_ = 	snop  }
0x6: {  	_ = 	snop  }
0x7: {  	_ = 	snop  }
__scs_overlays_trampoline_lowered:
0x8: {  	[smem:$0x3FA7] =	sst s0  }
0x9: {  	[smem:$0x3FA8] =	sst s1  }
0xa: {  	[smem:$0x3FA9] =	sst s2  }
0xb: {  	[smem:$0x3FAA] =	sst s3  }
0xc: {  	[smem:$0x3FAB] =	sst s4  }
0xd: {  	[smem:$0x3FAC] =	sst s5  }
0xe: {  	[smem:$0x3FAD] =	sst s6  }
0xf: {  	[smem:$0x3FAE] =	sst s7  }
0x10: {  	[smem:$0x3FAF] =	sst s8  }
0x11: {  	[smem:$0x3FB0] =	sst s9;
	s0 =	simm.s32 @!p0 $0x0  }
0x12: {  	s1 =	sld [smem:$0x3F96];
	s0 =	simm.s32 @p0 $0x1  }
0x13: {  	[smem:$0x3FB1] =	sst s0;
	s0 =	simm.s32 @!p1 $0x0  }
0x14: {  	s2 =	sld [smem:$0x3F95];
	s0 =	simm.s32 @p1 $0x1  }
0x15: {  	[smem:$0x3FB2] =	sst s0;
	s0 =	simm.s32 @!p2 $0x0  }
0x16: {  	s3 =	sld [smem:$0x3FDB];
	s0 =	simm.s32 @p2 $0x1  }
0x17: {  	s4 =	simm.s32 $0x1BF5;
	[smem:$0x3FB4] =	sst s0  }
0x18: {  	s0 =	sld [smem:$0x3F97];
	_ =	swait.ge [sflag:s4], $0x0  }
0x19: {  	s7 =	sld [smem:$0x3F98]  }
0x1a: {  	s8 =	sadd.s32 $0xFFFFE003, lr  }
0x1b: {  	s9 =	sadd.s32 $0xFFFFFEF7, lr;
	s5 =	simm.s32 $0xFFFFFFFF;
	p2 =	slt.u32 s8, $0xFFFFF086  }
0x1c: {  	p1 =	slt.u32 s9, $0xF7A;
	s5 =	simm.s32 @!p2 $0x0  }
0x1d: {  	s5 =	simm.s32 @p1 $0x1;
	p0 =	seq.s32 s7, s2  }
0x1e: {  	s7 =	smul.u32 @!p0 $0xF7A, s2;
	p2 =	seq.s32 @!p0 s5, $0x0  }
0x1f: {  	s9 =	smul.u32 $0xF7A, s1;
	s8 =	simm.s32 @!p0 $0x1BF5;
	p2 =	por !p2, p0  }
0x20: {  	[sflag:s8] =	ssyncset.s32 @!p0 $0xFFFFF086;
	s6 =	sadd.s32 @!p0 s3, s7;
	s7 =	simm.s32 @!p0 $0x108  }
0x21: {  	s3 =	sadd.s32 s3, s9;
	s6 =	sadd.s32 @!p0 $0x88, s6;
	s7 =	simm.s32 @p2 $0x1082  }
0x22: {  	[simem:s7], [sflag:s8] =	dma.local @!p0 [hbm:s6], $0xF7A  }
0x23: {  	s9 =	sor.u32 $0xD0000000, s2;
	s6 =	simm.s32 $0x108;
	_ =	swait.ge @!p0 [sflag:s8], $0x0  }
0x24: {  	s3 =	sadd.s32 $0x88, s3;
	s6 =	simm.s32 @!p1 $0x1082;
	[sflag:s4] =	ssyncset.s32 $0xFFFFF086  }
0x25: {  	[simem:s6], [sflag:s4] =	dma.local [hbm:s3], $0xF7A  }
0x26: {  	[smem:$0x3F98] =	sst s1;
	(tag) =	ssettag s2;
	_ =	strace s9  }
0x27: {  	s1 =	sld [smem:$0x3FA8]  }
0x28: {  	s2 =	sld [smem:$0x3FA9]  }
0x29: {  	s4 =	sld [smem:$0x3FAB]  }
0x2a: {  	p0 =	seq.s32 s5, $0x0;
	s5 =	sld [smem:$0x3FAC]  }
0x2b: {  	s6 =	sld [smem:$0x3FAD]  }
0x2c: {  	s7 =	sld [smem:$0x3FAE]  }
0x2d: {  	s3 =	simm.s32 $0x108;
	s8 =	sld [smem:$0x3FAF]  }
0x2e: {  	s3 =	simm.s32 @!p0 $0x1082;
	s9 =	sld [smem:$0x3FB0]  }
0x2f: {  	lr =	sadd.s32 s0, s3;
	s0 =	sld [smem:$0x3FA7]  }
0x30: {  	s3 =	sld [smem:$0x3FAA]  }
0x31: {  	[smem:$0x3FB3] =	sst s10  }
0x32: {  	s10 =	sld [smem:$0x3FB1];
	_ =	sdelay $0x3  }
0x33: {  	p0 =	seq.s32 s10, $0x1;
	s10 =	sld [smem:$0x3FB3];
	_ =	sdelay $0x3  }
0x34: {  	[smem:$0x3FB3] =	sst s10  }
0x35: {  	s10 =	sld [smem:$0x3FB2];
	_ =	sdelay $0x3  }
0x36: {  	p1 =	seq.s32 s10, $0x1;
	s10 =	sld [smem:$0x3FB3];
	_ =	sdelay $0x3  }
0x37: {  	[smem:$0x3FB3] =	sst s10  }
0x38: {  	s10 =	sld [smem:$0x3FB4]  }
0x39: {  	_ = 	snop;
	(pc) =	sbr.ind lr, $3  }
0x3a: {  	_ = 	snop  }
0x3b: {  	_ = 	snop  }
0x3c: {  	p2 =	seq.s32 s10, $0x1;
	s10 =	sld [smem:$0x3FB3]  }
0x3d: {  	_ =	shalt  }
0x3e: {  	_ =	shalt  }
0x3f: {  	_ =	shalt  }
0x40: {  	_ =	shalt  }
0x41: {  	_ =	shalt  }
0x42: {  	_ =	shalt  }
0x43: {  	_ =	shalt  }
0x44: {  	_ =	shalt  }
0x45: {  	_ =	shalt  }
0x46: {  	_ =	shalt  }
0x47: {  	_ =	shalt  }
0x48: {  	_ =	shalt  }
0x49: {  	_ =	shalt  }
0x4a: {  	_ =	shalt  }
0x4b: {  	_ =	shalt  }
0x4c: {  	_ =	shalt  }
0x4d: {  	_ =	shalt  }
0x4e: {  	_ =	shalt  }
0x4f: {  	_ =	shalt  }
0x50: {  	_ =	shalt  }
0x51: {  	_ =	shalt  }
0x52: {  	_ =	shalt  }
0x53: {  	_ =	shalt  }
0x54: {  	_ =	shalt  }
0x55: {  	_ =	shalt  }
0x56: {  	_ =	shalt  }
0x57: {  	_ =	shalt  }
0x58: {  	_ =	shalt  }
0x59: {  	_ =	shalt  }
0x5a: {  	_ =	shalt  }
0x5b: {  	_ =	shalt  }
0x5c: {  	_ =	shalt  }
0x5d: {  	_ =	shalt  }
0x5e: {  	_ =	shalt  }
0x5f: {  	_ =	shalt  }
0x60: {  	_ =	shalt  }
0x61: {  	_ =	shalt  }
0x62: {  	_ =	shalt  }
0x63: {  	_ =	shalt  }
0x64: {  	_ =	shalt  }
0x65: {  	_ =	shalt  }
0x66: {  	_ =	shalt  }
0x67: {  	_ =	shalt  }
0x68: {  	_ =	shalt  }
0x69: {  	_ =	shalt  }
0x6a: {  	_ =	shalt  }
0x6b: {  	_ =	shalt  }
0x6c: {  	_ =	shalt  }
0x6d: {  	_ =	shalt  }
0x6e: {  	_ =	shalt  }
0x6f: {  	_ =	shalt  }
0x70: {  	_ =	shalt  }
0x71: {  	_ =	shalt  }
0x72: {  	_ =	shalt  }
0x73: {  	_ =	shalt  }
0x74: {  	_ =	shalt  }
0x75: {  	_ =	shalt  }
0x76: {  	_ =	shalt  }
0x77: {  	_ =	shalt  }
0x78: {  	_ =	shalt  }
0x79: {  	_ =	shalt  }
0x7a: {  	_ =	shalt  }
0x7b: {  	_ =	shalt  }
0x7c: {  	_ =	shalt  }
0x7d: {  	_ =	shalt  }
0x7e: {  	_ =	shalt  }
0x7f: {  	_ =	shalt  }
0x80: {  	_ =	shalt  }
0x81: {  	_ =	shalt  }
0x82: {  	_ =	shalt  }
0x83: {  	_ =	shalt  }
0x84: {  	_ =	shalt  }
0x85: {  	_ =	shalt  }
0x86: {  	_ =	shalt  }
0x87: {  	_ =	shalt  }
.Lfunc_end0:
.L_simem_size_0:
called_computation_lowered:
.L_overlay_start_0:
0x88: {  	s2 =	sld [smem:$0x3FD9]  }
0x89: {  	s3 =	sld [smem:$0x3FFE];
	_ =	sdelay $0x1  }
0x8a: {  	s1 =	srdreg.scid  }
0x8b: {  	s0 =	sand.u32 $0x1, s1  }
0x8c: {  	s17 =	sshll.u32 s0, $0xA;
	s2 =	sadd.s32 s3, s2  }
0x8d: {  	s2 =	sadd.s32 s2, s17  }
0x8e: {  	[smem:$0x3FBF] =	sst s2  }
0x8f: {  	_ = 	snop  }
0x90: {  	s2 =	sld [smem:$0x3FD0];
	(tm) =	ssettm $0x1  }
0x91: {  	s18 =	sld [smem:$0x3FFB];
	_ =	sdelay $0x3  }
0x92: {  	_ =	strace s18  }
0x93: {  	s3 =	sld [smem:$0x3FFC];
	_ =	sdelay $0x3  }
0x94: {  	_ =	strace s3  }
0x95: {  	s3 =	sld [smem:$0x3FFD];
	_ =	sdelay $0x3  }
0x96: {  	_ =	strace s3  }
0x97: {  	_ =	strace $0x8FFFFFFF  }
0x98: {  	s19 =	sld [smem:$0x3FDB];
	_ =	sdelay $0x1  }
0x99: {  	s4 =	simm.s32 $_scs_section_size  }
0x9a: {  	s5 =	simm.s32 $_size__tile_overlayer_lowered;
	s6 =	simm.s32 $_tile_overlayer_lowered  }
0x9b: {  	s22 =	simm.s32 $0x1BFF;
	s21 =	sshll.u32 s6, $0x1;
	s3 =	sadd.s32 s4, s19  }
0x9c: {  	s7 =	simm.s32 $0x0;
	s20 =	sshll.u32 s5, $0x1;
	s5 =	sadd.s32 s21, s3  }
0x9d: {  	[timem:s7], [sflag:s22] =	dma.local [hbm:s5], s20  }
0x9e: {  	_ =	swait.ge [sflag:s22], s20  }
0x9f: {  	s4 =	ssub.s32 $0x0, s20;
	[sflag:s22] =	ssyncset.done $0x0  }
0xa0: {  	[sflag:s22] =	ssyncadd.s32 s4;
	_ =	sdelay $0x1  }
0xa1: {  	s23 =	simm.s32 $0x1B8B  }
0xa2: {  	_ =	swait.ge [sflag:s23], $0x1  }
0xa3: {  	[sflag:s23] =	ssyncset.done $0x0  }
0xa4: {  	s25 =	simm.s32 $0x1B8E;
	s24 =	sld [smem:$0x3FFE];
	[sflag:s23] =	ssyncadd.s32 $0xFFFFFFFF  }
0xa5: {  	s26 =	simm.s32 $execute0_lowered;
	[smem:$0x3FD2] =	sst s25  }
0xa6: {  	s5 =	sshll.u32 s26, $0x1;
	_ =	strace $0x80000046;
	[dreg:$0x1] =	wrdreg $0xFFFFFFFF  }
0xa7: {  	s28 =	simm.s32 $_size_execute0_lowered;
	s3 =	sadd.s32 s3, s5;
	[dreg:$0x0] =	wrdreg $0x0  }
0xa8: {  	s5 =	sshll.u32 s28, $0x1;
	[dreg:$0x2] =	wrdreg s3  }
0xa9: {  	[dreg:$0x3] =	wrdreg s5  }
0xaa: {  	[dreg:$0x4] =	wrdreg $0xC0  }
0xab: {  	_ =	task [dreg:s7], $0x5FFFF  }
0xac: {  	[dreg:$0x1] =	wrdreg $0xFFFFFFFF  }
0xad: {  	[dreg:$0x0] =	wrdreg $0x60  }
0xae: {  	[dreg:$0x2] =	wrdreg s24  }
0xaf: {  	[dreg:$0x3] =	wrdreg s2  }
0xb0: {  	[dreg:$0x4] =	wrdreg $0x9  }
0xb1: {  	_ =	task.clear_ibuf [dreg:s7], $0x5FFFF;
	_ =	strace $0x90000046  }
0xb2: {  	s29 =	simm.s32 $0x9;
	_ =	strace $0x80000048  }
0xb3: {  	_ =	swait.ge [sflag:s29], $0x1  }
0xb4: {  	[sflag:s29] =	ssyncadd.s32 $0xFFFFFFFF  }
0xb5: {  	_ =	strace $0x90000048  }
0xb6: {  	_ =	sfence  }
0xb7: {  	s30 =	sld [smem:$0x0];
	_ =	sdelay $0x2  }
0xb8: {  	s31 =	sshll.u32 s1, $0xD;
	s1 =	sshrl.u32 s1, $0x2  }
0xb9: {  	s3 =	sand.u32 $0x4000, s31;
	s1 =	sadd.s32 s1, s30  }
0xba: {  	s0 =	sor.u32 s3, s0;
	s1 =	sshll.u32 s1, $0x11  }
0xbb: {  	s0 =	sor.u32 s1, s0  }
0xbc: {  	s0 =	sadd.s32 $0x8F2B, s0  }
0xbd: {  	[sflag:s0] =	ssyncadd.remote.s32 $0x1  }
0xbe: {  	_ =	sfence.sel $0xFFFF  }
0xbf: {  	[dreg:$0x0] =	wrdreg $0xFFFFFFFF;
	(pc) =	sbr.abs _section_cstart, $3  }
0xc0: {  	[dreg:$0x1] =	wrdreg $0xFFFFFFFF  }
0xc1: {  	_ =	task.clear_ibuf [dreg:s7], $0x2FFFF;
	_ =	strace $0x9FFFFFFF  }
0xc2: {  	(tm) =	ssettm $0x7FFFFFFF  }
0xc3: {  	_ =	shalt  }
tec
execute0_lowered:
.L_overlay_start_1:
0x0: {  	(tag) =	ssettag $0x1  }
0x1: {  	s0 =	srdreg.scid  }
0x2: {  	s3 =	stileid.u32;
	s4 =	rddreg [dreg:$0x0]  }
0x3: {  	s2 =	simm.s32 $0x1;
	s8 =	rddreg [dreg:$0x1];
	s10 =	simm.s32 $0x8  }
0x4: {  	s30 =	simm.s32 $0x9800;
	s31 =	simm.s32 $0xA000;
	s11 =	simm.s32 $0xB800  }
0x5: {  	s12 =	simm.s32 $0xC000;
	s13 =	simm.s32 $0x80;
	s14 =	simm.s32 $0x400  }
0x6: {  	s15 =	simm.s32 $0x18900;
	s16 =	simm.s32 $0x18800;
	s17 =	simm.s32 $0x7  }
0x7: {  	s18 =	simm.s32 $0x4;
	s0 =	sand.u32 $0x1, s0;
	s1 =	sshll.u32 s3, $0x1  }
0x8: {  	s19 =	simm.s32 $0x6;
	s20 =	simm.s32 $0x5;
	s1 =	sor.u32 s0, s1  }
0x9: {  	s21 =	simm.s32 $0x0;
	p1 =	seq.s32 s0, $0x1;
	p0 =	seq.s32 s1, $0x0  }
0xa: {  	s0 =	ssub.s32 $0x2, s0;
	s6 =	sshll.u32 s1, $0x7;
	p0 =	por !p0, !p1  }
0xb: {  	s29 =	sshrl.u32 s0, $0x1;
	s1 =	sshll.u32 s1, $0xF;
	p0 =	por !p0, !p0  }
0xc: {  	s7 =	sadd.s32 s6, s4;
	s0 =	ssub.s32 s0, s29;
	s2 =	simm.s32 @!p0 $0x0  }
0xd: {  	v2 =	vlaneseq.u32;
	vm0 =	vmmov $0xffff;
	s8 =	sadd.s32 s8, s1;
	s1 =	simm.s32 $0xA800;
	s3 =	ssub.s32 s3, s2  }
0xe: {  	v5 =	vimm.s32 $0x0;
	v6 =	vimm.s32 $0x1;
	v7 =	vimm.s32 $0x2;
	s2 =	simm.s32 $0x0;
	s5 =	sshll.u32 s3, $0x8;
	s3 =	sshll.u32 s3, $0x7  }
.Ltmp0:
0xf: {  	v15 =	vimm.s32 $0xC;
	v16 =	vimm.s32 $0xD;
	v1 =	vshrl.u32 v2, $0x3;
	s5 =	sand.u32 $0xFFFFF800, s5;
	s3 =	sand.u32 $0x380, s3;
	(pc) =	sbr.rel .LBB2_1-.Ltmp0, $4  }
0x10: {  	v17 =	vimm.s32 $0xE;
	v0 =	vand.u32 $0x7, v2;
	v62 =	vmul.u32 $0x8, v1;
	s9 =	smax.u32 s0, $0x1;
	[smem:$0x7FF] =	sst s2;
	s3 =	sor.u32 s3, s5  }
0x11: {  	v18 =	vimm.s32 $0xF;
	v8 =	vimm.s32 $0x3;
	v9 =	vimm.s32 $0x4;
	s0 =	simm.s32 $0xB000;
	_ =	strace $0x80000047;
	[tilespmem:$0x1FFD0] =	vst v0;
	s5 =	sshrl.u32 s3, $0x3  }
0x12: {  	v10 =	vimm.s32 $0x5;
	v11 =	vimm.s32 $0x6;
	v63 =	vor.u32 $0x8, v2;
	[tilespmem:$0x1FFE0] =	vst v62;
	s3 =	sadd.s32 $0x2000, s4;
	s28 =	sadd.s32 s5, s4;
	s4 =	sadd.s32 $0x8200, s4  }
0x13: {  	v12 =	vimm.s32 $0x7;
	v13 =	vimm.s32 $0x8;
	v14 =	vimm.s32 $0x9;
	[tilespmem:$0x1FFF0] =	vst v63;
	s5 =	sadd.s32 $0x6000, s7;
	s7 =	sadd.s32 $0x7000, s7;
	s6 =	sadd.s32 $0x8000, s28  }
.LBB2_7:
0x14: {  	_ =	swait.ge [sflag:s18], $0x4000  }
0x15: {  	[sflag:s18] =	ssyncset.done $0x0  }
0x16: {  	s21 =	sadd.s32 $0x1, s21;
	[sflag:s18] =	ssyncadd.s32 $0xFFFFC000  }
0x17: {  	p0 =	sne.s32 s21, s9;
	_ =	swait.ge [sflag:s19], $0x4000  }
.Ltmp1:
0x18: {  	[sflag:s19] =	ssyncset.done $0x0;
	(pc) =	sbr.rel @!p0 .LBB2_8-.Ltmp1, $4  }
0x19: {  	[sflag:s19] =	ssyncadd.s32 $0xFFFFC000  }
0x1a: {  	_ =	swait.ge [sflag:s20], $0x4000  }
0x1b: {  	[sflag:s20] =	ssyncset.done $0x0  }
0x1c: {  	[sflag:s20] =	ssyncadd.s32 $0xFFFFC000  }
.LBB2_1:
0x1d: {  	[tilespmem:s2], [sflag:$0x8] =	stream.linear.gather [hbm4b:s5+s2], $0x400, $0x38;
	[tilespmem:$0x18A00] =	vst v63  }
0x1e: {  	_ =	swait.ge [sflag:s10], $0x400  }
0x1f: {  	[sflag:s10] =	ssyncset.done $0x0  }
0x20: {  	[sflag:s10] =	ssyncadd.s32 $0xFFFFFC00  }
0x21: {  	v19 =	vld [tilespmem:$0x0];
	_ =	sdelay $0x2  }
0x22: {  	v0 =	vld [tilespmem:$0x1FFD0]  }
0x23: {  	v1 =	vld [tilespmem:$0x1FFE0]  }
0x24: {  	v2 =	vld [tilespmem:$0x1FFF0];
	v20 =	vshll.u32 v19, $0x1  }
0x25: {  	v19 =	vand.u32 $0x7, v19;
	v20 =	vand.u32 $0xFFFFFFF0, v20  }
0x26: {  	v19 =	vor.u32 v19, v20  }
0x27: {  	v20 =	vperm.xlane v19, v0;
	_ =	sdelay $0x1  }
0x28: {  	v19 =	vperm.xlane v19, v2;
	v20 =	vadd.s32 v1, v20;
	_ =	sdelay $0x1  }
0x29: {  	v19 =	vadd.s32 v1, v19;
	_ =	sdelay $0x1  }
0x2a: {  	s22 =	simm.s32 $0x800  }
0x2b: {  	[tilespmem:s22], [sflag:$0x1] =	stream.indirect_vreg.gather [hbm4b:s3+s2], $0x80, v20, vm0, $0xb8;
	[tilespmem:$0x18A00] =	vst v63  }
0x2c: {  	s24 =	simm.s32 $0x1000  }
0x2d: {  	[tilespmem:s24], [sflag:$0x1] =	stream.indirect_vreg.gather [hbm4b:s3+s2], $0x80, v19, vm0, $0xb8;
	[tilespmem:$0x18A00] =	vst v63  }
0x2e: {  	v19 =	vld [tilespmem:$0x10];
	_ =	sdelay $0x4  }
0x2f: {  	v20 =	vshll.u32 v19, $0x1  }
0x30: {  	v19 =	vand.u32 $0x7, v19;
	v20 =	vand.u32 $0xFFFFFFF0, v20  }
0x31: {  	v19 =	vor.u32 v19, v20  }
0x32: {  	v20 =	vperm.xlane v19, v0;
	_ =	sdelay $0x1  }
0x33: {  	v19 =	vperm.xlane v19, v2;
	v20 =	vadd.s32 v1, v20;
	_ =	sdelay $0x1  }
0x34: {  	v19 =	vadd.s32 v1, v19;
	_ =	sdelay $0x1  }
0x35: {  	s25 =	simm.s32 $0x1800  }
0x36: {  	[tilespmem:s25], [sflag:$0x1] =	stream.indirect_vreg.gather [hbm4b:s3+s2], $0x80, v20, vm0, $0xb8;
	[tilespmem:$0x18A00] =	vst v63  }
0x37: {  	s26 =	simm.s32 $0x2000  }
0x38: {  	[tilespmem:s26], [sflag:$0x1] =	stream.indirect_vreg.gather [hbm4b:s3+s2], $0x80, v19, vm0, $0xb8;
	[tilespmem:$0x18A00] =	vst v63  }
0x39: {  	v19 =	vld [tilespmem:$0x20];
	_ =	sdelay $0x4  }
0x3a: {  	v20 =	vshll.u32 v19, $0x1  }
0x3b: {  	v19 =	vand.u32 $0x7, v19;
	v20 =	vand.u32 $0xFFFFFFF0, v20  }
0x3c: {  	v19 =	vor.u32 v19, v20  }
0x3d: {  	v20 =	vperm.xlane v19, v0;
	_ =	sdelay $0x1  }
0x3e: {  	v19 =	vperm.xlane v19, v2;
	v20 =	vadd.s32 v1, v20;
	_ =	sdelay $0x1  }
0x3f: {  	v19 =	vadd.s32 v1, v19;
	_ =	sdelay $0x1  }
0x40: {  	s28 =	simm.s32 $0x2800  }
0x41: {  	[tilespmem:s28], [sflag:$0x1] =	stream.indirect_vreg.gather [hbm4b:s3+s2], $0x80, v20, vm0, $0xb8;
	[tilespmem:$0x18A00] =	vst v63  }
0x42: {  	s29 =	simm.s32 $0x3000  }
0x43: {  	[tilespmem:s29], [sflag:$0x1] =	stream.indirect_vreg.gather [hbm4b:s3+s2], $0x80, v19, vm0, $0xb8;
	[tilespmem:$0x18A00] =	vst v63  }
0x44: {  	v19 =	vld [tilespmem:$0x30];
	_ =	sdelay $0x4  }
0x45: {  	v20 =	vshll.u32 v19, $0x1  }
0x46: {  	v19 =	vand.u32 $0x7, v19;
	v20 =	vand.u32 $0xFFFFFFF0, v20  }
0x47: {  	v19 =	vor.u32 v19, v20  }
0x48: {  	v20 =	vperm.xlane v19, v0;
	_ =	sdelay $0x1  }
0x49: {  	v19 =	vperm.xlane v19, v2;
	v20 =	vadd.s32 v1, v20;
	_ =	sdelay $0x1  }
0x4a: {  	v19 =	vadd.s32 v1, v19;
	_ =	sdelay $0x1  }
0x4b: {  	s23 =	simm.s32 $0x3800  }
0x4c: {  	[tilespmem:s23], [sflag:$0x1] =	stream.indirect_vreg.gather [hbm4b:s3+s2], $0x80, v20, vm0, $0xb8;
	[tilespmem:$0x18A00] =	vst v63  }
0x4d: {  	s24 =	simm.s32 $0x4000  }
0x4e: {  	[tilespmem:s24], [sflag:$0x1] =	stream.indirect_vreg.gather [hbm4b:s3+s2], $0x80, v19, vm0, $0xb8;
	[tilespmem:$0x18A00] =	vst v63  }
0x4f: {  	v19 =	vld [tilespmem:$0x40];
	_ =	sdelay $0x4  }
0x50: {  	v20 =	vshll.u32 v19, $0x1  }
0x51: {  	v19 =	vand.u32 $0x7, v19;
	v20 =	vand.u32 $0xFFFFFFF0, v20  }
0x52: {  	v19 =	vor.u32 v19, v20  }
0x53: {  	v20 =	vperm.xlane v19, v0;
	_ =	sdelay $0x1  }
0x54: {  	v19 =	vperm.xlane v19, v2;
	v20 =	vadd.s32 v1, v20;
	_ =	sdelay $0x1  }
0x55: {  	v19 =	vadd.s32 v1, v19;
	_ =	sdelay $0x1  }
0x56: {  	s25 =	simm.s32 $0x4800  }
0x57: {  	[tilespmem:s25], [sflag:$0x2] =	stream.indirect_vreg.gather [hbm4b:s3+s2], $0x80, v20, vm0, $0xb8;
	[tilespmem:$0x18A00] =	vst v63  }
0x58: {  	s26 =	simm.s32 $0x5000  }
0x59: {  	[tilespmem:s26], [sflag:$0x2] =	stream.indirect_vreg.gather [hbm4b:s3+s2], $0x80, v19, vm0, $0xb8;
	[tilespmem:$0x18A00] =	vst v63  }
0x5a: {  	v19 =	vld [tilespmem:$0x50];
	_ =	sdelay $0x4  }
0x5b: {  	v20 =	vshll.u32 v19, $0x1  }
0x5c: {  	v19 =	vand.u32 $0x7, v19;
	v20 =	vand.u32 $0xFFFFFFF0, v20  }
0x5d: {  	v19 =	vor.u32 v19, v20  }
0x5e: {  	v20 =	vperm.xlane v19, v0;
	_ =	sdelay $0x1  }
0x5f: {  	v19 =	vperm.xlane v19, v2;
	v20 =	vadd.s32 v1, v20;
	_ =	sdelay $0x1  }
0x60: {  	v19 =	vadd.s32 v1, v19;
	_ =	sdelay $0x1  }
0x61: {  	s28 =	simm.s32 $0x5800  }
0x62: {  	[tilespmem:s28], [sflag:$0x2] =	stream.indirect_vreg.gather [hbm4b:s3+s2], $0x80, v20, vm0, $0xb8;
	[tilespmem:$0x18A00] =	vst v63  }
0x63: {  	s29 =	simm.s32 $0x6000  }
0x64: {  	[tilespmem:s29], [sflag:$0x2] =	stream.indirect_vreg.gather [hbm4b:s3+s2], $0x80, v19, vm0, $0xb8;
	[tilespmem:$0x18A00] =	vst v63  }
0x65: {  	v19 =	vld [tilespmem:$0x60];
	_ =	sdelay $0x4  }
0x66: {  	v20 =	vshll.u32 v19, $0x1  }
0x67: {  	v19 =	vand.u32 $0x7, v19;
	v20 =	vand.u32 $0xFFFFFFF0, v20  }
0x68: {  	v19 =	vor.u32 v19, v20  }
0x69: {  	v20 =	vperm.xlane v19, v0;
	_ =	sdelay $0x1  }
0x6a: {  	v19 =	vperm.xlane v19, v2;
	v20 =	vadd.s32 v1, v20;
	_ =	sdelay $0x1  }
0x6b: {  	v19 =	vadd.s32 v1, v19;
	_ =	sdelay $0x1  }
0x6c: {  	s23 =	simm.s32 $0x6800  }
0x6d: {  	[tilespmem:s23], [sflag:$0x2] =	stream.indirect_vreg.gather [hbm4b:s3+s2], $0x80, v20, vm0, $0xb8;
	[tilespmem:$0x18A00] =	vst v63  }
0x6e: {  	s24 =	simm.s32 $0x7000  }
0x6f: {  	[tilespmem:s24], [sflag:$0x2] =	stream.indirect_vreg.gather [hbm4b:s3+s2], $0x80, v19, vm0, $0xb8;
	[tilespmem:$0x18A00] =	vst v63  }
0x70: {  	v19 =	vld [tilespmem:$0x70];
	_ =	sdelay $0x4  }
0x71: {  	v20 =	vshll.u32 v19, $0x1  }
0x72: {  	v19 =	vand.u32 $0x7, v19;
	v20 =	vand.u32 $0xFFFFFFF0, v20  }
0x73: {  	v19 =	vor.u32 v19, v20  }
0x74: {  	v20 =	vperm.xlane v19, v0;
	_ =	sdelay $0x1  }
0x75: {  	v19 =	vperm.xlane v19, v2;
	v20 =	vadd.s32 v1, v20;
	_ =	sdelay $0x1  }
0x76: {  	v19 =	vadd.s32 v1, v19;
	_ =	sdelay $0x1  }
0x77: {  	s25 =	simm.s32 $0x7800  }
0x78: {  	[tilespmem:s25], [sflag:$0x2] =	stream.indirect_vreg.gather [hbm4b:s3+s2], $0x80, v20, vm0, $0xb8;
	[tilespmem:$0x18A00] =	vst v63  }
0x79: {  	s26 =	simm.s32 $0x8000  }
0x7a: {  	[tilespmem:s26], [sflag:$0x2] =	stream.indirect_vreg.gather [hbm4b:s3+s2], $0x80, v19, vm0, $0xb8;
	[tilespmem:$0x18A00] =	vst v63  }
0x7b: {  	v19 =	vld [tilespmem:$0x80];
	_ =	sdelay $0x4  }
0x7c: {  	v20 =	vshll.u32 v19, $0x1  }
0x7d: {  	v19 =	vand.u32 $0x7, v19;
	v20 =	vand.u32 $0xFFFFFFF0, v20  }
0x7e: {  	v19 =	vor.u32 v19, v20  }
0x7f: {  	v20 =	vperm.xlane v19, v0;
	_ =	sdelay $0x1  }
0x80: {  	v19 =	vperm.xlane v19, v2;
	v20 =	vadd.s32 v1, v20;
	_ =	sdelay $0x1  }
0x81: {  	v19 =	vadd.s32 v1, v19;
	_ =	sdelay $0x1  }
0x82: {  	s28 =	simm.s32 $0x8800  }
0x83: {  	[tilespmem:s28], [sflag:$0x3] =	stream.indirect_vreg.gather [hbm4b:s3+s2], $0x80, v20, vm0, $0xb8;
	[tilespmem:$0x18A00] =	vst v63  }
0x84: {  	s29 =	simm.s32 $0x9000  }
0x85: {  	[tilespmem:s29], [sflag:$0x3] =	stream.indirect_vreg.gather [hbm4b:s3+s2], $0x80, v19, vm0, $0xb8;
	[tilespmem:$0x18A00] =	vst v63  }
0x86: {  	v19 =	vld [tilespmem:$0x90];
	_ =	sdelay $0x4  }
0x87: {  	v20 =	vshll.u32 v19, $0x1  }
0x88: {  	v19 =	vand.u32 $0x7, v19;
	v20 =	vand.u32 $0xFFFFFFF0, v20  }
0x89: {  	v19 =	vor.u32 v19, v20  }
0x8a: {  	v20 =	vperm.xlane v19, v0;
	_ =	sdelay $0x1  }
0x8b: {  	v19 =	vperm.xlane v19, v2;
	v20 =	vadd.s32 v1, v20;
	_ =	sdelay $0x1  }
0x8c: {  	v19 =	vadd.s32 v1, v19;
	_ =	sdelay $0x2  }
0x8d: {  	[tilespmem:s30], [sflag:$0x3] =	stream.indirect_vreg.gather [hbm4b:s3+s2], $0x80, v20, vm0, $0xb8;
	[tilespmem:$0x18A00] =	vst v63  }
0x8e: {  	_ = 	snop  }
0x8f: {  	[tilespmem:s31], [sflag:$0x3] =	stream.indirect_vreg.gather [hbm4b:s3+s2], $0x80, v19, vm0, $0xb8;
	[tilespmem:$0x18A00] =	vst v63  }
0x90: {  	v19 =	vld [tilespmem:$0xA0];
	_ =	sdelay $0x4  }
0x91: {  	v20 =	vshll.u32 v19, $0x1  }
0x92: {  	v19 =	vand.u32 $0x7, v19;
	v20 =	vand.u32 $0xFFFFFFF0, v20  }
0x93: {  	v19 =	vor.u32 v19, v20  }
0x94: {  	v20 =	vperm.xlane v19, v0;
	_ =	sdelay $0x1  }
0x95: {  	v19 =	vperm.xlane v19, v2;
	v20 =	vadd.s32 v1, v20;
	_ =	sdelay $0x1  }
0x96: {  	v19 =	vadd.s32 v1, v19;
	_ =	sdelay $0x2  }
0x97: {  	[tilespmem:s1], [sflag:$0x3] =	stream.indirect_vreg.gather [hbm4b:s3+s2], $0x80, v20, vm0, $0xb8;
	[tilespmem:$0x18A00] =	vst v63  }
0x98: {  	_ = 	snop  }
0x99: {  	[tilespmem:s0], [sflag:$0x3] =	stream.indirect_vreg.gather [hbm4b:s3+s2], $0x80, v19, vm0, $0xb8;
	[tilespmem:$0x18A00] =	vst v63  }
0x9a: {  	v19 =	vld [tilespmem:$0xB0];
	_ =	sdelay $0x4  }
0x9b: {  	v20 =	vshll.u32 v19, $0x1  }
0x9c: {  	v19 =	vand.u32 $0x7, v19;
	v20 =	vand.u32 $0xFFFFFFF0, v20  }
0x9d: {  	v19 =	vor.u32 v19, v20  }
0x9e: {  	v20 =	vperm.xlane v19, v0;
	_ =	sdelay $0x1  }
0x9f: {  	v19 =	vperm.xlane v19, v2;
	v20 =	vadd.s32 v1, v20;
	_ =	sdelay $0x1  }
0xa0: {  	v19 =	vadd.s32 v1, v19;
	_ =	sdelay $0x2  }
0xa1: {  	[tilespmem:s11], [sflag:$0x3] =	stream.indirect_vreg.gather [hbm4b:s3+s2], $0x80, v20, vm0, $0xb8;
	[tilespmem:$0x18A00] =	vst v63  }
0xa2: {  	_ = 	snop  }
0xa3: {  	[tilespmem:s12], [sflag:$0x3] =	stream.indirect_vreg.gather [hbm4b:s3+s2], $0x80, v19, vm0, $0xb8;
	[tilespmem:$0x18A00] =	vst v63  }
0xa4: {  	_ = 	snop  }
0xa5: {  	[tilespmem:s15], [sflag:$0x7] =	stream.strided.gather [hbm4b:s6+s13], $0x100, s14, s13, $0x38;
	[tilespmem:$0x18A00] =	vst v63  }
0xa6: {  	_ = 	snop  }
0xa7: {  	[tilespmem:s16], [sflag:$0x7] =	stream.strided.gather [hbm4b:s4+s13], $0x100, s14, s13, $0x38;
	[tilespmem:$0x18A00] =	vst v63  }
0xa8: {  	_ = 	snop  }
0xa9: {  	[tilespmem:s14], [sflag:$0x7] =	stream.linear.gather [hbm4b:s7+s2], $0x400, $0x38;
	[tilespmem:$0x18A00] =	vst v63  }
0xaa: {  	_ =	swait.ge [sflag:s17], $0x100  }
0xab: {  	[sflag:s17] =	ssyncset.done $0x0  }
0xac: {  	[sflag:s17] =	ssyncadd.s32 $0xFFFFFF00  }
0xad: {  	_ =	swait.ge [sflag:s17], $0x100  }
0xae: {  	[sflag:s17] =	ssyncset.done $0x0  }
0xaf: {  	[sflag:s17] =	ssyncadd.s32 $0xFFFFFF00  }
0xb0: {  	_ =	swait.ge [sflag:s17], $0x400  }
0xb1: {  	[sflag:s17] =	ssyncset.done $0x0  }
0xb2: {  	[sflag:s17] =	ssyncadd.s32 $0xFFFFFC00  }
0xb3: {  	v19 =	vld [tilespmem:$0x18800]  }
0xb4: {  	v20 =	vld [tilespmem:$0x18810]  }
0xb5: {  	v21 =	vld [tilespmem:$0x18820]  }
0xb6: {  	v22 =	vld [tilespmem:$0x18830]  }
0xb7: {  	v23 =	vld [tilespmem:$0x18840]  }
0xb8: {  	v24 =	vld [tilespmem:$0x18850]  }
0xb9: {  	v25 =	vld [tilespmem:$0x18860]  }
0xba: {  	v26 =	vld [tilespmem:$0x18870]  }
0xbb: {  	v27 =	vld [tilespmem:$0x18880]  }
0xbc: {  	v28 =	vld [tilespmem:$0x18890]  }
0xbd: {  	v29 =	vld [tilespmem:$0x188A0]  }
0xbe: {  	v30 =	vld [tilespmem:$0x188B0]  }
0xbf: {  	v31 =	vld [tilespmem:$0x188C0]  }
0xc0: {  	v32 =	vld [tilespmem:$0x188D0]  }
0xc1: {  	v33 =	vld [tilespmem:$0x188E0]  }
0xc2: {  	v34 =	vld [tilespmem:$0x188F0]  }
0xc3: {  	v35 =	vld [tilespmem:$0x18900]  }
0xc4: {  	v36 =	vld [tilespmem:$0x18910]  }
0xc5: {  	v37 =	vld [tilespmem:$0x18920]  }
0xc6: {  	v38 =	vld [tilespmem:$0x18930]  }
0xc7: {  	v39 =	vld [tilespmem:$0x18940]  }
0xc8: {  	v40 =	vld [tilespmem:$0x18950]  }
0xc9: {  	v41 =	vld [tilespmem:$0x18960]  }
0xca: {  	v42 =	vld [tilespmem:$0x18970]  }
0xcb: {  	v43 =	vld [tilespmem:$0x18980]  }
0xcc: {  	v44 =	vld [tilespmem:$0x18990]  }
0xcd: {  	v45 =	vld [tilespmem:$0x189A0]  }
.Ltmp2:
0xce: {  	v46 =	vld [tilespmem:$0x189B0];
	(pc) =	sbr.rel .LBB2_2-.Ltmp2, $4  }
0xcf: {  	v47 =	vld [tilespmem:$0x189C0]  }
0xd0: {  	v48 =	vld [tilespmem:$0x189D0]  }
0xd1: {  	v49 =	vld [tilespmem:$0x189E0]  }
0xd2: {  	s22 =	simm.s32 $0x0;
	v50 =	vld [tilespmem:$0x189F0]  }
.LBB2_6:
0xd3: {  	s22 =	sadd.s32 $0x1, s22  }
0xd4: {  	p0 =	sne.s32 s22, $0x10  }
.Ltmp3:
0xd5: {  	_ = 	snop;
	(pc) =	sbr.rel @!p0 .LBB2_7-.Ltmp3, $1  }
0xd6: {  	_ =	sdelay $0x3  }
.LBB2_2:
0xd7: {  	p0 =	slt.u32 s22, $0x3  }
0xd8: {  	s23 =	sadd.s32 @!p0 $0xFFFFFFFD, s22  }
0xd9: {  	s24 =	sand.u32 @!p0 $0xFF, s23  }
0xda: {  	s24 =	smul.u32 @!p0 $0xAB, s24;
	_ =	sdelay $0x1  }
0xdb: {  	s25 =	smul.u32 $0xAB, s22;
	s24 =	sshrl.u32 @!p0 s24, $0x9  }
0xdc: {  	s24 =	smul.u32 @!p0 $0x3, s24  }
0xdd: {  	s25 =	sshrl.u32 s25, $0x9  }
0xde: {  	s25 =	sand.u32 $0x7F, s25;
	s23 =	ssub.s32 @!p0 s23, s24  }
0xdf: {  	s29 =	smul.u32 $0x3, s25;
	s23 =	sor.u32 @!p0 $0x4, s23  }
0xe0: {  	s25 =	sand.u32 @!p0 $0xFF, s23  }
0xe1: {  	s24 =	ssub.s32 s22, s29;
	s29 =	sshll.u32 s22, $0x6;
	_ =	swait.ge @!p0 [sflag:s25], $0x4000  }
0xe2: {  	s23 =	sand.u32 $0xFF, s24;
	s24 =	sand.u32 $0x3C0, s29;
	[sflag:s25] =	ssyncset.done @!p0 $0x0  }
0xe3: {  	s26 =	sadd.s32 $0x1, s23;
	s28 =	sor.u32 $0x400, s24;
	[sflag:s25] =	ssyncadd.s32 @!p0 $0xFFFFC000  }
0xe4: {  	v51 =	vmov s28;
	_ =	swait.ge [sflag:s26], $0x4000  }
0xe5: {  	s24 =	sshll.u32 s23, $0xE;
	[sflag:s26] =	ssyncset.done $0x0  }
0xe6: {  	s25 =	sor.u32 $0x800, s24;
	[sflag:s26] =	ssyncadd.s32 $0xFFFFC000;
	s26 =	simm.s32 $0x0  }
.LBB2_3:
0xe7: {  	s28 =	sshll.u32 s26, $0x4  }
0xe8: {  	s28 =	sand.u32 $0x3FFFFFF0, s28  }
0xe9: {  	v52 =	vld.idx.msk [tilespmem:v51+s28+$0x0 ss:$0x1], $0xffff;
	_ =	sdelay $0x1  }
0xea: {  	s28 =	sshll.u32 s26, $0xC  }
0xeb: {  	s29 =	sor.u32 s24, s28  }
0xec: {  	v53 =	vld [tilespmem:s29+$0x800]  }
0xed: {  	v55 =	vld [tilespmem:s29+$0x810];
	v54 =	vperm.xlane v52, v5  }
0xee: {  	v56 =	vld [tilespmem:s29+$0x820]  }
0xef: {  	v58 =	vld [tilespmem:s29+$0x830];
	v57 =	vmul.f32 v54, v19  }
0xf0: {  	v60 =	vld [tilespmem:s29+$0x840];
	v59 =	vmul.f32 v54, v20  }
0xf1: {  	v61 =	vld [tilespmem:s29+$0x850];
	v2 =	vmul.f32 v54, v21;
	v53 =	vadd.f32 v57, v53  }
0xf2: {  	v62 =	vmul.f32 v54, v22;
	v55 =	vadd.f32 v55, v59  }
0xf3: {  	v63 =	vmul.f32 v54, v23;
	v56 =	vadd.f32 v56, v2;
	v53 =	vadd.f32 v53, v35  }
0xf4: {  	v0 =	vmul.f32 v54, v24;
	v58 =	vadd.f32 v58, v62;
	v55 =	vadd.f32 v55, v36  }
0xf5: {  	v2 =	vadd.f32 v60, v63;
	v1 =	vadd.f32 v56, v37;
	[tilespmem:s29+$0xC800] =	vst v53  }
0xf6: {  	v62 =	vadd.f32 v61, v0;
	v60 =	vadd.f32 v58, v38;
	[tilespmem:s29+$0xC810] =	vst v55  }
0xf7: {  	v63 =	vadd.f32 v2, v39;
	[tilespmem:s29+$0xC820] =	vst v1  }
0xf8: {  	v0 =	vadd.f32 v62, v40;
	[tilespmem:s29+$0xC830] =	vst v60  }
0xf9: {  	[tilespmem:s29+$0xC840] =	vst v63  }
0xfa: {  	[tilespmem:s29+$0xC850] =	vst v0  }
0xfb: {  	v53 =	vld [tilespmem:s29+$0x860]  }
0xfc: {  	v55 =	vld [tilespmem:s29+$0x870]  }
0xfd: {  	v56 =	vld [tilespmem:s29+$0xC00]  }
0xfe: {  	v59 =	vld [tilespmem:s29+$0xC20]  }
0xff: {  	v2 =	vmul.f32 v54, v26;
	v1 =	vmul.f32 v54, v25;
	v58 =	vld [tilespmem:s29+$0xC10]  }
0x100: {  	v0 =	vmul.f32 v54, v27;
	v62 =	vld [tilespmem:s29+$0xC30]  }
0x101: {  	v63 =	vld [tilespmem:s29+$0xC40];
	v53 =	vadd.f32 v53, v1;
	v55 =	vadd.f32 v55, v2;
	v2 =	vmul.f32 v54, v29  }
0x102: {  	v3 =	vperm.xlane v52, v6;
	v60 =	vld [tilespmem:s29+$0xC50];
	v1 =	vmul.f32 v54, v28;
	v56 =	vadd.f32 v56, v0  }
0x103: {  	v61 =	vld [tilespmem:s29+$0xC60];
	v53 =	vadd.f32 v53, v41;
	v57 =	vadd.f32 v59, v2;
	v59 =	vmul.f32 v54, v30  }
0x104: {  	v0 =	vmul.f32 v54, v31;
	v58 =	vadd.f32 v58, v1;
	v55 =	vadd.f32 v55, v42;
	v2 =	vld [tilespmem:s29+$0xC70]  }
0x105: {  	v56 =	vadd.f32 v56, v43;
	v1 =	vld [tilespmem:s29+$0x880];
	v59 =	vadd.f32 v62, v59;
	v62 =	vmul.f32 v54, v32  }
0x106: {  	v4 =	vld [tilespmem:s29+$0x890];
	v0 =	vadd.f32 v63, v0;
	v63 =	vmul.f32 v54, v33;
	v58 =	vadd.f32 v58, v44  }
0x107: {  	v57 =	vadd.f32 v57, v45;
	v54 =	vmul.f32 v54, v34;
	v60 =	vadd.f32 v60, v62;
	v62 =	vld [tilespmem:s29+$0x8A0]  }
0x108: {  	v5 =	vld [tilespmem:s29+$0x8B0];
	v0 =	vadd.f32 v0, v47;
	v61 =	vadd.f32 v61, v63;
	v63 =	vmul.f32 v3, v19  }
0x109: {  	v6 =	vld [tilespmem:s29+$0x8C0];
	[tilespmem:s29+$0xC860] =	vst v53;
	v59 =	vadd.f32 v59, v46;
	v2 =	vadd.f32 v2, v54;
	v54 =	vmul.f32 v3, v20  }
0x10a: {  	[tilespmem:s29+$0xC870] =	vst v55;
	v53 =	vadd.f32 v61, v49;
	v61 =	vmul.f32 v3, v21;
	v1 =	vadd.f32 v63, v1;
	v63 =	vld [tilespmem:s29+$0x8D0]  }
0x10b: {  	v55 =	vld [tilespmem:s29+$0x8E0];
	[tilespmem:s29+$0xCC00] =	vst v56;
	v60 =	vadd.f32 v60, v48;
	v4 =	vadd.f32 v4, v54;
	v54 =	vmul.f32 v3, v22  }
0x10c: {  	[tilespmem:s29+$0xCC10] =	vst v58;
	v58 =	vld [tilespmem:s29+$0xC80];
	v2 =	vadd.f32 v2, v50;
	v56 =	vadd.f32 v62, v61;
	v61 =	vmul.f32 v3, v23  }
0x10d: {  	[tilespmem:s29+$0xCC20] =	vst v57;
	v1 =	vadd.f32 v1, v35;
	v62 =	vld [tilespmem:s29+$0x8F0];
	v5 =	vadd.f32 v5, v54;
	v54 =	vmul.f32 v3, v24  }
0x10e: {  	v57 =	vmul.f32 v3, v25;
	[tilespmem:s29+$0xCC30] =	vst v59;
	v4 =	vadd.f32 v4, v36;
	v6 =	vadd.f32 v6, v61;
	v61 =	vld [tilespmem:s29+$0xC90]  }
0x10f: {  	v59 =	vld [tilespmem:s29+$0xCA0];
	[tilespmem:s29+$0xCC50] =	vst v60;
	v60 =	vmul.f32 v3, v28;
	v56 =	vadd.f32 v56, v37;
	v54 =	vadd.f32 v63, v54  }
0x110: {  	[tilespmem:s29+$0xCC40] =	vst v0;
	v0 =	vadd.f32 v6, v39;
	v6 =	vadd.f32 v55, v57;
	v55 =	vmul.f32 v3, v26  }
0x111: {  	v5 =	vadd.f32 v5, v38;
	v63 =	vld [tilespmem:s29+$0xCB0];
	v54 =	vadd.f32 v54, v40;
	v57 =	vmul.f32 v3, v27  }
0x112: {  	[tilespmem:s29+$0xCC60] =	vst v53;
	v6 =	vadd.f32 v6, v41;
	v53 =	vadd.f32 v62, v55;
	v55 =	vmul.f32 v3, v29;
	v62 =	vld [tilespmem:s29+$0xCC0]  }
0x113: {  	[tilespmem:s29+$0xCC70] =	vst v2;
	v2 =	vadd.f32 v58, v57;
	v58 =	vld [tilespmem:s29+$0xCD0];
	v61 =	vadd.f32 v61, v60  }
0x114: {  	[tilespmem:s29+$0xC880] =	vst v1;
	v1 =	vadd.f32 v53, v42;
	v53 =	vadd.f32 v59, v55;
	v55 =	vmul.f32 v3, v30;
	v59 =	vld [tilespmem:s29+$0xCE0]  }
0x115: {  	[tilespmem:s29+$0xC890] =	vst v4;
	v57 =	vmul.f32 v3, v31;
	v60 =	vld [tilespmem:s29+$0xCF0];
	v2 =	vadd.f32 v2, v43;
	v4 =	vadd.f32 v61, v44  }
0x116: {  	[tilespmem:s29+$0xC8A0] =	vst v56;
	v56 =	vmul.f32 v3, v32;
	v61 =	vld [tilespmem:s29+$0x900];
	v53 =	vadd.f32 v53, v45;
	v55 =	vadd.f32 v63, v55  }
0x117: {  	[tilespmem:s29+$0xC8B0] =	vst v5;
	v63 =	vld [tilespmem:s29+$0x910];
	v5 =	vadd.f32 v62, v57;
	v57 =	vmul.f32 v3, v33;
	v62 =	vperm.xlane v52, v7  }
0x118: {  	[tilespmem:s29+$0xC8C0] =	vst v0;
	v3 =	vmul.f32 v3, v34;
	v0 =	vadd.f32 v55, v46;
	v55 =	vadd.f32 v58, v56;
	v56 =	vld [tilespmem:s29+$0x920]  }
0x119: {  	[tilespmem:s29+$0xC8D0] =	vst v54;
	v58 =	vld [tilespmem:s29+$0x930];
	v5 =	vadd.f32 v5, v47;
	v54 =	vadd.f32 v59, v57;
	v57 =	vmul.f32 v62, v19  }
0x11a: {  	[tilespmem:s29+$0xC8E0] =	vst v6;
	v3 =	vadd.f32 v60, v3;
	v59 =	vld [tilespmem:s29+$0x940];
	v6 =	vadd.f32 v55, v48;
	v55 =	vmul.f32 v62, v20  }
0x11b: {  	[tilespmem:s29+$0xC8F0] =	vst v1;
	v60 =	vld [tilespmem:s29+$0x950];
	v1 =	vadd.f32 v54, v49;
	v54 =	vadd.f32 v57, v61;
	v57 =	vmul.f32 v62, v21  }
0x11c: {  	[tilespmem:s29+$0xCC80] =	vst v2;
	v2 =	vadd.f32 v3, v50;
	v61 =	vld [tilespmem:s29+$0x960];
	v3 =	vadd.f32 v63, v55;
	v55 =	vmul.f32 v62, v22  }
0x11d: {  	[tilespmem:s29+$0xCC90] =	vst v4;
	v63 =	vmul.f32 v62, v23;
	v4 =	vadd.f32 v54, v35;
	v54 =	vadd.f32 v56, v57;
	v57 =	vld [tilespmem:s29+$0x970]  }
0x11e: {  	[tilespmem:s29+$0xCCA0] =	vst v53;
	v3 =	vadd.f32 v3, v36;
	v53 =	vadd.f32 v58, v55;
	v55 =	vmul.f32 v62, v24;
	v58 =	vld [tilespmem:s29+$0xD00]  }
0x11f: {  	[tilespmem:s29+$0xCCB0] =	vst v0;
	v0 =	vadd.f32 v54, v37;
	v54 =	vadd.f32 v59, v63;
	v63 =	vmul.f32 v62, v25;
	v59 =	vld [tilespmem:s29+$0xD10]  }
0x120: {  	[tilespmem:s29+$0xCCC0] =	vst v5;
	v5 =	vadd.f32 v53, v38;
	v60 =	vadd.f32 v60, v55;
	v55 =	vld [tilespmem:s29+$0xD20]  }
0x121: {  	[tilespmem:s29+$0xCCD0] =	vst v6;
	v56 =	vmul.f32 v62, v26;
	v6 =	vadd.f32 v54, v39;
	v54 =	vadd.f32 v61, v63  }
0x122: {  	[tilespmem:s29+$0xCCE0] =	vst v1;
	v53 =	vmul.f32 v62, v27;
	v61 =	vld [tilespmem:s29+$0xD30];
	v1 =	vadd.f32 v60, v40;
	v60 =	vmul.f32 v62, v28  }
0x123: {  	[tilespmem:s29+$0xCCF0] =	vst v2;
	v63 =	vmul.f32 v62, v29;
	v2 =	vadd.f32 v54, v41;
	v54 =	vadd.f32 v57, v56;
	v57 =	vld [tilespmem:s29+$0xD40]  }
0x124: {  	[tilespmem:s29+$0xC900] =	vst v4;
	v4 =	vadd.f32 v58, v53;
	v58 =	vld [tilespmem:s29+$0xD50];
	v53 =	vadd.f32 v59, v60  }
0x125: {  	[tilespmem:s29+$0xC910] =	vst v3;
	v56 =	vld [tilespmem:s29+$0xD60];
	v60 =	vmul.f32 v62, v30;
	v3 =	vadd.f32 v54, v42;
	v63 =	vadd.f32 v55, v63  }
0x126: {  	[tilespmem:s29+$0xC920] =	vst v0;
	v59 =	vld [tilespmem:s29+$0xD70];
	v0 =	vadd.f32 v4, v43;
	v4 =	vadd.f32 v53, v44;
	v53 =	vmul.f32 v62, v31  }
0x127: {  	[tilespmem:s29+$0xC930] =	vst v5;
	v55 =	vmul.f32 v62, v32;
	v54 =	vadd.f32 v61, v60;
	v60 =	vld [tilespmem:s29+$0x980];
	v5 =	vadd.f32 v63, v45  }
0x128: {  	[tilespmem:s29+$0xC940] =	vst v6;
	v61 =	vld [tilespmem:s29+$0x990];
	v6 =	vadd.f32 v57, v53;
	v53 =	vmul.f32 v62, v33;
	v57 =	vperm.xlane v52, v8  }
0x129: {  	[tilespmem:s29+$0xC950] =	vst v1;
	v63 =	vmul.f32 v62, v34;
	v1 =	vadd.f32 v54, v46;
	v54 =	vadd.f32 v58, v55;
	v58 =	vld [tilespmem:s29+$0x9A0]  }
0x12a: {  	[tilespmem:s29+$0xC960] =	vst v2;
	v2 =	vadd.f32 v6, v47;
	v6 =	vadd.f32 v56, v53;
	v62 =	vmul.f32 v57, v19;
	v56 =	vld [tilespmem:s29+$0x9B0]  }
0x12b: {  	[tilespmem:s29+$0xC970] =	vst v3;
	v3 =	vadd.f32 v54, v48;
	v54 =	vadd.f32 v59, v63;
	v55 =	vmul.f32 v57, v20;
	v59 =	vld [tilespmem:s29+$0x9C0]  }
0x12c: {  	[tilespmem:s29+$0xCD00] =	vst v0;
	v53 =	vmul.f32 v57, v21;
	v0 =	vadd.f32 v6, v49;
	v6 =	vadd.f32 v62, v60;
	v60 =	vld [tilespmem:s29+$0x9D0]  }
0x12d: {  	[tilespmem:s29+$0xCD10] =	vst v4;
	v4 =	vadd.f32 v54, v50;
	v54 =	vadd.f32 v61, v55;
	v55 =	vmul.f32 v57, v22;
	v61 =	vld [tilespmem:s29+$0x9E0]  }
0x12e: {  	[tilespmem:s29+$0xCD20] =	vst v5;
	v63 =	vmul.f32 v57, v23;
	v5 =	vadd.f32 v6, v35;
	v6 =	vadd.f32 v58, v53;
	v58 =	vld [tilespmem:s29+$0x9F0]  }
0x12f: {  	[tilespmem:s29+$0xCD30] =	vst v1;
	v62 =	vmul.f32 v57, v24;
	v1 =	vadd.f32 v54, v36;
	v54 =	vadd.f32 v56, v55;
	v56 =	vld [tilespmem:s29+$0xD80]  }
0x130: {  	[tilespmem:s29+$0xCD40] =	vst v2;
	v2 =	vadd.f32 v6, v37;
	v6 =	vadd.f32 v59, v63;
	v63 =	vmul.f32 v57, v25;
	v59 =	vld [tilespmem:s29+$0xD90]  }
0x131: {  	[tilespmem:s29+$0xCD50] =	vst v3;
	v55 =	vld [tilespmem:s29+$0xDA0];
	v3 =	vadd.f32 v54, v38;
	v60 =	vadd.f32 v60, v62  }
0x132: {  	[tilespmem:s29+$0xCD60] =	vst v0;
	v53 =	vmul.f32 v57, v26;
	v0 =	vadd.f32 v6, v39;
	v6 =	vadd.f32 v61, v63  }
0x133: {  	[tilespmem:s29+$0xCD70] =	vst v4;
	v54 =	vmul.f32 v57, v27;
	v61 =	vld [tilespmem:s29+$0xDB0];
	v4 =	vadd.f32 v60, v40;
	v60 =	vmul.f32 v57, v28  }
0x134: {  	[tilespmem:s29+$0xC980] =	vst v5;
	v5 =	vadd.f32 v6, v41;
	v6 =	vadd.f32 v58, v53;
	v53 =	vmul.f32 v57, v29;
	v58 =	vld [tilespmem:s29+$0xDC0]  }
0x135: {  	[tilespmem:s29+$0xC990] =	vst v1;
	v62 =	vadd.f32 v56, v54;
	v56 =	vld [tilespmem:s29+$0xDD0];
	v63 =	vadd.f32 v59, v60  }
0x136: {  	[tilespmem:s29+$0xC9A0] =	vst v2;
	v60 =	vmul.f32 v57, v30;
	v2 =	vadd.f32 v6, v42;
	v6 =	vadd.f32 v55, v53;
	v55 =	vld [tilespmem:s29+$0xDE0]  }
0x137: {  	[tilespmem:s29+$0xC9B0] =	vst v3;
	v54 =	vmul.f32 v57, v31;
	v59 =	vld [tilespmem:s29+$0xDF0];
	v1 =	vadd.f32 v62, v43;
	v3 =	vadd.f32 v63, v44  }
0x138: {  	[tilespmem:s29+$0xC9C0] =	vst v0;
	v53 =	vmul.f32 v57, v32;
	v0 =	vadd.f32 v6, v45;
	v6 =	vadd.f32 v61, v60;
	v60 =	vld [tilespmem:s29+$0xA00]  }
0x139: {  	[tilespmem:s29+$0xC9D0] =	vst v4;
	v61 =	vld [tilespmem:s29+$0xA10];
	v4 =	vadd.f32 v58, v54;
	v54 =	vmul.f32 v57, v33;
	v58 =	vperm.xlane v52, v9  }
0x13a: {  	[tilespmem:s29+$0xC9E0] =	vst v5;
	v62 =	vmul.f32 v57, v34;
	v5 =	vadd.f32 v6, v46;
	v6 =	vadd.f32 v56, v53;
	v56 =	vld [tilespmem:s29+$0xA20]  }
0x13b: {  	[tilespmem:s29+$0xC9F0] =	vst v2;
	v2 =	vadd.f32 v4, v47;
	v4 =	vadd.f32 v55, v54;
	v63 =	vmul.f32 v58, v19;
	v55 =	vld [tilespmem:s29+$0xA30]  }
0x13c: {  	[tilespmem:s29+$0xCD80] =	vst v1;
	v57 =	vld [tilespmem:s29+$0xA40];
	v1 =	vadd.f32 v6, v48;
	v6 =	vadd.f32 v59, v62;
	v62 =	vmul.f32 v58, v20  }
0x13d: {  	[tilespmem:s29+$0xCD90] =	vst v3;
	v54 =	vmul.f32 v58, v21;
	v59 =	vld [tilespmem:s29+$0xA50];
	v3 =	vadd.f32 v4, v49;
	v4 =	vadd.f32 v63, v60  }
0x13e: {  	[tilespmem:s29+$0xCDA0] =	vst v0;
	v53 =	vmul.f32 v58, v22;
	v60 =	vld [tilespmem:s29+$0xA60];
	v0 =	vadd.f32 v6, v50;
	v6 =	vadd.f32 v61, v62  }
0x13f: {  	[tilespmem:s29+$0xCDB0] =	vst v5;
	v63 =	vmul.f32 v58, v23;
	v4 =	vadd.f32 v4, v35;
	v5 =	vadd.f32 v56, v54;
	v56 =	vld [tilespmem:s29+$0xA70]  }
0x140: {  	[tilespmem:s29+$0xCDC0] =	vst v2;
	v61 =	vmul.f32 v58, v24;
	v2 =	vadd.f32 v6, v36;
	v6 =	vadd.f32 v55, v53;
	v55 =	vld [tilespmem:s29+$0xE00]  }
0x141: {  	[tilespmem:s29+$0xCDD0] =	vst v1;
	v62 =	vmul.f32 v58, v25;
	v1 =	vadd.f32 v5, v37;
	v5 =	vadd.f32 v57, v63;
	v57 =	vld [tilespmem:s29+$0xE10]  }
0x142: {  	[tilespmem:s29+$0xCDE0] =	vst v3;
	v53 =	vld [tilespmem:s29+$0xE20];
	v3 =	vadd.f32 v6, v38;
	v6 =	vadd.f32 v59, v61  }
0x143: {  	v54 =	vmul.f32 v58, v26;
	[tilespmem:s29+$0xCDF0] =	vst v0;
	v0 =	vadd.f32 v5, v39;
	v5 =	vadd.f32 v60, v62  }
0x144: {  	[tilespmem:s29+$0xCA00] =	vst v4;
	v59 =	vmul.f32 v58, v28;
	v60 =	vld [tilespmem:s29+$0xE30];
	v4 =	vadd.f32 v6, v40;
	v6 =	vmul.f32 v58, v27  }
0x145: {  	v63 =	vmul.f32 v58, v29;
	[tilespmem:s29+$0xCA10] =	vst v2;
	v61 =	vld [tilespmem:s29+$0xE40];
	v2 =	vadd.f32 v5, v41;
	v5 =	vadd.f32 v56, v54  }
0x146: {  	[tilespmem:s29+$0xCA20] =	vst v1;
	v62 =	vadd.f32 v55, v6;
	v6 =	vadd.f32 v57, v59;
	v55 =	vld [tilespmem:s29+$0xE50]  }
0x147: {  	[tilespmem:s29+$0xCA30] =	vst v3;
	v54 =	vld [tilespmem:s29+$0xE60];
	v3 =	vadd.f32 v5, v42;
	v5 =	vadd.f32 v53, v63;
	v63 =	vmul.f32 v58, v30  }
0x148: {  	[tilespmem:s29+$0xCA40] =	vst v0;
	v56 =	vperm.xlane v52, v10;
	v57 =	vld [tilespmem:s29+$0xE70];
	v1 =	vadd.f32 v6, v44;
	v6 =	vmul.f32 v58, v31  }
0x149: {  	[tilespmem:s29+$0xCA50] =	vst v4;
	v59 =	vld [tilespmem:s29+$0xA80];
	v53 =	vmul.f32 v58, v32;
	v4 =	vadd.f32 v5, v45;
	v5 =	vadd.f32 v60, v63  }
0x14a: {  	[tilespmem:s29+$0xCA60] =	vst v2;
	v0 =	vadd.f32 v62, v43;
	v60 =	vld [tilespmem:s29+$0xA90];
	v2 =	vadd.f32 v61, v6;
	v6 =	vmul.f32 v58, v33  }
0x14b: {  	[tilespmem:s29+$0xCA70] =	vst v3;
	v58 =	vmul.f32 v58, v34;
	v3 =	vadd.f32 v5, v46;
	v5 =	vadd.f32 v55, v53;
	v55 =	vld [tilespmem:s29+$0xAA0]  }
0x14c: {  	[tilespmem:s29+$0xCE00] =	vst v0;
	v0 =	vadd.f32 v2, v47;
	v61 =	vadd.f32 v54, v6;
	v6 =	vmul.f32 v56, v19;
	v54 =	vld [tilespmem:s29+$0xAB0]  }
0x14d: {  	v63 =	vmul.f32 v56, v20;
	[tilespmem:s29+$0xCE10] =	vst v1;
	v62 =	vadd.f32 v5, v48;
	v5 =	vadd.f32 v57, v58;
	v57 =	vld [tilespmem:s29+$0xAC0]  }
0x14e: {  	[tilespmem:s29+$0xCE20] =	vst v4;
	v58 =	vld [tilespmem:s29+$0xAD0];
	v2 =	vadd.f32 v61, v49;
	v4 =	vadd.f32 v6, v59;
	v6 =	vmul.f32 v56, v21  }
0x14f: {  	[tilespmem:s29+$0xCE30] =	vst v3;
	v59 =	vld [tilespmem:s29+$0xAE0];
	v3 =	vadd.f32 v5, v50;
	v5 =	vadd.f32 v60, v63;
	v60 =	vmul.f32 v56, v22  }
0x150: {  	[tilespmem:s29+$0xCE40] =	vst v0;
	v61 =	vadd.f32 v4, v35;
	v4 =	vadd.f32 v55, v6;
	v6 =	vmul.f32 v56, v23;
	v55 =	vld [tilespmem:s29+$0xAF0]  }
0x151: {  	[tilespmem:s29+$0xCE50] =	vst v62;
	v63 =	vmul.f32 v56, v24;
	v62 =	vadd.f32 v5, v36;
	v5 =	vadd.f32 v54, v60;
	v54 =	vld [tilespmem:s29+$0xE80]  }
0x152: {  	[tilespmem:s29+$0xCE60] =	vst v2;
	v60 =	vadd.f32 v4, v37;
	v4 =	vadd.f32 v57, v6;
	v6 =	vmul.f32 v56, v25;
	v57 =	vld [tilespmem:s29+$0xE90]  }
0x153: {  	v53 =	vld [tilespmem:s29+$0xEA0];
	[tilespmem:s29+$0xCE70] =	vst v3;
	v3 =	vadd.f32 v5, v38;
	v5 =	vadd.f32 v58, v63  }
0x154: {  	[tilespmem:s29+$0xCA80] =	vst v61;
	v61 =	vadd.f32 v4, v39;
	v4 =	vadd.f32 v59, v6;
	v6 =	vmul.f32 v56, v26  }
0x155: {  	[tilespmem:s29+$0xCA90] =	vst v62;
	v62 =	vmul.f32 v56, v28;
	v59 =	vld [tilespmem:s29+$0xEB0];
	v1 =	vadd.f32 v5, v40;
	v5 =	vmul.f32 v56, v27  }
0x156: {  	[tilespmem:s29+$0xCAA0] =	vst v60;
	v60 =	vld [tilespmem:s29+$0xEC0];
	v63 =	vadd.f32 v4, v41;
	v4 =	vadd.f32 v55, v6;
	v6 =	vmul.f32 v56, v29  }
0x157: {  	[tilespmem:s29+$0xCAB0] =	vst v3;
	v3 =	vadd.f32 v54, v5;
	v5 =	vadd.f32 v57, v62;
	v54 =	vld [tilespmem:s29+$0xED0]  }
0x158: {  	[tilespmem:s29+$0xCAC0] =	vst v61;
	v61 =	vadd.f32 v4, v42;
	v4 =	vadd.f32 v53, v6;
	v6 =	vmul.f32 v56, v30;
	v53 =	vld [tilespmem:s29+$0xEE0]  }
0x159: {  	[tilespmem:s29+$0xCAD0] =	vst v1;
	v57 =	vld [tilespmem:s29+$0xEF0];
	v62 =	vadd.f32 v3, v43;
	v3 =	vadd.f32 v5, v44;
	v5 =	vmul.f32 v56, v31  }
0x15a: {  	v58 =	vld [tilespmem:s29+$0xB00];
	[tilespmem:s29+$0xCAE0] =	vst v63;
	v63 =	vadd.f32 v4, v45;
	v4 =	vadd.f32 v59, v6;
	v6 =	vmul.f32 v56, v32  }
0x15b: {  	v55 =	vperm.xlane v52, v11;
	[tilespmem:s29+$0xCAF0] =	vst v61;
	v59 =	vld [tilespmem:s29+$0xB10];
	v60 =	vadd.f32 v60, v5;
	v5 =	vmul.f32 v56, v33  }
0x15c: {  	[tilespmem:s29+$0xCE80] =	vst v62;
	v61 =	vadd.f32 v4, v46;
	v4 =	vadd.f32 v54, v6;
	v6 =	vmul.f32 v56, v34;
	v54 =	vld [tilespmem:s29+$0xB20]  }
0x15d: {  	[tilespmem:s29+$0xCE90] =	vst v3;
	v0 =	vadd.f32 v60, v47;
	v3 =	vadd.f32 v53, v5;
	v5 =	vmul.f32 v55, v19;
	v53 =	vld [tilespmem:s29+$0xB30]  }
0x15e: {  	[tilespmem:s29+$0xCEA0] =	vst v63;
	v56 =	vld [tilespmem:s29+$0xB40];
	v62 =	vadd.f32 v4, v48;
	v4 =	vadd.f32 v57, v6;
	v6 =	vmul.f32 v55, v20  }
0x15f: {  	[tilespmem:s29+$0xCEB0] =	vst v61;
	v57 =	vld [tilespmem:s29+$0xB50];
	v63 =	vadd.f32 v3, v49;
	v3 =	vadd.f32 v5, v58;
	v5 =	vmul.f32 v55, v21  }
0x160: {  	[tilespmem:s29+$0xCEC0] =	vst v0;
	v58 =	vld [tilespmem:s29+$0xB60];
	v60 =	vadd.f32 v4, v50;
	v4 =	vadd.f32 v59, v6;
	v6 =	vmul.f32 v55, v22  }
0x161: {  	[tilespmem:s29+$0xCED0] =	vst v62;
	v61 =	vadd.f32 v3, v35;
	v3 =	vadd.f32 v54, v5;
	v5 =	vmul.f32 v55, v23;
	v54 =	vld [tilespmem:s29+$0xB70]  }
0x162: {  	[tilespmem:s29+$0xCEE0] =	vst v63;
	v62 =	vadd.f32 v4, v36;
	v4 =	vadd.f32 v53, v6;
	v6 =	vmul.f32 v55, v24;
	v53 =	vld [tilespmem:s29+$0xF00]  }
0x163: {  	[tilespmem:s29+$0xCEF0] =	vst v60;
	v63 =	vadd.f32 v3, v37;
	v3 =	vadd.f32 v56, v5;
	v5 =	vmul.f32 v55, v25;
	v56 =	vld [tilespmem:s29+$0xF10]  }
0x164: {  	[tilespmem:s29+$0xCB00] =	vst v61;
	v60 =	vadd.f32 v4, v38;
	v4 =	vadd.f32 v57, v6;
	v6 =	vld [tilespmem:s29+$0xF20]  }
0x165: {  	[tilespmem:s29+$0xCB10] =	vst v62;
	v61 =	vadd.f32 v3, v39;
	v3 =	vadd.f32 v58, v5;
	v5 =	vmul.f32 v55, v26  }
0x166: {  	[tilespmem:s29+$0xCB20] =	vst v63;
	v63 =	vmul.f32 v55, v28;
	v58 =	vld [tilespmem:s29+$0xF30];
	v62 =	vadd.f32 v4, v40;
	v4 =	vmul.f32 v55, v27  }
0x167: {  	[tilespmem:s29+$0xCB30] =	vst v60;
	v60 =	vadd.f32 v3, v41;
	v3 =	vadd.f32 v54, v5;
	v5 =	vmul.f32 v55, v29;
	v54 =	vld [tilespmem:s29+$0xF40]  }
0x168: {  	[tilespmem:s29+$0xCB40] =	vst v61;
	v61 =	vadd.f32 v53, v4;
	v4 =	vadd.f32 v56, v63;
	v53 =	vld [tilespmem:s29+$0xF50]  }
0x169: {  	[tilespmem:s29+$0xCB50] =	vst v62;
	v62 =	vadd.f32 v3, v42;
	v3 =	vadd.f32 v6, v5;
	v5 =	vmul.f32 v55, v30;
	v6 =	vld [tilespmem:s29+$0xF60]  }
0x16a: {  	v56 =	vld [tilespmem:s29+$0xF70];
	[tilespmem:s29+$0xCB60] =	vst v60;
	v1 =	vadd.f32 v61, v43;
	v63 =	vadd.f32 v4, v44;
	v4 =	vmul.f32 v55, v31  }
0x16b: {  	v57 =	vld [tilespmem:s29+$0xB80];
	[tilespmem:s29+$0xCB70] =	vst v62;
	v60 =	vadd.f32 v3, v45;
	v3 =	vadd.f32 v58, v5;
	v5 =	vmul.f32 v55, v32  }
0x16c: {  	v58 =	vld [tilespmem:s29+$0xB90];
	[tilespmem:s29+$0xCF00] =	vst v1;
	v61 =	vadd.f32 v54, v4;
	v4 =	vmul.f32 v55, v33;
	v54 =	vperm.xlane v52, v12  }
0x16d: {  	[tilespmem:s29+$0xCF10] =	vst v63;
	v62 =	vadd.f32 v3, v46;
	v3 =	vadd.f32 v53, v5;
	v5 =	vmul.f32 v55, v34;
	v53 =	vld [tilespmem:s29+$0xBA0]  }
0x16e: {  	[tilespmem:s29+$0xCF20] =	vst v60;
	v63 =	vadd.f32 v61, v47;
	v59 =	vadd.f32 v6, v4;
	v4 =	vmul.f32 v54, v19;
	v6 =	vld [tilespmem:s29+$0xBB0]  }
0x16f: {  	v55 =	vld [tilespmem:s29+$0xBC0];
	[tilespmem:s29+$0xCF30] =	vst v62;
	v60 =	vadd.f32 v3, v48;
	v3 =	vadd.f32 v56, v5;
	v5 =	vmul.f32 v54, v20  }
0x170: {  	v56 =	vld [tilespmem:s29+$0xBD0];
	[tilespmem:s29+$0xCF40] =	vst v63;
	v61 =	vadd.f32 v59, v49;
	v62 =	vadd.f32 v4, v57;
	v4 =	vmul.f32 v54, v21  }
0x171: {  	v57 =	vld [tilespmem:s29+$0xBE0];
	[tilespmem:s29+$0xCF50] =	vst v60;
	v63 =	vadd.f32 v3, v50;
	v3 =	vadd.f32 v58, v5;
	v5 =	vmul.f32 v54, v22  }
0x172: {  	[tilespmem:s29+$0xCF60] =	vst v61;
	v60 =	vadd.f32 v62, v35;
	v61 =	vadd.f32 v53, v4;
	v4 =	vmul.f32 v54, v23;
	v53 =	vld [tilespmem:s29+$0xBF0]  }
0x173: {  	[tilespmem:s29+$0xCF70] =	vst v63;
	v62 =	vadd.f32 v3, v36;
	v3 =	vadd.f32 v6, v5;
	v5 =	vmul.f32 v54, v24;
	v6 =	vld [tilespmem:s29+$0xF80]  }
0x174: {  	[tilespmem:s29+$0xCB80] =	vst v60;
	v63 =	vadd.f32 v61, v37;
	v60 =	vadd.f32 v55, v4;
	v4 =	vmul.f32 v54, v25;
	v55 =	vld [tilespmem:s29+$0xF90]  }
0x175: {  	[tilespmem:s29+$0xCB90] =	vst v62;
	v61 =	vadd.f32 v3, v38;
	v3 =	vadd.f32 v56, v5;
	v5 =	vmul.f32 v54, v26;
	v56 =	vld [tilespmem:s29+$0xFA0]  }
0x176: {  	[tilespmem:s29+$0xCBA0] =	vst v63;
	v62 =	vadd.f32 v60, v39;
	v63 =	vadd.f32 v57, v4;
	v4 =	vmul.f32 v54, v27;
	v57 =	vld [tilespmem:s29+$0xFB0]  }
0x177: {  	[tilespmem:s29+$0xCBB0] =	vst v61;
	v58 =	vadd.f32 v3, v40;
	v3 =	vadd.f32 v53, v5;
	v5 =	vmul.f32 v54, v28;
	v53 =	vld [tilespmem:s29+$0xFC0]  }
0x178: {  	[tilespmem:s29+$0xCBC0] =	vst v62;
	v59 =	vadd.f32 v63, v41;
	v60 =	vadd.f32 v6, v4;
	v4 =	vmul.f32 v54, v29;
	v6 =	vld [tilespmem:s29+$0xFD0]  }
0x179: {  	[tilespmem:s29+$0xCBD0] =	vst v58;
	v61 =	vadd.f32 v3, v42;
	v3 =	vadd.f32 v55, v5;
	v5 =	vmul.f32 v54, v30;
	v55 =	vld [tilespmem:s29+$0xFE0]  }
0x17a: {  	[tilespmem:s29+$0xCBE0] =	vst v59;
	v62 =	vadd.f32 v60, v43;
	v63 =	vadd.f32 v56, v4;
	v4 =	vmul.f32 v54, v31;
	v60 =	vld [tilespmem:s29+$0xFF0]  }
0x17b: {  	[tilespmem:s29+$0xCBF0] =	vst v61;
	v61 =	vadd.f32 v3, v44;
	v3 =	vadd.f32 v57, v5;
	v5 =	vmul.f32 v54, v32  }
0x17c: {  	[tilespmem:s29+$0xCF80] =	vst v62;
	v62 =	vadd.f32 v63, v45;
	v63 =	vadd.f32 v53, v4;
	v4 =	vmul.f32 v54, v33  }
0x17d: {  	[tilespmem:s29+$0xCF90] =	vst v61;
	v53 =	vadd.f32 v3, v46;
	v3 =	vadd.f32 v6, v5;
	v5 =	vmul.f32 v54, v34  }
0x17e: {  	[tilespmem:s29+$0xCFA0] =	vst v62;
	v54 =	vadd.f32 v63, v47;
	v57 =	vadd.f32 v55, v4  }
0x17f: {  	[tilespmem:s29+$0xCFB0] =	vst v53;
	v58 =	vadd.f32 v3, v48;
	v3 =	vadd.f32 v60, v5  }
0x180: {  	[tilespmem:s29+$0xCFC0] =	vst v54;
	v59 =	vadd.f32 v57, v49  }
0x181: {  	[tilespmem:s29+$0xCFD0] =	vst v58;
	v60 =	vadd.f32 v3, v50  }
0x182: {  	[tilespmem:s29+$0xCFE0] =	vst v59  }
0x183: {  	s28 =	sor.u32 s25, s28;
	[tilespmem:s29+$0xCFF0] =	vst v60  }
0x184: {  	v0 =	vld [tilespmem:s28+$0x800]  }
0x185: {  	v2 =	vld [tilespmem:s28+$0x810]  }
0x186: {  	v3 =	vld [tilespmem:s28+$0x820]  }
0x187: {  	v63 =	vld [tilespmem:s28+$0x860]  }
0x188: {  	v1 =	vperm.xlane v52, v13;
	v56 =	vld [tilespmem:s28+$0x870]  }
0x189: {  	v57 =	vld [tilespmem:s28+$0xC00]  }
0x18a: {  	v6 =	vmul.f32 v1, v20;
	v4 =	vmul.f32 v1, v19;
	v5 =	vld [tilespmem:s28+$0x830]  }
0x18b: {  	v55 =	vmul.f32 v1, v26;
	v60 =	vmul.f32 v1, v25;
	v61 =	vld [tilespmem:s28+$0x840]  }
0x18c: {  	v59 =	vmul.f32 v1, v27;
	v58 =	vld [tilespmem:s28+$0xC10];
	v0 =	vadd.f32 v4, v0;
	v4 =	vmul.f32 v1, v21  }
0x18d: {  	v62 =	vld [tilespmem:s28+$0x850];
	v2 =	vadd.f32 v2, v6;
	v6 =	vmul.f32 v1, v22;
	v53 =	vadd.f32 v63, v60  }
0x18e: {  	v54 =	vld [tilespmem:s28+$0xC20];
	v60 =	vmul.f32 v1, v28;
	v55 =	vadd.f32 v56, v55;
	v57 =	vadd.f32 v57, v59  }
0x18f: {  	v56 =	vmul.f32 v1, v29;
	v0 =	vadd.f32 v0, v35;
	v3 =	vadd.f32 v3, v4  }
0x190: {  	v4 =	vmul.f32 v1, v23;
	v2 =	vadd.f32 v2, v36;
	v5 =	vadd.f32 v5, v6  }
0x191: {  	v6 =	vmul.f32 v1, v24;
	v53 =	vadd.f32 v53, v41;
	v58 =	vadd.f32 v58, v60  }
0x192: {  	v55 =	vadd.f32 v55, v42;
	v4 =	vadd.f32 v61, v4;
	v61 =	vld [tilespmem:s28+$0xC30]  }
0x193: {  	v54 =	vadd.f32 v54, v56;
	v6 =	vadd.f32 v62, v6;
	v62 =	vld [tilespmem:s28+$0xC40]  }
0x194: {  	v59 =	vld [tilespmem:s28+$0xC50];
	v3 =	vadd.f32 v3, v37;
	v5 =	vadd.f32 v5, v38  }
0x195: {  	v56 =	vmul.f32 v1, v30;
	v60 =	vld [tilespmem:s28+$0xC60];
	[tilespmem:s28+$0xC800] =	vst v0;
	v0 =	vadd.f32 v57, v43;
	v57 =	vadd.f32 v58, v44  }
0x196: {  	v63 =	vld [tilespmem:s28+$0xC70];
	v58 =	vmul.f32 v1, v31;
	[tilespmem:s28+$0xC810] =	vst v2;
	v2 =	vadd.f32 v54, v45;
	v4 =	vadd.f32 v4, v39  }
0x197: {  	v6 =	vadd.f32 v6, v40;
	v54 =	vadd.f32 v61, v56;
	v56 =	vmul.f32 v1, v32;
	v61 =	vld [tilespmem:s28+$0x880]  }
0x198: {  	v7 =	vld [tilespmem:s28+$0x890];
	[tilespmem:s28+$0xC820] =	vst v3;
	v3 =	vadd.f32 v62, v58;
	v58 =	vmul.f32 v1, v33;
	v62 =	vperm.xlane v52, v14  }
0x199: {  	[tilespmem:s28+$0xC830] =	vst v5;
	v1 =	vmul.f32 v1, v34;
	v5 =	vadd.f32 v54, v46;
	v54 =	vadd.f32 v59, v56;
	v56 =	vld [tilespmem:s28+$0x8A0]  }
0x19a: {  	[tilespmem:s28+$0xC840] =	vst v4;
	v3 =	vadd.f32 v3, v47;
	v4 =	vadd.f32 v60, v58;
	v58 =	vmul.f32 v62, v19;
	v59 =	vld [tilespmem:s28+$0x8B0]  }
0x19b: {  	[tilespmem:s28+$0xC850] =	vst v6;
	v1 =	vadd.f32 v63, v1;
	v60 =	vld [tilespmem:s28+$0x8C0];
	v6 =	vadd.f32 v54, v48;
	v54 =	vmul.f32 v62, v20  }
0x19c: {  	[tilespmem:s28+$0xC860] =	vst v53;
	v4 =	vadd.f32 v4, v49;
	v53 =	vadd.f32 v58, v61;
	v58 =	vmul.f32 v62, v21;
	v61 =	vld [tilespmem:s28+$0x8D0]  }
0x19d: {  	[tilespmem:s28+$0xC870] =	vst v55;
	v55 =	vld [tilespmem:s28+$0x8E0];
	v1 =	vadd.f32 v1, v50;
	v7 =	vadd.f32 v7, v54;
	v54 =	vmul.f32 v62, v22  }
0x19e: {  	[tilespmem:s28+$0xCC00] =	vst v0;
	v0 =	vadd.f32 v53, v35;
	v53 =	vadd.f32 v56, v58;
	v56 =	vmul.f32 v62, v23;
	v58 =	vld [tilespmem:s28+$0x8F0]  }
0x19f: {  	[tilespmem:s28+$0xCC10] =	vst v57;
	v57 =	vmul.f32 v62, v24;
	v7 =	vadd.f32 v7, v36;
	v54 =	vadd.f32 v59, v54;
	v59 =	vld [tilespmem:s28+$0xC80]  }
0x1a0: {  	[tilespmem:s28+$0xCC20] =	vst v2;
	v2 =	vadd.f32 v53, v37;
	v53 =	vadd.f32 v60, v56;
	v56 =	vmul.f32 v62, v25;
	v60 =	vld [tilespmem:s28+$0xC90]  }
0x1a1: {  	[tilespmem:s28+$0xCC30] =	vst v5;
	v5 =	vadd.f32 v54, v38;
	v61 =	vadd.f32 v61, v57;
	v57 =	vld [tilespmem:s28+$0xCA0]  }
0x1a2: {  	[tilespmem:s28+$0xCC40] =	vst v3;
	v3 =	vadd.f32 v53, v39;
	v53 =	vadd.f32 v55, v56;
	v55 =	vmul.f32 v62, v26  }
0x1a3: {  	[tilespmem:s28+$0xCC50] =	vst v6;
	v54 =	vmul.f32 v62, v27;
	v56 =	vmul.f32 v62, v28;
	v6 =	vadd.f32 v61, v40;
	v61 =	vld [tilespmem:s28+$0xCB0]  }
0x1a4: {  	[tilespmem:s28+$0xCC60] =	vst v4;
	v4 =	vadd.f32 v53, v41;
	v53 =	vadd.f32 v58, v55;
	v55 =	vmul.f32 v62, v29;
	v58 =	vld [tilespmem:s28+$0xCC0]  }
0x1a5: {  	v63 =	vimm.s32 $0xA;
	[tilespmem:s28+$0xCC70] =	vst v1;
	v1 =	vadd.f32 v59, v54;
	v54 =	vadd.f32 v60, v56;
	v56 =	vld [tilespmem:s28+$0xCD0]  }
0x1a6: {  	[tilespmem:s28+$0xC880] =	vst v0;
	v60 =	vmul.f32 v62, v30;
	v0 =	vadd.f32 v53, v42;
	v53 =	vadd.f32 v57, v55;
	v57 =	vld [tilespmem:s28+$0xCE0]  }
0x1a7: {  	[tilespmem:s28+$0xC890] =	vst v7;
	v59 =	vld [tilespmem:s28+$0xCF0];
	v1 =	vadd.f32 v1, v43;
	v7 =	vadd.f32 v54, v44;
	v54 =	vmul.f32 v62, v31  }
0x1a8: {  	[tilespmem:s28+$0xC8A0] =	vst v2;
	v55 =	vmul.f32 v62, v32;
	v2 =	vadd.f32 v53, v45;
	v53 =	vadd.f32 v61, v60;
	v60 =	vld [tilespmem:s28+$0x900]  }
0x1a9: {  	[tilespmem:s28+$0xC8B0] =	vst v5;
	v61 =	vld [tilespmem:s28+$0x910];
	v5 =	vadd.f32 v58, v54;
	v54 =	vmul.f32 v62, v33;
	v58 =	vperm.xlane v52, v63  }
0x1aa: {  	[tilespmem:s28+$0xC8C0] =	vst v3;
	v3 =	vadd.f32 v53, v46;
	v53 =	vadd.f32 v56, v55;
	v55 =	vmul.f32 v62, v34;
	v56 =	vld [tilespmem:s28+$0x920]  }
0x1ab: {  	[tilespmem:s28+$0xC8D0] =	vst v6;
	v5 =	vadd.f32 v5, v47;
	v6 =	vadd.f32 v57, v54;
	v63 =	vmul.f32 v58, v19;
	v57 =	vld [tilespmem:s28+$0x930]  }
0x1ac: {  	[tilespmem:s28+$0xC8E0] =	vst v4;
	v4 =	vadd.f32 v53, v48;
	v53 =	vadd.f32 v59, v55;
	v55 =	vmul.f32 v58, v20;
	v59 =	vld [tilespmem:s28+$0x940]  }
0x1ad: {  	[tilespmem:s28+$0xC8F0] =	vst v0;
	v54 =	vmul.f32 v58, v21;
	v0 =	vadd.f32 v6, v49;
	v6 =	vadd.f32 v63, v60;
	v60 =	vld [tilespmem:s28+$0x950]  }
0x1ae: {  	[tilespmem:s28+$0xCC80] =	vst v1;
	v1 =	vadd.f32 v53, v50;
	v53 =	vadd.f32 v61, v55;
	v55 =	vmul.f32 v58, v22;
	v61 =	vld [tilespmem:s28+$0x960]  }
0x1af: {  	[tilespmem:s28+$0xCC90] =	vst v7;
	v63 =	vmul.f32 v58, v23;
	v6 =	vadd.f32 v6, v35;
	v7 =	vadd.f32 v56, v54;
	v56 =	vld [tilespmem:s28+$0x970]  }
0x1b0: {  	[tilespmem:s28+$0xCCA0] =	vst v2;
	v2 =	vadd.f32 v53, v36;
	v53 =	vadd.f32 v57, v55;
	v55 =	vmul.f32 v58, v24;
	v57 =	vld [tilespmem:s28+$0xD00]  }
0x1b1: {  	[tilespmem:s28+$0xCCB0] =	vst v3;
	v3 =	vadd.f32 v7, v37;
	v7 =	vadd.f32 v59, v63;
	v63 =	vmul.f32 v58, v25;
	v59 =	vld [tilespmem:s28+$0xD10]  }
0x1b2: {  	[tilespmem:s28+$0xCCC0] =	vst v5;
	v5 =	vadd.f32 v53, v38;
	v60 =	vadd.f32 v60, v55;
	v55 =	vld [tilespmem:s28+$0xD20]  }
0x1b3: {  	[tilespmem:s28+$0xCCD0] =	vst v4;
	v54 =	vmul.f32 v58, v26;
	v4 =	vadd.f32 v7, v39;
	v7 =	vadd.f32 v61, v63  }
0x1b4: {  	[tilespmem:s28+$0xCCE0] =	vst v0;
	v53 =	vmul.f32 v58, v27;
	v61 =	vld [tilespmem:s28+$0xD30];
	v0 =	vadd.f32 v60, v40;
	v60 =	vmul.f32 v58, v28  }
0x1b5: {  	[tilespmem:s28+$0xCCF0] =	vst v1;
	v1 =	vadd.f32 v7, v41;
	v7 =	vadd.f32 v56, v54;
	v54 =	vmul.f32 v58, v29;
	v56 =	vld [tilespmem:s28+$0xD40]  }
0x1b6: {  	v62 =	vimm.s32 $0xB;
	[tilespmem:s28+$0xC900] =	vst v6;
	v6 =	vadd.f32 v57, v53;
	v57 =	vld [tilespmem:s28+$0xD50];
	v63 =	vadd.f32 v59, v60  }
0x1b7: {  	[tilespmem:s28+$0xC910] =	vst v2;
	v60 =	vmul.f32 v58, v30;
	v2 =	vadd.f32 v7, v42;
	v7 =	vadd.f32 v55, v54;
	v55 =	vld [tilespmem:s28+$0xD60]  }
0x1b8: {  	[tilespmem:s28+$0xC920] =	vst v3;
	v53 =	vmul.f32 v58, v31;
	v59 =	vld [tilespmem:s28+$0xD70];
	v3 =	vadd.f32 v6, v43;
	v6 =	vadd.f32 v63, v44  }
0x1b9: {  	[tilespmem:s28+$0xC930] =	vst v5;
	v54 =	vmul.f32 v58, v32;
	v5 =	vadd.f32 v7, v45;
	v7 =	vadd.f32 v61, v60;
	v60 =	vld [tilespmem:s28+$0x980]  }
0x1ba: {  	[tilespmem:s28+$0xC940] =	vst v4;
	v61 =	vld [tilespmem:s28+$0x990];
	v4 =	vadd.f32 v56, v53;
	v53 =	vmul.f32 v58, v33;
	v56 =	vperm.xlane v52, v62  }
0x1bb: {  	[tilespmem:s28+$0xC950] =	vst v0;
	v62 =	vmul.f32 v58, v34;
	v0 =	vadd.f32 v7, v46;
	v7 =	vadd.f32 v57, v54;
	v57 =	vld [tilespmem:s28+$0x9A0]  }
0x1bc: {  	[tilespmem:s28+$0xC960] =	vst v1;
	v1 =	vadd.f32 v4, v47;
	v4 =	vadd.f32 v55, v53;
	v63 =	vmul.f32 v56, v19;
	v55 =	vld [tilespmem:s28+$0x9B0]  }
0x1bd: {  	[tilespmem:s28+$0xC970] =	vst v2;
	v58 =	vld [tilespmem:s28+$0x9C0];
	v2 =	vadd.f32 v7, v48;
	v7 =	vadd.f32 v59, v62;
	v62 =	vmul.f32 v56, v20  }
0x1be: {  	[tilespmem:s28+$0xCD00] =	vst v3;
	v53 =	vmul.f32 v56, v21;
	v59 =	vld [tilespmem:s28+$0x9D0];
	v3 =	vadd.f32 v4, v49;
	v4 =	vadd.f32 v63, v60  }
0x1bf: {  	[tilespmem:s28+$0xCD10] =	vst v6;
	v54 =	vmul.f32 v56, v22;
	v60 =	vld [tilespmem:s28+$0x9E0];
	v6 =	vadd.f32 v7, v50;
	v7 =	vadd.f32 v61, v62  }
0x1c0: {  	[tilespmem:s28+$0xCD20] =	vst v5;
	v63 =	vmul.f32 v56, v23;
	v4 =	vadd.f32 v4, v35;
	v5 =	vadd.f32 v57, v53;
	v57 =	vld [tilespmem:s28+$0x9F0]  }
0x1c1: {  	[tilespmem:s28+$0xCD30] =	vst v0;
	v61 =	vmul.f32 v56, v24;
	v0 =	vadd.f32 v7, v36;
	v7 =	vadd.f32 v55, v54;
	v55 =	vld [tilespmem:s28+$0xD80]  }
0x1c2: {  	[tilespmem:s28+$0xCD40] =	vst v1;
	v62 =	vmul.f32 v56, v25;
	v1 =	vadd.f32 v5, v37;
	v5 =	vadd.f32 v58, v63;
	v58 =	vld [tilespmem:s28+$0xD90]  }
0x1c3: {  	[tilespmem:s28+$0xCD50] =	vst v2;
	v54 =	vld [tilespmem:s28+$0xDA0];
	v2 =	vadd.f32 v7, v38;
	v7 =	vadd.f32 v59, v61  }
0x1c4: {  	[tilespmem:s28+$0xCD60] =	vst v3;
	v53 =	vmul.f32 v56, v26;
	v3 =	vadd.f32 v5, v39;
	v5 =	vadd.f32 v60, v62  }
0x1c5: {  	[tilespmem:s28+$0xCD70] =	vst v6;
	v59 =	vmul.f32 v56, v28;
	v60 =	vld [tilespmem:s28+$0xDB0];
	v6 =	vadd.f32 v7, v40;
	v7 =	vmul.f32 v56, v27  }
0x1c6: {  	[tilespmem:s28+$0xC980] =	vst v4;
	v63 =	vmul.f32 v56, v29;
	v61 =	vld [tilespmem:s28+$0xDC0];
	v4 =	vadd.f32 v5, v41;
	v5 =	vadd.f32 v57, v53  }
0x1c7: {  	[tilespmem:s28+$0xC990] =	vst v0;
	v62 =	vadd.f32 v55, v7;
	v7 =	vadd.f32 v58, v59;
	v55 =	vld [tilespmem:s28+$0xDD0]  }
0x1c8: {  	[tilespmem:s28+$0xC9A0] =	vst v1;
	v1 =	vadd.f32 v5, v42;
	v5 =	vadd.f32 v54, v63;
	v63 =	vmul.f32 v56, v30;
	v54 =	vld [tilespmem:s28+$0xDE0]  }
0x1c9: {  	[tilespmem:s28+$0xC9B0] =	vst v2;
	v53 =	vmul.f32 v56, v32;
	v58 =	vld [tilespmem:s28+$0xDF0];
	v2 =	vadd.f32 v7, v44;
	v7 =	vmul.f32 v56, v31  }
0x1ca: {  	[tilespmem:s28+$0xC9C0] =	vst v3;
	v57 =	vperm.xlane v52, v15;
	v59 =	vld [tilespmem:s28+$0xA00];
	v3 =	vadd.f32 v5, v45;
	v5 =	vadd.f32 v60, v63  }
0x1cb: {  	[tilespmem:s28+$0xC9D0] =	vst v6;
	v0 =	vadd.f32 v62, v43;
	v60 =	vld [tilespmem:s28+$0xA10];
	v6 =	vadd.f32 v61, v7;
	v7 =	vmul.f32 v56, v33  }
0x1cc: {  	[tilespmem:s28+$0xC9E0] =	vst v4;
	v61 =	vmul.f32 v56, v34;
	v4 =	vadd.f32 v5, v46;
	v5 =	vadd.f32 v55, v53;
	v55 =	vld [tilespmem:s28+$0xA20]  }
0x1cd: {  	v62 =	vld [tilespmem:s28+$0xA30];
	[tilespmem:s28+$0xC9F0] =	vst v1;
	v1 =	vadd.f32 v6, v47;
	v6 =	vadd.f32 v54, v7;
	v7 =	vmul.f32 v57, v19  }
0x1ce: {  	v63 =	vmul.f32 v57, v20;
	[tilespmem:s28+$0xCD80] =	vst v0;
	v56 =	vld [tilespmem:s28+$0xA40];
	v0 =	vadd.f32 v5, v48;
	v5 =	vadd.f32 v58, v61  }
0x1cf: {  	[tilespmem:s28+$0xCD90] =	vst v2;
	v58 =	vld [tilespmem:s28+$0xA50];
	v2 =	vadd.f32 v6, v49;
	v6 =	vadd.f32 v7, v59;
	v7 =	vmul.f32 v57, v21  }
0x1d0: {  	[tilespmem:s28+$0xCDA0] =	vst v3;
	v61 =	vld [tilespmem:s28+$0xA60];
	v3 =	vadd.f32 v5, v50;
	v5 =	vadd.f32 v60, v63;
	v60 =	vmul.f32 v57, v22  }
0x1d1: {  	v54 =	vld [tilespmem:s28+$0xE00];
	[tilespmem:s28+$0xCDB0] =	vst v4;
	v4 =	vadd.f32 v6, v35;
	v6 =	vadd.f32 v55, v7;
	v7 =	vmul.f32 v57, v23  }
0x1d2: {  	[tilespmem:s28+$0xCDC0] =	vst v1;
	v55 =	vld [tilespmem:s28+$0xA70];
	v1 =	vadd.f32 v5, v36;
	v5 =	vadd.f32 v62, v60;
	v62 =	vmul.f32 v57, v24  }
0x1d3: {  	[tilespmem:s28+$0xCDD0] =	vst v0;
	v63 =	vadd.f32 v6, v37;
	v6 =	vadd.f32 v56, v7;
	v7 =	vmul.f32 v57, v25;
	v56 =	vld [tilespmem:s28+$0xE10]  }
0x1d4: {  	v53 =	vld [tilespmem:s28+$0xE20];
	[tilespmem:s28+$0xCDE0] =	vst v2;
	v60 =	vadd.f32 v5, v38;
	v5 =	vadd.f32 v58, v62  }
0x1d5: {  	[tilespmem:s28+$0xCDF0] =	vst v3;
	v3 =	vadd.f32 v6, v39;
	v6 =	vadd.f32 v61, v7;
	v7 =	vmul.f32 v57, v26  }
0x1d6: {  	v59 =	vld [tilespmem:s28+$0xE30];
	[tilespmem:s28+$0xCA00] =	vst v4;
	v61 =	vmul.f32 v57, v28;
	v4 =	vadd.f32 v5, v40;
	v5 =	vmul.f32 v57, v27  }
0x1d7: {  	[tilespmem:s28+$0xCA10] =	vst v1;
	v62 =	vld [tilespmem:s28+$0xE40];
	v1 =	vadd.f32 v6, v41;
	v6 =	vadd.f32 v55, v7;
	v7 =	vmul.f32 v57, v29  }
0x1d8: {  	[tilespmem:s28+$0xCA20] =	vst v63;
	v63 =	vadd.f32 v54, v5;
	v5 =	vadd.f32 v56, v61;
	v54 =	vld [tilespmem:s28+$0xE50]  }
0x1d9: {  	[tilespmem:s28+$0xCA30] =	vst v60;
	v61 =	vld [tilespmem:s28+$0xE60];
	v60 =	vadd.f32 v6, v42;
	v6 =	vadd.f32 v53, v7;
	v7 =	vmul.f32 v57, v30  }
0x1da: {  	[tilespmem:s28+$0xCA40] =	vst v3;
	v55 =	vperm.xlane v52, v16;
	v56 =	vld [tilespmem:s28+$0xE70];
	v3 =	vadd.f32 v5, v44;
	v5 =	vmul.f32 v57, v31  }
0x1db: {  	v58 =	vld [tilespmem:s28+$0xA80];
	[tilespmem:s28+$0xCA50] =	vst v4;
	v4 =	vadd.f32 v6, v45;
	v6 =	vadd.f32 v59, v7;
	v7 =	vmul.f32 v57, v32  }
0x1dc: {  	[tilespmem:s28+$0xCA60] =	vst v1;
	v0 =	vadd.f32 v63, v43;
	v59 =	vld [tilespmem:s28+$0xA90];
	v62 =	vadd.f32 v62, v5;
	v5 =	vmul.f32 v57, v33  }
0x1dd: {  	[tilespmem:s28+$0xCA70] =	vst v60;
	v63 =	vadd.f32 v6, v46;
	v6 =	vadd.f32 v54, v7;
	v7 =	vmul.f32 v57, v34;
	v54 =	vld [tilespmem:s28+$0xAA0]  }
0x1de: {  	[tilespmem:s28+$0xCE00] =	vst v0;
	v0 =	vadd.f32 v62, v47;
	v60 =	vadd.f32 v61, v5;
	v5 =	vmul.f32 v55, v19;
	v61 =	vld [tilespmem:s28+$0xAB0]  }
0x1df: {  	[tilespmem:s28+$0xCE10] =	vst v3;
	v3 =	vadd.f32 v6, v48;
	v6 =	vadd.f32 v56, v7;
	v7 =	vmul.f32 v55, v20;
	v56 =	vld [tilespmem:s28+$0xAC0]  }
0x1e0: {  	[tilespmem:s28+$0xCE20] =	vst v4;
	v57 =	vld [tilespmem:s28+$0xAD0];
	v1 =	vadd.f32 v60, v49;
	v4 =	vadd.f32 v5, v58;
	v5 =	vmul.f32 v55, v21  }
0x1e1: {  	[tilespmem:s28+$0xCE30] =	vst v63;
	v63 =	vld [tilespmem:s28+$0xAE0];
	v62 =	vadd.f32 v6, v50;
	v6 =	vadd.f32 v59, v7;
	v7 =	vmul.f32 v55, v22  }
0x1e2: {  	v53 =	vld [tilespmem:s28+$0xE80];
	[tilespmem:s28+$0xCE40] =	vst v0;
	v60 =	vadd.f32 v4, v35;
	v4 =	vadd.f32 v54, v5;
	v5 =	vmul.f32 v55, v23  }
0x1e3: {  	[tilespmem:s28+$0xCE50] =	vst v3;
	v54 =	vld [tilespmem:s28+$0xAF0];
	v3 =	vadd.f32 v6, v36;
	v6 =	vadd.f32 v61, v7;
	v7 =	vmul.f32 v55, v24  }
0x1e4: {  	[tilespmem:s28+$0xCE60] =	vst v1;
	v61 =	vadd.f32 v4, v37;
	v4 =	vadd.f32 v56, v5;
	v5 =	vmul.f32 v55, v25;
	v56 =	vld [tilespmem:s28+$0xE90]  }
0x1e5: {  	[tilespmem:s28+$0xCE70] =	vst v62;
	v62 =	vadd.f32 v6, v38;
	v6 =	vadd.f32 v57, v7;
	v7 =	vld [tilespmem:s28+$0xEA0]  }
0x1e6: {  	[tilespmem:s28+$0xCA80] =	vst v60;
	v0 =	vadd.f32 v4, v39;
	v4 =	vadd.f32 v63, v5;
	v5 =	vmul.f32 v55, v26  }
0x1e7: {  	v58 =	vld [tilespmem:s28+$0xEB0];
	[tilespmem:s28+$0xCA90] =	vst v3;
	v63 =	vmul.f32 v55, v28;
	v3 =	vadd.f32 v6, v40;
	v6 =	vmul.f32 v55, v27  }
0x1e8: {  	[tilespmem:s28+$0xCAA0] =	vst v61;
	v61 =	vld [tilespmem:s28+$0xEC0];
	v60 =	vadd.f32 v4, v41;
	v4 =	vadd.f32 v54, v5;
	v5 =	vmul.f32 v55, v29  }
0x1e9: {  	[tilespmem:s28+$0xCAB0] =	vst v62;
	v62 =	vadd.f32 v53, v6;
	v6 =	vadd.f32 v56, v63;
	v53 =	vld [tilespmem:s28+$0xED0]  }
0x1ea: {  	[tilespmem:s28+$0xCAC0] =	vst v0;
	v63 =	vadd.f32 v4, v42;
	v4 =	vadd.f32 v7, v5;
	v5 =	vmul.f32 v55, v30;
	v7 =	vld [tilespmem:s28+$0xEE0]  }
0x1eb: {  	[tilespmem:s28+$0xCAD0] =	vst v3;
	v56 =	vld [tilespmem:s28+$0xEF0];
	v2 =	vadd.f32 v62, v43;
	v3 =	vadd.f32 v6, v44;
	v6 =	vmul.f32 v55, v31  }
0x1ec: {  	v57 =	vld [tilespmem:s28+$0xB00];
	[tilespmem:s28+$0xCAE0] =	vst v60;
	v60 =	vadd.f32 v4, v45;
	v4 =	vadd.f32 v58, v5;
	v5 =	vmul.f32 v55, v32  }
0x1ed: {  	v54 =	vperm.xlane v52, v17;
	[tilespmem:s28+$0xCAF0] =	vst v63;
	v58 =	vld [tilespmem:s28+$0xB10];
	v61 =	vadd.f32 v61, v6;
	v6 =	vmul.f32 v55, v33  }
0x1ee: {  	[tilespmem:s28+$0xCE80] =	vst v2;
	v62 =	vadd.f32 v4, v46;
	v4 =	vadd.f32 v53, v5;
	v5 =	vmul.f32 v55, v34;
	v53 =	vld [tilespmem:s28+$0xB20]  }
0x1ef: {  	[tilespmem:s28+$0xCE90] =	vst v3;
	v0 =	vadd.f32 v61, v47;
	v3 =	vadd.f32 v7, v6;
	v6 =	vmul.f32 v54, v19;
	v7 =	vld [tilespmem:s28+$0xB30]  }
0x1f0: {  	[tilespmem:s28+$0xCEA0] =	vst v60;
	v55 =	vld [tilespmem:s28+$0xB40];
	v63 =	vadd.f32 v4, v48;
	v4 =	vadd.f32 v56, v5;
	v5 =	vmul.f32 v54, v20  }
0x1f1: {  	[tilespmem:s28+$0xCEB0] =	vst v62;
	v56 =	vld [tilespmem:s28+$0xB50];
	v60 =	vadd.f32 v3, v49;
	v3 =	vadd.f32 v6, v57;
	v6 =	vmul.f32 v54, v21  }
0x1f2: {  	v62 =	vld [tilespmem:s28+$0xB60];
	[tilespmem:s28+$0xCEC0] =	vst v0;
	v61 =	vadd.f32 v4, v50;
	v4 =	vadd.f32 v58, v5;
	v5 =	vmul.f32 v54, v22  }
0x1f3: {  	[tilespmem:s28+$0xCED0] =	vst v63;
	v63 =	vadd.f32 v3, v35;
	v3 =	vadd.f32 v53, v6;
	v6 =	vmul.f32 v54, v23;
	v53 =	vld [tilespmem:s28+$0xB70]  }
0x1f4: {  	[tilespmem:s28+$0xCEE0] =	vst v60;
	v58 =	vadd.f32 v4, v36;
	v4 =	vadd.f32 v7, v5;
	v5 =	vmul.f32 v54, v24;
	v7 =	vld [tilespmem:s28+$0xF00]  }
0x1f5: {  	[tilespmem:s28+$0xCEF0] =	vst v61;
	v59 =	vadd.f32 v3, v37;
	v3 =	vadd.f32 v55, v6;
	v6 =	vmul.f32 v54, v25;
	v55 =	vld [tilespmem:s28+$0xF10]  }
0x1f6: {  	[tilespmem:s28+$0xCB00] =	vst v63;
	v60 =	vadd.f32 v4, v38;
	v4 =	vadd.f32 v56, v5;
	v5 =	vld [tilespmem:s28+$0xF20]  }
0x1f7: {  	[tilespmem:s28+$0xCB10] =	vst v58;
	v61 =	vadd.f32 v3, v39;
	v3 =	vadd.f32 v62, v6;
	v6 =	vmul.f32 v54, v26  }
0x1f8: {  	v57 =	vld [tilespmem:s28+$0xF30];
	v63 =	vmul.f32 v54, v28;
	[tilespmem:s28+$0xCB20] =	vst v59;
	v62 =	vadd.f32 v4, v40;
	v4 =	vmul.f32 v54, v27  }
0x1f9: {  	[tilespmem:s28+$0xCB30] =	vst v60;
	v60 =	vadd.f32 v3, v41;
	v3 =	vadd.f32 v53, v6;
	v6 =	vmul.f32 v54, v29;
	v53 =	vld [tilespmem:s28+$0xF40]  }
0x1fa: {  	[tilespmem:s28+$0xCB40] =	vst v61;
	v61 =	vadd.f32 v7, v4;
	v4 =	vadd.f32 v55, v63;
	v7 =	vld [tilespmem:s28+$0xF50]  }
0x1fb: {  	[tilespmem:s28+$0xCB50] =	vst v62;
	v62 =	vadd.f32 v3, v42;
	v3 =	vadd.f32 v5, v6;
	v5 =	vmul.f32 v54, v30;
	v6 =	vld [tilespmem:s28+$0xF60]  }
0x1fc: {  	v55 =	vld [tilespmem:s28+$0xF70];
	[tilespmem:s28+$0xCB60] =	vst v60;
	v63 =	vadd.f32 v61, v43;
	v60 =	vadd.f32 v4, v44;
	v4 =	vmul.f32 v54, v31  }
0x1fd: {  	[tilespmem:s28+$0xCB70] =	vst v62;
	v61 =	vadd.f32 v3, v45;
	v3 =	vadd.f32 v57, v5;
	v5 =	vmul.f32 v54, v32;
	v62 =	vld [tilespmem:s28+$0xB80]  }
0x1fe: {  	v52 =	vperm.xlane v52, v18;
	[tilespmem:s28+$0xCF00] =	vst v63;
	v63 =	vadd.f32 v53, v4;
	v4 =	vmul.f32 v54, v33;
	v53 =	vld [tilespmem:s28+$0xB90]  }
0x1ff: {  	[tilespmem:s28+$0xCF10] =	vst v60;
	v57 =	vadd.f32 v3, v46;
	v3 =	vadd.f32 v7, v5;
	v5 =	vmul.f32 v54, v34;
	v7 =	vld [tilespmem:s28+$0xBA0]  }
0x200: {  	[tilespmem:s28+$0xCF20] =	vst v61;
	v58 =	vadd.f32 v63, v47;
	v59 =	vadd.f32 v6, v4;
	v4 =	vmul.f32 v52, v19;
	v6 =	vld [tilespmem:s28+$0xBB0]  }
0x201: {  	v54 =	vld [tilespmem:s28+$0xBC0];
	[tilespmem:s28+$0xCF30] =	vst v57;
	v60 =	vadd.f32 v3, v48;
	v3 =	vadd.f32 v55, v5;
	v5 =	vmul.f32 v52, v20  }
0x202: {  	v63 =	vld [tilespmem:s28+$0xBD0];
	[tilespmem:s28+$0xCF40] =	vst v58;
	v61 =	vadd.f32 v59, v49;
	v62 =	vadd.f32 v4, v62;
	v4 =	vmul.f32 v52, v21  }
0x203: {  	[tilespmem:s28+$0xCF50] =	vst v60;
	v56 =	vadd.f32 v3, v50;
	v3 =	vadd.f32 v53, v5;
	v5 =	vmul.f32 v52, v22;
	v53 =	vld [tilespmem:s28+$0xBE0]  }
0x204: {  	[tilespmem:s28+$0xCF60] =	vst v61;
	v57 =	vadd.f32 v62, v35;
	v58 =	vadd.f32 v7, v4;
	v4 =	vmul.f32 v52, v23;
	v7 =	vld [tilespmem:s28+$0xBF0]  }
0x205: {  	[tilespmem:s28+$0xCF70] =	vst v56;
	v59 =	vadd.f32 v3, v36;
	v3 =	vadd.f32 v6, v5;
	v5 =	vmul.f32 v52, v24;
	v6 =	vld [tilespmem:s28+$0xF80]  }
0x206: {  	[tilespmem:s28+$0xCB80] =	vst v57;
	v60 =	vadd.f32 v58, v37;
	v61 =	vadd.f32 v54, v4;
	v4 =	vmul.f32 v52, v25;
	v54 =	vld [tilespmem:s28+$0xF90]  }
0x207: {  	[tilespmem:s28+$0xCB90] =	vst v59;
	v62 =	vadd.f32 v3, v38;
	v3 =	vadd.f32 v63, v5;
	v5 =	vmul.f32 v52, v26;
	v63 =	vld [tilespmem:s28+$0xFA0]  }
0x208: {  	[tilespmem:s28+$0xCBA0] =	vst v60;
	v56 =	vadd.f32 v61, v39;
	v57 =	vadd.f32 v53, v4;
	v4 =	vmul.f32 v52, v27;
	v53 =	vld [tilespmem:s28+$0xFB0]  }
0x209: {  	[tilespmem:s28+$0xCBB0] =	vst v62;
	v58 =	vadd.f32 v3, v40;
	v3 =	vadd.f32 v7, v5;
	v5 =	vmul.f32 v52, v28;
	v7 =	vld [tilespmem:s28+$0xFC0]  }
0x20a: {  	[tilespmem:s28+$0xCBC0] =	vst v56;
	v59 =	vadd.f32 v57, v41;
	v60 =	vadd.f32 v6, v4;
	v4 =	vmul.f32 v52, v29;
	v6 =	vld [tilespmem:s28+$0xFD0]  }
0x20b: {  	[tilespmem:s28+$0xCBD0] =	vst v58;
	v61 =	vadd.f32 v3, v42;
	v3 =	vadd.f32 v54, v5;
	v5 =	vmul.f32 v52, v30;
	v54 =	vld [tilespmem:s28+$0xFE0]  }
0x20c: {  	v57 =	vld [tilespmem:s28+$0xFF0];
	[tilespmem:s28+$0xCBE0] =	vst v59;
	v62 =	vadd.f32 v60, v43;
	v63 =	vadd.f32 v63, v4;
	v4 =	vmul.f32 v52, v31  }
0x20d: {  	[tilespmem:s28+$0xCBF0] =	vst v61;
	v58 =	vadd.f32 v3, v44;
	v3 =	vadd.f32 v53, v5;
	v5 =	vmul.f32 v52, v32  }
0x20e: {  	[tilespmem:s28+$0xCF80] =	vst v62;
	v59 =	vadd.f32 v63, v45;
	v60 =	vadd.f32 v7, v4;
	v4 =	vmul.f32 v52, v33  }
0x20f: {  	[tilespmem:s28+$0xCF90] =	vst v58;
	v61 =	vadd.f32 v6, v5;
	v3 =	vadd.f32 v3, v46;
	v5 =	vmul.f32 v52, v34  }
0x210: {  	p0 =	sne.s32 s26, $0x3;
	[tilespmem:s28+$0xCFA0] =	vst v59;
	v62 =	vadd.f32 v54, v4;
	v1 =	vadd.f32 v60, v47  }
.Ltmp4:
0x211: {  	[tilespmem:s28+$0xCFB0] =	vst v3;
	v3 =	vadd.f32 v57, v5;
	v2 =	vadd.f32 v61, v48;
	(pc) =	sbr.rel @p0 .LBB2_3-.Ltmp4, $4  }
0x212: {  	[tilespmem:s28+$0xCFC0] =	vst v1;
	v0 =	vadd.f32 v62, v49  }
0x213: {  	[tilespmem:s28+$0xCFD0] =	vst v2;
	v63 =	vadd.f32 v3, v50  }
0x214: {  	[tilespmem:s28+$0xCFE0] =	vst v0  }
0x215: {  	s26 =	sadd.s32 $0x1, s26;
	v7 =	vimm.s32 $0x2;
	v6 =	vimm.s32 $0x1;
	v5 =	vimm.s32 $0x0;
	[tilespmem:s28+$0xCFF0] =	vst v63  }
0x216: {  	p0 =	sgt.u32 s22, $0xC  }
.Ltmp5:
0x217: {  	_ = 	snop;
	(pc) =	sbr.rel @p0 .LBB2_6-.Ltmp5, $4  }
0x218: {  	_ = 	snop  }
0x219: {  	s25 =	sshll.u32 s22, $0xB  }
0x21a: {  	s24 =	sadd.s32 $0xC800, s24;
	s23 =	sadd.s32 $0x4, s23;
	s25 =	sadd.s32 s25, s8  }
0x21b: {  	[hbm4b:s25+s2] =	stream.linear.scatter [tilespmem:s24], [sflag:s23], $0x4000, $0x38;
	[tilespmem:$0x18A00] =	vst v63  }
0x21c: {  	s23 =	sadd.s32 $0x3, s22  }
0x21d: {  	s24 =	sshll.u32 s23, $0x6  }
0x21e: {  	s24 =	sand.u32 $0x7C0, s24  }
0x21f: {  	v0 =	vld [tilespmem:s24+$0x0];
	_ =	sdelay $0x2  }
0x220: {  	v2 =	vld [tilespmem:$0x1FFD0]  }
0x221: {  	v3 =	vld [tilespmem:$0x1FFE0]  }
0x222: {  	v4 =	vld [tilespmem:$0x1FFF0];
	s25 =	smul.u32 $0xAB, s23;
	v1 =	vshll.u32 v0, $0x1  }
0x223: {  	v0 =	vand.u32 $0x7, v0;
	v1 =	vand.u32 $0xFFFFFFF0, v1  }
0x224: {  	s25 =	sshrl.u32 s25, $0x9;
	v0 =	vor.u32 v0, v1  }
0x225: {  	s25 =	sand.u32 $0x7F, s25;
	v1 =	vperm.xlane v0, v2  }
0x226: {  	s25 =	smul.u32 $0x3, s25  }
0x227: {  	v0 =	vperm.xlane v0, v4;
	v1 =	vadd.s32 v3, v1  }
0x228: {  	s23 =	ssub.s32 s23, s25  }
0x229: {  	s23 =	sand.u32 $0xFF, s23;
	v0 =	vadd.s32 v3, v0  }
0x22a: {  	s25 =	sshll.u32 s23, $0xE  }
0x22b: {  	s23 =	sadd.s32 $0x1, s23;
	s26 =	sor.u32 $0x800, s25  }
0x22c: {  	[tilespmem:s26], [sflag:s23] =	stream.indirect_vreg.gather [hbm4b:s3+s2], $0x80, v1, vm0, $0xb8;
	[tilespmem:$0x18A00] =	vst v63  }
0x22d: {  	s29 =	sor.u32 $0x1000, s25  }
0x22e: {  	[tilespmem:s29], [sflag:s23] =	stream.indirect_vreg.gather [hbm4b:s3+s2], $0x80, v0, vm0, $0xb8;
	[tilespmem:$0x18A00] =	vst v63  }
0x22f: {  	v0 =	vld [tilespmem:s24+$0x10];
	_ =	sdelay $0x4  }
0x230: {  	v61 =	vshll.u32 v0, $0x1  }
0x231: {  	v0 =	vand.u32 $0x7, v0;
	v1 =	vand.u32 $0xFFFFFFF0, v61  }
0x232: {  	v0 =	vor.u32 v0, v1  }
0x233: {  	v1 =	vperm.xlane v0, v2;
	_ =	sdelay $0x1  }
0x234: {  	v0 =	vperm.xlane v0, v4;
	v1 =	vadd.s32 v3, v1;
	_ =	sdelay $0x1  }
0x235: {  	v0 =	vadd.s32 v3, v0;
	_ =	sdelay $0x1  }
0x236: {  	s28 =	sor.u32 $0x1800, s25  }
0x237: {  	[tilespmem:s28], [sflag:s23] =	stream.indirect_vreg.gather [hbm4b:s3+s2], $0x80, v1, vm0, $0xb8;
	[tilespmem:$0x18A00] =	vst v63  }
0x238: {  	s29 =	sor.u32 $0x2000, s25  }
0x239: {  	[tilespmem:s29], [sflag:s23] =	stream.indirect_vreg.gather [hbm4b:s3+s2], $0x80, v0, vm0, $0xb8;
	[tilespmem:$0x18A00] =	vst v63  }
0x23a: {  	v0 =	vld [tilespmem:s24+$0x20];
	_ =	sdelay $0x4  }
0x23b: {  	v62 =	vshll.u32 v0, $0x1  }
0x23c: {  	v0 =	vand.u32 $0x7, v0;
	v1 =	vand.u32 $0xFFFFFFF0, v62  }
0x23d: {  	v0 =	vor.u32 v0, v1  }
0x23e: {  	v1 =	vperm.xlane v0, v2;
	_ =	sdelay $0x1  }
0x23f: {  	v0 =	vperm.xlane v0, v4;
	v1 =	vadd.s32 v3, v1;
	_ =	sdelay $0x1  }
0x240: {  	v0 =	vadd.s32 v3, v0;
	_ =	sdelay $0x1  }
0x241: {  	s28 =	sor.u32 $0x2800, s25  }
0x242: {  	[tilespmem:s28], [sflag:s23] =	stream.indirect_vreg.gather [hbm4b:s3+s2], $0x80, v1, vm0, $0xb8;
	[tilespmem:$0x18A00] =	vst v63  }
0x243: {  	s29 =	sor.u32 $0x3000, s25  }
0x244: {  	[tilespmem:s29], [sflag:s23] =	stream.indirect_vreg.gather [hbm4b:s3+s2], $0x80, v0, vm0, $0xb8;
	[tilespmem:$0x18A00] =	vst v63  }
0x245: {  	v0 =	vld [tilespmem:s24+$0x30];
	_ =	sdelay $0x4  }
0x246: {  	v63 =	vshll.u32 v0, $0x1  }
0x247: {  	v0 =	vand.u32 $0x7, v0;
	v1 =	vand.u32 $0xFFFFFFF0, v63  }
0x248: {  	v0 =	vor.u32 v0, v1  }
0x249: {  	v1 =	vperm.xlane v0, v2;
	_ =	sdelay $0x1  }
0x24a: {  	v0 =	vperm.xlane v0, v4;
	v1 =	vadd.s32 v3, v1;
	_ =	sdelay $0x1  }
0x24b: {  	v0 =	vadd.s32 v3, v0  }
.Ltmp6:
0x24c: {  	_ = 	snop;
	(pc) =	sbr.rel .LBB2_6-.Ltmp6, $4  }
0x24d: {  	s28 =	sor.u32 $0x3800, s25  }
0x24e: {  	[tilespmem:s28], [sflag:s23] =	stream.indirect_vreg.gather [hbm4b:s3+s2], $0x80, v1, vm0, $0xb8;
	[tilespmem:$0x18A00] =	vst v63  }
0x24f: {  	s29 =	sadd.s32 $0x4000, s25  }
0x250: {  	[tilespmem:s29], [sflag:s23] =	stream.indirect_vreg.gather [hbm4b:s3+s2], $0x80, v0, vm0, $0xb8;
	[tilespmem:$0x18A00] =	vst v63  }
.LBB2_8:
0x251: {  	_ =	sfence.sel $0x180000  }
0x252: {  	[bflag:$0x0] =	sbarrier.arrive $0xFFFF  }
0x253: {  	_ =	strace $0x90000047  }
0x254: {  	s0 =	stileid.u32;
	[bflag:$0x2] =	sbarrier.arrive $0xFFFF  }
0x255: {  	p0 =	sne.s32 s0, $0x0;
	s0 =	rddreg [dreg:$0x2]  }
0x256: {  	s0 =	sadd.s32 @!p0 $0x100000, s0  }
0x257: {  	[sflag:s0] =	ssyncadd.tile.s32 @!p0 $0x1;
	_ =	shalt  }
.Lfunc_end2:
_tile_overlayer_lowered:
.L_overlay_start_2:
0x258: {  	(tag) =	ssettag $0x2  }
0x259: {  	s0 =	rddreg [dreg:$0x0];
	s2 =	stileid.u32  }
0x25a: {  	s1 =	rddreg [dreg:$0x1];
	p0 =	sne.s32 s2, $0x0  }
0x25b: {  	s3 =	rddreg [dreg:$0x2];
	[bflag:$0x3] =	sbarrier.arrive $0xFFFF;
	s2 =	simm.s32 @!p0 $0x1C08  }
0x25c: {  	[timem:s3], [sflag:s2] =	dma.local @!p0 [hbm:s0], s1  }
0x25d: {  	s0 =	simm.s32 @!p0 $0x8  }
0x25e: {  	_ =	swait.ge @!p0 [sflag:s0], s1  }
0x25f: {  	s1 =	ssub.s32 @!p0 $0x0, s1;
	[sflag:s0] =	ssyncset.done @!p0 $0x0  }
0x260: {  	[sflag:s0] =	ssyncadd.s32 @!p0 s1  }
0x261: {  	[bflag:$0x3] =	sbarrier.arrive $0xFFFF  }
0x262: {  	_ =	shalt  }

</sc_bundles>
